<compile_context>
chip_gen: v7x
topology: tpu7x:2x2x1
jax: 0.10.2.dev20260603
libtpu: 0.0.44.dev20260713+nightly
codegen_flags: <defaults>
</compile_context>

<pallas_src>
import jax
import jax.numpy as jnp
from jax import lax
from jax.experimental import pallas as pl
from jax.experimental.pallas import tpu as pltpu
from jax.experimental.pallas import tpu_sc as plsc

VOCAB = 100000
NGRAM_VOCAB = 1000000
DIM = 64
BATCH = 4096
NGRAMS = 20

NC, NS, L = 2, 16, 16
NW = NC * NS
BW = BATCH // NW
DV = DIM // L
NBUF = 3

def _score_body(we, ne, cwi, cnt, xwi, xnt, out,
                widx, tnv, wbuf, rows, cacc, xacc, outv,
                shacc, sem_w, gs0, gs1, gs2, ss0, ss1, ss2):
    cid = lax.axis_index("c")
    sid = lax.axis_index("s")
    wid = sid * NC + cid
    base = wid * BW
    iota = jax.lax.iota(jnp.int32, L)
    gsems = (gs0, gs1, gs2)
    ssems = (ss0, ss1, ss2)

    for k, (wsrc, nsrc) in enumerate(((cwi, cnt), (xwi, xnt))):
        pltpu.sync_copy(wsrc.at[pl.ds(base, BW)], widx.at[k])
        pltpu.sync_copy(nsrc.at[:, pl.ds(base, BW)], tnv.at[k])

    for k in range(2):
        rowbase = (sid * 2 + k) * BW
        for i in range(BW // L):
            widx[2 + k, pl.ds(i * L, L)] = rowbase + i * L + iota

    for k in range(2):
        pltpu.async_copy(we.at[widx.at[k]], wbuf, sem_w).wait()
        pltpu.sync_copy(wbuf, shacc.at[widx.at[2 + k]])

    steps = [(k, g) for g in range(NGRAMS) for k in range(2)]
    gather_cp = [None] * NBUF
    sct_cp = [None] * NBUF

    def fire_gather(step_i):
        k, g = steps[step_i]
        j = step_i % NBUF
        gather_cp[j] = pltpu.async_copy(
            ne.at[tnv.at[k, g]], rows.at[j], gsems[j])

    for i in range(NBUF):
        fire_gather(i)

    for i in range(len(steps)):
        k, g = steps[i]
        j = i % NBUF
        gather_cp[j].wait()
        sct_cp[j] = pltpu.async_copy(
            rows.at[j], shacc.at[widx.at[2 + k]], ssems[j], add=True)
        if i + NBUF < len(steps):
            sct_cp[j].wait()
            sct_cp[j] = None
            fire_gather(i + NBUF)

    for j in range(NBUF):
        if sct_cp[j] is not None:
            sct_cp[j].wait()

    pltpu.sync_copy(shacc.at[pl.ds((sid * 2) * BW, BW), :], cacc)
    pltpu.sync_copy(shacc.at[pl.ds((sid * 2 + 1) * BW, BW), :], xacc)

    for b0 in range(BW // L):
        ridx = b0 * L + iota

        @pl.loop(0, DIM, init_carry=jnp.zeros((L,), jnp.float32))
        def s(d, s):
            col = jnp.full((L,), 0, jnp.int32) + d
            c = plsc.load_gather(cacc, [ridx, col])
            x = plsc.load_gather(xacc, [ridx, col])
            return s + c * x

        outv[pl.ds(b0 * L, L)] = s

    pltpu.sync_copy(outv, out.at[pl.ds(base, BW)])


@jax.jit
def _run(we, ne, cwi, cnt, xwi, xnt):
    mesh = plsc.VectorSubcoreMesh(core_axis_name="c", subcore_axis_name="s",
                                  num_cores=NC, num_subcores=NS)
    score = pl.kernel(
        _score_body,
        out_type=jax.ShapeDtypeStruct((BATCH,), jnp.float32),
        mesh=mesh,
        compiler_params=pltpu.CompilerParams(
            needs_layout_passes=False, use_tc_tiling_on_sc=False),
        scratch_types=[
            pltpu.VMEM((4, BW), jnp.int32),
            pltpu.VMEM((2, NGRAMS, BW), jnp.int32),
            pltpu.VMEM((BW, DIM), jnp.float32),
            pltpu.VMEM((NBUF, BW, DIM), jnp.float32),
            pltpu.VMEM((BW, DIM), jnp.float32),
            pltpu.VMEM((BW, DIM), jnp.float32),
            pltpu.VMEM((BW,), jnp.float32),
            pltpu.VMEM_SHARED((NS * 2 * BW, DIM), jnp.float32),
            pltpu.SemaphoreType.DMA,
            pltpu.SemaphoreType.DMA,
            pltpu.SemaphoreType.DMA,
            pltpu.SemaphoreType.DMA,
            pltpu.SemaphoreType.DMA,
            pltpu.SemaphoreType.DMA,
            pltpu.SemaphoreType.DMA,
        ],
    )
    return score(we, ne, cwi, cnt, xwi, xnt)


def kernel(word_embeddings, ngram_embeddings, center_word_idx,
           center_ngram_idxs, context_word_idx, context_ngram_idxs):
    return _run(
        word_embeddings,
        ngram_embeddings,
        center_word_idx.astype(jnp.int32),
        center_ngram_idxs.astype(jnp.int32).T,
        context_word_idx.astype(jnp.int32),
        context_ngram_idxs.astype(jnp.int32).T)

# --- scband reference (transcript-rebuilt; emitter-appended) ---
"""Pipeline reference for scband-fast-text-skip-gram-model-26182120636815 (READ-ONLY COPY).

The authoritative reference and input builder live on the scoring server;
editing this copy changes nothing except your own understanding.
"""

import jax, jax.numpy as jnp
import numpy as np

VOCAB = 100000
NGRAM_VOCAB = 1000000
DIM = 64
BATCH = 4096
NGRAMS = 20


def setup_inputs(seed: int = 0) -> dict:
    key = jax.random.key(seed)
    k1, k2, k3, k4, k5, k6 = jax.random.split(key, 6)
    word_embeddings = jax.random.normal(k1, (VOCAB, DIM), dtype=jnp.float32) * 0.01
    ngram_embeddings = jax.random.normal(k2, (NGRAM_VOCAB, DIM), dtype=jnp.float32) * 0.01
    center_word_idx = jax.random.randint(k3, (BATCH,), 0, VOCAB, dtype=jnp.int64 if jax.config.jax_enable_x64 else jnp.int32)
    center_ngram_idxs = jax.random.randint(k4, (BATCH, NGRAMS), 0, NGRAM_VOCAB, dtype=jnp.int64 if jax.config.jax_enable_x64 else jnp.int32)
    context_word_idx = jax.random.randint(k5, (BATCH,), 0, VOCAB, dtype=jnp.int64 if jax.config.jax_enable_x64 else jnp.int32)
    context_ngram_idxs = jax.random.randint(k6, (BATCH, NGRAMS), 0, NGRAM_VOCAB, dtype=jnp.int64 if jax.config.jax_enable_x64 else jnp.int32)
    return {
        'word_embeddings': word_embeddings,
        'ngram_embeddings': ngram_embeddings,
        'center_word_idx': center_word_idx,
        'center_ngram_idxs': center_ngram_idxs,
        'context_word_idx': context_word_idx,
        'context_ngram_idxs': context_ngram_idxs,
    }


def reference(word_embeddings, ngram_embeddings, center_word_idx, center_ngram_idxs, context_word_idx, context_ngram_idxs):
    # center = word embedding + sum of subword (ngram) embeddings
    center_word_embedding = jnp.take(word_embeddings, center_word_idx, axis=0)            # [B, D]
    center_ngram_embeddings = jnp.sum(jnp.take(ngram_embeddings, center_ngram_idxs, axis=0), axis=1)  # [B, D]
    center_embedding = center_word_embedding + center_ngram_embeddings
    # context = word embedding + sum of subword (ngram) embeddings
    context_word_embedding = jnp.take(word_embeddings, context_word_idx, axis=0)          # [B, D]
    context_ngram_embeddings = jnp.sum(jnp.take(ngram_embeddings, context_ngram_idxs, axis=0), axis=1)  # [B, D]
    context_embedding = context_word_embedding + context_ngram_embeddings
    # skip-gram score: dot product between center and context representations
    score = jnp.sum(center_embedding * context_embedding, axis=1)                          # [B]
    return score

if __name__ == "__main__":
    import jax
    _d = setup_inputs()
    print(jax.jit(kernel)(*tuple(_d.values())))

</pallas_src>

<mosaic_0001>
#map = affine_map<(d0, d1) -> (0, 0)>
#map1 = affine_map<(d0, d1) -> (0)>
module attributes {stable_mosaic.version = 14 : i64} {
  func.func @_score_body(%arg0: i32, %arg1: i32, %arg2: memref<100000x64xf32, #tpu.memory_space<hbm>>, %arg3: memref<1000000x64xf32, #tpu.memory_space<hbm>>, %arg4: memref<4096xi32, #tpu.memory_space<hbm>>, %arg5: memref<20x4096xi32, #tpu.memory_space<hbm>>, %arg6: memref<4096xi32, #tpu.memory_space<hbm>>, %arg7: memref<20x4096xi32, #tpu.memory_space<hbm>>, %arg8: memref<4096xf32, #tpu.memory_space<hbm>>, %arg9: memref<4x128xi32, #tpu.memory_space<vmem>>, %arg10: memref<2x20x128xi32, #tpu.memory_space<vmem>>, %arg11: memref<128x64xf32, #tpu.memory_space<vmem>>, %arg12: memref<3x128x64xf32, #tpu.memory_space<vmem>>, %arg13: memref<128x64xf32, #tpu.memory_space<vmem>>, %arg14: memref<128x64xf32, #tpu.memory_space<vmem>>, %arg15: memref<128xf32, #tpu.memory_space<vmem>>, %arg16: memref<4096x64xf32, #tpu.memory_space<vmem_shared>>, %arg17: memref<!tpu.dma_semaphore, #tpu.memory_space<semaphore_mem>>, %arg18: memref<!tpu.dma_semaphore, #tpu.memory_space<semaphore_mem>>, %arg19: memref<!tpu.dma_semaphore, #tpu.memory_space<semaphore_mem>>, %arg20: memref<!tpu.dma_semaphore, #tpu.memory_space<semaphore_mem>>, %arg21: memref<!tpu.dma_semaphore, #tpu.memory_space<semaphore_mem>>, %arg22: memref<!tpu.dma_semaphore, #tpu.memory_space<semaphore_mem>>, %arg23: memref<!tpu.dma_semaphore, #tpu.memory_space<semaphore_mem>>) attributes {dimension_semantics = [#tpu.dimension_semantics<core_parallel>, #tpu.dimension_semantics<subcore_parallel>], iteration_bounds = array<i64: 2, 16>, scalar_prefetch = 0 : i64, scratch_operands = 15 : i64, tpu.core_type = #tpu.core_type<sc_vector_subcore>, window_params = [{transform_indices = #map}, {transform_indices = #map}, {transform_indices = #map1}, {transform_indices = #map}, {transform_indices = #map1}, {transform_indices = #map}, {transform_indices = #map1}]} {
    %mul3A = arith.constant 2 : i32
    %mul3A_0 = arith.muli %arg1, %mul3A : i32
    %add3A = arith.addi %mul3A_0, %arg0 : i32
    %mul3A_1 = arith.constant 128 : i32
    %mul3A_2 = arith.muli %add3A, %mul3A_1 : i32
    %iota3A = tpu.iota {dimensions = array<i32: 0>} : vector<16xi32>
    %run_scoped3A = arith.constant 0 : i32
    "tpu.region"() ({
      %run_scoped3A_2285 = tpu.sem_alloc : memref<!tpu.dma_semaphore, #tpu.memory_space<semaphore_mem>>
      %dma_start3A_2286 = arith.constant 0 : i32
      %dma_start3A_2287 = tpu.memref_slice %arg9[%run_scoped3A, %dma_start3A_2286] : memref<4x128xi32, #tpu.memory_space<vmem>> -> memref<1x128xi32, #tpu.memory_space<vmem>>
      %dma_start3A_2288 = tpu.memref_squeeze %dma_start3A_2287 : memref<1x128xi32, #tpu.memory_space<vmem>> -> memref<128xi32, #tpu.memory_space<vmem>>
      %dma_start3A_2289 = tpu.memref_slice %arg4[%mul3A_2] : memref<4096xi32, #tpu.memory_space<hbm>> -> memref<128xi32, #tpu.memory_space<hbm>>
      %dma_start3A_2290 = arith.constant 0 : i32
      %dma_start3A_2291 = tpu.memref_slice %arg9[%run_scoped3A, %dma_start3A_2290] : memref<4x128xi32, #tpu.memory_space<vmem>> -> memref<1x128xi32, #tpu.memory_space<vmem>>
      %dma_start3A_2292 = tpu.memref_squeeze %dma_start3A_2291 : memref<1x128xi32, #tpu.memory_space<vmem>> -> memref<128xi32, #tpu.memory_space<vmem>>
      %dma_start3A_2293 = tpu.memref_slice %arg4[%mul3A_2] : memref<4096xi32, #tpu.memory_space<hbm>> -> memref<128xi32, #tpu.memory_space<hbm>>
      tpu.enqueue_dma source(%dma_start3A_2293 : memref<128xi32, #tpu.memory_space<hbm>>) target(%dma_start3A_2292 : memref<128xi32, #tpu.memory_space<vmem>>) target_semaphore(%run_scoped3A_2285 : memref<!tpu.dma_semaphore, #tpu.memory_space<semaphore_mem>>)
      %dma_wait3A_2294 = arith.constant 0 : i32
      %dma_wait3A_2295 = tpu.memref_slice %arg9[%run_scoped3A, %dma_wait3A_2294] : memref<4x128xi32, #tpu.memory_space<vmem>> -> memref<1x128xi32, #tpu.memory_space<vmem>>
      %dma_wait3A_2296 = tpu.memref_squeeze %dma_wait3A_2295 : memref<1x128xi32, #tpu.memory_space<vmem>> -> memref<128xi32, #tpu.memory_space<vmem>>
      %dma_wait3A_2297 = tpu.memref_slice %arg4[%mul3A_2] : memref<4096xi32, #tpu.memory_space<hbm>> -> memref<128xi32, #tpu.memory_space<hbm>>
      %dma_wait3A_2298 = arith.constant 0 : i32
      %dma_wait3A_2299 = tpu.memref_slice %arg9[%run_scoped3A, %dma_wait3A_2298] : memref<4x128xi32, #tpu.memory_space<vmem>> -> memref<1x128xi32, #tpu.memory_space<vmem>>
      %dma_wait3A_2300 = tpu.memref_squeeze %dma_wait3A_2299 : memref<1x128xi32, #tpu.memory_space<vmem>> -> memref<128xi32, #tpu.memory_space<vmem>>
      %dma_wait3A_2301 = tpu.memref_slice %arg4[%mul3A_2] : memref<4096xi32, #tpu.memory_space<hbm>> -> memref<128xi32, #tpu.memory_space<hbm>>
      tpu.wait_dma2 semaphore(%run_scoped3A_2285 : memref<!tpu.dma_semaphore, #tpu.memory_space<semaphore_mem>>) src(%dma_wait3A_2301 : memref<128xi32, #tpu.memory_space<hbm>>) dst(%dma_wait3A_2300 : memref<128xi32, #tpu.memory_space<vmem>>)
      tpu.yield
    }) : () -> ()
    %run_scoped3A_3 = arith.constant 0 : i32
    "tpu.region"() ({
      %run_scoped3A_2285 = tpu.sem_alloc : memref<!tpu.dma_semaphore, #tpu.memory_space<semaphore_mem>>
      %dma_start3A_2286 = arith.constant 0 : i32
      %dma_start3A_2287 = arith.constant 0 : i32
      %dma_start3A_2288 = tpu.memref_slice %arg10[%run_scoped3A_3, %dma_start3A_2286, %dma_start3A_2287] : memref<2x20x128xi32, #tpu.memory_space<vmem>> -> memref<1x20x128xi32, #tpu.memory_space<vmem>>
      %dma_start3A_2289 = tpu.memref_squeeze %dma_start3A_2288 : memref<1x20x128xi32, #tpu.memory_space<vmem>> -> memref<20x128xi32, #tpu.memory_space<vmem>>
      %dma_start3A_2290 = arith.constant 0 : i32
      %dma_start3A_2291 = tpu.memref_slice %arg5[%dma_start3A_2290, %mul3A_2] : memref<20x4096xi32, #tpu.memory_space<hbm>> -> memref<20x128xi32, #tpu.memory_space<hbm>>
      %dma_start3A_2292 = arith.constant 0 : i32
      %dma_start3A_2293 = arith.constant 0 : i32
      %dma_start3A_2294 = tpu.memref_slice %arg10[%run_scoped3A_3, %dma_start3A_2292, %dma_start3A_2293] : memref<2x20x128xi32, #tpu.memory_space<vmem>> -> memref<1x20x128xi32, #tpu.memory_space<vmem>>
      %dma_start3A_2295 = tpu.memref_squeeze %dma_start3A_2294 : memref<1x20x128xi32, #tpu.memory_space<vmem>> -> memref<20x128xi32, #tpu.memory_space<vmem>>
      %dma_start3A_2296 = arith.constant 0 : i32
      %dma_start3A_2297 = tpu.memref_slice %arg5[%dma_start3A_2296, %mul3A_2] : memref<20x4096xi32, #tpu.memory_space<hbm>> -> memref<20x128xi32, #tpu.memory_space<hbm>>
      tpu.enqueue_dma source(%dma_start3A_2297 : memref<20x128xi32, #tpu.memory_space<hbm>>) target(%dma_start3A_2295 : memref<20x128xi32, #tpu.memory_space<vmem>>) target_semaphore(%run_scoped3A_2285 : memref<!tpu.dma_semaphore, #tpu.memory_space<semaphore_mem>>)
      %dma_wait3A_2298 = arith.constant 0 : i32
      %dma_wait3A_2299 = arith.constant 0 : i32
      %dma_wait3A_2300 = tpu.memref_slice %arg10[%run_scoped3A_3, %dma_wait3A_2298, %dma_wait3A_2299] : memref<2x20x128xi32, #tpu.memory_space<vmem>> -> memref<1x20x128xi32, #tpu.memory_space<vmem>>
      %dma_wait3A_2301 = tpu.memref_squeeze %dma_wait3A_2300 : memref<1x20x128xi32, #tpu.memory_space<vmem>> -> memref<20x128xi32, #tpu.memory_space<vmem>>
      %dma_wait3A_2302 = arith.constant 0 : i32
      %dma_wait3A_2303 = tpu.memref_slice %arg5[%dma_wait3A_2302, %mul3A_2] : memref<20x4096xi32, #tpu.memory_space<hbm>> -> memref<20x128xi32, #tpu.memory_space<hbm>>
      %dma_wait3A_2304 = arith.constant 0 : i32
      %dma_wait3A_2305 = arith.constant 0 : i32
      %dma_wait3A_2306 = tpu.memref_slice %arg10[%run_scoped3A_3, %dma_wait3A_2304, %dma_wait3A_2305] : memref<2x20x128xi32, #tpu.memory_space<vmem>> -> memref<1x20x128xi32, #tpu.memory_space<vmem>>
      %dma_wait3A_2307 = tpu.memref_squeeze %dma_wait3A_2306 : memref<1x20x128xi32, #tpu.memory_space<vmem>> -> memref<20x128xi32, #tpu.memory_space<vmem>>
      %dma_wait3A_2308 = arith.constant 0 : i32
      %dma_wait3A_2309 = tpu.memref_slice %arg5[%dma_wait3A_2308, %mul3A_2] : memref<20x4096xi32, #tpu.memory_space<hbm>> -> memref<20x128xi32, #tpu.memory_space<hbm>>
      tpu.wait_dma2 semaphore(%run_scoped3A_2285 : memref<!tpu.dma_semaphore, #tpu.memory_space<semaphore_mem>>) src(%dma_wait3A_2309 : memref<20x128xi32, #tpu.memory_space<hbm>>) dst(%dma_wait3A_2307 : memref<20x128xi32, #tpu.memory_space<vmem>>)
      tpu.yield
    }) : () -> ()
    %run_scoped3A_4 = arith.constant 1 : i32
    "tpu.region"() ({
      %run_scoped3A_2285 = tpu.sem_alloc : memref<!tpu.dma_semaphore, #tpu.memory_space<semaphore_mem>>
      %dma_start3A_2286 = arith.constant 0 : i32
      %dma_start3A_2287 = tpu.memref_slice %arg9[%run_scoped3A_4, %dma_start3A_2286] : memref<4x128xi32, #tpu.memory_space<vmem>> -> memref<1x128xi32, #tpu.memory_space<vmem>>
      %dma_start3A_2288 = tpu.memref_squeeze %dma_start3A_2287 : memref<1x128xi32, #tpu.memory_space<vmem>> -> memref<128xi32, #tpu.memory_space<vmem>>
      %dma_start3A_2289 = tpu.memref_slice %arg6[%mul3A_2] : memref<4096xi32, #tpu.memory_space<hbm>> -> memref<128xi32, #tpu.memory_space<hbm>>
      %dma_start3A_2290 = arith.constant 0 : i32
      %dma_start3A_2291 = tpu.memref_slice %arg9[%run_scoped3A_4, %dma_start3A_2290] : memref<4x128xi32, #tpu.memory_space<vmem>> -> memref<1x128xi32, #tpu.memory_space<vmem>>
      %dma_start3A_2292 = tpu.memref_squeeze %dma_start3A_2291 : memref<1x128xi32, #tpu.memory_space<vmem>> -> memref<128xi32, #tpu.memory_space<vmem>>
      %dma_start3A_2293 = tpu.memref_slice %arg6[%mul3A_2] : memref<4096xi32, #tpu.memory_space<hbm>> -> memref<128xi32, #tpu.memory_space<hbm>>
      tpu.enqueue_dma source(%dma_start3A_2293 : memref<128xi32, #tpu.memory_space<hbm>>) target(%dma_start3A_2292 : memref<128xi32, #tpu.memory_space<vmem>>) target_semaphore(%run_scoped3A_2285 : memref<!tpu.dma_semaphore, #tpu.memory_space<semaphore_mem>>)
      %dma_wait3A_2294 = arith.constant 0 : i32
      %dma_wait3A_2295 = tpu.memref_slice %arg9[%run_scoped3A_4, %dma_wait3A_2294] : memref<4x128xi32, #tpu.memory_space<vmem>> -> memref<1x128xi32, #tpu.memory_space<vmem>>
      %dma_wait3A_2296 = tpu.memref_squeeze %dma_wait3A_2295 : memref<1x128xi32, #tpu.memory_space<vmem>> -> memref<128xi32, #tpu.memory_space<vmem>>
      %dma_wait3A_2297 = tpu.memref_slice %arg6[%mul3A_2] : memref<4096xi32, #tpu.memory_space<hbm>> -> memref<128xi32, #tpu.memory_space<hbm>>
      %dma_wait3A_2298 = arith.constant 0 : i32
      %dma_wait3A_2299 = tpu.memref_slice %arg9[%run_scoped3A_4, %dma_wait3A_2298] : memref<4x128xi32, #tpu.memory_space<vmem>> -> memref<1x128xi32, #tpu.memory_space<vmem>>
      %dma_wait3A_2300 = tpu.memref_squeeze %dma_wait3A_2299 : memref<1x128xi32, #tpu.memory_space<vmem>> -> memref<128xi32, #tpu.memory_space<vmem>>
      %dma_wait3A_2301 = tpu.memref_slice %arg6[%mul3A_2] : memref<4096xi32, #tpu.memory_space<hbm>> -> memref<128xi32, #tpu.memory_space<hbm>>
      tpu.wait_dma2 semaphore(%run_scoped3A_2285 : memref<!tpu.dma_semaphore, #tpu.memory_space<semaphore_mem>>) src(%dma_wait3A_2301 : memref<128xi32, #tpu.memory_space<hbm>>) dst(%dma_wait3A_2300 : memref<128xi32, #tpu.memory_space<vmem>>)
      tpu.yield
    }) : () -> ()
    %run_scoped3A_5 = arith.constant 1 : i32
    "tpu.region"() ({
      %run_scoped3A_2285 = tpu.sem_alloc : memref<!tpu.dma_semaphore, #tpu.memory_space<semaphore_mem>>
      %dma_start3A_2286 = arith.constant 0 : i32
      %dma_start3A_2287 = arith.constant 0 : i32
      %dma_start3A_2288 = tpu.memref_slice %arg10[%run_scoped3A_5, %dma_start3A_2286, %dma_start3A_2287] : memref<2x20x128xi32, #tpu.memory_space<vmem>> -> memref<1x20x128xi32, #tpu.memory_space<vmem>>
      %dma_start3A_2289 = tpu.memref_squeeze %dma_start3A_2288 : memref<1x20x128xi32, #tpu.memory_space<vmem>> -> memref<20x128xi32, #tpu.memory_space<vmem>>
      %dma_start3A_2290 = arith.constant 0 : i32
      %dma_start3A_2291 = tpu.memref_slice %arg7[%dma_start3A_2290, %mul3A_2] : memref<20x4096xi32, #tpu.memory_space<hbm>> -> memref<20x128xi32, #tpu.memory_space<hbm>>
      %dma_start3A_2292 = arith.constant 0 : i32
      %dma_start3A_2293 = arith.constant 0 : i32
      %dma_start3A_2294 = tpu.memref_slice %arg10[%run_scoped3A_5, %dma_start3A_2292, %dma_start3A_2293] : memref<2x20x128xi32, #tpu.memory_space<vmem>> -> memref<1x20x128xi32, #tpu.memory_space<vmem>>
      %dma_start3A_2295 = tpu.memref_squeeze %dma_start3A_2294 : memref<1x20x128xi32, #tpu.memory_space<vmem>> -> memref<20x128xi32, #tpu.memory_space<vmem>>
      %dma_start3A_2296 = arith.constant 0 : i32
      %dma_start3A_2297 = tpu.memref_slice %arg7[%dma_start3A_2296, %mul3A_2] : memref<20x4096xi32, #tpu.memory_space<hbm>> -> memref<20x128xi32, #tpu.memory_space<hbm>>
      tpu.enqueue_dma source(%dma_start3A_2297 : memref<20x128xi32, #tpu.memory_space<hbm>>) target(%dma_start3A_2295 : memref<20x128xi32, #tpu.memory_space<vmem>>) target_semaphore(%run_scoped3A_2285 : memref<!tpu.dma_semaphore, #tpu.memory_space<semaphore_mem>>)
      %dma_wait3A_2298 = arith.constant 0 : i32
      %dma_wait3A_2299 = arith.constant 0 : i32
      %dma_wait3A_2300 = tpu.memref_slice %arg10[%run_scoped3A_5, %dma_wait3A_2298, %dma_wait3A_2299] : memref<2x20x128xi32, #tpu.memory_space<vmem>> -> memref<1x20x128xi32, #tpu.memory_space<vmem>>
      %dma_wait3A_2301 = tpu.memref_squeeze %dma_wait3A_2300 : memref<1x20x128xi32, #tpu.memory_space<vmem>> -> memref<20x128xi32, #tpu.memory_space<vmem>>
      %dma_wait3A_2302 = arith.constant 0 : i32
      %dma_wait3A_2303 = tpu.memref_slice %arg7[%dma_wait3A_2302, %mul3A_2] : memref<20x4096xi32, #tpu.memory_space<hbm>> -> memref<20x128xi32, #tpu.memory_space<hbm>>
      %dma_wait3A_2304 = arith.constant 0 : i32
      %dma_wait3A_2305 = arith.constant 0 : i32
      %dma_wait3A_2306 = tpu.memref_slice %arg10[%run_scoped3A_5, %dma_wait3A_2304, %dma_wait3A_2305] : memref<2x20x128xi32, #tpu.memory_space<vmem>> -> memref<1x20x128xi32, #tpu.memory_space<vmem>>
      %dma_wait3A_2307 = tpu.memref_squeeze %dma_wait3A_2306 : memref<1x20x128xi32, #tpu.memory_space<vmem>> -> memref<20x128xi32, #tpu.memory_space<vmem>>
      %dma_wait3A_2308 = arith.constant 0 : i32
      %dma_wait3A_2309 = tpu.memref_slice %arg7[%dma_wait3A_2308, %mul3A_2] : memref<20x4096xi32, #tpu.memory_space<hbm>> -> memref<20x128xi32, #tpu.memory_space<hbm>>
      tpu.wait_dma2 semaphore(%run_scoped3A_2285 : memref<!tpu.dma_semaphore, #tpu.memory_space<semaphore_mem>>) src(%dma_wait3A_2309 : memref<20x128xi32, #tpu.memory_space<hbm>>) dst(%dma_wait3A_2307 : memref<20x128xi32, #tpu.memory_space<vmem>>)
      tpu.yield
    }) : () -> ()
    %mul3A_6 = arith.constant 2 : i32
    %mul3A_7 = arith.muli %arg1, %mul3A_6 : i32
    %add3A_8 = arith.constant 0 : i32
    %add3A_9 = arith.addi %mul3A_7, %add3A_8 : i32
    %mul3A_10 = arith.constant 128 : i32
    %mul3A_11 = arith.muli %add3A_9, %mul3A_10 : i32
    %add3A_12 = arith.constant 0 : i32
    %add3A_13 = arith.addi %mul3A_11, %add3A_12 : i32
    %add3A_14 = vector.broadcast %add3A_13 : i32 to vector<16xi32>
    %add3A_15 = arith.addi %add3A_14, %iota3A : vector<16xi32>
    %swap3A = arith.constant 2 : i32
    %swap3A_16 = arith.index_cast %swap3A : i32 to index
    %swap3A_17 = arith.constant 0 : index
    %swap3A_18 = tpu.vector_load %arg9[%swap3A_16, %swap3A_17] {strides = array<i32>} : memref<4x128xi32, #tpu.memory_space<vmem>>, vector<16xi32>,
    tpu.vector_store %arg9[%swap3A_16, %swap3A_17], %add3A_15 {strides = array<i32>} : memref<4x128xi32, #tpu.memory_space<vmem>>, vector<16xi32>,
    %add3A_19 = arith.constant 16 : i32
    %add3A_20 = arith.addi %mul3A_11, %add3A_19 : i32
    %add3A_21 = vector.broadcast %add3A_20 : i32 to vector<16xi32>
    %add3A_22 = arith.addi %add3A_21, %iota3A : vector<16xi32>
    %swap3A_23 = arith.constant 2 : i32
    %swap3A_24 = arith.index_cast %swap3A_23 : i32 to index
    %swap3A_25 = arith.constant 16 : index
    %swap3A_26 = tpu.vector_load %arg9[%swap3A_24, %swap3A_25] {strides = array<i32>} : memref<4x128xi32, #tpu.memory_space<vmem>>, vector<16xi32>,
    tpu.vector_store %arg9[%swap3A_24, %swap3A_25], %add3A_22 {strides = array<i32>} : memref<4x128xi32, #tpu.memory_space<vmem>>, vector<16xi32>,
    %add3A_27 = arith.constant 32 : i32
    %add3A_28 = arith.addi %mul3A_11, %add3A_27 : i32
    %add3A_29 = vector.broadcast %add3A_28 : i32 to vector<16xi32>
    %add3A_30 = arith.addi %add3A_29, %iota3A : vector<16xi32>
    %swap3A_31 = arith.constant 2 : i32
    %swap3A_32 = arith.index_cast %swap3A_31 : i32 to index
    %swap3A_33 = arith.constant 32 : index
    %swap3A_34 = tpu.vector_load %arg9[%swap3A_32, %swap3A_33] {strides = array<i32>} : memref<4x128xi32, #tpu.memory_space<vmem>>, vector<16xi32>,
    tpu.vector_store %arg9[%swap3A_32, %swap3A_33], %add3A_30 {strides = array<i32>} : memref<4x128xi32, #tpu.memory_space<vmem>>, vector<16xi32>,
    %add3A_35 = arith.constant 48 : i32
    %add3A_36 = arith.addi %mul3A_11, %add3A_35 : i32
    %add3A_37 = vector.broadcast %add3A_36 : i32 to vector<16xi32>
    %add3A_38 = arith.addi %add3A_37, %iota3A : vector<16xi32>
    %swap3A_39 = arith.constant 2 : i32
    %swap3A_40 = arith.index_cast %swap3A_39 : i32 to index
    %swap3A_41 = arith.constant 48 : index
    %swap3A_42 = tpu.vector_load %arg9[%swap3A_40, %swap3A_41] {strides = array<i32>} : memref<4x128xi32, #tpu.memory_space<vmem>>, vector<16xi32>,
    tpu.vector_store %arg9[%swap3A_40, %swap3A_41], %add3A_38 {strides = array<i32>} : memref<4x128xi32, #tpu.memory_space<vmem>>, vector<16xi32>,
    %add3A_43 = arith.constant 64 : i32
    %add3A_44 = arith.addi %mul3A_11, %add3A_43 : i32
    %add3A_45 = vector.broadcast %add3A_44 : i32 to vector<16xi32>
    %add3A_46 = arith.addi %add3A_45, %iota3A : vector<16xi32>
    %swap3A_47 = arith.constant 2 : i32
    %swap3A_48 = arith.index_cast %swap3A_47 : i32 to index
    %swap3A_49 = arith.constant 64 : index
    %swap3A_50 = tpu.vector_load %arg9[%swap3A_48, %swap3A_49] {strides = array<i32>} : memref<4x128xi32, #tpu.memory_space<vmem>>, vector<16xi32>,
    tpu.vector_store %arg9[%swap3A_48, %swap3A_49], %add3A_46 {strides = array<i32>} : memref<4x128xi32, #tpu.memory_space<vmem>>, vector<16xi32>,
    %add3A_51 = arith.constant 80 : i32
    %add3A_52 = arith.addi %mul3A_11, %add3A_51 : i32
    %add3A_53 = vector.broadcast %add3A_52 : i32 to vector<16xi32>
    %add3A_54 = arith.addi %add3A_53, %iota3A : vector<16xi32>
    %swap3A_55 = arith.constant 2 : i32
    %swap3A_56 = arith.index_cast %swap3A_55 : i32 to index
    %swap3A_57 = arith.constant 80 : index
    %swap3A_58 = tpu.vector_load %arg9[%swap3A_56, %swap3A_57] {strides = array<i32>} : memref<4x128xi32, #tpu.memory_space<vmem>>, vector<16xi32>,
    tpu.vector_store %arg9[%swap3A_56, %swap3A_57], %add3A_54 {strides = array<i32>} : memref<4x128xi32, #tpu.memory_space<vmem>>, vector<16xi32>,
    %add3A_59 = arith.constant 96 : i32
    %add3A_60 = arith.addi %mul3A_11, %add3A_59 : i32
    %add3A_61 = vector.broadcast %add3A_60 : i32 to vector<16xi32>
    %add3A_62 = arith.addi %add3A_61, %iota3A : vector<16xi32>
    %swap3A_63 = arith.constant 2 : i32
    %swap3A_64 = arith.index_cast %swap3A_63 : i32 to index
    %swap3A_65 = arith.constant 96 : index
    %swap3A_66 = tpu.vector_load %arg9[%swap3A_64, %swap3A_65] {strides = array<i32>} : memref<4x128xi32, #tpu.memory_space<vmem>>, vector<16xi32>,
    tpu.vector_store %arg9[%swap3A_64, %swap3A_65], %add3A_62 {strides = array<i32>} : memref<4x128xi32, #tpu.memory_space<vmem>>, vector<16xi32>,
    %add3A_67 = arith.constant 112 : i32
    %add3A_68 = arith.addi %mul3A_11, %add3A_67 : i32
    %add3A_69 = vector.broadcast %add3A_68 : i32 to vector<16xi32>
    %add3A_70 = arith.addi %add3A_69, %iota3A : vector<16xi32>
    %swap3A_71 = arith.constant 2 : i32
    %swap3A_72 = arith.index_cast %swap3A_71 : i32 to index
    %swap3A_73 = arith.constant 112 : index
    %swap3A_74 = tpu.vector_load %arg9[%swap3A_72, %swap3A_73] {strides = array<i32>} : memref<4x128xi32, #tpu.memory_space<vmem>>, vector<16xi32>,
    tpu.vector_store %arg9[%swap3A_72, %swap3A_73], %add3A_70 {strides = array<i32>} : memref<4x128xi32, #tpu.memory_space<vmem>>, vector<16xi32>,
    %mul3A_75 = arith.constant 2 : i32
    %mul3A_76 = arith.muli %arg1, %mul3A_75 : i32
    %add3A_77 = arith.constant 1 : i32
    %add3A_78 = arith.addi %mul3A_76, %add3A_77 : i32
    %mul3A_79 = arith.constant 128 : i32
    %mul3A_80 = arith.muli %add3A_78, %mul3A_79 : i32
    %add3A_81 = arith.constant 0 : i32
    %add3A_82 = arith.addi %mul3A_80, %add3A_81 : i32
    %add3A_83 = vector.broadcast %add3A_82 : i32 to vector<16xi32>
    %add3A_84 = arith.addi %add3A_83, %iota3A : vector<16xi32>
    %swap3A_85 = arith.constant 3 : i32
    %swap3A_86 = arith.index_cast %swap3A_85 : i32 to index
    %swap3A_87 = arith.constant 0 : index
    %swap3A_88 = tpu.vector_load %arg9[%swap3A_86, %swap3A_87] {strides = array<i32>} : memref<4x128xi32, #tpu.memory_space<vmem>>, vector<16xi32>,
    tpu.vector_store %arg9[%swap3A_86, %swap3A_87], %add3A_84 {strides = array<i32>} : memref<4x128xi32, #tpu.memory_space<vmem>>, vector<16xi32>,
    %add3A_89 = arith.constant 16 : i32
    %add3A_90 = arith.addi %mul3A_80, %add3A_89 : i32
    %add3A_91 = vector.broadcast %add3A_90 : i32 to vector<16xi32>
    %add3A_92 = arith.addi %add3A_91, %iota3A : vector<16xi32>
    %swap3A_93 = arith.constant 3 : i32
    %swap3A_94 = arith.index_cast %swap3A_93 : i32 to index
    %swap3A_95 = arith.constant 16 : index
    %swap3A_96 = tpu.vector_load %arg9[%swap3A_94, %swap3A_95] {strides = array<i32>} : memref<4x128xi32, #tpu.memory_space<vmem>>, vector<16xi32>,
    tpu.vector_store %arg9[%swap3A_94, %swap3A_95], %add3A_92 {strides = array<i32>} : memref<4x128xi32, #tpu.memory_space<vmem>>, vector<16xi32>,
    %add3A_97 = arith.constant 32 : i32
    %add3A_98 = arith.addi %mul3A_80, %add3A_97 : i32
    %add3A_99 = vector.broadcast %add3A_98 : i32 to vector<16xi32>
    %add3A_100 = arith.addi %add3A_99, %iota3A : vector<16xi32>
    %swap3A_101 = arith.constant 3 : i32
    %swap3A_102 = arith.index_cast %swap3A_101 : i32 to index
    %swap3A_103 = arith.constant 32 : index
    %swap3A_104 = tpu.vector_load %arg9[%swap3A_102, %swap3A_103] {strides = array<i32>} : memref<4x128xi32, #tpu.memory_space<vmem>>, vector<16xi32>,
    tpu.vector_store %arg9[%swap3A_102, %swap3A_103], %add3A_100 {strides = array<i32>} : memref<4x128xi32, #tpu.memory_space<vmem>>, vector<16xi32>,
    %add3A_105 = arith.constant 48 : i32
    %add3A_106 = arith.addi %mul3A_80, %add3A_105 : i32
    %add3A_107 = vector.broadcast %add3A_106 : i32 to vector<16xi32>
    %add3A_108 = arith.addi %add3A_107, %iota3A : vector<16xi32>
    %swap3A_109 = arith.constant 3 : i32
    %swap3A_110 = arith.index_cast %swap3A_109 : i32 to index
    %swap3A_111 = arith.constant 48 : index
    %swap3A_112 = tpu.vector_load %arg9[%swap3A_110, %swap3A_111] {strides = array<i32>} : memref<4x128xi32, #tpu.memory_space<vmem>>, vector<16xi32>,
    tpu.vector_store %arg9[%swap3A_110, %swap3A_111], %add3A_108 {strides = array<i32>} : memref<4x128xi32, #tpu.memory_space<vmem>>, vector<16xi32>,
    %add3A_113 = arith.constant 64 : i32
    %add3A_114 = arith.addi %mul3A_80, %add3A_113 : i32
    %add3A_115 = vector.broadcast %add3A_114 : i32 to vector<16xi32>
    %add3A_116 = arith.addi %add3A_115, %iota3A : vector<16xi32>
    %swap3A_117 = arith.constant 3 : i32
    %swap3A_118 = arith.index_cast %swap3A_117 : i32 to index
    %swap3A_119 = arith.constant 64 : index
    %swap3A_120 = tpu.vector_load %arg9[%swap3A_118, %swap3A_119] {strides = array<i32>} : memref<4x128xi32, #tpu.memory_space<vmem>>, vector<16xi32>,
    tpu.vector_store %arg9[%swap3A_118, %swap3A_119], %add3A_116 {strides = array<i32>} : memref<4x128xi32, #tpu.memory_space<vmem>>, vector<16xi32>,
    %add3A_121 = arith.constant 80 : i32
    %add3A_122 = arith.addi %mul3A_80, %add3A_121 : i32
    %add3A_123 = vector.broadcast %add3A_122 : i32 to vector<16xi32>
    %add3A_124 = arith.addi %add3A_123, %iota3A : vector<16xi32>
    %swap3A_125 = arith.constant 3 : i32
    %swap3A_126 = arith.index_cast %swap3A_125 : i32 to index
    %swap3A_127 = arith.constant 80 : index
    %swap3A_128 = tpu.vector_load %arg9[%swap3A_126, %swap3A_127] {strides = array<i32>} : memref<4x128xi32, #tpu.memory_space<vmem>>, vector<16xi32>,
    tpu.vector_store %arg9[%swap3A_126, %swap3A_127], %add3A_124 {strides = array<i32>} : memref<4x128xi32, #tpu.memory_space<vmem>>, vector<16xi32>,
    %add3A_129 = arith.constant 96 : i32
    %add3A_130 = arith.addi %mul3A_80, %add3A_129 : i32
    %add3A_131 = vector.broadcast %add3A_130 : i32 to vector<16xi32>
    %add3A_132 = arith.addi %add3A_131, %iota3A : vector<16xi32>
    %swap3A_133 = arith.constant 3 : i32
    %swap3A_134 = arith.index_cast %swap3A_133 : i32 to index
    %swap3A_135 = arith.constant 96 : index
    %swap3A_136 = tpu.vector_load %arg9[%swap3A_134, %swap3A_135] {strides = array<i32>} : memref<4x128xi32, #tpu.memory_space<vmem>>, vector<16xi32>,
    tpu.vector_store %arg9[%swap3A_134, %swap3A_135], %add3A_132 {strides = array<i32>} : memref<4x128xi32, #tpu.memory_space<vmem>>, vector<16xi32>,
    %add3A_137 = arith.constant 112 : i32
    %add3A_138 = arith.addi %mul3A_80, %add3A_137 : i32
    %add3A_139 = vector.broadcast %add3A_138 : i32 to vector<16xi32>
    %add3A_140 = arith.addi %add3A_139, %iota3A : vector<16xi32>
    %swap3A_141 = arith.constant 3 : i32
    %swap3A_142 = arith.index_cast %swap3A_141 : i32 to index
    %swap3A_143 = arith.constant 112 : index
    %swap3A_144 = tpu.vector_load %arg9[%swap3A_142, %swap3A_143] {strides = array<i32>} : memref<4x128xi32, #tpu.memory_space<vmem>>, vector<16xi32>,
    tpu.vector_store %arg9[%swap3A_142, %swap3A_143], %add3A_140 {strides = array<i32>} : memref<4x128xi32, #tpu.memory_space<vmem>>, vector<16xi32>,
    %dma_start3A = arith.constant 0 : i32
    %dma_start3A_145 = arith.constant 0 : i32
    %dma_start3A_146 = tpu.memref_slice %arg9[%dma_start3A, %dma_start3A_145] : memref<4x128xi32, #tpu.memory_space<vmem>> -> memref<1x128xi32, #tpu.memory_space<vmem>>
    %dma_start3A_147 = tpu.memref_squeeze %dma_start3A_146 : memref<1x128xi32, #tpu.memory_space<vmem>> -> memref<128xi32, #tpu.memory_space<vmem>>
    %dma_start3A_148 = arith.constant 0 : i32
    %dma_start3A_149 = arith.constant 0 : i32
    %dma_start3A_150 = tpu.memref_slice %arg2[%dma_start3A_148, %dma_start3A_149] : memref<100000x64xf32, #tpu.memory_space<hbm>> -> memref<100000x64xf32, #tpu.memory_space<hbm>>
    tpu.enqueue_indirect_dma source(%dma_start3A_150 : memref<100000x64xf32, #tpu.memory_space<hbm>>) target(%arg11 : memref<128x64xf32, #tpu.memory_space<vmem>>) offsets(%dma_start3A_147 : memref<128xi32, #tpu.memory_space<vmem>>) semaphore(%arg17 : memref<!tpu.dma_semaphore, #tpu.memory_space<semaphore_mem>>)
    %dma_wait3A = arith.constant 0 : i32
    %dma_wait3A_151 = arith.constant 0 : i32
    %dma_wait3A_152 = tpu.memref_slice %arg9[%dma_wait3A, %dma_wait3A_151] : memref<4x128xi32, #tpu.memory_space<vmem>> -> memref<1x128xi32, #tpu.memory_space<vmem>>
    %dma_wait3A_153 = tpu.memref_squeeze %dma_wait3A_152 : memref<1x128xi32, #tpu.memory_space<vmem>> -> memref<128xi32, #tpu.memory_space<vmem>>
    %dma_wait3A_154 = arith.constant 0 : i32
    %dma_wait3A_155 = arith.constant 0 : i32
    %dma_wait3A_156 = tpu.memref_slice %arg2[%dma_wait3A_154, %dma_wait3A_155] : memref<100000x64xf32, #tpu.memory_space<hbm>> -> memref<100000x64xf32, #tpu.memory_space<hbm>>
    tpu.wait_indirect_dma semaphore(%arg17 : memref<!tpu.dma_semaphore, #tpu.memory_space<semaphore_mem>>) src(%dma_wait3A_156 : memref<100000x64xf32, #tpu.memory_space<hbm>>) dst(%arg11 : memref<128x64xf32, #tpu.memory_space<vmem>>)
    %run_scoped3A_157 = arith.constant 2 : i32
    "tpu.region"() ({
      %run_scoped3A_2285 = tpu.sem_alloc : memref<!tpu.dma_semaphore, #tpu.memory_space<semaphore_mem>>
      %dma_start3A_2286 = arith.constant 0 : i32
      %dma_start3A_2287 = tpu.memref_slice %arg9[%run_scoped3A_157, %dma_start3A_2286] : memref<4x128xi32, #tpu.memory_space<vmem>> -> memref<1x128xi32, #tpu.memory_space<vmem>>
      %dma_start3A_2288 = tpu.memref_squeeze %dma_start3A_2287 : memref<1x128xi32, #tpu.memory_space<vmem>> -> memref<128xi32, #tpu.memory_space<vmem>>
      %dma_start3A_2289 = arith.constant 0 : i32
      %dma_start3A_2290 = arith.constant 0 : i32
      %dma_start3A_2291 = tpu.memref_slice %arg16[%dma_start3A_2289, %dma_start3A_2290] : memref<4096x64xf32, #tpu.memory_space<vmem_shared>> -> memref<4096x64xf32, #tpu.memory_space<vmem_shared>>
      tpu.enqueue_indirect_dma source(%arg11 : memref<128x64xf32, #tpu.memory_space<vmem>>) target(%dma_start3A_2291 : memref<4096x64xf32, #tpu.memory_space<vmem_shared>>) offsets(%dma_start3A_2288 : memref<128xi32, #tpu.memory_space<vmem>>) semaphore(%run_scoped3A_2285 : memref<!tpu.dma_semaphore, #tpu.memory_space<semaphore_mem>>)
      %dma_wait3A_2292 = arith.constant 0 : i32
      %dma_wait3A_2293 = tpu.memref_slice %arg9[%run_scoped3A_157, %dma_wait3A_2292] : memref<4x128xi32, #tpu.memory_space<vmem>> -> memref<1x128xi32, #tpu.memory_space<vmem>>
      %dma_wait3A_2294 = tpu.memref_squeeze %dma_wait3A_2293 : memref<1x128xi32, #tpu.memory_space<vmem>> -> memref<128xi32, #tpu.memory_space<vmem>>
      %dma_wait3A_2295 = arith.constant 0 : i32
      %dma_wait3A_2296 = arith.constant 0 : i32
      %dma_wait3A_2297 = tpu.memref_slice %arg16[%dma_wait3A_2295, %dma_wait3A_2296] : memref<4096x64xf32, #tpu.memory_space<vmem_shared>> -> memref<4096x64xf32, #tpu.memory_space<vmem_shared>>
      tpu.wait_indirect_dma semaphore(%run_scoped3A_2285 : memref<!tpu.dma_semaphore, #tpu.memory_space<semaphore_mem>>) src(%arg11 : memref<128x64xf32, #tpu.memory_space<vmem>>) dst(%dma_wait3A_2297 : memref<4096x64xf32, #tpu.memory_space<vmem_shared>>)
      tpu.yield
    }) : () -> ()
    %dma_start3A_158 = arith.constant 1 : i32
    %dma_start3A_159 = arith.constant 0 : i32
    %dma_start3A_160 = tpu.memref_slice %arg9[%dma_start3A_158, %dma_start3A_159] : memref<4x128xi32, #tpu.memory_space<vmem>> -> memref<1x128xi32, #tpu.memory_space<vmem>>
    %dma_start3A_161 = tpu.memref_squeeze %dma_start3A_160 : memref<1x128xi32, #tpu.memory_space<vmem>> -> memref<128xi32, #tpu.memory_space<vmem>>
    %dma_start3A_162 = arith.constant 0 : i32
    %dma_start3A_163 = arith.constant 0 : i32
    %dma_start3A_164 = tpu.memref_slice %arg2[%dma_start3A_162, %dma_start3A_163] : memref<100000x64xf32, #tpu.memory_space<hbm>> -> memref<100000x64xf32, #tpu.memory_space<hbm>>
    tpu.enqueue_indirect_dma source(%dma_start3A_164 : memref<100000x64xf32, #tpu.memory_space<hbm>>) target(%arg11 : memref<128x64xf32, #tpu.memory_space<vmem>>) offsets(%dma_start3A_161 : memref<128xi32, #tpu.memory_space<vmem>>) semaphore(%arg17 : memref<!tpu.dma_semaphore, #tpu.memory_space<semaphore_mem>>)
    %dma_wait3A_165 = arith.constant 1 : i32
    %dma_wait3A_166 = arith.constant 0 : i32
    %dma_wait3A_167 = tpu.memref_slice %arg9[%dma_wait3A_165, %dma_wait3A_166] : memref<4x128xi32, #tpu.memory_space<vmem>> -> memref<1x128xi32, #tpu.memory_space<vmem>>
    %dma_wait3A_168 = tpu.memref_squeeze %dma_wait3A_167 : memref<1x128xi32, #tpu.memory_space<vmem>> -> memref<128xi32, #tpu.memory_space<vmem>>
    %dma_wait3A_169 = arith.constant 0 : i32
    %dma_wait3A_170 = arith.constant 0 : i32
    %dma_wait3A_171 = tpu.memref_slice %arg2[%dma_wait3A_169, %dma_wait3A_170] : memref<100000x64xf32, #tpu.memory_space<hbm>> -> memref<100000x64xf32, #tpu.memory_space<hbm>>
    tpu.wait_indirect_dma semaphore(%arg17 : memref<!tpu.dma_semaphore, #tpu.memory_space<semaphore_mem>>) src(%dma_wait3A_171 : memref<100000x64xf32, #tpu.memory_space<hbm>>) dst(%arg11 : memref<128x64xf32, #tpu.memory_space<vmem>>)
    %run_scoped3A_172 = arith.constant 3 : i32
    "tpu.region"() ({
      %run_scoped3A_2285 = tpu.sem_alloc : memref<!tpu.dma_semaphore, #tpu.memory_space<semaphore_mem>>
      %dma_start3A_2286 = arith.constant 0 : i32
      %dma_start3A_2287 = tpu.memref_slice %arg9[%run_scoped3A_172, %dma_start3A_2286] : memref<4x128xi32, #tpu.memory_space<vmem>> -> memref<1x128xi32, #tpu.memory_space<vmem>>
      %dma_start3A_2288 = tpu.memref_squeeze %dma_start3A_2287 : memref<1x128xi32, #tpu.memory_space<vmem>> -> memref<128xi32, #tpu.memory_space<vmem>>
      %dma_start3A_2289 = arith.constant 0 : i32
      %dma_start3A_2290 = arith.constant 0 : i32
      %dma_start3A_2291 = tpu.memref_slice %arg16[%dma_start3A_2289, %dma_start3A_2290] : memref<4096x64xf32, #tpu.memory_space<vmem_shared>> -> memref<4096x64xf32, #tpu.memory_space<vmem_shared>>
      tpu.enqueue_indirect_dma source(%arg11 : memref<128x64xf32, #tpu.memory_space<vmem>>) target(%dma_start3A_2291 : memref<4096x64xf32, #tpu.memory_space<vmem_shared>>) offsets(%dma_start3A_2288 : memref<128xi32, #tpu.memory_space<vmem>>) semaphore(%run_scoped3A_2285 : memref<!tpu.dma_semaphore, #tpu.memory_space<semaphore_mem>>)
      %dma_wait3A_2292 = arith.constant 0 : i32
      %dma_wait3A_2293 = tpu.memref_slice %arg9[%run_scoped3A_172, %dma_wait3A_2292] : memref<4x128xi32, #tpu.memory_space<vmem>> -> memref<1x128xi32, #tpu.memory_space<vmem>>
      %dma_wait3A_2294 = tpu.memref_squeeze %dma_wait3A_2293 : memref<1x128xi32, #tpu.memory_space<vmem>> -> memref<128xi32, #tpu.memory_space<vmem>>
      %dma_wait3A_2295 = arith.constant 0 : i32
      %dma_wait3A_2296 = arith.constant 0 : i32
      %dma_wait3A_2297 = tpu.memref_slice %arg16[%dma_wait3A_2295, %dma_wait3A_2296] : memref<4096x64xf32, #tpu.memory_space<vmem_shared>> -> memref<4096x64xf32, #tpu.memory_space<vmem_shared>>
      tpu.wait_indirect_dma semaphore(%run_scoped3A_2285 : memref<!tpu.dma_semaphore, #tpu.memory_space<semaphore_mem>>) src(%arg11 : memref<128x64xf32, #tpu.memory_space<vmem>>) dst(%dma_wait3A_2297 : memref<4096x64xf32, #tpu.memory_space<vmem_shared>>)
      tpu.yield
    }) : () -> ()
    %dma_start3A_173 = arith.constant 0 : i32
    %dma_start3A_174 = arith.constant 0 : i32
    %dma_start3A_175 = arith.constant 0 : i32
    %dma_start3A_176 = arith.constant 0 : i32
    %dma_start3A_177 = arith.constant 0 : i32
    %dma_start3A_178 = tpu.memref_slice %arg12[%dma_start3A_175, %dma_start3A_176, %dma_start3A_177] : memref<3x128x64xf32, #tpu.memory_space<vmem>> -> memref<1x128x64xf32, #tpu.memory_space<vmem>>
    %dma_start3A_179 = tpu.memref_squeeze %dma_start3A_178 : memref<1x128x64xf32, #tpu.memory_space<vmem>> -> memref<128x64xf32, #tpu.memory_space<vmem>>
    %dma_start3A_180 = arith.constant 0 : i32
    %dma_start3A_181 = tpu.memref_slice %arg10[%dma_start3A_173, %dma_start3A_174, %dma_start3A_180] : memref<2x20x128xi32, #tpu.memory_space<vmem>> -> memref<1x1x128xi32, #tpu.memory_space<vmem>>
    %dma_start3A_182 = tpu.memref_squeeze %dma_start3A_181 : memref<1x1x128xi32, #tpu.memory_space<vmem>> -> memref<128xi32, #tpu.memory_space<vmem>>
    %dma_start3A_183 = arith.constant 0 : i32
    %dma_start3A_184 = arith.constant 0 : i32
    %dma_start3A_185 = tpu.memref_slice %arg3[%dma_start3A_183, %dma_start3A_184] : memref<1000000x64xf32, #tpu.memory_space<hbm>> -> memref<1000000x64xf32, #tpu.memory_space<hbm>>
    tpu.enqueue_indirect_dma source(%dma_start3A_185 : memref<1000000x64xf32, #tpu.memory_space<hbm>>) target(%dma_start3A_179 : memref<128x64xf32, #tpu.memory_space<vmem>>) offsets(%dma_start3A_182 : memref<128xi32, #tpu.memory_space<vmem>>) semaphore(%arg18 : memref<!tpu.dma_semaphore, #tpu.memory_space<semaphore_mem>>)
    %dma_start3A_186 = arith.constant 1 : i32
    %dma_start3A_187 = arith.constant 0 : i32
    %dma_start3A_188 = arith.constant 1 : i32
    %dma_start3A_189 = arith.constant 0 : i32
    %dma_start3A_190 = arith.constant 0 : i32
    %dma_start3A_191 = tpu.memref_slice %arg12[%dma_start3A_188, %dma_start3A_189, %dma_start3A_190] : memref<3x128x64xf32, #tpu.memory_space<vmem>> -> memref<1x128x64xf32, #tpu.memory_space<vmem>>
    %dma_start3A_192 = tpu.memref_squeeze %dma_start3A_191 : memref<1x128x64xf32, #tpu.memory_space<vmem>> -> memref<128x64xf32, #tpu.memory_space<vmem>>
    %dma_start3A_193 = arith.constant 0 : i32
    %dma_start3A_194 = tpu.memref_slice %arg10[%dma_start3A_186, %dma_start3A_187, %dma_start3A_193] : memref<2x20x128xi32, #tpu.memory_space<vmem>> -> memref<1x1x128xi32, #tpu.memory_space<vmem>>
    %dma_start3A_195 = tpu.memref_squeeze %dma_start3A_194 : memref<1x1x128xi32, #tpu.memory_space<vmem>> -> memref<128xi32, #tpu.memory_space<vmem>>
    %dma_start3A_196 = arith.constant 0 : i32
    %dma_start3A_197 = arith.constant 0 : i32
    %dma_start3A_198 = tpu.memref_slice %arg3[%dma_start3A_196, %dma_start3A_197] : memref<1000000x64xf32, #tpu.memory_space<hbm>> -> memref<1000000x64xf32, #tpu.memory_space<hbm>>
    tpu.enqueue_indirect_dma source(%dma_start3A_198 : memref<1000000x64xf32, #tpu.memory_space<hbm>>) target(%dma_start3A_192 : memref<128x64xf32, #tpu.memory_space<vmem>>) offsets(%dma_start3A_195 : memref<128xi32, #tpu.memory_space<vmem>>) semaphore(%arg19 : memref<!tpu.dma_semaphore, #tpu.memory_space<semaphore_mem>>)
    %dma_start3A_199 = arith.constant 0 : i32
    %dma_start3A_200 = arith.constant 1 : i32
    %dma_start3A_201 = arith.constant 2 : i32
    %dma_start3A_202 = arith.constant 0 : i32
    %dma_start3A_203 = arith.constant 0 : i32
    %dma_start3A_204 = tpu.memref_slice %arg12[%dma_start3A_201, %dma_start3A_202, %dma_start3A_203] : memref<3x128x64xf32, #tpu.memory_space<vmem>> -> memref<1x128x64xf32, #tpu.memory_space<vmem>>
    %dma_start3A_205 = tpu.memref_squeeze %dma_start3A_204 : memref<1x128x64xf32, #tpu.memory_space<vmem>> -> memref<128x64xf32, #tpu.memory_space<vmem>>
    %dma_start3A_206 = arith.constant 0 : i32
    %dma_start3A_207 = tpu.memref_slice %arg10[%dma_start3A_199, %dma_start3A_200, %dma_start3A_206] : memref<2x20x128xi32, #tpu.memory_space<vmem>> -> memref<1x1x128xi32, #tpu.memory_space<vmem>>
    %dma_start3A_208 = tpu.memref_squeeze %dma_start3A_207 : memref<1x1x128xi32, #tpu.memory_space<vmem>> -> memref<128xi32, #tpu.memory_space<vmem>>
    %dma_start3A_209 = arith.constant 0 : i32
    %dma_start3A_210 = arith.constant 0 : i32
    %dma_start3A_211 = tpu.memref_slice %arg3[%dma_start3A_209, %dma_start3A_210] : memref<1000000x64xf32, #tpu.memory_space<hbm>> -> memref<1000000x64xf32, #tpu.memory_space<hbm>>
    tpu.enqueue_indirect_dma source(%dma_start3A_211 : memref<1000000x64xf32, #tpu.memory_space<hbm>>) target(%dma_start3A_205 : memref<128x64xf32, #tpu.memory_space<vmem>>) offsets(%dma_start3A_208 : memref<128xi32, #tpu.memory_space<vmem>>) semaphore(%arg20 : memref<!tpu.dma_semaphore, #tpu.memory_space<semaphore_mem>>)
    %dma_wait3A_212 = arith.constant 0 : i32
    %dma_wait3A_213 = arith.constant 0 : i32
    %dma_wait3A_214 = arith.constant 0 : i32
    %dma_wait3A_215 = arith.constant 0 : i32
    %dma_wait3A_216 = arith.constant 0 : i32
    %dma_wait3A_217 = tpu.memref_slice %arg12[%dma_wait3A_214, %dma_wait3A_215, %dma_wait3A_216] : memref<3x128x64xf32, #tpu.memory_space<vmem>> -> memref<1x128x64xf32, #tpu.memory_space<vmem>>
    %dma_wait3A_218 = tpu.memref_squeeze %dma_wait3A_217 : memref<1x128x64xf32, #tpu.memory_space<vmem>> -> memref<128x64xf32, #tpu.memory_space<vmem>>
    %dma_wait3A_219 = arith.constant 0 : i32
    %dma_wait3A_220 = tpu.memref_slice %arg10[%dma_wait3A_212, %dma_wait3A_213, %dma_wait3A_219] : memref<2x20x128xi32, #tpu.memory_space<vmem>> -> memref<1x1x128xi32, #tpu.memory_space<vmem>>
    %dma_wait3A_221 = tpu.memref_squeeze %dma_wait3A_220 : memref<1x1x128xi32, #tpu.memory_space<vmem>> -> memref<128xi32, #tpu.memory_space<vmem>>
    %dma_wait3A_222 = arith.constant 0 : i32
    %dma_wait3A_223 = arith.constant 0 : i32
    %dma_wait3A_224 = tpu.memref_slice %arg3[%dma_wait3A_222, %dma_wait3A_223] : memref<1000000x64xf32, #tpu.memory_space<hbm>> -> memref<1000000x64xf32, #tpu.memory_space<hbm>>
    tpu.wait_indirect_dma semaphore(%arg18 : memref<!tpu.dma_semaphore, #tpu.memory_space<semaphore_mem>>) src(%dma_wait3A_224 : memref<1000000x64xf32, #tpu.memory_space<hbm>>) dst(%dma_wait3A_218 : memref<128x64xf32, #tpu.memory_space<vmem>>)
    %dma_start3A_225 = arith.constant 0 : i32
    %dma_start3A_226 = arith.constant 2 : i32
    %dma_start3A_227 = arith.constant 0 : i32
    %dma_start3A_228 = arith.constant 0 : i32
    %dma_start3A_229 = tpu.memref_slice %arg12[%dma_start3A_225, %dma_start3A_227, %dma_start3A_228] : memref<3x128x64xf32, #tpu.memory_space<vmem>> -> memref<1x128x64xf32, #tpu.memory_space<vmem>>
    %dma_start3A_230 = tpu.memref_squeeze %dma_start3A_229 : memref<1x128x64xf32, #tpu.memory_space<vmem>> -> memref<128x64xf32, #tpu.memory_space<vmem>>
    %dma_start3A_231 = arith.constant 0 : i32
    %dma_start3A_232 = tpu.memref_slice %arg9[%dma_start3A_226, %dma_start3A_231] : memref<4x128xi32, #tpu.memory_space<vmem>> -> memref<1x128xi32, #tpu.memory_space<vmem>>
    %dma_start3A_233 = tpu.memref_squeeze %dma_start3A_232 : memref<1x128xi32, #tpu.memory_space<vmem>> -> memref<128xi32, #tpu.memory_space<vmem>>
    %dma_start3A_234 = arith.constant 0 : i32
    %dma_start3A_235 = arith.constant 0 : i32
    %dma_start3A_236 = tpu.memref_slice %arg16[%dma_start3A_234, %dma_start3A_235] : memref<4096x64xf32, #tpu.memory_space<vmem_shared>> -> memref<4096x64xf32, #tpu.memory_space<vmem_shared>>
    tpu.enqueue_indirect_dma source(%dma_start3A_230 : memref<128x64xf32, #tpu.memory_space<vmem>>) target(%dma_start3A_236 : memref<4096x64xf32, #tpu.memory_space<vmem_shared>>) offsets(%dma_start3A_233 : memref<128xi32, #tpu.memory_space<vmem>>) semaphore(%arg21 : memref<!tpu.dma_semaphore, #tpu.memory_space<semaphore_mem>>) {add = true}
    %dma_wait3A_237 = arith.constant 0 : i32
    %dma_wait3A_238 = arith.constant 2 : i32
    %dma_wait3A_239 = arith.constant 0 : i32
    %dma_wait3A_240 = arith.constant 0 : i32
    %dma_wait3A_241 = tpu.memref_slice %arg12[%dma_wait3A_237, %dma_wait3A_239, %dma_wait3A_240] : memref<3x128x64xf32, #tpu.memory_space<vmem>> -> memref<1x128x64xf32, #tpu.memory_space<vmem>>
    %dma_wait3A_242 = tpu.memref_squeeze %dma_wait3A_241 : memref<1x128x64xf32, #tpu.memory_space<vmem>> -> memref<128x64xf32, #tpu.memory_space<vmem>>
    %dma_wait3A_243 = arith.constant 0 : i32
    %dma_wait3A_244 = tpu.memref_slice %arg9[%dma_wait3A_238, %dma_wait3A_243] : memref<4x128xi32, #tpu.memory_space<vmem>> -> memref<1x128xi32, #tpu.memory_space<vmem>>
    %dma_wait3A_245 = tpu.memref_squeeze %dma_wait3A_244 : memref<1x128xi32, #tpu.memory_space<vmem>> -> memref<128xi32, #tpu.memory_space<vmem>>
    %dma_wait3A_246 = arith.constant 0 : i32
    %dma_wait3A_247 = arith.constant 0 : i32
    %dma_wait3A_248 = tpu.memref_slice %arg16[%dma_wait3A_246, %dma_wait3A_247] : memref<4096x64xf32, #tpu.memory_space<vmem_shared>> -> memref<4096x64xf32, #tpu.memory_space<vmem_shared>>
    tpu.wait_indirect_dma semaphore(%arg21 : memref<!tpu.dma_semaphore, #tpu.memory_space<semaphore_mem>>) src(%dma_wait3A_242 : memref<128x64xf32, #tpu.memory_space<vmem>>) dst(%dma_wait3A_248 : memref<4096x64xf32, #tpu.memory_space<vmem_shared>>)
    %dma_start3A_249 = arith.constant 1 : i32
    %dma_start3A_250 = arith.constant 1 : i32
    %dma_start3A_251 = arith.constant 0 : i32
    %dma_start3A_252 = arith.constant 0 : i32
    %dma_start3A_253 = arith.constant 0 : i32
    %dma_start3A_254 = tpu.memref_slice %arg12[%dma_start3A_251, %dma_start3A_252, %dma_start3A_253] : memref<3x128x64xf32, #tpu.memory_space<vmem>> -> memref<1x128x64xf32, #tpu.memory_space<vmem>>
    %dma_start3A_255 = tpu.memref_squeeze %dma_start3A_254 : memref<1x128x64xf32, #tpu.memory_space<vmem>> -> memref<128x64xf32, #tpu.memory_space<vmem>>
    %dma_start3A_256 = arith.constant 0 : i32
    %dma_start3A_257 = tpu.memref_slice %arg10[%dma_start3A_249, %dma_start3A_250, %dma_start3A_256] : memref<2x20x128xi32, #tpu.memory_space<vmem>> -> memref<1x1x128xi32, #tpu.memory_space<vmem>>
    %dma_start3A_258 = tpu.memref_squeeze %dma_start3A_257 : memref<1x1x128xi32, #tpu.memory_space<vmem>> -> memref<128xi32, #tpu.memory_space<vmem>>
    %dma_start3A_259 = arith.constant 0 : i32
    %dma_start3A_260 = arith.constant 0 : i32
    %dma_start3A_261 = tpu.memref_slice %arg3[%dma_start3A_259, %dma_start3A_260] : memref<1000000x64xf32, #tpu.memory_space<hbm>> -> memref<1000000x64xf32, #tpu.memory_space<hbm>>
    tpu.enqueue_indirect_dma source(%dma_start3A_261 : memref<1000000x64xf32, #tpu.memory_space<hbm>>) target(%dma_start3A_255 : memref<128x64xf32, #tpu.memory_space<vmem>>) offsets(%dma_start3A_258 : memref<128xi32, #tpu.memory_space<vmem>>) semaphore(%arg18 : memref<!tpu.dma_semaphore, #tpu.memory_space<semaphore_mem>>)
    %dma_wait3A_262 = arith.constant 1 : i32
    %dma_wait3A_263 = arith.constant 0 : i32
    %dma_wait3A_264 = arith.constant 1 : i32
    %dma_wait3A_265 = arith.constant 0 : i32
    %dma_wait3A_266 = arith.constant 0 : i32
    %dma_wait3A_267 = tpu.memref_slice %arg12[%dma_wait3A_264, %dma_wait3A_265, %dma_wait3A_266] : memref<3x128x64xf32, #tpu.memory_space<vmem>> -> memref<1x128x64xf32, #tpu.memory_space<vmem>>
    %dma_wait3A_268 = tpu.memref_squeeze %dma_wait3A_267 : memref<1x128x64xf32, #tpu.memory_space<vmem>> -> memref<128x64xf32, #tpu.memory_space<vmem>>
    %dma_wait3A_269 = arith.constant 0 : i32
    %dma_wait3A_270 = tpu.memref_slice %arg10[%dma_wait3A_262, %dma_wait3A_263, %dma_wait3A_269] : memref<2x20x128xi32, #tpu.memory_space<vmem>> -> memref<1x1x128xi32, #tpu.memory_space<vmem>>
    %dma_wait3A_271 = tpu.memref_squeeze %dma_wait3A_270 : memref<1x1x128xi32, #tpu.memory_space<vmem>> -> memref<128xi32, #tpu.memory_space<vmem>>
    %dma_wait3A_272 = arith.constant 0 : i32
    %dma_wait3A_273 = arith.constant 0 : i32
    %dma_wait3A_274 = tpu.memref_slice %arg3[%dma_wait3A_272, %dma_wait3A_273] : memref<1000000x64xf32, #tpu.memory_space<hbm>> -> memref<1000000x64xf32, #tpu.memory_space<hbm>>
    tpu.wait_indirect_dma semaphore(%arg19 : memref<!tpu.dma_semaphore, #tpu.memory_space<semaphore_mem>>) src(%dma_wait3A_274 : memref<1000000x64xf32, #tpu.memory_space<hbm>>) dst(%dma_wait3A_268 : memref<128x64xf32, #tpu.memory_space<vmem>>)
    %dma_start3A_275 = arith.constant 1 : i32
    %dma_start3A_276 = arith.constant 3 : i32
    %dma_start3A_277 = arith.constant 0 : i32
    %dma_start3A_278 = arith.constant 0 : i32
    %dma_start3A_279 = tpu.memref_slice %arg12[%dma_start3A_275, %dma_start3A_277, %dma_start3A_278] : memref<3x128x64xf32, #tpu.memory_space<vmem>> -> memref<1x128x64xf32, #tpu.memory_space<vmem>>
    %dma_start3A_280 = tpu.memref_squeeze %dma_start3A_279 : memref<1x128x64xf32, #tpu.memory_space<vmem>> -> memref<128x64xf32, #tpu.memory_space<vmem>>
    %dma_start3A_281 = arith.constant 0 : i32
    %dma_start3A_282 = tpu.memref_slice %arg9[%dma_start3A_276, %dma_start3A_281] : memref<4x128xi32, #tpu.memory_space<vmem>> -> memref<1x128xi32, #tpu.memory_space<vmem>>
    %dma_start3A_283 = tpu.memref_squeeze %dma_start3A_282 : memref<1x128xi32, #tpu.memory_space<vmem>> -> memref<128xi32, #tpu.memory_space<vmem>>
    %dma_start3A_284 = arith.constant 0 : i32
    %dma_start3A_285 = arith.constant 0 : i32
    %dma_start3A_286 = tpu.memref_slice %arg16[%dma_start3A_284, %dma_start3A_285] : memref<4096x64xf32, #tpu.memory_space<vmem_shared>> -> memref<4096x64xf32, #tpu.memory_space<vmem_shared>>
    tpu.enqueue_indirect_dma source(%dma_start3A_280 : memref<128x64xf32, #tpu.memory_space<vmem>>) target(%dma_start3A_286 : memref<4096x64xf32, #tpu.memory_space<vmem_shared>>) offsets(%dma_start3A_283 : memref<128xi32, #tpu.memory_space<vmem>>) semaphore(%arg22 : memref<!tpu.dma_semaphore, #tpu.memory_space<semaphore_mem>>) {add = true}
    %dma_wait3A_287 = arith.constant 1 : i32
    %dma_wait3A_288 = arith.constant 3 : i32
    %dma_wait3A_289 = arith.constant 0 : i32
    %dma_wait3A_290 = arith.constant 0 : i32
    %dma_wait3A_291 = tpu.memref_slice %arg12[%dma_wait3A_287, %dma_wait3A_289, %dma_wait3A_290] : memref<3x128x64xf32, #tpu.memory_space<vmem>> -> memref<1x128x64xf32, #tpu.memory_space<vmem>>
    %dma_wait3A_292 = tpu.memref_squeeze %dma_wait3A_291 : memref<1x128x64xf32, #tpu.memory_space<vmem>> -> memref<128x64xf32, #tpu.memory_space<vmem>>
    %dma_wait3A_293 = arith.constant 0 : i32
    %dma_wait3A_294 = tpu.memref_slice %arg9[%dma_wait3A_288, %dma_wait3A_293] : memref<4x128xi32, #tpu.memory_space<vmem>> -> memref<1x128xi32, #tpu.memory_space<vmem>>
    %dma_wait3A_295 = tpu.memref_squeeze %dma_wait3A_294 : memref<1x128xi32, #tpu.memory_space<vmem>> -> memref<128xi32, #tpu.memory_space<vmem>>
    %dma_wait3A_296 = arith.constant 0 : i32
    %dma_wait3A_297 = arith.constant 0 : i32
    %dma_wait3A_298 = tpu.memref_slice %arg16[%dma_wait3A_296, %dma_wait3A_297] : memref<4096x64xf32, #tpu.memory_space<vmem_shared>> -> memref<4096x64xf32, #tpu.memory_space<vmem_shared>>
    tpu.wait_indirect_dma semaphore(%arg22 : memref<!tpu.dma_semaphore, #tpu.memory_space<semaphore_mem>>) src(%dma_wait3A_292 : memref<128x64xf32, #tpu.memory_space<vmem>>) dst(%dma_wait3A_298 : memref<4096x64xf32, #tpu.memory_space<vmem_shared>>)
    %dma_start3A_299 = arith.constant 0 : i32
    %dma_start3A_300 = arith.constant 2 : i32
    %dma_start3A_301 = arith.constant 1 : i32
    %dma_start3A_302 = arith.constant 0 : i32
    %dma_start3A_303 = arith.constant 0 : i32
    %dma_start3A_304 = tpu.memref_slice %arg12[%dma_start3A_301, %dma_start3A_302, %dma_start3A_303] : memref<3x128x64xf32, #tpu.memory_space<vmem>> -> memref<1x128x64xf32, #tpu.memory_space<vmem>>
    %dma_start3A_305 = tpu.memref_squeeze %dma_start3A_304 : memref<1x128x64xf32, #tpu.memory_space<vmem>> -> memref<128x64xf32, #tpu.memory_space<vmem>>
    %dma_start3A_306 = arith.constant 0 : i32
    %dma_start3A_307 = tpu.memref_slice %arg10[%dma_start3A_299, %dma_start3A_300, %dma_start3A_306] : memref<2x20x128xi32, #tpu.memory_space<vmem>> -> memref<1x1x128xi32, #tpu.memory_space<vmem>>
    %dma_start3A_308 = tpu.memref_squeeze %dma_start3A_307 : memref<1x1x128xi32, #tpu.memory_space<vmem>> -> memref<128xi32, #tpu.memory_space<vmem>>
    %dma_start3A_309 = arith.constant 0 : i32
    %dma_start3A_310 = arith.constant 0 : i32
    %dma_start3A_311 = tpu.memref_slice %arg3[%dma_start3A_309, %dma_start3A_310] : memref<1000000x64xf32, #tpu.memory_space<hbm>> -> memref<1000000x64xf32, #tpu.memory_space<hbm>>
    tpu.enqueue_indirect_dma source(%dma_start3A_311 : memref<1000000x64xf32, #tpu.memory_space<hbm>>) target(%dma_start3A_305 : memref<128x64xf32, #tpu.memory_space<vmem>>) offsets(%dma_start3A_308 : memref<128xi32, #tpu.memory_space<vmem>>) semaphore(%arg19 : memref<!tpu.dma_semaphore, #tpu.memory_space<semaphore_mem>>)
    %dma_wait3A_312 = arith.constant 0 : i32
    %dma_wait3A_313 = arith.constant 1 : i32
    %dma_wait3A_314 = arith.constant 2 : i32
    %dma_wait3A_315 = arith.constant 0 : i32
    %dma_wait3A_316 = arith.constant 0 : i32
    %dma_wait3A_317 = tpu.memref_slice %arg12[%dma_wait3A_314, %dma_wait3A_315, %dma_wait3A_316] : memref<3x128x64xf32, #tpu.memory_space<vmem>> -> memref<1x128x64xf32, #tpu.memory_space<vmem>>
    %dma_wait3A_318 = tpu.memref_squeeze %dma_wait3A_317 : memref<1x128x64xf32, #tpu.memory_space<vmem>> -> memref<128x64xf32, #tpu.memory_space<vmem>>
    %dma_wait3A_319 = arith.constant 0 : i32
    %dma_wait3A_320 = tpu.memref_slice %arg10[%dma_wait3A_312, %dma_wait3A_313, %dma_wait3A_319] : memref<2x20x128xi32, #tpu.memory_space<vmem>> -> memref<1x1x128xi32, #tpu.memory_space<vmem>>
    %dma_wait3A_321 = tpu.memref_squeeze %dma_wait3A_320 : memref<1x1x128xi32, #tpu.memory_space<vmem>> -> memref<128xi32, #tpu.memory_space<vmem>>
    %dma_wait3A_322 = arith.constant 0 : i32
    %dma_wait3A_323 = arith.constant 0 : i32
    %dma_wait3A_324 = tpu.memref_slice %arg3[%dma_wait3A_322, %dma_wait3A_323] : memref<1000000x64xf32, #tpu.memory_space<hbm>> -> memref<1000000x64xf32, #tpu.memory_space<hbm>>
    tpu.wait_indirect_dma semaphore(%arg20 : memref<!tpu.dma_semaphore, #tpu.memory_space<semaphore_mem>>) src(%dma_wait3A_324 : memref<1000000x64xf32, #tpu.memory_space<hbm>>) dst(%dma_wait3A_318 : memref<128x64xf32, #tpu.memory_space<vmem>>)
    %dma_start3A_325 = arith.constant 2 : i32
    %dma_start3A_326 = arith.constant 2 : i32
    %dma_start3A_327 = arith.constant 0 : i32
    %dma_start3A_328 = arith.constant 0 : i32
    %dma_start3A_329 = tpu.memref_slice %arg12[%dma_start3A_325, %dma_start3A_327, %dma_start3A_328] : memref<3x128x64xf32, #tpu.memory_space<vmem>> -> memref<1x128x64xf32, #tpu.memory_space<vmem>>
    %dma_start3A_330 = tpu.memref_squeeze %dma_start3A_329 : memref<1x128x64xf32, #tpu.memory_space<vmem>> -> memref<128x64xf32, #tpu.memory_space<vmem>>
    %dma_start3A_331 = arith.constant 0 : i32
    %dma_start3A_332 = tpu.memref_slice %arg9[%dma_start3A_326, %dma_start3A_331] : memref<4x128xi32, #tpu.memory_space<vmem>> -> memref<1x128xi32, #tpu.memory_space<vmem>>
    %dma_start3A_333 = tpu.memref_squeeze %dma_start3A_332 : memref<1x128xi32, #tpu.memory_space<vmem>> -> memref<128xi32, #tpu.memory_space<vmem>>
    %dma_start3A_334 = arith.constant 0 : i32
    %dma_start3A_335 = arith.constant 0 : i32
    %dma_start3A_336 = tpu.memref_slice %arg16[%dma_start3A_334, %dma_start3A_335] : memref<4096x64xf32, #tpu.memory_space<vmem_shared>> -> memref<4096x64xf32, #tpu.memory_space<vmem_shared>>
    tpu.enqueue_indirect_dma source(%dma_start3A_330 : memref<128x64xf32, #tpu.memory_space<vmem>>) target(%dma_start3A_336 : memref<4096x64xf32, #tpu.memory_space<vmem_shared>>) offsets(%dma_start3A_333 : memref<128xi32, #tpu.memory_space<vmem>>) semaphore(%arg23 : memref<!tpu.dma_semaphore, #tpu.memory_space<semaphore_mem>>) {add = true}
    %dma_wait3A_337 = arith.constant 2 : i32
    %dma_wait3A_338 = arith.constant 2 : i32
    %dma_wait3A_339 = arith.constant 0 : i32
    %dma_wait3A_340 = arith.constant 0 : i32
    %dma_wait3A_341 = tpu.memref_slice %arg12[%dma_wait3A_337, %dma_wait3A_339, %dma_wait3A_340] : memref<3x128x64xf32, #tpu.memory_space<vmem>> -> memref<1x128x64xf32, #tpu.memory_space<vmem>>
    %dma_wait3A_342 = tpu.memref_squeeze %dma_wait3A_341 : memref<1x128x64xf32, #tpu.memory_space<vmem>> -> memref<128x64xf32, #tpu.memory_space<vmem>>
    %dma_wait3A_343 = arith.constant 0 : i32
    %dma_wait3A_344 = tpu.memref_slice %arg9[%dma_wait3A_338, %dma_wait3A_343] : memref<4x128xi32, #tpu.memory_space<vmem>> -> memref<1x128xi32, #tpu.memory_space<vmem>>
    %dma_wait3A_345 = tpu.memref_squeeze %dma_wait3A_344 : memref<1x128xi32, #tpu.memory_space<vmem>> -> memref<128xi32, #tpu.memory_space<vmem>>
    %dma_wait3A_346 = arith.constant 0 : i32
    %dma_wait3A_347 = arith.constant 0 : i32
    %dma_wait3A_348 = tpu.memref_slice %arg16[%dma_wait3A_346, %dma_wait3A_347] : memref<4096x64xf32, #tpu.memory_space<vmem_shared>> -> memref<4096x64xf32, #tpu.memory_space<vmem_shared>>
    tpu.wait_indirect_dma semaphore(%arg23 : memref<!tpu.dma_semaphore, #tpu.memory_space<semaphore_mem>>) src(%dma_wait3A_342 : memref<128x64xf32, #tpu.memory_space<vmem>>) dst(%dma_wait3A_348 : memref<4096x64xf32, #tpu.memory_space<vmem_shared>>)
    %dma_start3A_349 = arith.constant 1 : i32
    %dma_start3A_350 = arith.constant 2 : i32
    %dma_start3A_351 = arith.constant 2 : i32
    %dma_start3A_352 = arith.constant 0 : i32
    %dma_start3A_353 = arith.constant 0 : i32
    %dma_start3A_354 = tpu.memref_slice %arg12[%dma_start3A_351, %dma_start3A_352, %dma_start3A_353] : memref<3x128x64xf32, #tpu.memory_space<vmem>> -> memref<1x128x64xf32, #tpu.memory_space<vmem>>
    %dma_start3A_355 = tpu.memref_squeeze %dma_start3A_354 : memref<1x128x64xf32, #tpu.memory_space<vmem>> -> memref<128x64xf32, #tpu.memory_space<vmem>>
    %dma_start3A_356 = arith.constant 0 : i32
    %dma_start3A_357 = tpu.memref_slice %arg10[%dma_start3A_349, %dma_start3A_350, %dma_start3A_356] : memref<2x20x128xi32, #tpu.memory_space<vmem>> -> memref<1x1x128xi32, #tpu.memory_space<vmem>>
    %dma_start3A_358 = tpu.memref_squeeze %dma_start3A_357 : memref<1x1x128xi32, #tpu.memory_space<vmem>> -> memref<128xi32, #tpu.memory_space<vmem>>
    %dma_start3A_359 = arith.constant 0 : i32
    %dma_start3A_360 = arith.constant 0 : i32
    %dma_start3A_361 = tpu.memref_slice %arg3[%dma_start3A_359, %dma_start3A_360] : memref<1000000x64xf32, #tpu.memory_space<hbm>> -> memref<1000000x64xf32, #tpu.memory_space<hbm>>
    tpu.enqueue_indirect_dma source(%dma_start3A_361 : memref<1000000x64xf32, #tpu.memory_space<hbm>>) target(%dma_start3A_355 : memref<128x64xf32, #tpu.memory_space<vmem>>) offsets(%dma_start3A_358 : memref<128xi32, #tpu.memory_space<vmem>>) semaphore(%arg20 : memref<!tpu.dma_semaphore, #tpu.memory_space<semaphore_mem>>)
    %dma_wait3A_362 = arith.constant 1 : i32
    %dma_wait3A_363 = arith.constant 1 : i32
    %dma_wait3A_364 = arith.constant 0 : i32
    %dma_wait3A_365 = arith.constant 0 : i32
    %dma_wait3A_366 = arith.constant 0 : i32
    %dma_wait3A_367 = tpu.memref_slice %arg12[%dma_wait3A_364, %dma_wait3A_365, %dma_wait3A_366] : memref<3x128x64xf32, #tpu.memory_space<vmem>> -> memref<1x128x64xf32, #tpu.memory_space<vmem>>
    %dma_wait3A_368 = tpu.memref_squeeze %dma_wait3A_367 : memref<1x128x64xf32, #tpu.memory_space<vmem>> -> memref<128x64xf32, #tpu.memory_space<vmem>>
    %dma_wait3A_369 = arith.constant 0 : i32
    %dma_wait3A_370 = tpu.memref_slice %arg10[%dma_wait3A_362, %dma_wait3A_363, %dma_wait3A_369] : memref<2x20x128xi32, #tpu.memory_space<vmem>> -> memref<1x1x128xi32, #tpu.memory_space<vmem>>
    %dma_wait3A_371 = tpu.memref_squeeze %dma_wait3A_370 : memref<1x1x128xi32, #tpu.memory_space<vmem>> -> memref<128xi32, #tpu.memory_space<vmem>>
    %dma_wait3A_372 = arith.constant 0 : i32
    %dma_wait3A_373 = arith.constant 0 : i32
    %dma_wait3A_374 = tpu.memref_slice %arg3[%dma_wait3A_372, %dma_wait3A_373] : memref<1000000x64xf32, #tpu.memory_space<hbm>> -> memref<1000000x64xf32, #tpu.memory_space<hbm>>
    tpu.wait_indirect_dma semaphore(%arg18 : memref<!tpu.dma_semaphore, #tpu.memory_space<semaphore_mem>>) src(%dma_wait3A_374 : memref<1000000x64xf32, #tpu.memory_space<hbm>>) dst(%dma_wait3A_368 : memref<128x64xf32, #tpu.memory_space<vmem>>)
    %dma_start3A_375 = arith.constant 0 : i32
    %dma_start3A_376 = arith.constant 3 : i32
    %dma_start3A_377 = arith.constant 0 : i32
    %dma_start3A_378 = arith.constant 0 : i32
    %dma_start3A_379 = tpu.memref_slice %arg12[%dma_start3A_375, %dma_start3A_377, %dma_start3A_378] : memref<3x128x64xf32, #tpu.memory_space<vmem>> -> memref<1x128x64xf32, #tpu.memory_space<vmem>>
    %dma_start3A_380 = tpu.memref_squeeze %dma_start3A_379 : memref<1x128x64xf32, #tpu.memory_space<vmem>> -> memref<128x64xf32, #tpu.memory_space<vmem>>
    %dma_start3A_381 = arith.constant 0 : i32
    %dma_start3A_382 = tpu.memref_slice %arg9[%dma_start3A_376, %dma_start3A_381] : memref<4x128xi32, #tpu.memory_space<vmem>> -> memref<1x128xi32, #tpu.memory_space<vmem>>
    %dma_start3A_383 = tpu.memref_squeeze %dma_start3A_382 : memref<1x128xi32, #tpu.memory_space<vmem>> -> memref<128xi32, #tpu.memory_space<vmem>>
    %dma_start3A_384 = arith.constant 0 : i32
    %dma_start3A_385 = arith.constant 0 : i32
    %dma_start3A_386 = tpu.memref_slice %arg16[%dma_start3A_384, %dma_start3A_385] : memref<4096x64xf32, #tpu.memory_space<vmem_shared>> -> memref<4096x64xf32, #tpu.memory_space<vmem_shared>>
    tpu.enqueue_indirect_dma source(%dma_start3A_380 : memref<128x64xf32, #tpu.memory_space<vmem>>) target(%dma_start3A_386 : memref<4096x64xf32, #tpu.memory_space<vmem_shared>>) offsets(%dma_start3A_383 : memref<128xi32, #tpu.memory_space<vmem>>) semaphore(%arg21 : memref<!tpu.dma_semaphore, #tpu.memory_space<semaphore_mem>>) {add = true}
    %dma_wait3A_387 = arith.constant 0 : i32
    %dma_wait3A_388 = arith.constant 3 : i32
    %dma_wait3A_389 = arith.constant 0 : i32
    %dma_wait3A_390 = arith.constant 0 : i32
    %dma_wait3A_391 = tpu.memref_slice %arg12[%dma_wait3A_387, %dma_wait3A_389, %dma_wait3A_390] : memref<3x128x64xf32, #tpu.memory_space<vmem>> -> memref<1x128x64xf32, #tpu.memory_space<vmem>>
    %dma_wait3A_392 = tpu.memref_squeeze %dma_wait3A_391 : memref<1x128x64xf32, #tpu.memory_space<vmem>> -> memref<128x64xf32, #tpu.memory_space<vmem>>
    %dma_wait3A_393 = arith.constant 0 : i32
    %dma_wait3A_394 = tpu.memref_slice %arg9[%dma_wait3A_388, %dma_wait3A_393] : memref<4x128xi32, #tpu.memory_space<vmem>> -> memref<1x128xi32, #tpu.memory_space<vmem>>
    %dma_wait3A_395 = tpu.memref_squeeze %dma_wait3A_394 : memref<1x128xi32, #tpu.memory_space<vmem>> -> memref<128xi32, #tpu.memory_space<vmem>>
    %dma_wait3A_396 = arith.constant 0 : i32
    %dma_wait3A_397 = arith.constant 0 : i32
    %dma_wait3A_398 = tpu.memref_slice %arg16[%dma_wait3A_396, %dma_wait3A_397] : memref<4096x64xf32, #tpu.memory_space<vmem_shared>> -> memref<4096x64xf32, #tpu.memory_space<vmem_shared>>
    tpu.wait_indirect_dma semaphore(%arg21 : memref<!tpu.dma_semaphore, #tpu.memory_space<semaphore_mem>>) src(%dma_wait3A_392 : memref<128x64xf32, #tpu.memory_space<vmem>>) dst(%dma_wait3A_398 : memref<4096x64xf32, #tpu.memory_space<vmem_shared>>)
    %dma_start3A_399 = arith.constant 0 : i32
    %dma_start3A_400 = arith.constant 3 : i32
    %dma_start3A_401 = arith.constant 0 : i32
    %dma_start3A_402 = arith.constant 0 : i32
    %dma_start3A_403 = arith.constant 0 : i32
    %dma_start3A_404 = tpu.memref_slice %arg12[%dma_start3A_401, %dma_start3A_402, %dma_start3A_403] : memref<3x128x64xf32, #tpu.memory_space<vmem>> -> memref<1x128x64xf32, #tpu.memory_space<vmem>>
    %dma_start3A_405 = tpu.memref_squeeze %dma_start3A_404 : memref<1x128x64xf32, #tpu.memory_space<vmem>> -> memref<128x64xf32, #tpu.memory_space<vmem>>
    %dma_start3A_406 = arith.constant 0 : i32
    %dma_start3A_407 = tpu.memref_slice %arg10[%dma_start3A_399, %dma_start3A_400, %dma_start3A_406] : memref<2x20x128xi32, #tpu.memory_space<vmem>> -> memref<1x1x128xi32, #tpu.memory_space<vmem>>
    %dma_start3A_408 = tpu.memref_squeeze %dma_start3A_407 : memref<1x1x128xi32, #tpu.memory_space<vmem>> -> memref<128xi32, #tpu.memory_space<vmem>>
    %dma_start3A_409 = arith.constant 0 : i32
    %dma_start3A_410 = arith.constant 0 : i32
    %dma_start3A_411 = tpu.memref_slice %arg3[%dma_start3A_409, %dma_start3A_410] : memref<1000000x64xf32, #tpu.memory_space<hbm>> -> memref<1000000x64xf32, #tpu.memory_space<hbm>>
    tpu.enqueue_indirect_dma source(%dma_start3A_411 : memref<1000000x64xf32, #tpu.memory_space<hbm>>) target(%dma_start3A_405 : memref<128x64xf32, #tpu.memory_space<vmem>>) offsets(%dma_start3A_408 : memref<128xi32, #tpu.memory_space<vmem>>) semaphore(%arg18 : memref<!tpu.dma_semaphore, #tpu.memory_space<semaphore_mem>>)
    %dma_wait3A_412 = arith.constant 0 : i32
    %dma_wait3A_413 = arith.constant 2 : i32
    %dma_wait3A_414 = arith.constant 1 : i32
    %dma_wait3A_415 = arith.constant 0 : i32
    %dma_wait3A_416 = arith.constant 0 : i32
    %dma_wait3A_417 = tpu.memref_slice %arg12[%dma_wait3A_414, %dma_wait3A_415, %dma_wait3A_416] : memref<3x128x64xf32, #tpu.memory_space<vmem>> -> memref<1x128x64xf32, #tpu.memory_space<vmem>>
    %dma_wait3A_418 = tpu.memref_squeeze %dma_wait3A_417 : memref<1x128x64xf32, #tpu.memory_space<vmem>> -> memref<128x64xf32, #tpu.memory_space<vmem>>
    %dma_wait3A_419 = arith.constant 0 : i32
    %dma_wait3A_420 = tpu.memref_slice %arg10[%dma_wait3A_412, %dma_wait3A_413, %dma_wait3A_419] : memref<2x20x128xi32, #tpu.memory_space<vmem>> -> memref<1x1x128xi32, #tpu.memory_space<vmem>>
    %dma_wait3A_421 = tpu.memref_squeeze %dma_wait3A_420 : memref<1x1x128xi32, #tpu.memory_space<vmem>> -> memref<128xi32, #tpu.memory_space<vmem>>
    %dma_wait3A_422 = arith.constant 0 : i32
    %dma_wait3A_423 = arith.constant 0 : i32
    %dma_wait3A_424 = tpu.memref_slice %arg3[%dma_wait3A_422, %dma_wait3A_423] : memref<1000000x64xf32, #tpu.memory_space<hbm>> -> memref<1000000x64xf32, #tpu.memory_space<hbm>>
    tpu.wait_indirect_dma semaphore(%arg19 : memref<!tpu.dma_semaphore, #tpu.memory_space<semaphore_mem>>) src(%dma_wait3A_424 : memref<1000000x64xf32, #tpu.memory_space<hbm>>) dst(%dma_wait3A_418 : memref<128x64xf32, #tpu.memory_space<vmem>>)
    %dma_start3A_425 = arith.constant 1 : i32
    %dma_start3A_426 = arith.constant 2 : i32
    %dma_start3A_427 = arith.constant 0 : i32
    %dma_start3A_428 = arith.constant 0 : i32
    %dma_start3A_429 = tpu.memref_slice %arg12[%dma_start3A_425, %dma_start3A_427, %dma_start3A_428] : memref<3x128x64xf32, #tpu.memory_space<vmem>> -> memref<1x128x64xf32, #tpu.memory_space<vmem>>
    %dma_start3A_430 = tpu.memref_squeeze %dma_start3A_429 : memref<1x128x64xf32, #tpu.memory_space<vmem>> -> memref<128x64xf32, #tpu.memory_space<vmem>>
    %dma_start3A_431 = arith.constant 0 : i32
    %dma_start3A_432 = tpu.memref_slice %arg9[%dma_start3A_426, %dma_start3A_431] : memref<4x128xi32, #tpu.memory_space<vmem>> -> memref<1x128xi32, #tpu.memory_space<vmem>>
    %dma_start3A_433 = tpu.memref_squeeze %dma_start3A_432 : memref<1x128xi32, #tpu.memory_space<vmem>> -> memref<128xi32, #tpu.memory_space<vmem>>
    %dma_start3A_434 = arith.constant 0 : i32
    %dma_start3A_435 = arith.constant 0 : i32
    %dma_start3A_436 = tpu.memref_slice %arg16[%dma_start3A_434, %dma_start3A_435] : memref<4096x64xf32, #tpu.memory_space<vmem_shared>> -> memref<4096x64xf32, #tpu.memory_space<vmem_shared>>
    tpu.enqueue_indirect_dma source(%dma_start3A_430 : memref<128x64xf32, #tpu.memory_space<vmem>>) target(%dma_start3A_436 : memref<4096x64xf32, #tpu.memory_space<vmem_shared>>) offsets(%dma_start3A_433 : memref<128xi32, #tpu.memory_space<vmem>>) semaphore(%arg22 : memref<!tpu.dma_semaphore, #tpu.memory_space<semaphore_mem>>) {add = true}
    %dma_wait3A_437 = arith.constant 1 : i32
    %dma_wait3A_438 = arith.constant 2 : i32
    %dma_wait3A_439 = arith.constant 0 : i32
    %dma_wait3A_440 = arith.constant 0 : i32
    %dma_wait3A_441 = tpu.memref_slice %arg12[%dma_wait3A_437, %dma_wait3A_439, %dma_wait3A_440] : memref<3x128x64xf32, #tpu.memory_space<vmem>> -> memref<1x128x64xf32, #tpu.memory_space<vmem>>
    %dma_wait3A_442 = tpu.memref_squeeze %dma_wait3A_441 : memref<1x128x64xf32, #tpu.memory_space<vmem>> -> memref<128x64xf32, #tpu.memory_space<vmem>>
    %dma_wait3A_443 = arith.constant 0 : i32
    %dma_wait3A_444 = tpu.memref_slice %arg9[%dma_wait3A_438, %dma_wait3A_443] : memref<4x128xi32, #tpu.memory_space<vmem>> -> memref<1x128xi32, #tpu.memory_space<vmem>>
    %dma_wait3A_445 = tpu.memref_squeeze %dma_wait3A_444 : memref<1x128xi32, #tpu.memory_space<vmem>> -> memref<128xi32, #tpu.memory_space<vmem>>
    %dma_wait3A_446 = arith.constant 0 : i32
    %dma_wait3A_447 = arith.constant 0 : i32
    %dma_wait3A_448 = tpu.memref_slice %arg16[%dma_wait3A_446, %dma_wait3A_447] : memref<4096x64xf32, #tpu.memory_space<vmem_shared>> -> memref<4096x64xf32, #tpu.memory_space<vmem_shared>>
    tpu.wait_indirect_dma semaphore(%arg22 : memref<!tpu.dma_semaphore, #tpu.memory_space<semaphore_mem>>) src(%dma_wait3A_442 : memref<128x64xf32, #tpu.memory_space<vmem>>) dst(%dma_wait3A_448 : memref<4096x64xf32, #tpu.memory_space<vmem_shared>>)
    %dma_start3A_449 = arith.constant 1 : i32
    %dma_start3A_450 = arith.constant 3 : i32
    %dma_start3A_451 = arith.constant 1 : i32
    %dma_start3A_452 = arith.constant 0 : i32
    %dma_start3A_453 = arith.constant 0 : i32
    %dma_start3A_454 = tpu.memref_slice %arg12[%dma_start3A_451, %dma_start3A_452, %dma_start3A_453] : memref<3x128x64xf32, #tpu.memory_space<vmem>> -> memref<1x128x64xf32, #tpu.memory_space<vmem>>
    %dma_start3A_455 = tpu.memref_squeeze %dma_start3A_454 : memref<1x128x64xf32, #tpu.memory_space<vmem>> -> memref<128x64xf32, #tpu.memory_space<vmem>>
    %dma_start3A_456 = arith.constant 0 : i32
    %dma_start3A_457 = tpu.memref_slice %arg10[%dma_start3A_449, %dma_start3A_450, %dma_start3A_456] : memref<2x20x128xi32, #tpu.memory_space<vmem>> -> memref<1x1x128xi32, #tpu.memory_space<vmem>>
    %dma_start3A_458 = tpu.memref_squeeze %dma_start3A_457 : memref<1x1x128xi32, #tpu.memory_space<vmem>> -> memref<128xi32, #tpu.memory_space<vmem>>
    %dma_start3A_459 = arith.constant 0 : i32
    %dma_start3A_460 = arith.constant 0 : i32
    %dma_start3A_461 = tpu.memref_slice %arg3[%dma_start3A_459, %dma_start3A_460] : memref<1000000x64xf32, #tpu.memory_space<hbm>> -> memref<1000000x64xf32, #tpu.memory_space<hbm>>
    tpu.enqueue_indirect_dma source(%dma_start3A_461 : memref<1000000x64xf32, #tpu.memory_space<hbm>>) target(%dma_start3A_455 : memref<128x64xf32, #tpu.memory_space<vmem>>) offsets(%dma_start3A_458 : memref<128xi32, #tpu.memory_space<vmem>>) semaphore(%arg19 : memref<!tpu.dma_semaphore, #tpu.memory_space<semaphore_mem>>)
    %dma_wait3A_462 = arith.constant 1 : i32
    %dma_wait3A_463 = arith.constant 2 : i32
    %dma_wait3A_464 = arith.constant 2 : i32
    %dma_wait3A_465 = arith.constant 0 : i32
    %dma_wait3A_466 = arith.constant 0 : i32
    %dma_wait3A_467 = tpu.memref_slice %arg12[%dma_wait3A_464, %dma_wait3A_465, %dma_wait3A_466] : memref<3x128x64xf32, #tpu.memory_space<vmem>> -> memref<1x128x64xf32, #tpu.memory_space<vmem>>
    %dma_wait3A_468 = tpu.memref_squeeze %dma_wait3A_467 : memref<1x128x64xf32, #tpu.memory_space<vmem>> -> memref<128x64xf32, #tpu.memory_space<vmem>>
    %dma_wait3A_469 = arith.constant 0 : i32
    %dma_wait3A_470 = tpu.memref_slice %arg10[%dma_wait3A_462, %dma_wait3A_463, %dma_wait3A_469] : memref<2x20x128xi32, #tpu.memory_space<vmem>> -> memref<1x1x128xi32, #tpu.memory_space<vmem>>
    %dma_wait3A_471 = tpu.memref_squeeze %dma_wait3A_470 : memref<1x1x128xi32, #tpu.memory_space<vmem>> -> memref<128xi32, #tpu.memory_space<vmem>>
    %dma_wait3A_472 = arith.constant 0 : i32
    %dma_wait3A_473 = arith.constant 0 : i32
    %dma_wait3A_474 = tpu.memref_slice %arg3[%dma_wait3A_472, %dma_wait3A_473] : memref<1000000x64xf32, #tpu.memory_space<hbm>> -> memref<1000000x64xf32, #tpu.memory_space<hbm>>
    tpu.wait_indirect_dma semaphore(%arg20 : memref<!tpu.dma_semaphore, #tpu.memory_space<semaphore_mem>>) src(%dma_wait3A_474 : memref<1000000x64xf32, #tpu.memory_space<hbm>>) dst(%dma_wait3A_468 : memref<128x64xf32, #tpu.memory_space<vmem>>)
    %dma_start3A_475 = arith.constant 2 : i32
    %dma_start3A_476 = arith.constant 3 : i32
    %dma_start3A_477 = arith.constant 0 : i32
    %dma_start3A_478 = arith.constant 0 : i32
    %dma_start3A_479 = tpu.memref_slice %arg12[%dma_start3A_475, %dma_start3A_477, %dma_start3A_478] : memref<3x128x64xf32, #tpu.memory_space<vmem>> -> memref<1x128x64xf32, #tpu.memory_space<vmem>>
    %dma_start3A_480 = tpu.memref_squeeze %dma_start3A_479 : memref<1x128x64xf32, #tpu.memory_space<vmem>> -> memref<128x64xf32, #tpu.memory_space<vmem>>
    %dma_start3A_481 = arith.constant 0 : i32
    %dma_start3A_482 = tpu.memref_slice %arg9[%dma_start3A_476, %dma_start3A_481] : memref<4x128xi32, #tpu.memory_space<vmem>> -> memref<1x128xi32, #tpu.memory_space<vmem>>
    %dma_start3A_483 = tpu.memref_squeeze %dma_start3A_482 : memref<1x128xi32, #tpu.memory_space<vmem>> -> memref<128xi32, #tpu.memory_space<vmem>>
    %dma_start3A_484 = arith.constant 0 : i32
    %dma_start3A_485 = arith.constant 0 : i32
    %dma_start3A_486 = tpu.memref_slice %arg16[%dma_start3A_484, %dma_start3A_485] : memref<4096x64xf32, #tpu.memory_space<vmem_shared>> -> memref<4096x64xf32, #tpu.memory_space<vmem_shared>>
    tpu.enqueue_indirect_dma source(%dma_start3A_480 : memref<128x64xf32, #tpu.memory_space<vmem>>) target(%dma_start3A_486 : memref<4096x64xf32, #tpu.memory_space<vmem_shared>>) offsets(%dma_start3A_483 : memref<128xi32, #tpu.memory_space<vmem>>) semaphore(%arg23 : memref<!tpu.dma_semaphore, #tpu.memory_space<semaphore_mem>>) {add = true}
    %dma_wait3A_487 = arith.constant 2 : i32
    %dma_wait3A_488 = arith.constant 3 : i32
    %dma_wait3A_489 = arith.constant 0 : i32
    %dma_wait3A_490 = arith.constant 0 : i32
    %dma_wait3A_491 = tpu.memref_slice %arg12[%dma_wait3A_487, %dma_wait3A_489, %dma_wait3A_490] : memref<3x128x64xf32, #tpu.memory_space<vmem>> -> memref<1x128x64xf32, #tpu.memory_space<vmem>>
    %dma_wait3A_492 = tpu.memref_squeeze %dma_wait3A_491 : memref<1x128x64xf32, #tpu.memory_space<vmem>> -> memref<128x64xf32, #tpu.memory_space<vmem>>
    %dma_wait3A_493 = arith.constant 0 : i32
    %dma_wait3A_494 = tpu.memref_slice %arg9[%dma_wait3A_488, %dma_wait3A_493] : memref<4x128xi32, #tpu.memory_space<vmem>> -> memref<1x128xi32, #tpu.memory_space<vmem>>
    %dma_wait3A_495 = tpu.memref_squeeze %dma_wait3A_494 : memref<1x128xi32, #tpu.memory_space<vmem>> -> memref<128xi32, #tpu.memory_space<vmem>>
    %dma_wait3A_496 = arith.constant 0 : i32
    %dma_wait3A_497 = arith.constant 0 : i32
    %dma_wait3A_498 = tpu.memref_slice %arg16[%dma_wait3A_496, %dma_wait3A_497] : memref<4096x64xf32, #tpu.memory_space<vmem_shared>> -> memref<4096x64xf32, #tpu.memory_space<vmem_shared>>
    tpu.wait_indirect_dma semaphore(%arg23 : memref<!tpu.dma_semaphore, #tpu.memory_space<semaphore_mem>>) src(%dma_wait3A_492 : memref<128x64xf32, #tpu.memory_space<vmem>>) dst(%dma_wait3A_498 : memref<4096x64xf32, #tpu.memory_space<vmem_shared>>)
    %dma_start3A_499 = arith.constant 0 : i32
    %dma_start3A_500 = arith.constant 4 : i32
    %dma_start3A_501 = arith.constant 2 : i32
    %dma_start3A_502 = arith.constant 0 : i32
    %dma_start3A_503 = arith.constant 0 : i32
    %dma_start3A_504 = tpu.memref_slice %arg12[%dma_start3A_501, %dma_start3A_502, %dma_start3A_503] : memref<3x128x64xf32, #tpu.memory_space<vmem>> -> memref<1x128x64xf32, #tpu.memory_space<vmem>>
    %dma_start3A_505 = tpu.memref_squeeze %dma_start3A_504 : memref<1x128x64xf32, #tpu.memory_space<vmem>> -> memref<128x64xf32, #tpu.memory_space<vmem>>
    %dma_start3A_506 = arith.constant 0 : i32
    %dma_start3A_507 = tpu.memref_slice %arg10[%dma_start3A_499, %dma_start3A_500, %dma_start3A_506] : memref<2x20x128xi32, #tpu.memory_space<vmem>> -> memref<1x1x128xi32, #tpu.memory_space<vmem>>
    %dma_start3A_508 = tpu.memref_squeeze %dma_start3A_507 : memref<1x1x128xi32, #tpu.memory_space<vmem>> -> memref<128xi32, #tpu.memory_space<vmem>>
    %dma_start3A_509 = arith.constant 0 : i32
    %dma_start3A_510 = arith.constant 0 : i32
    %dma_start3A_511 = tpu.memref_slice %arg3[%dma_start3A_509, %dma_start3A_510] : memref<1000000x64xf32, #tpu.memory_space<hbm>> -> memref<1000000x64xf32, #tpu.memory_space<hbm>>
    tpu.enqueue_indirect_dma source(%dma_start3A_511 : memref<1000000x64xf32, #tpu.memory_space<hbm>>) target(%dma_start3A_505 : memref<128x64xf32, #tpu.memory_space<vmem>>) offsets(%dma_start3A_508 : memref<128xi32, #tpu.memory_space<vmem>>) semaphore(%arg20 : memref<!tpu.dma_semaphore, #tpu.memory_space<semaphore_mem>>)
    %dma_wait3A_512 = arith.constant 0 : i32
    %dma_wait3A_513 = arith.constant 3 : i32
    %dma_wait3A_514 = arith.constant 0 : i32
    %dma_wait3A_515 = arith.constant 0 : i32
    %dma_wait3A_516 = arith.constant 0 : i32
    %dma_wait3A_517 = tpu.memref_slice %arg12[%dma_wait3A_514, %dma_wait3A_515, %dma_wait3A_516] : memref<3x128x64xf32, #tpu.memory_space<vmem>> -> memref<1x128x64xf32, #tpu.memory_space<vmem>>
    %dma_wait3A_518 = tpu.memref_squeeze %dma_wait3A_517 : memref<1x128x64xf32, #tpu.memory_space<vmem>> -> memref<128x64xf32, #tpu.memory_space<vmem>>
    %dma_wait3A_519 = arith.constant 0 : i32
    %dma_wait3A_520 = tpu.memref_slice %arg10[%dma_wait3A_512, %dma_wait3A_513, %dma_wait3A_519] : memref<2x20x128xi32, #tpu.memory_space<vmem>> -> memref<1x1x128xi32, #tpu.memory_space<vmem>>
    %dma_wait3A_521 = tpu.memref_squeeze %dma_wait3A_520 : memref<1x1x128xi32, #tpu.memory_space<vmem>> -> memref<128xi32, #tpu.memory_space<vmem>>
    %dma_wait3A_522 = arith.constant 0 : i32
    %dma_wait3A_523 = arith.constant 0 : i32
    %dma_wait3A_524 = tpu.memref_slice %arg3[%dma_wait3A_522, %dma_wait3A_523] : memref<1000000x64xf32, #tpu.memory_space<hbm>> -> memref<1000000x64xf32, #tpu.memory_space<hbm>>
    tpu.wait_indirect_dma semaphore(%arg18 : memref<!tpu.dma_semaphore, #tpu.memory_space<semaphore_mem>>) src(%dma_wait3A_524 : memref<1000000x64xf32, #tpu.memory_space<hbm>>) dst(%dma_wait3A_518 : memref<128x64xf32, #tpu.memory_space<vmem>>)
    %dma_start3A_525 = arith.constant 0 : i32
    %dma_start3A_526 = arith.constant 2 : i32
    %dma_start3A_527 = arith.constant 0 : i32
    %dma_start3A_528 = arith.constant 0 : i32
    %dma_start3A_529 = tpu.memref_slice %arg12[%dma_start3A_525, %dma_start3A_527, %dma_start3A_528] : memref<3x128x64xf32, #tpu.memory_space<vmem>> -> memref<1x128x64xf32, #tpu.memory_space<vmem>>
    %dma_start3A_530 = tpu.memref_squeeze %dma_start3A_529 : memref<1x128x64xf32, #tpu.memory_space<vmem>> -> memref<128x64xf32, #tpu.memory_space<vmem>>
    %dma_start3A_531 = arith.constant 0 : i32
    %dma_start3A_532 = tpu.memref_slice %arg9[%dma_start3A_526, %dma_start3A_531] : memref<4x128xi32, #tpu.memory_space<vmem>> -> memref<1x128xi32, #tpu.memory_space<vmem>>
    %dma_start3A_533 = tpu.memref_squeeze %dma_start3A_532 : memref<1x128xi32, #tpu.memory_space<vmem>> -> memref<128xi32, #tpu.memory_space<vmem>>
    %dma_start3A_534 = arith.constant 0 : i32
    %dma_start3A_535 = arith.constant 0 : i32
    %dma_start3A_536 = tpu.memref_slice %arg16[%dma_start3A_534, %dma_start3A_535] : memref<4096x64xf32, #tpu.memory_space<vmem_shared>> -> memref<4096x64xf32, #tpu.memory_space<vmem_shared>>
    tpu.enqueue_indirect_dma source(%dma_start3A_530 : memref<128x64xf32, #tpu.memory_space<vmem>>) target(%dma_start3A_536 : memref<4096x64xf32, #tpu.memory_space<vmem_shared>>) offsets(%dma_start3A_533 : memref<128xi32, #tpu.memory_space<vmem>>) semaphore(%arg21 : memref<!tpu.dma_semaphore, #tpu.memory_space<semaphore_mem>>) {add = true}
    %dma_wait3A_537 = arith.constant 0 : i32
    %dma_wait3A_538 = arith.constant 2 : i32
    %dma_wait3A_539 = arith.constant 0 : i32
    %dma_wait3A_540 = arith.constant 0 : i32
    %dma_wait3A_541 = tpu.memref_slice %arg12[%dma_wait3A_537, %dma_wait3A_539, %dma_wait3A_540] : memref<3x128x64xf32, #tpu.memory_space<vmem>> -> memref<1x128x64xf32, #tpu.memory_space<vmem>>
    %dma_wait3A_542 = tpu.memref_squeeze %dma_wait3A_541 : memref<1x128x64xf32, #tpu.memory_space<vmem>> -> memref<128x64xf32, #tpu.memory_space<vmem>>
    %dma_wait3A_543 = arith.constant 0 : i32
    %dma_wait3A_544 = tpu.memref_slice %arg9[%dma_wait3A_538, %dma_wait3A_543] : memref<4x128xi32, #tpu.memory_space<vmem>> -> memref<1x128xi32, #tpu.memory_space<vmem>>
    %dma_wait3A_545 = tpu.memref_squeeze %dma_wait3A_544 : memref<1x128xi32, #tpu.memory_space<vmem>> -> memref<128xi32, #tpu.memory_space<vmem>>
    %dma_wait3A_546 = arith.constant 0 : i32
    %dma_wait3A_547 = arith.constant 0 : i32
    %dma_wait3A_548 = tpu.memref_slice %arg16[%dma_wait3A_546, %dma_wait3A_547] : memref<4096x64xf32, #tpu.memory_space<vmem_shared>> -> memref<4096x64xf32, #tpu.memory_space<vmem_shared>>
    tpu.wait_indirect_dma semaphore(%arg21 : memref<!tpu.dma_semaphore, #tpu.memory_space<semaphore_mem>>) src(%dma_wait3A_542 : memref<128x64xf32, #tpu.memory_space<vmem>>) dst(%dma_wait3A_548 : memref<4096x64xf32, #tpu.memory_space<vmem_shared>>)
    %dma_start3A_549 = arith.constant 1 : i32
    %dma_start3A_550 = arith.constant 4 : i32
    %dma_start3A_551 = arith.constant 0 : i32
    %dma_start3A_552 = arith.constant 0 : i32
    %dma_start3A_553 = arith.constant 0 : i32
    %dma_start3A_554 = tpu.memref_slice %arg12[%dma_start3A_551, %dma_start3A_552, %dma_start3A_553] : memref<3x128x64xf32, #tpu.memory_space<vmem>> -> memref<1x128x64xf32, #tpu.memory_space<vmem>>
    %dma_start3A_555 = tpu.memref_squeeze %dma_start3A_554 : memref<1x128x64xf32, #tpu.memory_space<vmem>> -> memref<128x64xf32, #tpu.memory_space<vmem>>
    %dma_start3A_556 = arith.constant 0 : i32
    %dma_start3A_557 = tpu.memref_slice %arg10[%dma_start3A_549, %dma_start3A_550, %dma_start3A_556] : memref<2x20x128xi32, #tpu.memory_space<vmem>> -> memref<1x1x128xi32, #tpu.memory_space<vmem>>
    %dma_start3A_558 = tpu.memref_squeeze %dma_start3A_557 : memref<1x1x128xi32, #tpu.memory_space<vmem>> -> memref<128xi32, #tpu.memory_space<vmem>>
    %dma_start3A_559 = arith.constant 0 : i32
    %dma_start3A_560 = arith.constant 0 : i32
    %dma_start3A_561 = tpu.memref_slice %arg3[%dma_start3A_559, %dma_start3A_560] : memref<1000000x64xf32, #tpu.memory_space<hbm>> -> memref<1000000x64xf32, #tpu.memory_space<hbm>>
    tpu.enqueue_indirect_dma source(%dma_start3A_561 : memref<1000000x64xf32, #tpu.memory_space<hbm>>) target(%dma_start3A_555 : memref<128x64xf32, #tpu.memory_space<vmem>>) offsets(%dma_start3A_558 : memref<128xi32, #tpu.memory_space<vmem>>) semaphore(%arg18 : memref<!tpu.dma_semaphore, #tpu.memory_space<semaphore_mem>>)
    %dma_wait3A_562 = arith.constant 1 : i32
    %dma_wait3A_563 = arith.constant 3 : i32
    %dma_wait3A_564 = arith.constant 1 : i32
    %dma_wait3A_565 = arith.constant 0 : i32
    %dma_wait3A_566 = arith.constant 0 : i32
    %dma_wait3A_567 = tpu.memref_slice %arg12[%dma_wait3A_564, %dma_wait3A_565, %dma_wait3A_566] : memref<3x128x64xf32, #tpu.memory_space<vmem>> -> memref<1x128x64xf32, #tpu.memory_space<vmem>>
    %dma_wait3A_568 = tpu.memref_squeeze %dma_wait3A_567 : memref<1x128x64xf32, #tpu.memory_space<vmem>> -> memref<128x64xf32, #tpu.memory_space<vmem>>
    %dma_wait3A_569 = arith.constant 0 : i32
    %dma_wait3A_570 = tpu.memref_slice %arg10[%dma_wait3A_562, %dma_wait3A_563, %dma_wait3A_569] : memref<2x20x128xi32, #tpu.memory_space<vmem>> -> memref<1x1x128xi32, #tpu.memory_space<vmem>>
    %dma_wait3A_571 = tpu.memref_squeeze %dma_wait3A_570 : memref<1x1x128xi32, #tpu.memory_space<vmem>> -> memref<128xi32, #tpu.memory_space<vmem>>
    %dma_wait3A_572 = arith.constant 0 : i32
    %dma_wait3A_573 = arith.constant 0 : i32
    %dma_wait3A_574 = tpu.memref_slice %arg3[%dma_wait3A_572, %dma_wait3A_573] : memref<1000000x64xf32, #tpu.memory_space<hbm>> -> memref<1000000x64xf32, #tpu.memory_space<hbm>>
    tpu.wait_indirect_dma semaphore(%arg19 : memref<!tpu.dma_semaphore, #tpu.memory_space<semaphore_mem>>) src(%dma_wait3A_574 : memref<1000000x64xf32, #tpu.memory_space<hbm>>) dst(%dma_wait3A_568 : memref<128x64xf32, #tpu.memory_space<vmem>>)
    %dma_start3A_575 = arith.constant 1 : i32
    %dma_start3A_576 = arith.constant 3 : i32
    %dma_start3A_577 = arith.constant 0 : i32
    %dma_start3A_578 = arith.constant 0 : i32
    %dma_start3A_579 = tpu.memref_slice %arg12[%dma_start3A_575, %dma_start3A_577, %dma_start3A_578] : memref<3x128x64xf32, #tpu.memory_space<vmem>> -> memref<1x128x64xf32, #tpu.memory_space<vmem>>
    %dma_start3A_580 = tpu.memref_squeeze %dma_start3A_579 : memref<1x128x64xf32, #tpu.memory_space<vmem>> -> memref<128x64xf32, #tpu.memory_space<vmem>>
    %dma_start3A_581 = arith.constant 0 : i32
    %dma_start3A_582 = tpu.memref_slice %arg9[%dma_start3A_576, %dma_start3A_581] : memref<4x128xi32, #tpu.memory_space<vmem>> -> memref<1x128xi32, #tpu.memory_space<vmem>>
    %dma_start3A_583 = tpu.memref_squeeze %dma_start3A_582 : memref<1x128xi32, #tpu.memory_space<vmem>> -> memref<128xi32, #tpu.memory_space<vmem>>
    %dma_start3A_584 = arith.constant 0 : i32
    %dma_start3A_585 = arith.constant 0 : i32
    %dma_start3A_586 = tpu.memref_slice %arg16[%dma_start3A_584, %dma_start3A_585] : memref<4096x64xf32, #tpu.memory_space<vmem_shared>> -> memref<4096x64xf32, #tpu.memory_space<vmem_shared>>
    tpu.enqueue_indirect_dma source(%dma_start3A_580 : memref<128x64xf32, #tpu.memory_space<vmem>>) target(%dma_start3A_586 : memref<4096x64xf32, #tpu.memory_space<vmem_shared>>) offsets(%dma_start3A_583 : memref<128xi32, #tpu.memory_space<vmem>>) semaphore(%arg22 : memref<!tpu.dma_semaphore, #tpu.memory_space<semaphore_mem>>) {add = true}
    %dma_wait3A_587 = arith.constant 1 : i32
    %dma_wait3A_588 = arith.constant 3 : i32
    %dma_wait3A_589 = arith.constant 0 : i32
    %dma_wait3A_590 = arith.constant 0 : i32
    %dma_wait3A_591 = tpu.memref_slice %arg12[%dma_wait3A_587, %dma_wait3A_589, %dma_wait3A_590] : memref<3x128x64xf32, #tpu.memory_space<vmem>> -> memref<1x128x64xf32, #tpu.memory_space<vmem>>
    %dma_wait3A_592 = tpu.memref_squeeze %dma_wait3A_591 : memref<1x128x64xf32, #tpu.memory_space<vmem>> -> memref<128x64xf32, #tpu.memory_space<vmem>>
    %dma_wait3A_593 = arith.constant 0 : i32
    %dma_wait3A_594 = tpu.memref_slice %arg9[%dma_wait3A_588, %dma_wait3A_593] : memref<4x128xi32, #tpu.memory_space<vmem>> -> memref<1x128xi32, #tpu.memory_space<vmem>>
    %dma_wait3A_595 = tpu.memref_squeeze %dma_wait3A_594 : memref<1x128xi32, #tpu.memory_space<vmem>> -> memref<128xi32, #tpu.memory_space<vmem>>
    %dma_wait3A_596 = arith.constant 0 : i32
    %dma_wait3A_597 = arith.constant 0 : i32
    %dma_wait3A_598 = tpu.memref_slice %arg16[%dma_wait3A_596, %dma_wait3A_597] : memref<4096x64xf32, #tpu.memory_space<vmem_shared>> -> memref<4096x64xf32, #tpu.memory_space<vmem_shared>>
    tpu.wait_indirect_dma semaphore(%arg22 : memref<!tpu.dma_semaphore, #tpu.memory_space<semaphore_mem>>) src(%dma_wait3A_592 : memref<128x64xf32, #tpu.memory_space<vmem>>) dst(%dma_wait3A_598 : memref<4096x64xf32, #tpu.memory_space<vmem_shared>>)
    %dma_start3A_599 = arith.constant 0 : i32
    %dma_start3A_600 = arith.constant 5 : i32
    %dma_start3A_601 = arith.constant 1 : i32
    %dma_start3A_602 = arith.constant 0 : i32
    %dma_start3A_603 = arith.constant 0 : i32
    %dma_start3A_604 = tpu.memref_slice %arg12[%dma_start3A_601, %dma_start3A_602, %dma_start3A_603] : memref<3x128x64xf32, #tpu.memory_space<vmem>> -> memref<1x128x64xf32, #tpu.memory_space<vmem>>
    %dma_start3A_605 = tpu.memref_squeeze %dma_start3A_604 : memref<1x128x64xf32, #tpu.memory_space<vmem>> -> memref<128x64xf32, #tpu.memory_space<vmem>>
    %dma_start3A_606 = arith.constant 0 : i32
    %dma_start3A_607 = tpu.memref_slice %arg10[%dma_start3A_599, %dma_start3A_600, %dma_start3A_606] : memref<2x20x128xi32, #tpu.memory_space<vmem>> -> memref<1x1x128xi32, #tpu.memory_space<vmem>>
    %dma_start3A_608 = tpu.memref_squeeze %dma_start3A_607 : memref<1x1x128xi32, #tpu.memory_space<vmem>> -> memref<128xi32, #tpu.memory_space<vmem>>
    %dma_start3A_609 = arith.constant 0 : i32
    %dma_start3A_610 = arith.constant 0 : i32
    %dma_start3A_611 = tpu.memref_slice %arg3[%dma_start3A_609, %dma_start3A_610] : memref<1000000x64xf32, #tpu.memory_space<hbm>> -> memref<1000000x64xf32, #tpu.memory_space<hbm>>
    tpu.enqueue_indirect_dma source(%dma_start3A_611 : memref<1000000x64xf32, #tpu.memory_space<hbm>>) target(%dma_start3A_605 : memref<128x64xf32, #tpu.memory_space<vmem>>) offsets(%dma_start3A_608 : memref<128xi32, #tpu.memory_space<vmem>>) semaphore(%arg19 : memref<!tpu.dma_semaphore, #tpu.memory_space<semaphore_mem>>)
    %dma_wait3A_612 = arith.constant 0 : i32
    %dma_wait3A_613 = arith.constant 4 : i32
    %dma_wait3A_614 = arith.constant 2 : i32
    %dma_wait3A_615 = arith.constant 0 : i32
    %dma_wait3A_616 = arith.constant 0 : i32
    %dma_wait3A_617 = tpu.memref_slice %arg12[%dma_wait3A_614, %dma_wait3A_615, %dma_wait3A_616] : memref<3x128x64xf32, #tpu.memory_space<vmem>> -> memref<1x128x64xf32, #tpu.memory_space<vmem>>
    %dma_wait3A_618 = tpu.memref_squeeze %dma_wait3A_617 : memref<1x128x64xf32, #tpu.memory_space<vmem>> -> memref<128x64xf32, #tpu.memory_space<vmem>>
    %dma_wait3A_619 = arith.constant 0 : i32
    %dma_wait3A_620 = tpu.memref_slice %arg10[%dma_wait3A_612, %dma_wait3A_613, %dma_wait3A_619] : memref<2x20x128xi32, #tpu.memory_space<vmem>> -> memref<1x1x128xi32, #tpu.memory_space<vmem>>
    %dma_wait3A_621 = tpu.memref_squeeze %dma_wait3A_620 : memref<1x1x128xi32, #tpu.memory_space<vmem>> -> memref<128xi32, #tpu.memory_space<vmem>>
    %dma_wait3A_622 = arith.constant 0 : i32
    %dma_wait3A_623 = arith.constant 0 : i32
    %dma_wait3A_624 = tpu.memref_slice %arg3[%dma_wait3A_622, %dma_wait3A_623] : memref<1000000x64xf32, #tpu.memory_space<hbm>> -> memref<1000000x64xf32, #tpu.memory_space<hbm>>
    tpu.wait_indirect_dma semaphore(%arg20 : memref<!tpu.dma_semaphore, #tpu.memory_space<semaphore_mem>>) src(%dma_wait3A_624 : memref<1000000x64xf32, #tpu.memory_space<hbm>>) dst(%dma_wait3A_618 : memref<128x64xf32, #tpu.memory_space<vmem>>)
    %dma_start3A_625 = arith.constant 2 : i32
    %dma_start3A_626 = arith.constant 2 : i32
    %dma_start3A_627 = arith.constant 0 : i32
    %dma_start3A_628 = arith.constant 0 : i32
    %dma_start3A_629 = tpu.memref_slice %arg12[%dma_start3A_625, %dma_start3A_627, %dma_start3A_628] : memref<3x128x64xf32, #tpu.memory_space<vmem>> -> memref<1x128x64xf32, #tpu.memory_space<vmem>>
    %dma_start3A_630 = tpu.memref_squeeze %dma_start3A_629 : memref<1x128x64xf32, #tpu.memory_space<vmem>> -> memref<128x64xf32, #tpu.memory_space<vmem>>
    %dma_start3A_631 = arith.constant 0 : i32
    %dma_start3A_632 = tpu.memref_slice %arg9[%dma_start3A_626, %dma_start3A_631] : memref<4x128xi32, #tpu.memory_space<vmem>> -> memref<1x128xi32, #tpu.memory_space<vmem>>
    %dma_start3A_633 = tpu.memref_squeeze %dma_start3A_632 : memref<1x128xi32, #tpu.memory_space<vmem>> -> memref<128xi32, #tpu.memory_space<vmem>>
    %dma_start3A_634 = arith.constant 0 : i32
    %dma_start3A_635 = arith.constant 0 : i32
    %dma_start3A_636 = tpu.memref_slice %arg16[%dma_start3A_634, %dma_start3A_635] : memref<4096x64xf32, #tpu.memory_space<vmem_shared>> -> memref<4096x64xf32, #tpu.memory_space<vmem_shared>>
    tpu.enqueue_indirect_dma source(%dma_start3A_630 : memref<128x64xf32, #tpu.memory_space<vmem>>) target(%dma_start3A_636 : memref<4096x64xf32, #tpu.memory_space<vmem_shared>>) offsets(%dma_start3A_633 : memref<128xi32, #tpu.memory_space<vmem>>) semaphore(%arg23 : memref<!tpu.dma_semaphore, #tpu.memory_space<semaphore_mem>>) {add = true}
    %dma_wait3A_637 = arith.constant 2 : i32
    %dma_wait3A_638 = arith.constant 2 : i32
    %dma_wait3A_639 = arith.constant 0 : i32
    %dma_wait3A_640 = arith.constant 0 : i32
    %dma_wait3A_641 = tpu.memref_slice %arg12[%dma_wait3A_637, %dma_wait3A_639, %dma_wait3A_640] : memref<3x128x64xf32, #tpu.memory_space<vmem>> -> memref<1x128x64xf32, #tpu.memory_space<vmem>>
    %dma_wait3A_642 = tpu.memref_squeeze %dma_wait3A_641 : memref<1x128x64xf32, #tpu.memory_space<vmem>> -> memref<128x64xf32, #tpu.memory_space<vmem>>
    %dma_wait3A_643 = arith.constant 0 : i32
    %dma_wait3A_644 = tpu.memref_slice %arg9[%dma_wait3A_638, %dma_wait3A_643] : memref<4x128xi32, #tpu.memory_space<vmem>> -> memref<1x128xi32, #tpu.memory_space<vmem>>
    %dma_wait3A_645 = tpu.memref_squeeze %dma_wait3A_644 : memref<1x128xi32, #tpu.memory_space<vmem>> -> memref<128xi32, #tpu.memory_space<vmem>>
    %dma_wait3A_646 = arith.constant 0 : i32
    %dma_wait3A_647 = arith.constant 0 : i32
    %dma_wait3A_648 = tpu.memref_slice %arg16[%dma_wait3A_646, %dma_wait3A_647] : memref<4096x64xf32, #tpu.memory_space<vmem_shared>> -> memref<4096x64xf32, #tpu.memory_space<vmem_shared>>
    tpu.wait_indirect_dma semaphore(%arg23 : memref<!tpu.dma_semaphore, #tpu.memory_space<semaphore_mem>>) src(%dma_wait3A_642 : memref<128x64xf32, #tpu.memory_space<vmem>>) dst(%dma_wait3A_648 : memref<4096x64xf32, #tpu.memory_space<vmem_shared>>)
    %dma_start3A_649 = arith.constant 1 : i32
    %dma_start3A_650 = arith.constant 5 : i32
    %dma_start3A_651 = arith.constant 2 : i32
    %dma_start3A_652 = arith.constant 0 : i32
    %dma_start3A_653 = arith.constant 0 : i32
    %dma_start3A_654 = tpu.memref_slice %arg12[%dma_start3A_651, %dma_start3A_652, %dma_start3A_653] : memref<3x128x64xf32, #tpu.memory_space<vmem>> -> memref<1x128x64xf32, #tpu.memory_space<vmem>>
    %dma_start3A_655 = tpu.memref_squeeze %dma_start3A_654 : memref<1x128x64xf32, #tpu.memory_space<vmem>> -> memref<128x64xf32, #tpu.memory_space<vmem>>
    %dma_start3A_656 = arith.constant 0 : i32
    %dma_start3A_657 = tpu.memref_slice %arg10[%dma_start3A_649, %dma_start3A_650, %dma_start3A_656] : memref<2x20x128xi32, #tpu.memory_space<vmem>> -> memref<1x1x128xi32, #tpu.memory_space<vmem>>
    %dma_start3A_658 = tpu.memref_squeeze %dma_start3A_657 : memref<1x1x128xi32, #tpu.memory_space<vmem>> -> memref<128xi32, #tpu.memory_space<vmem>>
    %dma_start3A_659 = arith.constant 0 : i32
    %dma_start3A_660 = arith.constant 0 : i32
    %dma_start3A_661 = tpu.memref_slice %arg3[%dma_start3A_659, %dma_start3A_660] : memref<1000000x64xf32, #tpu.memory_space<hbm>> -> memref<1000000x64xf32, #tpu.memory_space<hbm>>
    tpu.enqueue_indirect_dma source(%dma_start3A_661 : memref<1000000x64xf32, #tpu.memory_space<hbm>>) target(%dma_start3A_655 : memref<128x64xf32, #tpu.memory_space<vmem>>) offsets(%dma_start3A_658 : memref<128xi32, #tpu.memory_space<vmem>>) semaphore(%arg20 : memref<!tpu.dma_semaphore, #tpu.memory_space<semaphore_mem>>)
    %dma_wait3A_662 = arith.constant 1 : i32
    %dma_wait3A_663 = arith.constant 4 : i32
    %dma_wait3A_664 = arith.constant 0 : i32
    %dma_wait3A_665 = arith.constant 0 : i32
    %dma_wait3A_666 = arith.constant 0 : i32
    %dma_wait3A_667 = tpu.memref_slice %arg12[%dma_wait3A_664, %dma_wait3A_665, %dma_wait3A_666] : memref<3x128x64xf32, #tpu.memory_space<vmem>> -> memref<1x128x64xf32, #tpu.memory_space<vmem>>
    %dma_wait3A_668 = tpu.memref_squeeze %dma_wait3A_667 : memref<1x128x64xf32, #tpu.memory_space<vmem>> -> memref<128x64xf32, #tpu.memory_space<vmem>>
    %dma_wait3A_669 = arith.constant 0 : i32
    %dma_wait3A_670 = tpu.memref_slice %arg10[%dma_wait3A_662, %dma_wait3A_663, %dma_wait3A_669] : memref<2x20x128xi32, #tpu.memory_space<vmem>> -> memref<1x1x128xi32, #tpu.memory_space<vmem>>
    %dma_wait3A_671 = tpu.memref_squeeze %dma_wait3A_670 : memref<1x1x128xi32, #tpu.memory_space<vmem>> -> memref<128xi32, #tpu.memory_space<vmem>>
    %dma_wait3A_672 = arith.constant 0 : i32
    %dma_wait3A_673 = arith.constant 0 : i32
    %dma_wait3A_674 = tpu.memref_slice %arg3[%dma_wait3A_672, %dma_wait3A_673] : memref<1000000x64xf32, #tpu.memory_space<hbm>> -> memref<1000000x64xf32, #tpu.memory_space<hbm>>
    tpu.wait_indirect_dma semaphore(%arg18 : memref<!tpu.dma_semaphore, #tpu.memory_space<semaphore_mem>>) src(%dma_wait3A_674 : memref<1000000x64xf32, #tpu.memory_space<hbm>>) dst(%dma_wait3A_668 : memref<128x64xf32, #tpu.memory_space<vmem>>)
    %dma_start3A_675 = arith.constant 0 : i32
    %dma_start3A_676 = arith.constant 3 : i32
    %dma_start3A_677 = arith.constant 0 : i32
    %dma_start3A_678 = arith.constant 0 : i32
    %dma_start3A_679 = tpu.memref_slice %arg12[%dma_start3A_675, %dma_start3A_677, %dma_start3A_678] : memref<3x128x64xf32, #tpu.memory_space<vmem>> -> memref<1x128x64xf32, #tpu.memory_space<vmem>>
    %dma_start3A_680 = tpu.memref_squeeze %dma_start3A_679 : memref<1x128x64xf32, #tpu.memory_space<vmem>> -> memref<128x64xf32, #tpu.memory_space<vmem>>
    %dma_start3A_681 = arith.constant 0 : i32
    %dma_start3A_682 = tpu.memref_slice %arg9[%dma_start3A_676, %dma_start3A_681] : memref<4x128xi32, #tpu.memory_space<vmem>> -> memref<1x128xi32, #tpu.memory_space<vmem>>
    %dma_start3A_683 = tpu.memref_squeeze %dma_start3A_682 : memref<1x128xi32, #tpu.memory_space<vmem>> -> memref<128xi32, #tpu.memory_space<vmem>>
    %dma_start3A_684 = arith.constant 0 : i32
    %dma_start3A_685 = arith.constant 0 : i32
    %dma_start3A_686 = tpu.memref_slice %arg16[%dma_start3A_684, %dma_start3A_685] : memref<4096x64xf32, #tpu.memory_space<vmem_shared>> -> memref<4096x64xf32, #tpu.memory_space<vmem_shared>>
    tpu.enqueue_indirect_dma source(%dma_start3A_680 : memref<128x64xf32, #tpu.memory_space<vmem>>) target(%dma_start3A_686 : memref<4096x64xf32, #tpu.memory_space<vmem_shared>>) offsets(%dma_start3A_683 : memref<128xi32, #tpu.memory_space<vmem>>) semaphore(%arg21 : memref<!tpu.dma_semaphore, #tpu.memory_space<semaphore_mem>>) {add = true}
    %dma_wait3A_687 = arith.constant 0 : i32
    %dma_wait3A_688 = arith.constant 3 : i32
    %dma_wait3A_689 = arith.constant 0 : i32
    %dma_wait3A_690 = arith.constant 0 : i32
    %dma_wait3A_691 = tpu.memref_slice %arg12[%dma_wait3A_687, %dma_wait3A_689, %dma_wait3A_690] : memref<3x128x64xf32, #tpu.memory_space<vmem>> -> memref<1x128x64xf32, #tpu.memory_space<vmem>>
    %dma_wait3A_692 = tpu.memref_squeeze %dma_wait3A_691 : memref<1x128x64xf32, #tpu.memory_space<vmem>> -> memref<128x64xf32, #tpu.memory_space<vmem>>
    %dma_wait3A_693 = arith.constant 0 : i32
    %dma_wait3A_694 = tpu.memref_slice %arg9[%dma_wait3A_688, %dma_wait3A_693] : memref<4x128xi32, #tpu.memory_space<vmem>> -> memref<1x128xi32, #tpu.memory_space<vmem>>
    %dma_wait3A_695 = tpu.memref_squeeze %dma_wait3A_694 : memref<1x128xi32, #tpu.memory_space<vmem>> -> memref<128xi32, #tpu.memory_space<vmem>>
    %dma_wait3A_696 = arith.constant 0 : i32
    %dma_wait3A_697 = arith.constant 0 : i32
    %dma_wait3A_698 = tpu.memref_slice %arg16[%dma_wait3A_696, %dma_wait3A_697] : memref<4096x64xf32, #tpu.memory_space<vmem_shared>> -> memref<4096x64xf32, #tpu.memory_space<vmem_shared>>
    tpu.wait_indirect_dma semaphore(%arg21 : memref<!tpu.dma_semaphore, #tpu.memory_space<semaphore_mem>>) src(%dma_wait3A_692 : memref<128x64xf32, #tpu.memory_space<vmem>>) dst(%dma_wait3A_698 : memref<4096x64xf32, #tpu.memory_space<vmem_shared>>)
    %dma_start3A_699 = arith.constant 0 : i32
    %dma_start3A_700 = arith.constant 6 : i32
    %dma_start3A_701 = arith.constant 0 : i32
    %dma_start3A_702 = arith.constant 0 : i32
    %dma_start3A_703 = arith.constant 0 : i32
    %dma_start3A_704 = tpu.memref_slice %arg12[%dma_start3A_701, %dma_start3A_702, %dma_start3A_703] : memref<3x128x64xf32, #tpu.memory_space<vmem>> -> memref<1x128x64xf32, #tpu.memory_space<vmem>>
    %dma_start3A_705 = tpu.memref_squeeze %dma_start3A_704 : memref<1x128x64xf32, #tpu.memory_space<vmem>> -> memref<128x64xf32, #tpu.memory_space<vmem>>
    %dma_start3A_706 = arith.constant 0 : i32
    %dma_start3A_707 = tpu.memref_slice %arg10[%dma_start3A_699, %dma_start3A_700, %dma_start3A_706] : memref<2x20x128xi32, #tpu.memory_space<vmem>> -> memref<1x1x128xi32, #tpu.memory_space<vmem>>
    %dma_start3A_708 = tpu.memref_squeeze %dma_start3A_707 : memref<1x1x128xi32, #tpu.memory_space<vmem>> -> memref<128xi32, #tpu.memory_space<vmem>>
    %dma_start3A_709 = arith.constant 0 : i32
    %dma_start3A_710 = arith.constant 0 : i32
    %dma_start3A_711 = tpu.memref_slice %arg3[%dma_start3A_709, %dma_start3A_710] : memref<1000000x64xf32, #tpu.memory_space<hbm>> -> memref<1000000x64xf32, #tpu.memory_space<hbm>>
    tpu.enqueue_indirect_dma source(%dma_start3A_711 : memref<1000000x64xf32, #tpu.memory_space<hbm>>) target(%dma_start3A_705 : memref<128x64xf32, #tpu.memory_space<vmem>>) offsets(%dma_start3A_708 : memref<128xi32, #tpu.memory_space<vmem>>) semaphore(%arg18 : memref<!tpu.dma_semaphore, #tpu.memory_space<semaphore_mem>>)
    %dma_wait3A_712 = arith.constant 0 : i32
    %dma_wait3A_713 = arith.constant 5 : i32
    %dma_wait3A_714 = arith.constant 1 : i32
    %dma_wait3A_715 = arith.constant 0 : i32
    %dma_wait3A_716 = arith.constant 0 : i32
    %dma_wait3A_717 = tpu.memref_slice %arg12[%dma_wait3A_714, %dma_wait3A_715, %dma_wait3A_716] : memref<3x128x64xf32, #tpu.memory_space<vmem>> -> memref<1x128x64xf32, #tpu.memory_space<vmem>>
    %dma_wait3A_718 = tpu.memref_squeeze %dma_wait3A_717 : memref<1x128x64xf32, #tpu.memory_space<vmem>> -> memref<128x64xf32, #tpu.memory_space<vmem>>
    %dma_wait3A_719 = arith.constant 0 : i32
    %dma_wait3A_720 = tpu.memref_slice %arg10[%dma_wait3A_712, %dma_wait3A_713, %dma_wait3A_719] : memref<2x20x128xi32, #tpu.memory_space<vmem>> -> memref<1x1x128xi32, #tpu.memory_space<vmem>>
    %dma_wait3A_721 = tpu.memref_squeeze %dma_wait3A_720 : memref<1x1x128xi32, #tpu.memory_space<vmem>> -> memref<128xi32, #tpu.memory_space<vmem>>
    %dma_wait3A_722 = arith.constant 0 : i32
    %dma_wait3A_723 = arith.constant 0 : i32
    %dma_wait3A_724 = tpu.memref_slice %arg3[%dma_wait3A_722, %dma_wait3A_723] : memref<1000000x64xf32, #tpu.memory_space<hbm>> -> memref<1000000x64xf32, #tpu.memory_space<hbm>>
    tpu.wait_indirect_dma semaphore(%arg19 : memref<!tpu.dma_semaphore, #tpu.memory_space<semaphore_mem>>) src(%dma_wait3A_724 : memref<1000000x64xf32, #tpu.memory_space<hbm>>) dst(%dma_wait3A_718 : memref<128x64xf32, #tpu.memory_space<vmem>>)
    %dma_start3A_725 = arith.constant 1 : i32
    %dma_start3A_726 = arith.constant 2 : i32
    %dma_start3A_727 = arith.constant 0 : i32
    %dma_start3A_728 = arith.constant 0 : i32
    %dma_start3A_729 = tpu.memref_slice %arg12[%dma_start3A_725, %dma_start3A_727, %dma_start3A_728] : memref<3x128x64xf32, #tpu.memory_space<vmem>> -> memref<1x128x64xf32, #tpu.memory_space<vmem>>
    %dma_start3A_730 = tpu.memref_squeeze %dma_start3A_729 : memref<1x128x64xf32, #tpu.memory_space<vmem>> -> memref<128x64xf32, #tpu.memory_space<vmem>>
    %dma_start3A_731 = arith.constant 0 : i32
    %dma_start3A_732 = tpu.memref_slice %arg9[%dma_start3A_726, %dma_start3A_731] : memref<4x128xi32, #tpu.memory_space<vmem>> -> memref<1x128xi32, #tpu.memory_space<vmem>>
    %dma_start3A_733 = tpu.memref_squeeze %dma_start3A_732 : memref<1x128xi32, #tpu.memory_space<vmem>> -> memref<128xi32, #tpu.memory_space<vmem>>
    %dma_start3A_734 = arith.constant 0 : i32
    %dma_start3A_735 = arith.constant 0 : i32
    %dma_start3A_736 = tpu.memref_slice %arg16[%dma_start3A_734, %dma_start3A_735] : memref<4096x64xf32, #tpu.memory_space<vmem_shared>> -> memref<4096x64xf32, #tpu.memory_space<vmem_shared>>
    tpu.enqueue_indirect_dma source(%dma_start3A_730 : memref<128x64xf32, #tpu.memory_space<vmem>>) target(%dma_start3A_736 : memref<4096x64xf32, #tpu.memory_space<vmem_shared>>) offsets(%dma_start3A_733 : memref<128xi32, #tpu.memory_space<vmem>>) semaphore(%arg22 : memref<!tpu.dma_semaphore, #tpu.memory_space<semaphore_mem>>) {add = true}
    %dma_wait3A_737 = arith.constant 1 : i32
    %dma_wait3A_738 = arith.constant 2 : i32
    %dma_wait3A_739 = arith.constant 0 : i32
    %dma_wait3A_740 = arith.constant 0 : i32
    %dma_wait3A_741 = tpu.memref_slice %arg12[%dma_wait3A_737, %dma_wait3A_739, %dma_wait3A_740] : memref<3x128x64xf32, #tpu.memory_space<vmem>> -> memref<1x128x64xf32, #tpu.memory_space<vmem>>
    %dma_wait3A_742 = tpu.memref_squeeze %dma_wait3A_741 : memref<1x128x64xf32, #tpu.memory_space<vmem>> -> memref<128x64xf32, #tpu.memory_space<vmem>>
    %dma_wait3A_743 = arith.constant 0 : i32
    %dma_wait3A_744 = tpu.memref_slice %arg9[%dma_wait3A_738, %dma_wait3A_743] : memref<4x128xi32, #tpu.memory_space<vmem>> -> memref<1x128xi32, #tpu.memory_space<vmem>>
    %dma_wait3A_745 = tpu.memref_squeeze %dma_wait3A_744 : memref<1x128xi32, #tpu.memory_space<vmem>> -> memref<128xi32, #tpu.memory_space<vmem>>
    %dma_wait3A_746 = arith.constant 0 : i32
    %dma_wait3A_747 = arith.constant 0 : i32
    %dma_wait3A_748 = tpu.memref_slice %arg16[%dma_wait3A_746, %dma_wait3A_747] : memref<4096x64xf32, #tpu.memory_space<vmem_shared>> -> memref<4096x64xf32, #tpu.memory_space<vmem_shared>>
    tpu.wait_indirect_dma semaphore(%arg22 : memref<!tpu.dma_semaphore, #tpu.memory_space<semaphore_mem>>) src(%dma_wait3A_742 : memref<128x64xf32, #tpu.memory_space<vmem>>) dst(%dma_wait3A_748 : memref<4096x64xf32, #tpu.memory_space<vmem_shared>>)
    %dma_start3A_749 = arith.constant 1 : i32
    %dma_start3A_750 = arith.constant 6 : i32
    %dma_start3A_751 = arith.constant 1 : i32
    %dma_start3A_752 = arith.constant 0 : i32
    %dma_start3A_753 = arith.constant 0 : i32
    %dma_start3A_754 = tpu.memref_slice %arg12[%dma_start3A_751, %dma_start3A_752, %dma_start3A_753] : memref<3x128x64xf32, #tpu.memory_space<vmem>> -> memref<1x128x64xf32, #tpu.memory_space<vmem>>
    %dma_start3A_755 = tpu.memref_squeeze %dma_start3A_754 : memref<1x128x64xf32, #tpu.memory_space<vmem>> -> memref<128x64xf32, #tpu.memory_space<vmem>>
    %dma_start3A_756 = arith.constant 0 : i32
    %dma_start3A_757 = tpu.memref_slice %arg10[%dma_start3A_749, %dma_start3A_750, %dma_start3A_756] : memref<2x20x128xi32, #tpu.memory_space<vmem>> -> memref<1x1x128xi32, #tpu.memory_space<vmem>>
    %dma_start3A_758 = tpu.memref_squeeze %dma_start3A_757 : memref<1x1x128xi32, #tpu.memory_space<vmem>> -> memref<128xi32, #tpu.memory_space<vmem>>
    %dma_start3A_759 = arith.constant 0 : i32
    %dma_start3A_760 = arith.constant 0 : i32
    %dma_start3A_761 = tpu.memref_slice %arg3[%dma_start3A_759, %dma_start3A_760] : memref<1000000x64xf32, #tpu.memory_space<hbm>> -> memref<1000000x64xf32, #tpu.memory_space<hbm>>
    tpu.enqueue_indirect_dma source(%dma_start3A_761 : memref<1000000x64xf32, #tpu.memory_space<hbm>>) target(%dma_start3A_755 : memref<128x64xf32, #tpu.memory_space<vmem>>) offsets(%dma_start3A_758 : memref<128xi32, #tpu.memory_space<vmem>>) semaphore(%arg19 : memref<!tpu.dma_semaphore, #tpu.memory_space<semaphore_mem>>)
    %dma_wait3A_762 = arith.constant 1 : i32
    %dma_wait3A_763 = arith.constant 5 : i32
    %dma_wait3A_764 = arith.constant 2 : i32
    %dma_wait3A_765 = arith.constant 0 : i32
    %dma_wait3A_766 = arith.constant 0 : i32
    %dma_wait3A_767 = tpu.memref_slice %arg12[%dma_wait3A_764, %dma_wait3A_765, %dma_wait3A_766] : memref<3x128x64xf32, #tpu.memory_space<vmem>> -> memref<1x128x64xf32, #tpu.memory_space<vmem>>
    %dma_wait3A_768 = tpu.memref_squeeze %dma_wait3A_767 : memref<1x128x64xf32, #tpu.memory_space<vmem>> -> memref<128x64xf32, #tpu.memory_space<vmem>>
    %dma_wait3A_769 = arith.constant 0 : i32
    %dma_wait3A_770 = tpu.memref_slice %arg10[%dma_wait3A_762, %dma_wait3A_763, %dma_wait3A_769] : memref<2x20x128xi32, #tpu.memory_space<vmem>> -> memref<1x1x128xi32, #tpu.memory_space<vmem>>
    %dma_wait3A_771 = tpu.memref_squeeze %dma_wait3A_770 : memref<1x1x128xi32, #tpu.memory_space<vmem>> -> memref<128xi32, #tpu.memory_space<vmem>>
    %dma_wait3A_772 = arith.constant 0 : i32
    %dma_wait3A_773 = arith.constant 0 : i32
    %dma_wait3A_774 = tpu.memref_slice %arg3[%dma_wait3A_772, %dma_wait3A_773] : memref<1000000x64xf32, #tpu.memory_space<hbm>> -> memref<1000000x64xf32, #tpu.memory_space<hbm>>
    tpu.wait_indirect_dma semaphore(%arg20 : memref<!tpu.dma_semaphore, #tpu.memory_space<semaphore_mem>>) src(%dma_wait3A_774 : memref<1000000x64xf32, #tpu.memory_space<hbm>>) dst(%dma_wait3A_768 : memref<128x64xf32, #tpu.memory_space<vmem>>)
    %dma_start3A_775 = arith.constant 2 : i32
    %dma_start3A_776 = arith.constant 3 : i32
    %dma_start3A_777 = arith.constant 0 : i32
    %dma_start3A_778 = arith.constant 0 : i32
    %dma_start3A_779 = tpu.memref_slice %arg12[%dma_start3A_775, %dma_start3A_777, %dma_start3A_778] : memref<3x128x64xf32, #tpu.memory_space<vmem>> -> memref<1x128x64xf32, #tpu.memory_space<vmem>>
    %dma_start3A_780 = tpu.memref_squeeze %dma_start3A_779 : memref<1x128x64xf32, #tpu.memory_space<vmem>> -> memref<128x64xf32, #tpu.memory_space<vmem>>
    %dma_start3A_781 = arith.constant 0 : i32
    %dma_start3A_782 = tpu.memref_slice %arg9[%dma_start3A_776, %dma_start3A_781] : memref<4x128xi32, #tpu.memory_space<vmem>> -> memref<1x128xi32, #tpu.memory_space<vmem>>
    %dma_start3A_783 = tpu.memref_squeeze %dma_start3A_782 : memref<1x128xi32, #tpu.memory_space<vmem>> -> memref<128xi32, #tpu.memory_space<vmem>>
    %dma_start3A_784 = arith.constant 0 : i32
    %dma_start3A_785 = arith.constant 0 : i32
    %dma_start3A_786 = tpu.memref_slice %arg16[%dma_start3A_784, %dma_start3A_785] : memref<4096x64xf32, #tpu.memory_space<vmem_shared>> -> memref<4096x64xf32, #tpu.memory_space<vmem_shared>>
    tpu.enqueue_indirect_dma source(%dma_start3A_780 : memref<128x64xf32, #tpu.memory_space<vmem>>) target(%dma_start3A_786 : memref<4096x64xf32, #tpu.memory_space<vmem_shared>>) offsets(%dma_start3A_783 : memref<128xi32, #tpu.memory_space<vmem>>) semaphore(%arg23 : memref<!tpu.dma_semaphore, #tpu.memory_space<semaphore_mem>>) {add = true}
    %dma_wait3A_787 = arith.constant 2 : i32
    %dma_wait3A_788 = arith.constant 3 : i32
    %dma_wait3A_789 = arith.constant 0 : i32
    %dma_wait3A_790 = arith.constant 0 : i32
    %dma_wait3A_791 = tpu.memref_slice %arg12[%dma_wait3A_787, %dma_wait3A_789, %dma_wait3A_790] : memref<3x128x64xf32, #tpu.memory_space<vmem>> -> memref<1x128x64xf32, #tpu.memory_space<vmem>>
    %dma_wait3A_792 = tpu.memref_squeeze %dma_wait3A_791 : memref<1x128x64xf32, #tpu.memory_space<vmem>> -> memref<128x64xf32, #tpu.memory_space<vmem>>
    %dma_wait3A_793 = arith.constant 0 : i32
    %dma_wait3A_794 = tpu.memref_slice %arg9[%dma_wait3A_788, %dma_wait3A_793] : memref<4x128xi32, #tpu.memory_space<vmem>> -> memref<1x128xi32, #tpu.memory_space<vmem>>
    %dma_wait3A_795 = tpu.memref_squeeze %dma_wait3A_794 : memref<1x128xi32, #tpu.memory_space<vmem>> -> memref<128xi32, #tpu.memory_space<vmem>>
    %dma_wait3A_796 = arith.constant 0 : i32
    %dma_wait3A_797 = arith.constant 0 : i32
    %dma_wait3A_798 = tpu.memref_slice %arg16[%dma_wait3A_796, %dma_wait3A_797] : memref<4096x64xf32, #tpu.memory_space<vmem_shared>> -> memref<4096x64xf32, #tpu.memory_space<vmem_shared>>
    tpu.wait_indirect_dma semaphore(%arg23 : memref<!tpu.dma_semaphore, #tpu.memory_space<semaphore_mem>>) src(%dma_wait3A_792 : memref<128x64xf32, #tpu.memory_space<vmem>>) dst(%dma_wait3A_798 : memref<4096x64xf32, #tpu.memory_space<vmem_shared>>)
    %dma_start3A_799 = arith.constant 0 : i32
    %dma_start3A_800 = arith.constant 7 : i32
    %dma_start3A_801 = arith.constant 2 : i32
    %dma_start3A_802 = arith.constant 0 : i32
    %dma_start3A_803 = arith.constant 0 : i32
    %dma_start3A_804 = tpu.memref_slice %arg12[%dma_start3A_801, %dma_start3A_802, %dma_start3A_803] : memref<3x128x64xf32, #tpu.memory_space<vmem>> -> memref<1x128x64xf32, #tpu.memory_space<vmem>>
    %dma_start3A_805 = tpu.memref_squeeze %dma_start3A_804 : memref<1x128x64xf32, #tpu.memory_space<vmem>> -> memref<128x64xf32, #tpu.memory_space<vmem>>
    %dma_start3A_806 = arith.constant 0 : i32
    %dma_start3A_807 = tpu.memref_slice %arg10[%dma_start3A_799, %dma_start3A_800, %dma_start3A_806] : memref<2x20x128xi32, #tpu.memory_space<vmem>> -> memref<1x1x128xi32, #tpu.memory_space<vmem>>
    %dma_start3A_808 = tpu.memref_squeeze %dma_start3A_807 : memref<1x1x128xi32, #tpu.memory_space<vmem>> -> memref<128xi32, #tpu.memory_space<vmem>>
    %dma_start3A_809 = arith.constant 0 : i32
    %dma_start3A_810 = arith.constant 0 : i32
    %dma_start3A_811 = tpu.memref_slice %arg3[%dma_start3A_809, %dma_start3A_810] : memref<1000000x64xf32, #tpu.memory_space<hbm>> -> memref<1000000x64xf32, #tpu.memory_space<hbm>>
    tpu.enqueue_indirect_dma source(%dma_start3A_811 : memref<1000000x64xf32, #tpu.memory_space<hbm>>) target(%dma_start3A_805 : memref<128x64xf32, #tpu.memory_space<vmem>>) offsets(%dma_start3A_808 : memref<128xi32, #tpu.memory_space<vmem>>) semaphore(%arg20 : memref<!tpu.dma_semaphore, #tpu.memory_space<semaphore_mem>>)
    %dma_wait3A_812 = arith.constant 0 : i32
    %dma_wait3A_813 = arith.constant 6 : i32
    %dma_wait3A_814 = arith.constant 0 : i32
    %dma_wait3A_815 = arith.constant 0 : i32
    %dma_wait3A_816 = arith.constant 0 : i32
    %dma_wait3A_817 = tpu.memref_slice %arg12[%dma_wait3A_814, %dma_wait3A_815, %dma_wait3A_816] : memref<3x128x64xf32, #tpu.memory_space<vmem>> -> memref<1x128x64xf32, #tpu.memory_space<vmem>>
    %dma_wait3A_818 = tpu.memref_squeeze %dma_wait3A_817 : memref<1x128x64xf32, #tpu.memory_space<vmem>> -> memref<128x64xf32, #tpu.memory_space<vmem>>
    %dma_wait3A_819 = arith.constant 0 : i32
    %dma_wait3A_820 = tpu.memref_slice %arg10[%dma_wait3A_812, %dma_wait3A_813, %dma_wait3A_819] : memref<2x20x128xi32, #tpu.memory_space<vmem>> -> memref<1x1x128xi32, #tpu.memory_space<vmem>>
    %dma_wait3A_821 = tpu.memref_squeeze %dma_wait3A_820 : memref<1x1x128xi32, #tpu.memory_space<vmem>> -> memref<128xi32, #tpu.memory_space<vmem>>
    %dma_wait3A_822 = arith.constant 0 : i32
    %dma_wait3A_823 = arith.constant 0 : i32
    %dma_wait3A_824 = tpu.memref_slice %arg3[%dma_wait3A_822, %dma_wait3A_823] : memref<1000000x64xf32, #tpu.memory_space<hbm>> -> memref<1000000x64xf32, #tpu.memory_space<hbm>>
    tpu.wait_indirect_dma semaphore(%arg18 : memref<!tpu.dma_semaphore, #tpu.memory_space<semaphore_mem>>) src(%dma_wait3A_824 : memref<1000000x64xf32, #tpu.memory_space<hbm>>) dst(%dma_wait3A_818 : memref<128x64xf32, #tpu.memory_space<vmem>>)
    %dma_start3A_825 = arith.constant 0 : i32
    %dma_start3A_826 = arith.constant 2 : i32
    %dma_start3A_827 = arith.constant 0 : i32
    %dma_start3A_828 = arith.constant 0 : i32
    %dma_start3A_829 = tpu.memref_slice %arg12[%dma_start3A_825, %dma_start3A_827, %dma_start3A_828] : memref<3x128x64xf32, #tpu.memory_space<vmem>> -> memref<1x128x64xf32, #tpu.memory_space<vmem>>
    %dma_start3A_830 = tpu.memref_squeeze %dma_start3A_829 : memref<1x128x64xf32, #tpu.memory_space<vmem>> -> memref<128x64xf32, #tpu.memory_space<vmem>>
    %dma_start3A_831 = arith.constant 0 : i32
    %dma_start3A_832 = tpu.memref_slice %arg9[%dma_start3A_826, %dma_start3A_831] : memref<4x128xi32, #tpu.memory_space<vmem>> -> memref<1x128xi32, #tpu.memory_space<vmem>>
    %dma_start3A_833 = tpu.memref_squeeze %dma_start3A_832 : memref<1x128xi32, #tpu.memory_space<vmem>> -> memref<128xi32, #tpu.memory_space<vmem>>
    %dma_start3A_834 = arith.constant 0 : i32
    %dma_start3A_835 = arith.constant 0 : i32
    %dma_start3A_836 = tpu.memref_slice %arg16[%dma_start3A_834, %dma_start3A_835] : memref<4096x64xf32, #tpu.memory_space<vmem_shared>> -> memref<4096x64xf32, #tpu.memory_space<vmem_shared>>
    tpu.enqueue_indirect_dma source(%dma_start3A_830 : memref<128x64xf32, #tpu.memory_space<vmem>>) target(%dma_start3A_836 : memref<4096x64xf32, #tpu.memory_space<vmem_shared>>) offsets(%dma_start3A_833 : memref<128xi32, #tpu.memory_space<vmem>>) semaphore(%arg21 : memref<!tpu.dma_semaphore, #tpu.memory_space<semaphore_mem>>) {add = true}
    %dma_wait3A_837 = arith.constant 0 : i32
    %dma_wait3A_838 = arith.constant 2 : i32
    %dma_wait3A_839 = arith.constant 0 : i32
    %dma_wait3A_840 = arith.constant 0 : i32
    %dma_wait3A_841 = tpu.memref_slice %arg12[%dma_wait3A_837, %dma_wait3A_839, %dma_wait3A_840] : memref<3x128x64xf32, #tpu.memory_space<vmem>> -> memref<1x128x64xf32, #tpu.memory_space<vmem>>
    %dma_wait3A_842 = tpu.memref_squeeze %dma_wait3A_841 : memref<1x128x64xf32, #tpu.memory_space<vmem>> -> memref<128x64xf32, #tpu.memory_space<vmem>>
    %dma_wait3A_843 = arith.constant 0 : i32
    %dma_wait3A_844 = tpu.memref_slice %arg9[%dma_wait3A_838, %dma_wait3A_843] : memref<4x128xi32, #tpu.memory_space<vmem>> -> memref<1x128xi32, #tpu.memory_space<vmem>>
    %dma_wait3A_845 = tpu.memref_squeeze %dma_wait3A_844 : memref<1x128xi32, #tpu.memory_space<vmem>> -> memref<128xi32, #tpu.memory_space<vmem>>
    %dma_wait3A_846 = arith.constant 0 : i32
    %dma_wait3A_847 = arith.constant 0 : i32
    %dma_wait3A_848 = tpu.memref_slice %arg16[%dma_wait3A_846, %dma_wait3A_847] : memref<4096x64xf32, #tpu.memory_space<vmem_shared>> -> memref<4096x64xf32, #tpu.memory_space<vmem_shared>>
    tpu.wait_indirect_dma semaphore(%arg21 : memref<!tpu.dma_semaphore, #tpu.memory_space<semaphore_mem>>) src(%dma_wait3A_842 : memref<128x64xf32, #tpu.memory_space<vmem>>) dst(%dma_wait3A_848 : memref<4096x64xf32, #tpu.memory_space<vmem_shared>>)
    %dma_start3A_849 = arith.constant 1 : i32
    %dma_start3A_850 = arith.constant 7 : i32
    %dma_start3A_851 = arith.constant 0 : i32
    %dma_start3A_852 = arith.constant 0 : i32
    %dma_start3A_853 = arith.constant 0 : i32
    %dma_start3A_854 = tpu.memref_slice %arg12[%dma_start3A_851, %dma_start3A_852, %dma_start3A_853] : memref<3x128x64xf32, #tpu.memory_space<vmem>> -> memref<1x128x64xf32, #tpu.memory_space<vmem>>
    %dma_start3A_855 = tpu.memref_squeeze %dma_start3A_854 : memref<1x128x64xf32, #tpu.memory_space<vmem>> -> memref<128x64xf32, #tpu.memory_space<vmem>>
    %dma_start3A_856 = arith.constant 0 : i32
    %dma_start3A_857 = tpu.memref_slice %arg10[%dma_start3A_849, %dma_start3A_850, %dma_start3A_856] : memref<2x20x128xi32, #tpu.memory_space<vmem>> -> memref<1x1x128xi32, #tpu.memory_space<vmem>>
    %dma_start3A_858 = tpu.memref_squeeze %dma_start3A_857 : memref<1x1x128xi32, #tpu.memory_space<vmem>> -> memref<128xi32, #tpu.memory_space<vmem>>
    %dma_start3A_859 = arith.constant 0 : i32
    %dma_start3A_860 = arith.constant 0 : i32
    %dma_start3A_861 = tpu.memref_slice %arg3[%dma_start3A_859, %dma_start3A_860] : memref<1000000x64xf32, #tpu.memory_space<hbm>> -> memref<1000000x64xf32, #tpu.memory_space<hbm>>
    tpu.enqueue_indirect_dma source(%dma_start3A_861 : memref<1000000x64xf32, #tpu.memory_space<hbm>>) target(%dma_start3A_855 : memref<128x64xf32, #tpu.memory_space<vmem>>) offsets(%dma_start3A_858 : memref<128xi32, #tpu.memory_space<vmem>>) semaphore(%arg18 : memref<!tpu.dma_semaphore, #tpu.memory_space<semaphore_mem>>)
    %dma_wait3A_862 = arith.constant 1 : i32
    %dma_wait3A_863 = arith.constant 6 : i32
    %dma_wait3A_864 = arith.constant 1 : i32
    %dma_wait3A_865 = arith.constant 0 : i32
    %dma_wait3A_866 = arith.constant 0 : i32
    %dma_wait3A_867 = tpu.memref_slice %arg12[%dma_wait3A_864, %dma_wait3A_865, %dma_wait3A_866] : memref<3x128x64xf32, #tpu.memory_space<vmem>> -> memref<1x128x64xf32, #tpu.memory_space<vmem>>
    %dma_wait3A_868 = tpu.memref_squeeze %dma_wait3A_867 : memref<1x128x64xf32, #tpu.memory_space<vmem>> -> memref<128x64xf32, #tpu.memory_space<vmem>>
    %dma_wait3A_869 = arith.constant 0 : i32
    %dma_wait3A_870 = tpu.memref_slice %arg10[%dma_wait3A_862, %dma_wait3A_863, %dma_wait3A_869] : memref<2x20x128xi32, #tpu.memory_space<vmem>> -> memref<1x1x128xi32, #tpu.memory_space<vmem>>
    %dma_wait3A_871 = tpu.memref_squeeze %dma_wait3A_870 : memref<1x1x128xi32, #tpu.memory_space<vmem>> -> memref<128xi32, #tpu.memory_space<vmem>>
    %dma_wait3A_872 = arith.constant 0 : i32
    %dma_wait3A_873 = arith.constant 0 : i32
    %dma_wait3A_874 = tpu.memref_slice %arg3[%dma_wait3A_872, %dma_wait3A_873] : memref<1000000x64xf32, #tpu.memory_space<hbm>> -> memref<1000000x64xf32, #tpu.memory_space<hbm>>
    tpu.wait_indirect_dma semaphore(%arg19 : memref<!tpu.dma_semaphore, #tpu.memory_space<semaphore_mem>>) src(%dma_wait3A_874 : memref<1000000x64xf32, #tpu.memory_space<hbm>>) dst(%dma_wait3A_868 : memref<128x64xf32, #tpu.memory_space<vmem>>)
    %dma_start3A_875 = arith.constant 1 : i32
    %dma_start3A_876 = arith.constant 3 : i32
    %dma_start3A_877 = arith.constant 0 : i32
    %dma_start3A_878 = arith.constant 0 : i32
    %dma_start3A_879 = tpu.memref_slice %arg12[%dma_start3A_875, %dma_start3A_877, %dma_start3A_878] : memref<3x128x64xf32, #tpu.memory_space<vmem>> -> memref<1x128x64xf32, #tpu.memory_space<vmem>>
    %dma_start3A_880 = tpu.memref_squeeze %dma_start3A_879 : memref<1x128x64xf32, #tpu.memory_space<vmem>> -> memref<128x64xf32, #tpu.memory_space<vmem>>
    %dma_start3A_881 = arith.constant 0 : i32
    %dma_start3A_882 = tpu.memref_slice %arg9[%dma_start3A_876, %dma_start3A_881] : memref<4x128xi32, #tpu.memory_space<vmem>> -> memref<1x128xi32, #tpu.memory_space<vmem>>
    %dma_start3A_883 = tpu.memref_squeeze %dma_start3A_882 : memref<1x128xi32, #tpu.memory_space<vmem>> -> memref<128xi32, #tpu.memory_space<vmem>>
    %dma_start3A_884 = arith.constant 0 : i32
    %dma_start3A_885 = arith.constant 0 : i32
    %dma_start3A_886 = tpu.memref_slice %arg16[%dma_start3A_884, %dma_start3A_885] : memref<4096x64xf32, #tpu.memory_space<vmem_shared>> -> memref<4096x64xf32, #tpu.memory_space<vmem_shared>>
    tpu.enqueue_indirect_dma source(%dma_start3A_880 : memref<128x64xf32, #tpu.memory_space<vmem>>) target(%dma_start3A_886 : memref<4096x64xf32, #tpu.memory_space<vmem_shared>>) offsets(%dma_start3A_883 : memref<128xi32, #tpu.memory_space<vmem>>) semaphore(%arg22 : memref<!tpu.dma_semaphore, #tpu.memory_space<semaphore_mem>>) {add = true}
    %dma_wait3A_887 = arith.constant 1 : i32
    %dma_wait3A_888 = arith.constant 3 : i32
    %dma_wait3A_889 = arith.constant 0 : i32
    %dma_wait3A_890 = arith.constant 0 : i32
    %dma_wait3A_891 = tpu.memref_slice %arg12[%dma_wait3A_887, %dma_wait3A_889, %dma_wait3A_890] : memref<3x128x64xf32, #tpu.memory_space<vmem>> -> memref<1x128x64xf32, #tpu.memory_space<vmem>>
    %dma_wait3A_892 = tpu.memref_squeeze %dma_wait3A_891 : memref<1x128x64xf32, #tpu.memory_space<vmem>> -> memref<128x64xf32, #tpu.memory_space<vmem>>
    %dma_wait3A_893 = arith.constant 0 : i32
    %dma_wait3A_894 = tpu.memref_slice %arg9[%dma_wait3A_888, %dma_wait3A_893] : memref<4x128xi32, #tpu.memory_space<vmem>> -> memref<1x128xi32, #tpu.memory_space<vmem>>
    %dma_wait3A_895 = tpu.memref_squeeze %dma_wait3A_894 : memref<1x128xi32, #tpu.memory_space<vmem>> -> memref<128xi32, #tpu.memory_space<vmem>>
    %dma_wait3A_896 = arith.constant 0 : i32
    %dma_wait3A_897 = arith.constant 0 : i32
    %dma_wait3A_898 = tpu.memref_slice %arg16[%dma_wait3A_896, %dma_wait3A_897] : memref<4096x64xf32, #tpu.memory_space<vmem_shared>> -> memref<4096x64xf32, #tpu.memory_space<vmem_shared>>
    tpu.wait_indirect_dma semaphore(%arg22 : memref<!tpu.dma_semaphore, #tpu.memory_space<semaphore_mem>>) src(%dma_wait3A_892 : memref<128x64xf32, #tpu.memory_space<vmem>>) dst(%dma_wait3A_898 : memref<4096x64xf32, #tpu.memory_space<vmem_shared>>)
    %dma_start3A_899 = arith.constant 0 : i32
    %dma_start3A_900 = arith.constant 8 : i32
    %dma_start3A_901 = arith.constant 1 : i32
    %dma_start3A_902 = arith.constant 0 : i32
    %dma_start3A_903 = arith.constant 0 : i32
    %dma_start3A_904 = tpu.memref_slice %arg12[%dma_start3A_901, %dma_start3A_902, %dma_start3A_903] : memref<3x128x64xf32, #tpu.memory_space<vmem>> -> memref<1x128x64xf32, #tpu.memory_space<vmem>>
    %dma_start3A_905 = tpu.memref_squeeze %dma_start3A_904 : memref<1x128x64xf32, #tpu.memory_space<vmem>> -> memref<128x64xf32, #tpu.memory_space<vmem>>
    %dma_start3A_906 = arith.constant 0 : i32
    %dma_start3A_907 = tpu.memref_slice %arg10[%dma_start3A_899, %dma_start3A_900, %dma_start3A_906] : memref<2x20x128xi32, #tpu.memory_space<vmem>> -> memref<1x1x128xi32, #tpu.memory_space<vmem>>
    %dma_start3A_908 = tpu.memref_squeeze %dma_start3A_907 : memref<1x1x128xi32, #tpu.memory_space<vmem>> -> memref<128xi32, #tpu.memory_space<vmem>>
    %dma_start3A_909 = arith.constant 0 : i32
    %dma_start3A_910 = arith.constant 0 : i32
    %dma_start3A_911 = tpu.memref_slice %arg3[%dma_start3A_909, %dma_start3A_910] : memref<1000000x64xf32, #tpu.memory_space<hbm>> -> memref<1000000x64xf32, #tpu.memory_space<hbm>>
    tpu.enqueue_indirect_dma source(%dma_start3A_911 : memref<1000000x64xf32, #tpu.memory_space<hbm>>) target(%dma_start3A_905 : memref<128x64xf32, #tpu.memory_space<vmem>>) offsets(%dma_start3A_908 : memref<128xi32, #tpu.memory_space<vmem>>) semaphore(%arg19 : memref<!tpu.dma_semaphore, #tpu.memory_space<semaphore_mem>>)
    %dma_wait3A_912 = arith.constant 0 : i32
    %dma_wait3A_913 = arith.constant 7 : i32
    %dma_wait3A_914 = arith.constant 2 : i32
    %dma_wait3A_915 = arith.constant 0 : i32
    %dma_wait3A_916 = arith.constant 0 : i32
    %dma_wait3A_917 = tpu.memref_slice %arg12[%dma_wait3A_914, %dma_wait3A_915, %dma_wait3A_916] : memref<3x128x64xf32, #tpu.memory_space<vmem>> -> memref<1x128x64xf32, #tpu.memory_space<vmem>>
    %dma_wait3A_918 = tpu.memref_squeeze %dma_wait3A_917 : memref<1x128x64xf32, #tpu.memory_space<vmem>> -> memref<128x64xf32, #tpu.memory_space<vmem>>
    %dma_wait3A_919 = arith.constant 0 : i32
    %dma_wait3A_920 = tpu.memref_slice %arg10[%dma_wait3A_912, %dma_wait3A_913, %dma_wait3A_919] : memref<2x20x128xi32, #tpu.memory_space<vmem>> -> memref<1x1x128xi32, #tpu.memory_space<vmem>>
    %dma_wait3A_921 = tpu.memref_squeeze %dma_wait3A_920 : memref<1x1x128xi32, #tpu.memory_space<vmem>> -> memref<128xi32, #tpu.memory_space<vmem>>
    %dma_wait3A_922 = arith.constant 0 : i32
    %dma_wait3A_923 = arith.constant 0 : i32
    %dma_wait3A_924 = tpu.memref_slice %arg3[%dma_wait3A_922, %dma_wait3A_923] : memref<1000000x64xf32, #tpu.memory_space<hbm>> -> memref<1000000x64xf32, #tpu.memory_space<hbm>>
    tpu.wait_indirect_dma semaphore(%arg20 : memref<!tpu.dma_semaphore, #tpu.memory_space<semaphore_mem>>) src(%dma_wait3A_924 : memref<1000000x64xf32, #tpu.memory_space<hbm>>) dst(%dma_wait3A_918 : memref<128x64xf32, #tpu.memory_space<vmem>>)
    %dma_start3A_925 = arith.constant 2 : i32
    %dma_start3A_926 = arith.constant 2 : i32
    %dma_start3A_927 = arith.constant 0 : i32
    %dma_start3A_928 = arith.constant 0 : i32
    %dma_start3A_929 = tpu.memref_slice %arg12[%dma_start3A_925, %dma_start3A_927, %dma_start3A_928] : memref<3x128x64xf32, #tpu.memory_space<vmem>> -> memref<1x128x64xf32, #tpu.memory_space<vmem>>
    %dma_start3A_930 = tpu.memref_squeeze %dma_start3A_929 : memref<1x128x64xf32, #tpu.memory_space<vmem>> -> memref<128x64xf32, #tpu.memory_space<vmem>>
    %dma_start3A_931 = arith.constant 0 : i32
    %dma_start3A_932 = tpu.memref_slice %arg9[%dma_start3A_926, %dma_start3A_931] : memref<4x128xi32, #tpu.memory_space<vmem>> -> memref<1x128xi32, #tpu.memory_space<vmem>>
    %dma_start3A_933 = tpu.memref_squeeze %dma_start3A_932 : memref<1x128xi32, #tpu.memory_space<vmem>> -> memref<128xi32, #tpu.memory_space<vmem>>
    %dma_start3A_934 = arith.constant 0 : i32
    %dma_start3A_935 = arith.constant 0 : i32
    %dma_start3A_936 = tpu.memref_slice %arg16[%dma_start3A_934, %dma_start3A_935] : memref<4096x64xf32, #tpu.memory_space<vmem_shared>> -> memref<4096x64xf32, #tpu.memory_space<vmem_shared>>
    tpu.enqueue_indirect_dma source(%dma_start3A_930 : memref<128x64xf32, #tpu.memory_space<vmem>>) target(%dma_start3A_936 : memref<4096x64xf32, #tpu.memory_space<vmem_shared>>) offsets(%dma_start3A_933 : memref<128xi32, #tpu.memory_space<vmem>>) semaphore(%arg23 : memref<!tpu.dma_semaphore, #tpu.memory_space<semaphore_mem>>) {add = true}
    %dma_wait3A_937 = arith.constant 2 : i32
    %dma_wait3A_938 = arith.constant 2 : i32
    %dma_wait3A_939 = arith.constant 0 : i32
    %dma_wait3A_940 = arith.constant 0 : i32
    %dma_wait3A_941 = tpu.memref_slice %arg12[%dma_wait3A_937, %dma_wait3A_939, %dma_wait3A_940] : memref<3x128x64xf32, #tpu.memory_space<vmem>> -> memref<1x128x64xf32, #tpu.memory_space<vmem>>
    %dma_wait3A_942 = tpu.memref_squeeze %dma_wait3A_941 : memref<1x128x64xf32, #tpu.memory_space<vmem>> -> memref<128x64xf32, #tpu.memory_space<vmem>>
    %dma_wait3A_943 = arith.constant 0 : i32
    %dma_wait3A_944 = tpu.memref_slice %arg9[%dma_wait3A_938, %dma_wait3A_943] : memref<4x128xi32, #tpu.memory_space<vmem>> -> memref<1x128xi32, #tpu.memory_space<vmem>>
    %dma_wait3A_945 = tpu.memref_squeeze %dma_wait3A_944 : memref<1x128xi32, #tpu.memory_space<vmem>> -> memref<128xi32, #tpu.memory_space<vmem>>
    %dma_wait3A_946 = arith.constant 0 : i32
    %dma_wait3A_947 = arith.constant 0 : i32
    %dma_wait3A_948 = tpu.memref_slice %arg16[%dma_wait3A_946, %dma_wait3A_947] : memref<4096x64xf32, #tpu.memory_space<vmem_shared>> -> memref<4096x64xf32, #tpu.memory_space<vmem_shared>>
    tpu.wait_indirect_dma semaphore(%arg23 : memref<!tpu.dma_semaphore, #tpu.memory_space<semaphore_mem>>) src(%dma_wait3A_942 : memref<128x64xf32, #tpu.memory_space<vmem>>) dst(%dma_wait3A_948 : memref<4096x64xf32, #tpu.memory_space<vmem_shared>>)
    %dma_start3A_949 = arith.constant 1 : i32
    %dma_start3A_950 = arith.constant 8 : i32
    %dma_start3A_951 = arith.constant 2 : i32
    %dma_start3A_952 = arith.constant 0 : i32
    %dma_start3A_953 = arith.constant 0 : i32
    %dma_start3A_954 = tpu.memref_slice %arg12[%dma_start3A_951, %dma_start3A_952, %dma_start3A_953] : memref<3x128x64xf32, #tpu.memory_space<vmem>> -> memref<1x128x64xf32, #tpu.memory_space<vmem>>
    %dma_start3A_955 = tpu.memref_squeeze %dma_start3A_954 : memref<1x128x64xf32, #tpu.memory_space<vmem>> -> memref<128x64xf32, #tpu.memory_space<vmem>>
    %dma_start3A_956 = arith.constant 0 : i32
    %dma_start3A_957 = tpu.memref_slice %arg10[%dma_start3A_949, %dma_start3A_950, %dma_start3A_956] : memref<2x20x128xi32, #tpu.memory_space<vmem>> -> memref<1x1x128xi32, #tpu.memory_space<vmem>>
    %dma_start3A_958 = tpu.memref_squeeze %dma_start3A_957 : memref<1x1x128xi32, #tpu.memory_space<vmem>> -> memref<128xi32, #tpu.memory_space<vmem>>
    %dma_start3A_959 = arith.constant 0 : i32
    %dma_start3A_960 = arith.constant 0 : i32
    %dma_start3A_961 = tpu.memref_slice %arg3[%dma_start3A_959, %dma_start3A_960] : memref<1000000x64xf32, #tpu.memory_space<hbm>> -> memref<1000000x64xf32, #tpu.memory_space<hbm>>
    tpu.enqueue_indirect_dma source(%dma_start3A_961 : memref<1000000x64xf32, #tpu.memory_space<hbm>>) target(%dma_start3A_955 : memref<128x64xf32, #tpu.memory_space<vmem>>) offsets(%dma_start3A_958 : memref<128xi32, #tpu.memory_space<vmem>>) semaphore(%arg20 : memref<!tpu.dma_semaphore, #tpu.memory_space<semaphore_mem>>)
    %dma_wait3A_962 = arith.constant 1 : i32
    %dma_wait3A_963 = arith.constant 7 : i32
    %dma_wait3A_964 = arith.constant 0 : i32
    %dma_wait3A_965 = arith.constant 0 : i32
    %dma_wait3A_966 = arith.constant 0 : i32
    %dma_wait3A_967 = tpu.memref_slice %arg12[%dma_wait3A_964, %dma_wait3A_965, %dma_wait3A_966] : memref<3x128x64xf32, #tpu.memory_space<vmem>> -> memref<1x128x64xf32, #tpu.memory_space<vmem>>
    %dma_wait3A_968 = tpu.memref_squeeze %dma_wait3A_967 : memref<1x128x64xf32, #tpu.memory_space<vmem>> -> memref<128x64xf32, #tpu.memory_space<vmem>>
    %dma_wait3A_969 = arith.constant 0 : i32
    %dma_wait3A_970 = tpu.memref_slice %arg10[%dma_wait3A_962, %dma_wait3A_963, %dma_wait3A_969] : memref<2x20x128xi32, #tpu.memory_space<vmem>> -> memref<1x1x128xi32, #tpu.memory_space<vmem>>
    %dma_wait3A_971 = tpu.memref_squeeze %dma_wait3A_970 : memref<1x1x128xi32, #tpu.memory_space<vmem>> -> memref<128xi32, #tpu.memory_space<vmem>>
    %dma_wait3A_972 = arith.constant 0 : i32
    %dma_wait3A_973 = arith.constant 0 : i32
    %dma_wait3A_974 = tpu.memref_slice %arg3[%dma_wait3A_972, %dma_wait3A_973] : memref<1000000x64xf32, #tpu.memory_space<hbm>> -> memref<1000000x64xf32, #tpu.memory_space<hbm>>
    tpu.wait_indirect_dma semaphore(%arg18 : memref<!tpu.dma_semaphore, #tpu.memory_space<semaphore_mem>>) src(%dma_wait3A_974 : memref<1000000x64xf32, #tpu.memory_space<hbm>>) dst(%dma_wait3A_968 : memref<128x64xf32, #tpu.memory_space<vmem>>)
    %dma_start3A_975 = arith.constant 0 : i32
    %dma_start3A_976 = arith.constant 3 : i32
    %dma_start3A_977 = arith.constant 0 : i32
    %dma_start3A_978 = arith.constant 0 : i32
    %dma_start3A_979 = tpu.memref_slice %arg12[%dma_start3A_975, %dma_start3A_977, %dma_start3A_978] : memref<3x128x64xf32, #tpu.memory_space<vmem>> -> memref<1x128x64xf32, #tpu.memory_space<vmem>>
    %dma_start3A_980 = tpu.memref_squeeze %dma_start3A_979 : memref<1x128x64xf32, #tpu.memory_space<vmem>> -> memref<128x64xf32, #tpu.memory_space<vmem>>
    %dma_start3A_981 = arith.constant 0 : i32
    %dma_start3A_982 = tpu.memref_slice %arg9[%dma_start3A_976, %dma_start3A_981] : memref<4x128xi32, #tpu.memory_space<vmem>> -> memref<1x128xi32, #tpu.memory_space<vmem>>
    %dma_start3A_983 = tpu.memref_squeeze %dma_start3A_982 : memref<1x128xi32, #tpu.memory_space<vmem>> -> memref<128xi32, #tpu.memory_space<vmem>>
    %dma_start3A_984 = arith.constant 0 : i32
    %dma_start3A_985 = arith.constant 0 : i32
    %dma_start3A_986 = tpu.memref_slice %arg16[%dma_start3A_984, %dma_start3A_985] : memref<4096x64xf32, #tpu.memory_space<vmem_shared>> -> memref<4096x64xf32, #tpu.memory_space<vmem_shared>>
    tpu.enqueue_indirect_dma source(%dma_start3A_980 : memref<128x64xf32, #tpu.memory_space<vmem>>) target(%dma_start3A_986 : memref<4096x64xf32, #tpu.memory_space<vmem_shared>>) offsets(%dma_start3A_983 : memref<128xi32, #tpu.memory_space<vmem>>) semaphore(%arg21 : memref<!tpu.dma_semaphore, #tpu.memory_space<semaphore_mem>>) {add = true}
    %dma_wait3A_987 = arith.constant 0 : i32
    %dma_wait3A_988 = arith.constant 3 : i32
    %dma_wait3A_989 = arith.constant 0 : i32
    %dma_wait3A_990 = arith.constant 0 : i32
    %dma_wait3A_991 = tpu.memref_slice %arg12[%dma_wait3A_987, %dma_wait3A_989, %dma_wait3A_990] : memref<3x128x64xf32, #tpu.memory_space<vmem>> -> memref<1x128x64xf32, #tpu.memory_space<vmem>>
    %dma_wait3A_992 = tpu.memref_squeeze %dma_wait3A_991 : memref<1x128x64xf32, #tpu.memory_space<vmem>> -> memref<128x64xf32, #tpu.memory_space<vmem>>
    %dma_wait3A_993 = arith.constant 0 : i32
    %dma_wait3A_994 = tpu.memref_slice %arg9[%dma_wait3A_988, %dma_wait3A_993] : memref<4x128xi32, #tpu.memory_space<vmem>> -> memref<1x128xi32, #tpu.memory_space<vmem>>
    %dma_wait3A_995 = tpu.memref_squeeze %dma_wait3A_994 : memref<1x128xi32, #tpu.memory_space<vmem>> -> memref<128xi32, #tpu.memory_space<vmem>>
    %dma_wait3A_996 = arith.constant 0 : i32
    %dma_wait3A_997 = arith.constant 0 : i32
    %dma_wait3A_998 = tpu.memref_slice %arg16[%dma_wait3A_996, %dma_wait3A_997] : memref<4096x64xf32, #tpu.memory_space<vmem_shared>> -> memref<4096x64xf32, #tpu.memory_space<vmem_shared>>
    tpu.wait_indirect_dma semaphore(%arg21 : memref<!tpu.dma_semaphore, #tpu.memory_space<semaphore_mem>>) src(%dma_wait3A_992 : memref<128x64xf32, #tpu.memory_space<vmem>>) dst(%dma_wait3A_998 : memref<4096x64xf32, #tpu.memory_space<vmem_shared>>)
    %dma_start3A_999 = arith.constant 0 : i32
    %dma_start3A_1000 = arith.constant 9 : i32
    %dma_start3A_1001 = arith.constant 0 : i32
    %dma_start3A_1002 = arith.constant 0 : i32
    %dma_start3A_1003 = arith.constant 0 : i32
    %dma_start3A_1004 = tpu.memref_slice %arg12[%dma_start3A_1001, %dma_start3A_1002, %dma_start3A_1003] : memref<3x128x64xf32, #tpu.memory_space<vmem>> -> memref<1x128x64xf32, #tpu.memory_space<vmem>>
    %dma_start3A_1005 = tpu.memref_squeeze %dma_start3A_1004 : memref<1x128x64xf32, #tpu.memory_space<vmem>> -> memref<128x64xf32, #tpu.memory_space<vmem>>
    %dma_start3A_1006 = arith.constant 0 : i32
    %dma_start3A_1007 = tpu.memref_slice %arg10[%dma_start3A_999, %dma_start3A_1000, %dma_start3A_1006] : memref<2x20x128xi32, #tpu.memory_space<vmem>> -> memref<1x1x128xi32, #tpu.memory_space<vmem>>
    %dma_start3A_1008 = tpu.memref_squeeze %dma_start3A_1007 : memref<1x1x128xi32, #tpu.memory_space<vmem>> -> memref<128xi32, #tpu.memory_space<vmem>>
    %dma_start3A_1009 = arith.constant 0 : i32
    %dma_start3A_1010 = arith.constant 0 : i32
    %dma_start3A_1011 = tpu.memref_slice %arg3[%dma_start3A_1009, %dma_start3A_1010] : memref<1000000x64xf32, #tpu.memory_space<hbm>> -> memref<1000000x64xf32, #tpu.memory_space<hbm>>
    tpu.enqueue_indirect_dma source(%dma_start3A_1011 : memref<1000000x64xf32, #tpu.memory_space<hbm>>) target(%dma_start3A_1005 : memref<128x64xf32, #tpu.memory_space<vmem>>) offsets(%dma_start3A_1008 : memref<128xi32, #tpu.memory_space<vmem>>) semaphore(%arg18 : memref<!tpu.dma_semaphore, #tpu.memory_space<semaphore_mem>>)
    %dma_wait3A_1012 = arith.constant 0 : i32
    %dma_wait3A_1013 = arith.constant 8 : i32
    %dma_wait3A_1014 = arith.constant 1 : i32
    %dma_wait3A_1015 = arith.constant 0 : i32
    %dma_wait3A_1016 = arith.constant 0 : i32
    %dma_wait3A_1017 = tpu.memref_slice %arg12[%dma_wait3A_1014, %dma_wait3A_1015, %dma_wait3A_1016] : memref<3x128x64xf32, #tpu.memory_space<vmem>> -> memref<1x128x64xf32, #tpu.memory_space<vmem>>
    %dma_wait3A_1018 = tpu.memref_squeeze %dma_wait3A_1017 : memref<1x128x64xf32, #tpu.memory_space<vmem>> -> memref<128x64xf32, #tpu.memory_space<vmem>>
    %dma_wait3A_1019 = arith.constant 0 : i32
    %dma_wait3A_1020 = tpu.memref_slice %arg10[%dma_wait3A_1012, %dma_wait3A_1013, %dma_wait3A_1019] : memref<2x20x128xi32, #tpu.memory_space<vmem>> -> memref<1x1x128xi32, #tpu.memory_space<vmem>>
    %dma_wait3A_1021 = tpu.memref_squeeze %dma_wait3A_1020 : memref<1x1x128xi32, #tpu.memory_space<vmem>> -> memref<128xi32, #tpu.memory_space<vmem>>
    %dma_wait3A_1022 = arith.constant 0 : i32
    %dma_wait3A_1023 = arith.constant 0 : i32
    %dma_wait3A_1024 = tpu.memref_slice %arg3[%dma_wait3A_1022, %dma_wait3A_1023] : memref<1000000x64xf32, #tpu.memory_space<hbm>> -> memref<1000000x64xf32, #tpu.memory_space<hbm>>
    tpu.wait_indirect_dma semaphore(%arg19 : memref<!tpu.dma_semaphore, #tpu.memory_space<semaphore_mem>>) src(%dma_wait3A_1024 : memref<1000000x64xf32, #tpu.memory_space<hbm>>) dst(%dma_wait3A_1018 : memref<128x64xf32, #tpu.memory_space<vmem>>)
    %dma_start3A_1025 = arith.constant 1 : i32
    %dma_start3A_1026 = arith.constant 2 : i32
    %dma_start3A_1027 = arith.constant 0 : i32
    %dma_start3A_1028 = arith.constant 0 : i32
    %dma_start3A_1029 = tpu.memref_slice %arg12[%dma_start3A_1025, %dma_start3A_1027, %dma_start3A_1028] : memref<3x128x64xf32, #tpu.memory_space<vmem>> -> memref<1x128x64xf32, #tpu.memory_space<vmem>>
    %dma_start3A_1030 = tpu.memref_squeeze %dma_start3A_1029 : memref<1x128x64xf32, #tpu.memory_space<vmem>> -> memref<128x64xf32, #tpu.memory_space<vmem>>
    %dma_start3A_1031 = arith.constant 0 : i32
    %dma_start3A_1032 = tpu.memref_slice %arg9[%dma_start3A_1026, %dma_start3A_1031] : memref<4x128xi32, #tpu.memory_space<vmem>> -> memref<1x128xi32, #tpu.memory_space<vmem>>
    %dma_start3A_1033 = tpu.memref_squeeze %dma_start3A_1032 : memref<1x128xi32, #tpu.memory_space<vmem>> -> memref<128xi32, #tpu.memory_space<vmem>>
    %dma_start3A_1034 = arith.constant 0 : i32
    %dma_start3A_1035 = arith.constant 0 : i32
    %dma_start3A_1036 = tpu.memref_slice %arg16[%dma_start3A_1034, %dma_start3A_1035] : memref<4096x64xf32, #tpu.memory_space<vmem_shared>> -> memref<4096x64xf32, #tpu.memory_space<vmem_shared>>
    tpu.enqueue_indirect_dma source(%dma_start3A_1030 : memref<128x64xf32, #tpu.memory_space<vmem>>) target(%dma_start3A_1036 : memref<4096x64xf32, #tpu.memory_space<vmem_shared>>) offsets(%dma_start3A_1033 : memref<128xi32, #tpu.memory_space<vmem>>) semaphore(%arg22 : memref<!tpu.dma_semaphore, #tpu.memory_space<semaphore_mem>>) {add = true}
    %dma_wait3A_1037 = arith.constant 1 : i32
    %dma_wait3A_1038 = arith.constant 2 : i32
    %dma_wait3A_1039 = arith.constant 0 : i32
    %dma_wait3A_1040 = arith.constant 0 : i32
    %dma_wait3A_1041 = tpu.memref_slice %arg12[%dma_wait3A_1037, %dma_wait3A_1039, %dma_wait3A_1040] : memref<3x128x64xf32, #tpu.memory_space<vmem>> -> memref<1x128x64xf32, #tpu.memory_space<vmem>>
    %dma_wait3A_1042 = tpu.memref_squeeze %dma_wait3A_1041 : memref<1x128x64xf32, #tpu.memory_space<vmem>> -> memref<128x64xf32, #tpu.memory_space<vmem>>
    %dma_wait3A_1043 = arith.constant 0 : i32
    %dma_wait3A_1044 = tpu.memref_slice %arg9[%dma_wait3A_1038, %dma_wait3A_1043] : memref<4x128xi32, #tpu.memory_space<vmem>> -> memref<1x128xi32, #tpu.memory_space<vmem>>
    %dma_wait3A_1045 = tpu.memref_squeeze %dma_wait3A_1044 : memref<1x128xi32, #tpu.memory_space<vmem>> -> memref<128xi32, #tpu.memory_space<vmem>>
    %dma_wait3A_1046 = arith.constant 0 : i32
    %dma_wait3A_1047 = arith.constant 0 : i32
    %dma_wait3A_1048 = tpu.memref_slice %arg16[%dma_wait3A_1046, %dma_wait3A_1047] : memref<4096x64xf32, #tpu.memory_space<vmem_shared>> -> memref<4096x64xf32, #tpu.memory_space<vmem_shared>>
    tpu.wait_indirect_dma semaphore(%arg22 : memref<!tpu.dma_semaphore, #tpu.memory_space<semaphore_mem>>) src(%dma_wait3A_1042 : memref<128x64xf32, #tpu.memory_space<vmem>>) dst(%dma_wait3A_1048 : memref<4096x64xf32, #tpu.memory_space<vmem_shared>>)
    %dma_start3A_1049 = arith.constant 1 : i32
    %dma_start3A_1050 = arith.constant 9 : i32
    %dma_start3A_1051 = arith.constant 1 : i32
    %dma_start3A_1052 = arith.constant 0 : i32
    %dma_start3A_1053 = arith.constant 0 : i32
    %dma_start3A_1054 = tpu.memref_slice %arg12[%dma_start3A_1051, %dma_start3A_1052, %dma_start3A_1053] : memref<3x128x64xf32, #tpu.memory_space<vmem>> -> memref<1x128x64xf32, #tpu.memory_space<vmem>>
    %dma_start3A_1055 = tpu.memref_squeeze %dma_start3A_1054 : memref<1x128x64xf32, #tpu.memory_space<vmem>> -> memref<128x64xf32, #tpu.memory_space<vmem>>
    %dma_start3A_1056 = arith.constant 0 : i32
    %dma_start3A_1057 = tpu.memref_slice %arg10[%dma_start3A_1049, %dma_start3A_1050, %dma_start3A_1056] : memref<2x20x128xi32, #tpu.memory_space<vmem>> -> memref<1x1x128xi32, #tpu.memory_space<vmem>>
    %dma_start3A_1058 = tpu.memref_squeeze %dma_start3A_1057 : memref<1x1x128xi32, #tpu.memory_space<vmem>> -> memref<128xi32, #tpu.memory_space<vmem>>
    %dma_start3A_1059 = arith.constant 0 : i32
    %dma_start3A_1060 = arith.constant 0 : i32
    %dma_start3A_1061 = tpu.memref_slice %arg3[%dma_start3A_1059, %dma_start3A_1060] : memref<1000000x64xf32, #tpu.memory_space<hbm>> -> memref<1000000x64xf32, #tpu.memory_space<hbm>>
    tpu.enqueue_indirect_dma source(%dma_start3A_1061 : memref<1000000x64xf32, #tpu.memory_space<hbm>>) target(%dma_start3A_1055 : memref<128x64xf32, #tpu.memory_space<vmem>>) offsets(%dma_start3A_1058 : memref<128xi32, #tpu.memory_space<vmem>>) semaphore(%arg19 : memref<!tpu.dma_semaphore, #tpu.memory_space<semaphore_mem>>)
    %dma_wait3A_1062 = arith.constant 1 : i32
    %dma_wait3A_1063 = arith.constant 8 : i32
    %dma_wait3A_1064 = arith.constant 2 : i32
    %dma_wait3A_1065 = arith.constant 0 : i32
    %dma_wait3A_1066 = arith.constant 0 : i32
    %dma_wait3A_1067 = tpu.memref_slice %arg12[%dma_wait3A_1064, %dma_wait3A_1065, %dma_wait3A_1066] : memref<3x128x64xf32, #tpu.memory_space<vmem>> -> memref<1x128x64xf32, #tpu.memory_space<vmem>>
    %dma_wait3A_1068 = tpu.memref_squeeze %dma_wait3A_1067 : memref<1x128x64xf32, #tpu.memory_space<vmem>> -> memref<128x64xf32, #tpu.memory_space<vmem>>
    %dma_wait3A_1069 = arith.constant 0 : i32
    %dma_wait3A_1070 = tpu.memref_slice %arg10[%dma_wait3A_1062, %dma_wait3A_1063, %dma_wait3A_1069] : memref<2x20x128xi32, #tpu.memory_space<vmem>> -> memref<1x1x128xi32, #tpu.memory_space<vmem>>
    %dma_wait3A_1071 = tpu.memref_squeeze %dma_wait3A_1070 : memref<1x1x128xi32, #tpu.memory_space<vmem>> -> memref<128xi32, #tpu.memory_space<vmem>>
    %dma_wait3A_1072 = arith.constant 0 : i32
    %dma_wait3A_1073 = arith.constant 0 : i32
    %dma_wait3A_1074 = tpu.memref_slice %arg3[%dma_wait3A_1072, %dma_wait3A_1073] : memref<1000000x64xf32, #tpu.memory_space<hbm>> -> memref<1000000x64xf32, #tpu.memory_space<hbm>>
    tpu.wait_indirect_dma semaphore(%arg20 : memref<!tpu.dma_semaphore, #tpu.memory_space<semaphore_mem>>) src(%dma_wait3A_1074 : memref<1000000x64xf32, #tpu.memory_space<hbm>>) dst(%dma_wait3A_1068 : memref<128x64xf32, #tpu.memory_space<vmem>>)
    %dma_start3A_1075 = arith.constant 2 : i32
    %dma_start3A_1076 = arith.constant 3 : i32
    %dma_start3A_1077 = arith.constant 0 : i32
    %dma_start3A_1078 = arith.constant 0 : i32
    %dma_start3A_1079 = tpu.memref_slice %arg12[%dma_start3A_1075, %dma_start3A_1077, %dma_start3A_1078] : memref<3x128x64xf32, #tpu.memory_space<vmem>> -> memref<1x128x64xf32, #tpu.memory_space<vmem>>
    %dma_start3A_1080 = tpu.memref_squeeze %dma_start3A_1079 : memref<1x128x64xf32, #tpu.memory_space<vmem>> -> memref<128x64xf32, #tpu.memory_space<vmem>>
    %dma_start3A_1081 = arith.constant 0 : i32
    %dma_start3A_1082 = tpu.memref_slice %arg9[%dma_start3A_1076, %dma_start3A_1081] : memref<4x128xi32, #tpu.memory_space<vmem>> -> memref<1x128xi32, #tpu.memory_space<vmem>>
    %dma_start3A_1083 = tpu.memref_squeeze %dma_start3A_1082 : memref<1x128xi32, #tpu.memory_space<vmem>> -> memref<128xi32, #tpu.memory_space<vmem>>
    %dma_start3A_1084 = arith.constant 0 : i32
    %dma_start3A_1085 = arith.constant 0 : i32
    %dma_start3A_1086 = tpu.memref_slice %arg16[%dma_start3A_1084, %dma_start3A_1085] : memref<4096x64xf32, #tpu.memory_space<vmem_shared>> -> memref<4096x64xf32, #tpu.memory_space<vmem_shared>>
    tpu.enqueue_indirect_dma source(%dma_start3A_1080 : memref<128x64xf32, #tpu.memory_space<vmem>>) target(%dma_start3A_1086 : memref<4096x64xf32, #tpu.memory_space<vmem_shared>>) offsets(%dma_start3A_1083 : memref<128xi32, #tpu.memory_space<vmem>>) semaphore(%arg23 : memref<!tpu.dma_semaphore, #tpu.memory_space<semaphore_mem>>) {add = true}
    %dma_wait3A_1087 = arith.constant 2 : i32
    %dma_wait3A_1088 = arith.constant 3 : i32
    %dma_wait3A_1089 = arith.constant 0 : i32
    %dma_wait3A_1090 = arith.constant 0 : i32
    %dma_wait3A_1091 = tpu.memref_slice %arg12[%dma_wait3A_1087, %dma_wait3A_1089, %dma_wait3A_1090] : memref<3x128x64xf32, #tpu.memory_space<vmem>> -> memref<1x128x64xf32, #tpu.memory_space<vmem>>
    %dma_wait3A_1092 = tpu.memref_squeeze %dma_wait3A_1091 : memref<1x128x64xf32, #tpu.memory_space<vmem>> -> memref<128x64xf32, #tpu.memory_space<vmem>>
    %dma_wait3A_1093 = arith.constant 0 : i32
    %dma_wait3A_1094 = tpu.memref_slice %arg9[%dma_wait3A_1088, %dma_wait3A_1093] : memref<4x128xi32, #tpu.memory_space<vmem>> -> memref<1x128xi32, #tpu.memory_space<vmem>>
    %dma_wait3A_1095 = tpu.memref_squeeze %dma_wait3A_1094 : memref<1x128xi32, #tpu.memory_space<vmem>> -> memref<128xi32, #tpu.memory_space<vmem>>
    %dma_wait3A_1096 = arith.constant 0 : i32
    %dma_wait3A_1097 = arith.constant 0 : i32
    %dma_wait3A_1098 = tpu.memref_slice %arg16[%dma_wait3A_1096, %dma_wait3A_1097] : memref<4096x64xf32, #tpu.memory_space<vmem_shared>> -> memref<4096x64xf32, #tpu.memory_space<vmem_shared>>
    tpu.wait_indirect_dma semaphore(%arg23 : memref<!tpu.dma_semaphore, #tpu.memory_space<semaphore_mem>>) src(%dma_wait3A_1092 : memref<128x64xf32, #tpu.memory_space<vmem>>) dst(%dma_wait3A_1098 : memref<4096x64xf32, #tpu.memory_space<vmem_shared>>)
    %dma_start3A_1099 = arith.constant 0 : i32
    %dma_start3A_1100 = arith.constant 10 : i32
    %dma_start3A_1101 = arith.constant 2 : i32
    %dma_start3A_1102 = arith.constant 0 : i32
    %dma_start3A_1103 = arith.constant 0 : i32
    %dma_start3A_1104 = tpu.memref_slice %arg12[%dma_start3A_1101, %dma_start3A_1102, %dma_start3A_1103] : memref<3x128x64xf32, #tpu.memory_space<vmem>> -> memref<1x128x64xf32, #tpu.memory_space<vmem>>
    %dma_start3A_1105 = tpu.memref_squeeze %dma_start3A_1104 : memref<1x128x64xf32, #tpu.memory_space<vmem>> -> memref<128x64xf32, #tpu.memory_space<vmem>>
    %dma_start3A_1106 = arith.constant 0 : i32
    %dma_start3A_1107 = tpu.memref_slice %arg10[%dma_start3A_1099, %dma_start3A_1100, %dma_start3A_1106] : memref<2x20x128xi32, #tpu.memory_space<vmem>> -> memref<1x1x128xi32, #tpu.memory_space<vmem>>
    %dma_start3A_1108 = tpu.memref_squeeze %dma_start3A_1107 : memref<1x1x128xi32, #tpu.memory_space<vmem>> -> memref<128xi32, #tpu.memory_space<vmem>>
    %dma_start3A_1109 = arith.constant 0 : i32
    %dma_start3A_1110 = arith.constant 0 : i32
    %dma_start3A_1111 = tpu.memref_slice %arg3[%dma_start3A_1109, %dma_start3A_1110] : memref<1000000x64xf32, #tpu.memory_space<hbm>> -> memref<1000000x64xf32, #tpu.memory_space<hbm>>
    tpu.enqueue_indirect_dma source(%dma_start3A_1111 : memref<1000000x64xf32, #tpu.memory_space<hbm>>) target(%dma_start3A_1105 : memref<128x64xf32, #tpu.memory_space<vmem>>) offsets(%dma_start3A_1108 : memref<128xi32, #tpu.memory_space<vmem>>) semaphore(%arg20 : memref<!tpu.dma_semaphore, #tpu.memory_space<semaphore_mem>>)
    %dma_wait3A_1112 = arith.constant 0 : i32
    %dma_wait3A_1113 = arith.constant 9 : i32
    %dma_wait3A_1114 = arith.constant 0 : i32
    %dma_wait3A_1115 = arith.constant 0 : i32
    %dma_wait3A_1116 = arith.constant 0 : i32
    %dma_wait3A_1117 = tpu.memref_slice %arg12[%dma_wait3A_1114, %dma_wait3A_1115, %dma_wait3A_1116] : memref<3x128x64xf32, #tpu.memory_space<vmem>> -> memref<1x128x64xf32, #tpu.memory_space<vmem>>
    %dma_wait3A_1118 = tpu.memref_squeeze %dma_wait3A_1117 : memref<1x128x64xf32, #tpu.memory_space<vmem>> -> memref<128x64xf32, #tpu.memory_space<vmem>>
    %dma_wait3A_1119 = arith.constant 0 : i32
    %dma_wait3A_1120 = tpu.memref_slice %arg10[%dma_wait3A_1112, %dma_wait3A_1113, %dma_wait3A_1119] : memref<2x20x128xi32, #tpu.memory_space<vmem>> -> memref<1x1x128xi32, #tpu.memory_space<vmem>>
    %dma_wait3A_1121 = tpu.memref_squeeze %dma_wait3A_1120 : memref<1x1x128xi32, #tpu.memory_space<vmem>> -> memref<128xi32, #tpu.memory_space<vmem>>
    %dma_wait3A_1122 = arith.constant 0 : i32
    %dma_wait3A_1123 = arith.constant 0 : i32
    %dma_wait3A_1124 = tpu.memref_slice %arg3[%dma_wait3A_1122, %dma_wait3A_1123] : memref<1000000x64xf32, #tpu.memory_space<hbm>> -> memref<1000000x64xf32, #tpu.memory_space<hbm>>
    tpu.wait_indirect_dma semaphore(%arg18 : memref<!tpu.dma_semaphore, #tpu.memory_space<semaphore_mem>>) src(%dma_wait3A_1124 : memref<1000000x64xf32, #tpu.memory_space<hbm>>) dst(%dma_wait3A_1118 : memref<128x64xf32, #tpu.memory_space<vmem>>)
    %dma_start3A_1125 = arith.constant 0 : i32
    %dma_start3A_1126 = arith.constant 2 : i32
    %dma_start3A_1127 = arith.constant 0 : i32
    %dma_start3A_1128 = arith.constant 0 : i32
    %dma_start3A_1129 = tpu.memref_slice %arg12[%dma_start3A_1125, %dma_start3A_1127, %dma_start3A_1128] : memref<3x128x64xf32, #tpu.memory_space<vmem>> -> memref<1x128x64xf32, #tpu.memory_space<vmem>>
    %dma_start3A_1130 = tpu.memref_squeeze %dma_start3A_1129 : memref<1x128x64xf32, #tpu.memory_space<vmem>> -> memref<128x64xf32, #tpu.memory_space<vmem>>
    %dma_start3A_1131 = arith.constant 0 : i32
    %dma_start3A_1132 = tpu.memref_slice %arg9[%dma_start3A_1126, %dma_start3A_1131] : memref<4x128xi32, #tpu.memory_space<vmem>> -> memref<1x128xi32, #tpu.memory_space<vmem>>
    %dma_start3A_1133 = tpu.memref_squeeze %dma_start3A_1132 : memref<1x128xi32, #tpu.memory_space<vmem>> -> memref<128xi32, #tpu.memory_space<vmem>>
    %dma_start3A_1134 = arith.constant 0 : i32
    %dma_start3A_1135 = arith.constant 0 : i32
    %dma_start3A_1136 = tpu.memref_slice %arg16[%dma_start3A_1134, %dma_start3A_1135] : memref<4096x64xf32, #tpu.memory_space<vmem_shared>> -> memref<4096x64xf32, #tpu.memory_space<vmem_shared>>
    tpu.enqueue_indirect_dma source(%dma_start3A_1130 : memref<128x64xf32, #tpu.memory_space<vmem>>) target(%dma_start3A_1136 : memref<4096x64xf32, #tpu.memory_space<vmem_shared>>) offsets(%dma_start3A_1133 : memref<128xi32, #tpu.memory_space<vmem>>) semaphore(%arg21 : memref<!tpu.dma_semaphore, #tpu.memory_space<semaphore_mem>>) {add = true}
    %dma_wait3A_1137 = arith.constant 0 : i32
    %dma_wait3A_1138 = arith.constant 2 : i32
    %dma_wait3A_1139 = arith.constant 0 : i32
    %dma_wait3A_1140 = arith.constant 0 : i32
    %dma_wait3A_1141 = tpu.memref_slice %arg12[%dma_wait3A_1137, %dma_wait3A_1139, %dma_wait3A_1140] : memref<3x128x64xf32, #tpu.memory_space<vmem>> -> memref<1x128x64xf32, #tpu.memory_space<vmem>>
    %dma_wait3A_1142 = tpu.memref_squeeze %dma_wait3A_1141 : memref<1x128x64xf32, #tpu.memory_space<vmem>> -> memref<128x64xf32, #tpu.memory_space<vmem>>
    %dma_wait3A_1143 = arith.constant 0 : i32
    %dma_wait3A_1144 = tpu.memref_slice %arg9[%dma_wait3A_1138, %dma_wait3A_1143] : memref<4x128xi32, #tpu.memory_space<vmem>> -> memref<1x128xi32, #tpu.memory_space<vmem>>
    %dma_wait3A_1145 = tpu.memref_squeeze %dma_wait3A_1144 : memref<1x128xi32, #tpu.memory_space<vmem>> -> memref<128xi32, #tpu.memory_space<vmem>>
    %dma_wait3A_1146 = arith.constant 0 : i32
    %dma_wait3A_1147 = arith.constant 0 : i32
    %dma_wait3A_1148 = tpu.memref_slice %arg16[%dma_wait3A_1146, %dma_wait3A_1147] : memref<4096x64xf32, #tpu.memory_space<vmem_shared>> -> memref<4096x64xf32, #tpu.memory_space<vmem_shared>>
    tpu.wait_indirect_dma semaphore(%arg21 : memref<!tpu.dma_semaphore, #tpu.memory_space<semaphore_mem>>) src(%dma_wait3A_1142 : memref<128x64xf32, #tpu.memory_space<vmem>>) dst(%dma_wait3A_1148 : memref<4096x64xf32, #tpu.memory_space<vmem_shared>>)
    %dma_start3A_1149 = arith.constant 1 : i32
    %dma_start3A_1150 = arith.constant 10 : i32
    %dma_start3A_1151 = arith.constant 0 : i32
    %dma_start3A_1152 = arith.constant 0 : i32
    %dma_start3A_1153 = arith.constant 0 : i32
    %dma_start3A_1154 = tpu.memref_slice %arg12[%dma_start3A_1151, %dma_start3A_1152, %dma_start3A_1153] : memref<3x128x64xf32, #tpu.memory_space<vmem>> -> memref<1x128x64xf32, #tpu.memory_space<vmem>>
    %dma_start3A_1155 = tpu.memref_squeeze %dma_start3A_1154 : memref<1x128x64xf32, #tpu.memory_space<vmem>> -> memref<128x64xf32, #tpu.memory_space<vmem>>
    %dma_start3A_1156 = arith.constant 0 : i32
    %dma_start3A_1157 = tpu.memref_slice %arg10[%dma_start3A_1149, %dma_start3A_1150, %dma_start3A_1156] : memref<2x20x128xi32, #tpu.memory_space<vmem>> -> memref<1x1x128xi32, #tpu.memory_space<vmem>>
    %dma_start3A_1158 = tpu.memref_squeeze %dma_start3A_1157 : memref<1x1x128xi32, #tpu.memory_space<vmem>> -> memref<128xi32, #tpu.memory_space<vmem>>
    %dma_start3A_1159 = arith.constant 0 : i32
    %dma_start3A_1160 = arith.constant 0 : i32
    %dma_start3A_1161 = tpu.memref_slice %arg3[%dma_start3A_1159, %dma_start3A_1160] : memref<1000000x64xf32, #tpu.memory_space<hbm>> -> memref<1000000x64xf32, #tpu.memory_space<hbm>>
    tpu.enqueue_indirect_dma source(%dma_start3A_1161 : memref<1000000x64xf32, #tpu.memory_space<hbm>>) target(%dma_start3A_1155 : memref<128x64xf32, #tpu.memory_space<vmem>>) offsets(%dma_start3A_1158 : memref<128xi32, #tpu.memory_space<vmem>>) semaphore(%arg18 : memref<!tpu.dma_semaphore, #tpu.memory_space<semaphore_mem>>)
    %dma_wait3A_1162 = arith.constant 1 : i32
    %dma_wait3A_1163 = arith.constant 9 : i32
    %dma_wait3A_1164 = arith.constant 1 : i32
    %dma_wait3A_1165 = arith.constant 0 : i32
    %dma_wait3A_1166 = arith.constant 0 : i32
    %dma_wait3A_1167 = tpu.memref_slice %arg12[%dma_wait3A_1164, %dma_wait3A_1165, %dma_wait3A_1166] : memref<3x128x64xf32, #tpu.memory_space<vmem>> -> memref<1x128x64xf32, #tpu.memory_space<vmem>>
    %dma_wait3A_1168 = tpu.memref_squeeze %dma_wait3A_1167 : memref<1x128x64xf32, #tpu.memory_space<vmem>> -> memref<128x64xf32, #tpu.memory_space<vmem>>
    %dma_wait3A_1169 = arith.constant 0 : i32
    %dma_wait3A_1170 = tpu.memref_slice %arg10[%dma_wait3A_1162, %dma_wait3A_1163, %dma_wait3A_1169] : memref<2x20x128xi32, #tpu.memory_space<vmem>> -> memref<1x1x128xi32, #tpu.memory_space<vmem>>
    %dma_wait3A_1171 = tpu.memref_squeeze %dma_wait3A_1170 : memref<1x1x128xi32, #tpu.memory_space<vmem>> -> memref<128xi32, #tpu.memory_space<vmem>>
    %dma_wait3A_1172 = arith.constant 0 : i32
    %dma_wait3A_1173 = arith.constant 0 : i32
    %dma_wait3A_1174 = tpu.memref_slice %arg3[%dma_wait3A_1172, %dma_wait3A_1173] : memref<1000000x64xf32, #tpu.memory_space<hbm>> -> memref<1000000x64xf32, #tpu.memory_space<hbm>>
    tpu.wait_indirect_dma semaphore(%arg19 : memref<!tpu.dma_semaphore, #tpu.memory_space<semaphore_mem>>) src(%dma_wait3A_1174 : memref<1000000x64xf32, #tpu.memory_space<hbm>>) dst(%dma_wait3A_1168 : memref<128x64xf32, #tpu.memory_space<vmem>>)
    %dma_start3A_1175 = arith.constant 1 : i32
    %dma_start3A_1176 = arith.constant 3 : i32
    %dma_start3A_1177 = arith.constant 0 : i32
    %dma_start3A_1178 = arith.constant 0 : i32
    %dma_start3A_1179 = tpu.memref_slice %arg12[%dma_start3A_1175, %dma_start3A_1177, %dma_start3A_1178] : memref<3x128x64xf32, #tpu.memory_space<vmem>> -> memref<1x128x64xf32, #tpu.memory_space<vmem>>
    %dma_start3A_1180 = tpu.memref_squeeze %dma_start3A_1179 : memref<1x128x64xf32, #tpu.memory_space<vmem>> -> memref<128x64xf32, #tpu.memory_space<vmem>>
    %dma_start3A_1181 = arith.constant 0 : i32
    %dma_start3A_1182 = tpu.memref_slice %arg9[%dma_start3A_1176, %dma_start3A_1181] : memref<4x128xi32, #tpu.memory_space<vmem>> -> memref<1x128xi32, #tpu.memory_space<vmem>>
    %dma_start3A_1183 = tpu.memref_squeeze %dma_start3A_1182 : memref<1x128xi32, #tpu.memory_space<vmem>> -> memref<128xi32, #tpu.memory_space<vmem>>
    %dma_start3A_1184 = arith.constant 0 : i32
    %dma_start3A_1185 = arith.constant 0 : i32
    %dma_start3A_1186 = tpu.memref_slice %arg16[%dma_start3A_1184, %dma_start3A_1185] : memref<4096x64xf32, #tpu.memory_space<vmem_shared>> -> memref<4096x64xf32, #tpu.memory_space<vmem_shared>>
    tpu.enqueue_indirect_dma source(%dma_start3A_1180 : memref<128x64xf32, #tpu.memory_space<vmem>>) target(%dma_start3A_1186 : memref<4096x64xf32, #tpu.memory_space<vmem_shared>>) offsets(%dma_start3A_1183 : memref<128xi32, #tpu.memory_space<vmem>>) semaphore(%arg22 : memref<!tpu.dma_semaphore, #tpu.memory_space<semaphore_mem>>) {add = true}
    %dma_wait3A_1187 = arith.constant 1 : i32
    %dma_wait3A_1188 = arith.constant 3 : i32
    %dma_wait3A_1189 = arith.constant 0 : i32
    %dma_wait3A_1190 = arith.constant 0 : i32
    %dma_wait3A_1191 = tpu.memref_slice %arg12[%dma_wait3A_1187, %dma_wait3A_1189, %dma_wait3A_1190] : memref<3x128x64xf32, #tpu.memory_space<vmem>> -> memref<1x128x64xf32, #tpu.memory_space<vmem>>
    %dma_wait3A_1192 = tpu.memref_squeeze %dma_wait3A_1191 : memref<1x128x64xf32, #tpu.memory_space<vmem>> -> memref<128x64xf32, #tpu.memory_space<vmem>>
    %dma_wait3A_1193 = arith.constant 0 : i32
    %dma_wait3A_1194 = tpu.memref_slice %arg9[%dma_wait3A_1188, %dma_wait3A_1193] : memref<4x128xi32, #tpu.memory_space<vmem>> -> memref<1x128xi32, #tpu.memory_space<vmem>>
    %dma_wait3A_1195 = tpu.memref_squeeze %dma_wait3A_1194 : memref<1x128xi32, #tpu.memory_space<vmem>> -> memref<128xi32, #tpu.memory_space<vmem>>
    %dma_wait3A_1196 = arith.constant 0 : i32
    %dma_wait3A_1197 = arith.constant 0 : i32
    %dma_wait3A_1198 = tpu.memref_slice %arg16[%dma_wait3A_1196, %dma_wait3A_1197] : memref<4096x64xf32, #tpu.memory_space<vmem_shared>> -> memref<4096x64xf32, #tpu.memory_space<vmem_shared>>
    tpu.wait_indirect_dma semaphore(%arg22 : memref<!tpu.dma_semaphore, #tpu.memory_space<semaphore_mem>>) src(%dma_wait3A_1192 : memref<128x64xf32, #tpu.memory_space<vmem>>) dst(%dma_wait3A_1198 : memref<4096x64xf32, #tpu.memory_space<vmem_shared>>)
    %dma_start3A_1199 = arith.constant 0 : i32
    %dma_start3A_1200 = arith.constant 11 : i32
    %dma_start3A_1201 = arith.constant 1 : i32
    %dma_start3A_1202 = arith.constant 0 : i32
    %dma_start3A_1203 = arith.constant 0 : i32
    %dma_start3A_1204 = tpu.memref_slice %arg12[%dma_start3A_1201, %dma_start3A_1202, %dma_start3A_1203] : memref<3x128x64xf32, #tpu.memory_space<vmem>> -> memref<1x128x64xf32, #tpu.memory_space<vmem>>
    %dma_start3A_1205 = tpu.memref_squeeze %dma_start3A_1204 : memref<1x128x64xf32, #tpu.memory_space<vmem>> -> memref<128x64xf32, #tpu.memory_space<vmem>>
    %dma_start3A_1206 = arith.constant 0 : i32
    %dma_start3A_1207 = tpu.memref_slice %arg10[%dma_start3A_1199, %dma_start3A_1200, %dma_start3A_1206] : memref<2x20x128xi32, #tpu.memory_space<vmem>> -> memref<1x1x128xi32, #tpu.memory_space<vmem>>
    %dma_start3A_1208 = tpu.memref_squeeze %dma_start3A_1207 : memref<1x1x128xi32, #tpu.memory_space<vmem>> -> memref<128xi32, #tpu.memory_space<vmem>>
    %dma_start3A_1209 = arith.constant 0 : i32
    %dma_start3A_1210 = arith.constant 0 : i32
    %dma_start3A_1211 = tpu.memref_slice %arg3[%dma_start3A_1209, %dma_start3A_1210] : memref<1000000x64xf32, #tpu.memory_space<hbm>> -> memref<1000000x64xf32, #tpu.memory_space<hbm>>
    tpu.enqueue_indirect_dma source(%dma_start3A_1211 : memref<1000000x64xf32, #tpu.memory_space<hbm>>) target(%dma_start3A_1205 : memref<128x64xf32, #tpu.memory_space<vmem>>) offsets(%dma_start3A_1208 : memref<128xi32, #tpu.memory_space<vmem>>) semaphore(%arg19 : memref<!tpu.dma_semaphore, #tpu.memory_space<semaphore_mem>>)
    %dma_wait3A_1212 = arith.constant 0 : i32
    %dma_wait3A_1213 = arith.constant 10 : i32
    %dma_wait3A_1214 = arith.constant 2 : i32
    %dma_wait3A_1215 = arith.constant 0 : i32
    %dma_wait3A_1216 = arith.constant 0 : i32
    %dma_wait3A_1217 = tpu.memref_slice %arg12[%dma_wait3A_1214, %dma_wait3A_1215, %dma_wait3A_1216] : memref<3x128x64xf32, #tpu.memory_space<vmem>> -> memref<1x128x64xf32, #tpu.memory_space<vmem>>
    %dma_wait3A_1218 = tpu.memref_squeeze %dma_wait3A_1217 : memref<1x128x64xf32, #tpu.memory_space<vmem>> -> memref<128x64xf32, #tpu.memory_space<vmem>>
    %dma_wait3A_1219 = arith.constant 0 : i32
    %dma_wait3A_1220 = tpu.memref_slice %arg10[%dma_wait3A_1212, %dma_wait3A_1213, %dma_wait3A_1219] : memref<2x20x128xi32, #tpu.memory_space<vmem>> -> memref<1x1x128xi32, #tpu.memory_space<vmem>>
    %dma_wait3A_1221 = tpu.memref_squeeze %dma_wait3A_1220 : memref<1x1x128xi32, #tpu.memory_space<vmem>> -> memref<128xi32, #tpu.memory_space<vmem>>
    %dma_wait3A_1222 = arith.constant 0 : i32
    %dma_wait3A_1223 = arith.constant 0 : i32
    %dma_wait3A_1224 = tpu.memref_slice %arg3[%dma_wait3A_1222, %dma_wait3A_1223] : memref<1000000x64xf32, #tpu.memory_space<hbm>> -> memref<1000000x64xf32, #tpu.memory_space<hbm>>
    tpu.wait_indirect_dma semaphore(%arg20 : memref<!tpu.dma_semaphore, #tpu.memory_space<semaphore_mem>>) src(%dma_wait3A_1224 : memref<1000000x64xf32, #tpu.memory_space<hbm>>) dst(%dma_wait3A_1218 : memref<128x64xf32, #tpu.memory_space<vmem>>)
    %dma_start3A_1225 = arith.constant 2 : i32
    %dma_start3A_1226 = arith.constant 2 : i32
    %dma_start3A_1227 = arith.constant 0 : i32
    %dma_start3A_1228 = arith.constant 0 : i32
    %dma_start3A_1229 = tpu.memref_slice %arg12[%dma_start3A_1225, %dma_start3A_1227, %dma_start3A_1228] : memref<3x128x64xf32, #tpu.memory_space<vmem>> -> memref<1x128x64xf32, #tpu.memory_space<vmem>>
    %dma_start3A_1230 = tpu.memref_squeeze %dma_start3A_1229 : memref<1x128x64xf32, #tpu.memory_space<vmem>> -> memref<128x64xf32, #tpu.memory_space<vmem>>
    %dma_start3A_1231 = arith.constant 0 : i32
    %dma_start3A_1232 = tpu.memref_slice %arg9[%dma_start3A_1226, %dma_start3A_1231] : memref<4x128xi32, #tpu.memory_space<vmem>> -> memref<1x128xi32, #tpu.memory_space<vmem>>
    %dma_start3A_1233 = tpu.memref_squeeze %dma_start3A_1232 : memref<1x128xi32, #tpu.memory_space<vmem>> -> memref<128xi32, #tpu.memory_space<vmem>>
    %dma_start3A_1234 = arith.constant 0 : i32
    %dma_start3A_1235 = arith.constant 0 : i32
    %dma_start3A_1236 = tpu.memref_slice %arg16[%dma_start3A_1234, %dma_start3A_1235] : memref<4096x64xf32, #tpu.memory_space<vmem_shared>> -> memref<4096x64xf32, #tpu.memory_space<vmem_shared>>
    tpu.enqueue_indirect_dma source(%dma_start3A_1230 : memref<128x64xf32, #tpu.memory_space<vmem>>) target(%dma_start3A_1236 : memref<4096x64xf32, #tpu.memory_space<vmem_shared>>) offsets(%dma_start3A_1233 : memref<128xi32, #tpu.memory_space<vmem>>) semaphore(%arg23 : memref<!tpu.dma_semaphore, #tpu.memory_space<semaphore_mem>>) {add = true}
    %dma_wait3A_1237 = arith.constant 2 : i32
    %dma_wait3A_1238 = arith.constant 2 : i32
    %dma_wait3A_1239 = arith.constant 0 : i32
    %dma_wait3A_1240 = arith.constant 0 : i32
    %dma_wait3A_1241 = tpu.memref_slice %arg12[%dma_wait3A_1237, %dma_wait3A_1239, %dma_wait3A_1240] : memref<3x128x64xf32, #tpu.memory_space<vmem>> -> memref<1x128x64xf32, #tpu.memory_space<vmem>>
    %dma_wait3A_1242 = tpu.memref_squeeze %dma_wait3A_1241 : memref<1x128x64xf32, #tpu.memory_space<vmem>> -> memref<128x64xf32, #tpu.memory_space<vmem>>
    %dma_wait3A_1243 = arith.constant 0 : i32
    %dma_wait3A_1244 = tpu.memref_slice %arg9[%dma_wait3A_1238, %dma_wait3A_1243] : memref<4x128xi32, #tpu.memory_space<vmem>> -> memref<1x128xi32, #tpu.memory_space<vmem>>
    %dma_wait3A_1245 = tpu.memref_squeeze %dma_wait3A_1244 : memref<1x128xi32, #tpu.memory_space<vmem>> -> memref<128xi32, #tpu.memory_space<vmem>>
    %dma_wait3A_1246 = arith.constant 0 : i32
    %dma_wait3A_1247 = arith.constant 0 : i32
    %dma_wait3A_1248 = tpu.memref_slice %arg16[%dma_wait3A_1246, %dma_wait3A_1247] : memref<4096x64xf32, #tpu.memory_space<vmem_shared>> -> memref<4096x64xf32, #tpu.memory_space<vmem_shared>>
    tpu.wait_indirect_dma semaphore(%arg23 : memref<!tpu.dma_semaphore, #tpu.memory_space<semaphore_mem>>) src(%dma_wait3A_1242 : memref<128x64xf32, #tpu.memory_space<vmem>>) dst(%dma_wait3A_1248 : memref<4096x64xf32, #tpu.memory_space<vmem_shared>>)
    %dma_start3A_1249 = arith.constant 1 : i32
    %dma_start3A_1250 = arith.constant 11 : i32
    %dma_start3A_1251 = arith.constant 2 : i32
    %dma_start3A_1252 = arith.constant 0 : i32
    %dma_start3A_1253 = arith.constant 0 : i32
    %dma_start3A_1254 = tpu.memref_slice %arg12[%dma_start3A_1251, %dma_start3A_1252, %dma_start3A_1253] : memref<3x128x64xf32, #tpu.memory_space<vmem>> -> memref<1x128x64xf32, #tpu.memory_space<vmem>>
    %dma_start3A_1255 = tpu.memref_squeeze %dma_start3A_1254 : memref<1x128x64xf32, #tpu.memory_space<vmem>> -> memref<128x64xf32, #tpu.memory_space<vmem>>
    %dma_start3A_1256 = arith.constant 0 : i32
    %dma_start3A_1257 = tpu.memref_slice %arg10[%dma_start3A_1249, %dma_start3A_1250, %dma_start3A_1256] : memref<2x20x128xi32, #tpu.memory_space<vmem>> -> memref<1x1x128xi32, #tpu.memory_space<vmem>>
    %dma_start3A_1258 = tpu.memref_squeeze %dma_start3A_1257 : memref<1x1x128xi32, #tpu.memory_space<vmem>> -> memref<128xi32, #tpu.memory_space<vmem>>
    %dma_start3A_1259 = arith.constant 0 : i32
    %dma_start3A_1260 = arith.constant 0 : i32
    %dma_start3A_1261 = tpu.memref_slice %arg3[%dma_start3A_1259, %dma_start3A_1260] : memref<1000000x64xf32, #tpu.memory_space<hbm>> -> memref<1000000x64xf32, #tpu.memory_space<hbm>>
    tpu.enqueue_indirect_dma source(%dma_start3A_1261 : memref<1000000x64xf32, #tpu.memory_space<hbm>>) target(%dma_start3A_1255 : memref<128x64xf32, #tpu.memory_space<vmem>>) offsets(%dma_start3A_1258 : memref<128xi32, #tpu.memory_space<vmem>>) semaphore(%arg20 : memref<!tpu.dma_semaphore, #tpu.memory_space<semaphore_mem>>)
    %dma_wait3A_1262 = arith.constant 1 : i32
    %dma_wait3A_1263 = arith.constant 10 : i32
    %dma_wait3A_1264 = arith.constant 0 : i32
    %dma_wait3A_1265 = arith.constant 0 : i32
    %dma_wait3A_1266 = arith.constant 0 : i32
    %dma_wait3A_1267 = tpu.memref_slice %arg12[%dma_wait3A_1264, %dma_wait3A_1265, %dma_wait3A_1266] : memref<3x128x64xf32, #tpu.memory_space<vmem>> -> memref<1x128x64xf32, #tpu.memory_space<vmem>>
    %dma_wait3A_1268 = tpu.memref_squeeze %dma_wait3A_1267 : memref<1x128x64xf32, #tpu.memory_space<vmem>> -> memref<128x64xf32, #tpu.memory_space<vmem>>
    %dma_wait3A_1269 = arith.constant 0 : i32
    %dma_wait3A_1270 = tpu.memref_slice %arg10[%dma_wait3A_1262, %dma_wait3A_1263, %dma_wait3A_1269] : memref<2x20x128xi32, #tpu.memory_space<vmem>> -> memref<1x1x128xi32, #tpu.memory_space<vmem>>
    %dma_wait3A_1271 = tpu.memref_squeeze %dma_wait3A_1270 : memref<1x1x128xi32, #tpu.memory_space<vmem>> -> memref<128xi32, #tpu.memory_space<vmem>>
    %dma_wait3A_1272 = arith.constant 0 : i32
    %dma_wait3A_1273 = arith.constant 0 : i32
    %dma_wait3A_1274 = tpu.memref_slice %arg3[%dma_wait3A_1272, %dma_wait3A_1273] : memref<1000000x64xf32, #tpu.memory_space<hbm>> -> memref<1000000x64xf32, #tpu.memory_space<hbm>>
    tpu.wait_indirect_dma semaphore(%arg18 : memref<!tpu.dma_semaphore, #tpu.memory_space<semaphore_mem>>) src(%dma_wait3A_1274 : memref<1000000x64xf32, #tpu.memory_space<hbm>>) dst(%dma_wait3A_1268 : memref<128x64xf32, #tpu.memory_space<vmem>>)
    %dma_start3A_1275 = arith.constant 0 : i32
    %dma_start3A_1276 = arith.constant 3 : i32
    %dma_start3A_1277 = arith.constant 0 : i32
    %dma_start3A_1278 = arith.constant 0 : i32
    %dma_start3A_1279 = tpu.memref_slice %arg12[%dma_start3A_1275, %dma_start3A_1277, %dma_start3A_1278] : memref<3x128x64xf32, #tpu.memory_space<vmem>> -> memref<1x128x64xf32, #tpu.memory_space<vmem>>
    %dma_start3A_1280 = tpu.memref_squeeze %dma_start3A_1279 : memref<1x128x64xf32, #tpu.memory_space<vmem>> -> memref<128x64xf32, #tpu.memory_space<vmem>>
    %dma_start3A_1281 = arith.constant 0 : i32
    %dma_start3A_1282 = tpu.memref_slice %arg9[%dma_start3A_1276, %dma_start3A_1281] : memref<4x128xi32, #tpu.memory_space<vmem>> -> memref<1x128xi32, #tpu.memory_space<vmem>>
    %dma_start3A_1283 = tpu.memref_squeeze %dma_start3A_1282 : memref<1x128xi32, #tpu.memory_space<vmem>> -> memref<128xi32, #tpu.memory_space<vmem>>
    %dma_start3A_1284 = arith.constant 0 : i32
    %dma_start3A_1285 = arith.constant 0 : i32
    %dma_start3A_1286 = tpu.memref_slice %arg16[%dma_start3A_1284, %dma_start3A_1285] : memref<4096x64xf32, #tpu.memory_space<vmem_shared>> -> memref<4096x64xf32, #tpu.memory_space<vmem_shared>>
    tpu.enqueue_indirect_dma source(%dma_start3A_1280 : memref<128x64xf32, #tpu.memory_space<vmem>>) target(%dma_start3A_1286 : memref<4096x64xf32, #tpu.memory_space<vmem_shared>>) offsets(%dma_start3A_1283 : memref<128xi32, #tpu.memory_space<vmem>>) semaphore(%arg21 : memref<!tpu.dma_semaphore, #tpu.memory_space<semaphore_mem>>) {add = true}
    %dma_wait3A_1287 = arith.constant 0 : i32
    %dma_wait3A_1288 = arith.constant 3 : i32
    %dma_wait3A_1289 = arith.constant 0 : i32
    %dma_wait3A_1290 = arith.constant 0 : i32
    %dma_wait3A_1291 = tpu.memref_slice %arg12[%dma_wait3A_1287, %dma_wait3A_1289, %dma_wait3A_1290] : memref<3x128x64xf32, #tpu.memory_space<vmem>> -> memref<1x128x64xf32, #tpu.memory_space<vmem>>
    %dma_wait3A_1292 = tpu.memref_squeeze %dma_wait3A_1291 : memref<1x128x64xf32, #tpu.memory_space<vmem>> -> memref<128x64xf32, #tpu.memory_space<vmem>>
    %dma_wait3A_1293 = arith.constant 0 : i32
    %dma_wait3A_1294 = tpu.memref_slice %arg9[%dma_wait3A_1288, %dma_wait3A_1293] : memref<4x128xi32, #tpu.memory_space<vmem>> -> memref<1x128xi32, #tpu.memory_space<vmem>>
    %dma_wait3A_1295 = tpu.memref_squeeze %dma_wait3A_1294 : memref<1x128xi32, #tpu.memory_space<vmem>> -> memref<128xi32, #tpu.memory_space<vmem>>
    %dma_wait3A_1296 = arith.constant 0 : i32
    %dma_wait3A_1297 = arith.constant 0 : i32
    %dma_wait3A_1298 = tpu.memref_slice %arg16[%dma_wait3A_1296, %dma_wait3A_1297] : memref<4096x64xf32, #tpu.memory_space<vmem_shared>> -> memref<4096x64xf32, #tpu.memory_space<vmem_shared>>
    tpu.wait_indirect_dma semaphore(%arg21 : memref<!tpu.dma_semaphore, #tpu.memory_space<semaphore_mem>>) src(%dma_wait3A_1292 : memref<128x64xf32, #tpu.memory_space<vmem>>) dst(%dma_wait3A_1298 : memref<4096x64xf32, #tpu.memory_space<vmem_shared>>)
    %dma_start3A_1299 = arith.constant 0 : i32
    %dma_start3A_1300 = arith.constant 12 : i32
    %dma_start3A_1301 = arith.constant 0 : i32
    %dma_start3A_1302 = arith.constant 0 : i32
    %dma_start3A_1303 = arith.constant 0 : i32
    %dma_start3A_1304 = tpu.memref_slice %arg12[%dma_start3A_1301, %dma_start3A_1302, %dma_start3A_1303] : memref<3x128x64xf32, #tpu.memory_space<vmem>> -> memref<1x128x64xf32, #tpu.memory_space<vmem>>
    %dma_start3A_1305 = tpu.memref_squeeze %dma_start3A_1304 : memref<1x128x64xf32, #tpu.memory_space<vmem>> -> memref<128x64xf32, #tpu.memory_space<vmem>>
    %dma_start3A_1306 = arith.constant 0 : i32
    %dma_start3A_1307 = tpu.memref_slice %arg10[%dma_start3A_1299, %dma_start3A_1300, %dma_start3A_1306] : memref<2x20x128xi32, #tpu.memory_space<vmem>> -> memref<1x1x128xi32, #tpu.memory_space<vmem>>
    %dma_start3A_1308 = tpu.memref_squeeze %dma_start3A_1307 : memref<1x1x128xi32, #tpu.memory_space<vmem>> -> memref<128xi32, #tpu.memory_space<vmem>>
    %dma_start3A_1309 = arith.constant 0 : i32
    %dma_start3A_1310 = arith.constant 0 : i32
    %dma_start3A_1311 = tpu.memref_slice %arg3[%dma_start3A_1309, %dma_start3A_1310] : memref<1000000x64xf32, #tpu.memory_space<hbm>> -> memref<1000000x64xf32, #tpu.memory_space<hbm>>
    tpu.enqueue_indirect_dma source(%dma_start3A_1311 : memref<1000000x64xf32, #tpu.memory_space<hbm>>) target(%dma_start3A_1305 : memref<128x64xf32, #tpu.memory_space<vmem>>) offsets(%dma_start3A_1308 : memref<128xi32, #tpu.memory_space<vmem>>) semaphore(%arg18 : memref<!tpu.dma_semaphore, #tpu.memory_space<semaphore_mem>>)
    %dma_wait3A_1312 = arith.constant 0 : i32
    %dma_wait3A_1313 = arith.constant 11 : i32
    %dma_wait3A_1314 = arith.constant 1 : i32
    %dma_wait3A_1315 = arith.constant 0 : i32
    %dma_wait3A_1316 = arith.constant 0 : i32
    %dma_wait3A_1317 = tpu.memref_slice %arg12[%dma_wait3A_1314, %dma_wait3A_1315, %dma_wait3A_1316] : memref<3x128x64xf32, #tpu.memory_space<vmem>> -> memref<1x128x64xf32, #tpu.memory_space<vmem>>
    %dma_wait3A_1318 = tpu.memref_squeeze %dma_wait3A_1317 : memref<1x128x64xf32, #tpu.memory_space<vmem>> -> memref<128x64xf32, #tpu.memory_space<vmem>>
    %dma_wait3A_1319 = arith.constant 0 : i32
    %dma_wait3A_1320 = tpu.memref_slice %arg10[%dma_wait3A_1312, %dma_wait3A_1313, %dma_wait3A_1319] : memref<2x20x128xi32, #tpu.memory_space<vmem>> -> memref<1x1x128xi32, #tpu.memory_space<vmem>>
    %dma_wait3A_1321 = tpu.memref_squeeze %dma_wait3A_1320 : memref<1x1x128xi32, #tpu.memory_space<vmem>> -> memref<128xi32, #tpu.memory_space<vmem>>
    %dma_wait3A_1322 = arith.constant 0 : i32
    %dma_wait3A_1323 = arith.constant 0 : i32
    %dma_wait3A_1324 = tpu.memref_slice %arg3[%dma_wait3A_1322, %dma_wait3A_1323] : memref<1000000x64xf32, #tpu.memory_space<hbm>> -> memref<1000000x64xf32, #tpu.memory_space<hbm>>
    tpu.wait_indirect_dma semaphore(%arg19 : memref<!tpu.dma_semaphore, #tpu.memory_space<semaphore_mem>>) src(%dma_wait3A_1324 : memref<1000000x64xf32, #tpu.memory_space<hbm>>) dst(%dma_wait3A_1318 : memref<128x64xf32, #tpu.memory_space<vmem>>)
    %dma_start3A_1325 = arith.constant 1 : i32
    %dma_start3A_1326 = arith.constant 2 : i32
    %dma_start3A_1327 = arith.constant 0 : i32
    %dma_start3A_1328 = arith.constant 0 : i32
    %dma_start3A_1329 = tpu.memref_slice %arg12[%dma_start3A_1325, %dma_start3A_1327, %dma_start3A_1328] : memref<3x128x64xf32, #tpu.memory_space<vmem>> -> memref<1x128x64xf32, #tpu.memory_space<vmem>>
    %dma_start3A_1330 = tpu.memref_squeeze %dma_start3A_1329 : memref<1x128x64xf32, #tpu.memory_space<vmem>> -> memref<128x64xf32, #tpu.memory_space<vmem>>
    %dma_start3A_1331 = arith.constant 0 : i32
    %dma_start3A_1332 = tpu.memref_slice %arg9[%dma_start3A_1326, %dma_start3A_1331] : memref<4x128xi32, #tpu.memory_space<vmem>> -> memref<1x128xi32, #tpu.memory_space<vmem>>
    %dma_start3A_1333 = tpu.memref_squeeze %dma_start3A_1332 : memref<1x128xi32, #tpu.memory_space<vmem>> -> memref<128xi32, #tpu.memory_space<vmem>>
    %dma_start3A_1334 = arith.constant 0 : i32
    %dma_start3A_1335 = arith.constant 0 : i32
    %dma_start3A_1336 = tpu.memref_slice %arg16[%dma_start3A_1334, %dma_start3A_1335] : memref<4096x64xf32, #tpu.memory_space<vmem_shared>> -> memref<4096x64xf32, #tpu.memory_space<vmem_shared>>
    tpu.enqueue_indirect_dma source(%dma_start3A_1330 : memref<128x64xf32, #tpu.memory_space<vmem>>) target(%dma_start3A_1336 : memref<4096x64xf32, #tpu.memory_space<vmem_shared>>) offsets(%dma_start3A_1333 : memref<128xi32, #tpu.memory_space<vmem>>) semaphore(%arg22 : memref<!tpu.dma_semaphore, #tpu.memory_space<semaphore_mem>>) {add = true}
    %dma_wait3A_1337 = arith.constant 1 : i32
    %dma_wait3A_1338 = arith.constant 2 : i32
    %dma_wait3A_1339 = arith.constant 0 : i32
    %dma_wait3A_1340 = arith.constant 0 : i32
    %dma_wait3A_1341 = tpu.memref_slice %arg12[%dma_wait3A_1337, %dma_wait3A_1339, %dma_wait3A_1340] : memref<3x128x64xf32, #tpu.memory_space<vmem>> -> memref<1x128x64xf32, #tpu.memory_space<vmem>>
    %dma_wait3A_1342 = tpu.memref_squeeze %dma_wait3A_1341 : memref<1x128x64xf32, #tpu.memory_space<vmem>> -> memref<128x64xf32, #tpu.memory_space<vmem>>
    %dma_wait3A_1343 = arith.constant 0 : i32
    %dma_wait3A_1344 = tpu.memref_slice %arg9[%dma_wait3A_1338, %dma_wait3A_1343] : memref<4x128xi32, #tpu.memory_space<vmem>> -> memref<1x128xi32, #tpu.memory_space<vmem>>
    %dma_wait3A_1345 = tpu.memref_squeeze %dma_wait3A_1344 : memref<1x128xi32, #tpu.memory_space<vmem>> -> memref<128xi32, #tpu.memory_space<vmem>>
    %dma_wait3A_1346 = arith.constant 0 : i32
    %dma_wait3A_1347 = arith.constant 0 : i32
    %dma_wait3A_1348 = tpu.memref_slice %arg16[%dma_wait3A_1346, %dma_wait3A_1347] : memref<4096x64xf32, #tpu.memory_space<vmem_shared>> -> memref<4096x64xf32, #tpu.memory_space<vmem_shared>>
    tpu.wait_indirect_dma semaphore(%arg22 : memref<!tpu.dma_semaphore, #tpu.memory_space<semaphore_mem>>) src(%dma_wait3A_1342 : memref<128x64xf32, #tpu.memory_space<vmem>>) dst(%dma_wait3A_1348 : memref<4096x64xf32, #tpu.memory_space<vmem_shared>>)
    %dma_start3A_1349 = arith.constant 1 : i32
    %dma_start3A_1350 = arith.constant 12 : i32
    %dma_start3A_1351 = arith.constant 1 : i32
    %dma_start3A_1352 = arith.constant 0 : i32
    %dma_start3A_1353 = arith.constant 0 : i32
    %dma_start3A_1354 = tpu.memref_slice %arg12[%dma_start3A_1351, %dma_start3A_1352, %dma_start3A_1353] : memref<3x128x64xf32, #tpu.memory_space<vmem>> -> memref<1x128x64xf32, #tpu.memory_space<vmem>>
    %dma_start3A_1355 = tpu.memref_squeeze %dma_start3A_1354 : memref<1x128x64xf32, #tpu.memory_space<vmem>> -> memref<128x64xf32, #tpu.memory_space<vmem>>
    %dma_start3A_1356 = arith.constant 0 : i32
    %dma_start3A_1357 = tpu.memref_slice %arg10[%dma_start3A_1349, %dma_start3A_1350, %dma_start3A_1356] : memref<2x20x128xi32, #tpu.memory_space<vmem>> -> memref<1x1x128xi32, #tpu.memory_space<vmem>>
    %dma_start3A_1358 = tpu.memref_squeeze %dma_start3A_1357 : memref<1x1x128xi32, #tpu.memory_space<vmem>> -> memref<128xi32, #tpu.memory_space<vmem>>
    %dma_start3A_1359 = arith.constant 0 : i32
    %dma_start3A_1360 = arith.constant 0 : i32
    %dma_start3A_1361 = tpu.memref_slice %arg3[%dma_start3A_1359, %dma_start3A_1360] : memref<1000000x64xf32, #tpu.memory_space<hbm>> -> memref<1000000x64xf32, #tpu.memory_space<hbm>>
    tpu.enqueue_indirect_dma source(%dma_start3A_1361 : memref<1000000x64xf32, #tpu.memory_space<hbm>>) target(%dma_start3A_1355 : memref<128x64xf32, #tpu.memory_space<vmem>>) offsets(%dma_start3A_1358 : memref<128xi32, #tpu.memory_space<vmem>>) semaphore(%arg19 : memref<!tpu.dma_semaphore, #tpu.memory_space<semaphore_mem>>)
    %dma_wait3A_1362 = arith.constant 1 : i32
    %dma_wait3A_1363 = arith.constant 11 : i32
    %dma_wait3A_1364 = arith.constant 2 : i32
    %dma_wait3A_1365 = arith.constant 0 : i32
    %dma_wait3A_1366 = arith.constant 0 : i32
    %dma_wait3A_1367 = tpu.memref_slice %arg12[%dma_wait3A_1364, %dma_wait3A_1365, %dma_wait3A_1366] : memref<3x128x64xf32, #tpu.memory_space<vmem>> -> memref<1x128x64xf32, #tpu.memory_space<vmem>>
    %dma_wait3A_1368 = tpu.memref_squeeze %dma_wait3A_1367 : memref<1x128x64xf32, #tpu.memory_space<vmem>> -> memref<128x64xf32, #tpu.memory_space<vmem>>
    %dma_wait3A_1369 = arith.constant 0 : i32
    %dma_wait3A_1370 = tpu.memref_slice %arg10[%dma_wait3A_1362, %dma_wait3A_1363, %dma_wait3A_1369] : memref<2x20x128xi32, #tpu.memory_space<vmem>> -> memref<1x1x128xi32, #tpu.memory_space<vmem>>
    %dma_wait3A_1371 = tpu.memref_squeeze %dma_wait3A_1370 : memref<1x1x128xi32, #tpu.memory_space<vmem>> -> memref<128xi32, #tpu.memory_space<vmem>>
    %dma_wait3A_1372 = arith.constant 0 : i32
    %dma_wait3A_1373 = arith.constant 0 : i32
    %dma_wait3A_1374 = tpu.memref_slice %arg3[%dma_wait3A_1372, %dma_wait3A_1373] : memref<1000000x64xf32, #tpu.memory_space<hbm>> -> memref<1000000x64xf32, #tpu.memory_space<hbm>>
    tpu.wait_indirect_dma semaphore(%arg20 : memref<!tpu.dma_semaphore, #tpu.memory_space<semaphore_mem>>) src(%dma_wait3A_1374 : memref<1000000x64xf32, #tpu.memory_space<hbm>>) dst(%dma_wait3A_1368 : memref<128x64xf32, #tpu.memory_space<vmem>>)
    %dma_start3A_1375 = arith.constant 2 : i32
    %dma_start3A_1376 = arith.constant 3 : i32
    %dma_start3A_1377 = arith.constant 0 : i32
    %dma_start3A_1378 = arith.constant 0 : i32
    %dma_start3A_1379 = tpu.memref_slice %arg12[%dma_start3A_1375, %dma_start3A_1377, %dma_start3A_1378] : memref<3x128x64xf32, #tpu.memory_space<vmem>> -> memref<1x128x64xf32, #tpu.memory_space<vmem>>
    %dma_start3A_1380 = tpu.memref_squeeze %dma_start3A_1379 : memref<1x128x64xf32, #tpu.memory_space<vmem>> -> memref<128x64xf32, #tpu.memory_space<vmem>>
    %dma_start3A_1381 = arith.constant 0 : i32
    %dma_start3A_1382 = tpu.memref_slice %arg9[%dma_start3A_1376, %dma_start3A_1381] : memref<4x128xi32, #tpu.memory_space<vmem>> -> memref<1x128xi32, #tpu.memory_space<vmem>>
    %dma_start3A_1383 = tpu.memref_squeeze %dma_start3A_1382 : memref<1x128xi32, #tpu.memory_space<vmem>> -> memref<128xi32, #tpu.memory_space<vmem>>
    %dma_start3A_1384 = arith.constant 0 : i32
    %dma_start3A_1385 = arith.constant 0 : i32
    %dma_start3A_1386 = tpu.memref_slice %arg16[%dma_start3A_1384, %dma_start3A_1385] : memref<4096x64xf32, #tpu.memory_space<vmem_shared>> -> memref<4096x64xf32, #tpu.memory_space<vmem_shared>>
    tpu.enqueue_indirect_dma source(%dma_start3A_1380 : memref<128x64xf32, #tpu.memory_space<vmem>>) target(%dma_start3A_1386 : memref<4096x64xf32, #tpu.memory_space<vmem_shared>>) offsets(%dma_start3A_1383 : memref<128xi32, #tpu.memory_space<vmem>>) semaphore(%arg23 : memref<!tpu.dma_semaphore, #tpu.memory_space<semaphore_mem>>) {add = true}
    %dma_wait3A_1387 = arith.constant 2 : i32
    %dma_wait3A_1388 = arith.constant 3 : i32
    %dma_wait3A_1389 = arith.constant 0 : i32
    %dma_wait3A_1390 = arith.constant 0 : i32
    %dma_wait3A_1391 = tpu.memref_slice %arg12[%dma_wait3A_1387, %dma_wait3A_1389, %dma_wait3A_1390] : memref<3x128x64xf32, #tpu.memory_space<vmem>> -> memref<1x128x64xf32, #tpu.memory_space<vmem>>
    %dma_wait3A_1392 = tpu.memref_squeeze %dma_wait3A_1391 : memref<1x128x64xf32, #tpu.memory_space<vmem>> -> memref<128x64xf32, #tpu.memory_space<vmem>>
    %dma_wait3A_1393 = arith.constant 0 : i32
    %dma_wait3A_1394 = tpu.memref_slice %arg9[%dma_wait3A_1388, %dma_wait3A_1393] : memref<4x128xi32, #tpu.memory_space<vmem>> -> memref<1x128xi32, #tpu.memory_space<vmem>>
    %dma_wait3A_1395 = tpu.memref_squeeze %dma_wait3A_1394 : memref<1x128xi32, #tpu.memory_space<vmem>> -> memref<128xi32, #tpu.memory_space<vmem>>
    %dma_wait3A_1396 = arith.constant 0 : i32
    %dma_wait3A_1397 = arith.constant 0 : i32
    %dma_wait3A_1398 = tpu.memref_slice %arg16[%dma_wait3A_1396, %dma_wait3A_1397] : memref<4096x64xf32, #tpu.memory_space<vmem_shared>> -> memref<4096x64xf32, #tpu.memory_space<vmem_shared>>
    tpu.wait_indirect_dma semaphore(%arg23 : memref<!tpu.dma_semaphore, #tpu.memory_space<semaphore_mem>>) src(%dma_wait3A_1392 : memref<128x64xf32, #tpu.memory_space<vmem>>) dst(%dma_wait3A_1398 : memref<4096x64xf32, #tpu.memory_space<vmem_shared>>)
    %dma_start3A_1399 = arith.constant 0 : i32
    %dma_start3A_1400 = arith.constant 13 : i32
    %dma_start3A_1401 = arith.constant 2 : i32
    %dma_start3A_1402 = arith.constant 0 : i32
    %dma_start3A_1403 = arith.constant 0 : i32
    %dma_start3A_1404 = tpu.memref_slice %arg12[%dma_start3A_1401, %dma_start3A_1402, %dma_start3A_1403] : memref<3x128x64xf32, #tpu.memory_space<vmem>> -> memref<1x128x64xf32, #tpu.memory_space<vmem>>
    %dma_start3A_1405 = tpu.memref_squeeze %dma_start3A_1404 : memref<1x128x64xf32, #tpu.memory_space<vmem>> -> memref<128x64xf32, #tpu.memory_space<vmem>>
    %dma_start3A_1406 = arith.constant 0 : i32
    %dma_start3A_1407 = tpu.memref_slice %arg10[%dma_start3A_1399, %dma_start3A_1400, %dma_start3A_1406] : memref<2x20x128xi32, #tpu.memory_space<vmem>> -> memref<1x1x128xi32, #tpu.memory_space<vmem>>
    %dma_start3A_1408 = tpu.memref_squeeze %dma_start3A_1407 : memref<1x1x128xi32, #tpu.memory_space<vmem>> -> memref<128xi32, #tpu.memory_space<vmem>>
    %dma_start3A_1409 = arith.constant 0 : i32
    %dma_start3A_1410 = arith.constant 0 : i32
    %dma_start3A_1411 = tpu.memref_slice %arg3[%dma_start3A_1409, %dma_start3A_1410] : memref<1000000x64xf32, #tpu.memory_space<hbm>> -> memref<1000000x64xf32, #tpu.memory_space<hbm>>
    tpu.enqueue_indirect_dma source(%dma_start3A_1411 : memref<1000000x64xf32, #tpu.memory_space<hbm>>) target(%dma_start3A_1405 : memref<128x64xf32, #tpu.memory_space<vmem>>) offsets(%dma_start3A_1408 : memref<128xi32, #tpu.memory_space<vmem>>) semaphore(%arg20 : memref<!tpu.dma_semaphore, #tpu.memory_space<semaphore_mem>>)
    %dma_wait3A_1412 = arith.constant 0 : i32
    %dma_wait3A_1413 = arith.constant 12 : i32
    %dma_wait3A_1414 = arith.constant 0 : i32
    %dma_wait3A_1415 = arith.constant 0 : i32
    %dma_wait3A_1416 = arith.constant 0 : i32
    %dma_wait3A_1417 = tpu.memref_slice %arg12[%dma_wait3A_1414, %dma_wait3A_1415, %dma_wait3A_1416] : memref<3x128x64xf32, #tpu.memory_space<vmem>> -> memref<1x128x64xf32, #tpu.memory_space<vmem>>
    %dma_wait3A_1418 = tpu.memref_squeeze %dma_wait3A_1417 : memref<1x128x64xf32, #tpu.memory_space<vmem>> -> memref<128x64xf32, #tpu.memory_space<vmem>>
    %dma_wait3A_1419 = arith.constant 0 : i32
    %dma_wait3A_1420 = tpu.memref_slice %arg10[%dma_wait3A_1412, %dma_wait3A_1413, %dma_wait3A_1419] : memref<2x20x128xi32, #tpu.memory_space<vmem>> -> memref<1x1x128xi32, #tpu.memory_space<vmem>>
    %dma_wait3A_1421 = tpu.memref_squeeze %dma_wait3A_1420 : memref<1x1x128xi32, #tpu.memory_space<vmem>> -> memref<128xi32, #tpu.memory_space<vmem>>
    %dma_wait3A_1422 = arith.constant 0 : i32
    %dma_wait3A_1423 = arith.constant 0 : i32
    %dma_wait3A_1424 = tpu.memref_slice %arg3[%dma_wait3A_1422, %dma_wait3A_1423] : memref<1000000x64xf32, #tpu.memory_space<hbm>> -> memref<1000000x64xf32, #tpu.memory_space<hbm>>
    tpu.wait_indirect_dma semaphore(%arg18 : memref<!tpu.dma_semaphore, #tpu.memory_space<semaphore_mem>>) src(%dma_wait3A_1424 : memref<1000000x64xf32, #tpu.memory_space<hbm>>) dst(%dma_wait3A_1418 : memref<128x64xf32, #tpu.memory_space<vmem>>)
    %dma_start3A_1425 = arith.constant 0 : i32
    %dma_start3A_1426 = arith.constant 2 : i32
    %dma_start3A_1427 = arith.constant 0 : i32
    %dma_start3A_1428 = arith.constant 0 : i32
    %dma_start3A_1429 = tpu.memref_slice %arg12[%dma_start3A_1425, %dma_start3A_1427, %dma_start3A_1428] : memref<3x128x64xf32, #tpu.memory_space<vmem>> -> memref<1x128x64xf32, #tpu.memory_space<vmem>>
    %dma_start3A_1430 = tpu.memref_squeeze %dma_start3A_1429 : memref<1x128x64xf32, #tpu.memory_space<vmem>> -> memref<128x64xf32, #tpu.memory_space<vmem>>
    %dma_start3A_1431 = arith.constant 0 : i32
    %dma_start3A_1432 = tpu.memref_slice %arg9[%dma_start3A_1426, %dma_start3A_1431] : memref<4x128xi32, #tpu.memory_space<vmem>> -> memref<1x128xi32, #tpu.memory_space<vmem>>
    %dma_start3A_1433 = tpu.memref_squeeze %dma_start3A_1432 : memref<1x128xi32, #tpu.memory_space<vmem>> -> memref<128xi32, #tpu.memory_space<vmem>>
    %dma_start3A_1434 = arith.constant 0 : i32
    %dma_start3A_1435 = arith.constant 0 : i32
    %dma_start3A_1436 = tpu.memref_slice %arg16[%dma_start3A_1434, %dma_start3A_1435] : memref<4096x64xf32, #tpu.memory_space<vmem_shared>> -> memref<4096x64xf32, #tpu.memory_space<vmem_shared>>
    tpu.enqueue_indirect_dma source(%dma_start3A_1430 : memref<128x64xf32, #tpu.memory_space<vmem>>) target(%dma_start3A_1436 : memref<4096x64xf32, #tpu.memory_space<vmem_shared>>) offsets(%dma_start3A_1433 : memref<128xi32, #tpu.memory_space<vmem>>) semaphore(%arg21 : memref<!tpu.dma_semaphore, #tpu.memory_space<semaphore_mem>>) {add = true}
    %dma_wait3A_1437 = arith.constant 0 : i32
    %dma_wait3A_1438 = arith.constant 2 : i32
    %dma_wait3A_1439 = arith.constant 0 : i32
    %dma_wait3A_1440 = arith.constant 0 : i32
    %dma_wait3A_1441 = tpu.memref_slice %arg12[%dma_wait3A_1437, %dma_wait3A_1439, %dma_wait3A_1440] : memref<3x128x64xf32, #tpu.memory_space<vmem>> -> memref<1x128x64xf32, #tpu.memory_space<vmem>>
    %dma_wait3A_1442 = tpu.memref_squeeze %dma_wait3A_1441 : memref<1x128x64xf32, #tpu.memory_space<vmem>> -> memref<128x64xf32, #tpu.memory_space<vmem>>
    %dma_wait3A_1443 = arith.constant 0 : i32
    %dma_wait3A_1444 = tpu.memref_slice %arg9[%dma_wait3A_1438, %dma_wait3A_1443] : memref<4x128xi32, #tpu.memory_space<vmem>> -> memref<1x128xi32, #tpu.memory_space<vmem>>
    %dma_wait3A_1445 = tpu.memref_squeeze %dma_wait3A_1444 : memref<1x128xi32, #tpu.memory_space<vmem>> -> memref<128xi32, #tpu.memory_space<vmem>>
    %dma_wait3A_1446 = arith.constant 0 : i32
    %dma_wait3A_1447 = arith.constant 0 : i32
    %dma_wait3A_1448 = tpu.memref_slice %arg16[%dma_wait3A_1446, %dma_wait3A_1447] : memref<4096x64xf32, #tpu.memory_space<vmem_shared>> -> memref<4096x64xf32, #tpu.memory_space<vmem_shared>>
    tpu.wait_indirect_dma semaphore(%arg21 : memref<!tpu.dma_semaphore, #tpu.memory_space<semaphore_mem>>) src(%dma_wait3A_1442 : memref<128x64xf32, #tpu.memory_space<vmem>>) dst(%dma_wait3A_1448 : memref<4096x64xf32, #tpu.memory_space<vmem_shared>>)
    %dma_start3A_1449 = arith.constant 1 : i32
    %dma_start3A_1450 = arith.constant 13 : i32
    %dma_start3A_1451 = arith.constant 0 : i32
    %dma_start3A_1452 = arith.constant 0 : i32
    %dma_start3A_1453 = arith.constant 0 : i32
    %dma_start3A_1454 = tpu.memref_slice %arg12[%dma_start3A_1451, %dma_start3A_1452, %dma_start3A_1453] : memref<3x128x64xf32, #tpu.memory_space<vmem>> -> memref<1x128x64xf32, #tpu.memory_space<vmem>>
    %dma_start3A_1455 = tpu.memref_squeeze %dma_start3A_1454 : memref<1x128x64xf32, #tpu.memory_space<vmem>> -> memref<128x64xf32, #tpu.memory_space<vmem>>
    %dma_start3A_1456 = arith.constant 0 : i32
    %dma_start3A_1457 = tpu.memref_slice %arg10[%dma_start3A_1449, %dma_start3A_1450, %dma_start3A_1456] : memref<2x20x128xi32, #tpu.memory_space<vmem>> -> memref<1x1x128xi32, #tpu.memory_space<vmem>>
    %dma_start3A_1458 = tpu.memref_squeeze %dma_start3A_1457 : memref<1x1x128xi32, #tpu.memory_space<vmem>> -> memref<128xi32, #tpu.memory_space<vmem>>
    %dma_start3A_1459 = arith.constant 0 : i32
    %dma_start3A_1460 = arith.constant 0 : i32
    %dma_start3A_1461 = tpu.memref_slice %arg3[%dma_start3A_1459, %dma_start3A_1460] : memref<1000000x64xf32, #tpu.memory_space<hbm>> -> memref<1000000x64xf32, #tpu.memory_space<hbm>>
    tpu.enqueue_indirect_dma source(%dma_start3A_1461 : memref<1000000x64xf32, #tpu.memory_space<hbm>>) target(%dma_start3A_1455 : memref<128x64xf32, #tpu.memory_space<vmem>>) offsets(%dma_start3A_1458 : memref<128xi32, #tpu.memory_space<vmem>>) semaphore(%arg18 : memref<!tpu.dma_semaphore, #tpu.memory_space<semaphore_mem>>)
    %dma_wait3A_1462 = arith.constant 1 : i32
    %dma_wait3A_1463 = arith.constant 12 : i32
    %dma_wait3A_1464 = arith.constant 1 : i32
    %dma_wait3A_1465 = arith.constant 0 : i32
    %dma_wait3A_1466 = arith.constant 0 : i32
    %dma_wait3A_1467 = tpu.memref_slice %arg12[%dma_wait3A_1464, %dma_wait3A_1465, %dma_wait3A_1466] : memref<3x128x64xf32, #tpu.memory_space<vmem>> -> memref<1x128x64xf32, #tpu.memory_space<vmem>>
    %dma_wait3A_1468 = tpu.memref_squeeze %dma_wait3A_1467 : memref<1x128x64xf32, #tpu.memory_space<vmem>> -> memref<128x64xf32, #tpu.memory_space<vmem>>
    %dma_wait3A_1469 = arith.constant 0 : i32
    %dma_wait3A_1470 = tpu.memref_slice %arg10[%dma_wait3A_1462, %dma_wait3A_1463, %dma_wait3A_1469] : memref<2x20x128xi32, #tpu.memory_space<vmem>> -> memref<1x1x128xi32, #tpu.memory_space<vmem>>
    %dma_wait3A_1471 = tpu.memref_squeeze %dma_wait3A_1470 : memref<1x1x128xi32, #tpu.memory_space<vmem>> -> memref<128xi32, #tpu.memory_space<vmem>>
    %dma_wait3A_1472 = arith.constant 0 : i32
    %dma_wait3A_1473 = arith.constant 0 : i32
    %dma_wait3A_1474 = tpu.memref_slice %arg3[%dma_wait3A_1472, %dma_wait3A_1473] : memref<1000000x64xf32, #tpu.memory_space<hbm>> -> memref<1000000x64xf32, #tpu.memory_space<hbm>>
    tpu.wait_indirect_dma semaphore(%arg19 : memref<!tpu.dma_semaphore, #tpu.memory_space<semaphore_mem>>) src(%dma_wait3A_1474 : memref<1000000x64xf32, #tpu.memory_space<hbm>>) dst(%dma_wait3A_1468 : memref<128x64xf32, #tpu.memory_space<vmem>>)
    %dma_start3A_1475 = arith.constant 1 : i32
    %dma_start3A_1476 = arith.constant 3 : i32
    %dma_start3A_1477 = arith.constant 0 : i32
    %dma_start3A_1478 = arith.constant 0 : i32
    %dma_start3A_1479 = tpu.memref_slice %arg12[%dma_start3A_1475, %dma_start3A_1477, %dma_start3A_1478] : memref<3x128x64xf32, #tpu.memory_space<vmem>> -> memref<1x128x64xf32, #tpu.memory_space<vmem>>
    %dma_start3A_1480 = tpu.memref_squeeze %dma_start3A_1479 : memref<1x128x64xf32, #tpu.memory_space<vmem>> -> memref<128x64xf32, #tpu.memory_space<vmem>>
    %dma_start3A_1481 = arith.constant 0 : i32
    %dma_start3A_1482 = tpu.memref_slice %arg9[%dma_start3A_1476, %dma_start3A_1481] : memref<4x128xi32, #tpu.memory_space<vmem>> -> memref<1x128xi32, #tpu.memory_space<vmem>>
    %dma_start3A_1483 = tpu.memref_squeeze %dma_start3A_1482 : memref<1x128xi32, #tpu.memory_space<vmem>> -> memref<128xi32, #tpu.memory_space<vmem>>
    %dma_start3A_1484 = arith.constant 0 : i32
    %dma_start3A_1485 = arith.constant 0 : i32
    %dma_start3A_1486 = tpu.memref_slice %arg16[%dma_start3A_1484, %dma_start3A_1485] : memref<4096x64xf32, #tpu.memory_space<vmem_shared>> -> memref<4096x64xf32, #tpu.memory_space<vmem_shared>>
    tpu.enqueue_indirect_dma source(%dma_start3A_1480 : memref<128x64xf32, #tpu.memory_space<vmem>>) target(%dma_start3A_1486 : memref<4096x64xf32, #tpu.memory_space<vmem_shared>>) offsets(%dma_start3A_1483 : memref<128xi32, #tpu.memory_space<vmem>>) semaphore(%arg22 : memref<!tpu.dma_semaphore, #tpu.memory_space<semaphore_mem>>) {add = true}
    %dma_wait3A_1487 = arith.constant 1 : i32
    %dma_wait3A_1488 = arith.constant 3 : i32
    %dma_wait3A_1489 = arith.constant 0 : i32
    %dma_wait3A_1490 = arith.constant 0 : i32
    %dma_wait3A_1491 = tpu.memref_slice %arg12[%dma_wait3A_1487, %dma_wait3A_1489, %dma_wait3A_1490] : memref<3x128x64xf32, #tpu.memory_space<vmem>> -> memref<1x128x64xf32, #tpu.memory_space<vmem>>
    %dma_wait3A_1492 = tpu.memref_squeeze %dma_wait3A_1491 : memref<1x128x64xf32, #tpu.memory_space<vmem>> -> memref<128x64xf32, #tpu.memory_space<vmem>>
    %dma_wait3A_1493 = arith.constant 0 : i32
    %dma_wait3A_1494 = tpu.memref_slice %arg9[%dma_wait3A_1488, %dma_wait3A_1493] : memref<4x128xi32, #tpu.memory_space<vmem>> -> memref<1x128xi32, #tpu.memory_space<vmem>>
    %dma_wait3A_1495 = tpu.memref_squeeze %dma_wait3A_1494 : memref<1x128xi32, #tpu.memory_space<vmem>> -> memref<128xi32, #tpu.memory_space<vmem>>
    %dma_wait3A_1496 = arith.constant 0 : i32
    %dma_wait3A_1497 = arith.constant 0 : i32
    %dma_wait3A_1498 = tpu.memref_slice %arg16[%dma_wait3A_1496, %dma_wait3A_1497] : memref<4096x64xf32, #tpu.memory_space<vmem_shared>> -> memref<4096x64xf32, #tpu.memory_space<vmem_shared>>
    tpu.wait_indirect_dma semaphore(%arg22 : memref<!tpu.dma_semaphore, #tpu.memory_space<semaphore_mem>>) src(%dma_wait3A_1492 : memref<128x64xf32, #tpu.memory_space<vmem>>) dst(%dma_wait3A_1498 : memref<4096x64xf32, #tpu.memory_space<vmem_shared>>)
    %dma_start3A_1499 = arith.constant 0 : i32
    %dma_start3A_1500 = arith.constant 14 : i32
    %dma_start3A_1501 = arith.constant 1 : i32
    %dma_start3A_1502 = arith.constant 0 : i32
    %dma_start3A_1503 = arith.constant 0 : i32
    %dma_start3A_1504 = tpu.memref_slice %arg12[%dma_start3A_1501, %dma_start3A_1502, %dma_start3A_1503] : memref<3x128x64xf32, #tpu.memory_space<vmem>> -> memref<1x128x64xf32, #tpu.memory_space<vmem>>
    %dma_start3A_1505 = tpu.memref_squeeze %dma_start3A_1504 : memref<1x128x64xf32, #tpu.memory_space<vmem>> -> memref<128x64xf32, #tpu.memory_space<vmem>>
    %dma_start3A_1506 = arith.constant 0 : i32
    %dma_start3A_1507 = tpu.memref_slice %arg10[%dma_start3A_1499, %dma_start3A_1500, %dma_start3A_1506] : memref<2x20x128xi32, #tpu.memory_space<vmem>> -> memref<1x1x128xi32, #tpu.memory_space<vmem>>
    %dma_start3A_1508 = tpu.memref_squeeze %dma_start3A_1507 : memref<1x1x128xi32, #tpu.memory_space<vmem>> -> memref<128xi32, #tpu.memory_space<vmem>>
    %dma_start3A_1509 = arith.constant 0 : i32
    %dma_start3A_1510 = arith.constant 0 : i32
    %dma_start3A_1511 = tpu.memref_slice %arg3[%dma_start3A_1509, %dma_start3A_1510] : memref<1000000x64xf32, #tpu.memory_space<hbm>> -> memref<1000000x64xf32, #tpu.memory_space<hbm>>
    tpu.enqueue_indirect_dma source(%dma_start3A_1511 : memref<1000000x64xf32, #tpu.memory_space<hbm>>) target(%dma_start3A_1505 : memref<128x64xf32, #tpu.memory_space<vmem>>) offsets(%dma_start3A_1508 : memref<128xi32, #tpu.memory_space<vmem>>) semaphore(%arg19 : memref<!tpu.dma_semaphore, #tpu.memory_space<semaphore_mem>>)
    %dma_wait3A_1512 = arith.constant 0 : i32
    %dma_wait3A_1513 = arith.constant 13 : i32
    %dma_wait3A_1514 = arith.constant 2 : i32
    %dma_wait3A_1515 = arith.constant 0 : i32
    %dma_wait3A_1516 = arith.constant 0 : i32
    %dma_wait3A_1517 = tpu.memref_slice %arg12[%dma_wait3A_1514, %dma_wait3A_1515, %dma_wait3A_1516] : memref<3x128x64xf32, #tpu.memory_space<vmem>> -> memref<1x128x64xf32, #tpu.memory_space<vmem>>
    %dma_wait3A_1518 = tpu.memref_squeeze %dma_wait3A_1517 : memref<1x128x64xf32, #tpu.memory_space<vmem>> -> memref<128x64xf32, #tpu.memory_space<vmem>>
    %dma_wait3A_1519 = arith.constant 0 : i32
    %dma_wait3A_1520 = tpu.memref_slice %arg10[%dma_wait3A_1512, %dma_wait3A_1513, %dma_wait3A_1519] : memref<2x20x128xi32, #tpu.memory_space<vmem>> -> memref<1x1x128xi32, #tpu.memory_space<vmem>>
    %dma_wait3A_1521 = tpu.memref_squeeze %dma_wait3A_1520 : memref<1x1x128xi32, #tpu.memory_space<vmem>> -> memref<128xi32, #tpu.memory_space<vmem>>
    %dma_wait3A_1522 = arith.constant 0 : i32
    %dma_wait3A_1523 = arith.constant 0 : i32
    %dma_wait3A_1524 = tpu.memref_slice %arg3[%dma_wait3A_1522, %dma_wait3A_1523] : memref<1000000x64xf32, #tpu.memory_space<hbm>> -> memref<1000000x64xf32, #tpu.memory_space<hbm>>
    tpu.wait_indirect_dma semaphore(%arg20 : memref<!tpu.dma_semaphore, #tpu.memory_space<semaphore_mem>>) src(%dma_wait3A_1524 : memref<1000000x64xf32, #tpu.memory_space<hbm>>) dst(%dma_wait3A_1518 : memref<128x64xf32, #tpu.memory_space<vmem>>)
    %dma_start3A_1525 = arith.constant 2 : i32
    %dma_start3A_1526 = arith.constant 2 : i32
    %dma_start3A_1527 = arith.constant 0 : i32
    %dma_start3A_1528 = arith.constant 0 : i32
    %dma_start3A_1529 = tpu.memref_slice %arg12[%dma_start3A_1525, %dma_start3A_1527, %dma_start3A_1528] : memref<3x128x64xf32, #tpu.memory_space<vmem>> -> memref<1x128x64xf32, #tpu.memory_space<vmem>>
    %dma_start3A_1530 = tpu.memref_squeeze %dma_start3A_1529 : memref<1x128x64xf32, #tpu.memory_space<vmem>> -> memref<128x64xf32, #tpu.memory_space<vmem>>
    %dma_start3A_1531 = arith.constant 0 : i32
    %dma_start3A_1532 = tpu.memref_slice %arg9[%dma_start3A_1526, %dma_start3A_1531] : memref<4x128xi32, #tpu.memory_space<vmem>> -> memref<1x128xi32, #tpu.memory_space<vmem>>
    %dma_start3A_1533 = tpu.memref_squeeze %dma_start3A_1532 : memref<1x128xi32, #tpu.memory_space<vmem>> -> memref<128xi32, #tpu.memory_space<vmem>>
    %dma_start3A_1534 = arith.constant 0 : i32
    %dma_start3A_1535 = arith.constant 0 : i32
    %dma_start3A_1536 = tpu.memref_slice %arg16[%dma_start3A_1534, %dma_start3A_1535] : memref<4096x64xf32, #tpu.memory_space<vmem_shared>> -> memref<4096x64xf32, #tpu.memory_space<vmem_shared>>
    tpu.enqueue_indirect_dma source(%dma_start3A_1530 : memref<128x64xf32, #tpu.memory_space<vmem>>) target(%dma_start3A_1536 : memref<4096x64xf32, #tpu.memory_space<vmem_shared>>) offsets(%dma_start3A_1533 : memref<128xi32, #tpu.memory_space<vmem>>) semaphore(%arg23 : memref<!tpu.dma_semaphore, #tpu.memory_space<semaphore_mem>>) {add = true}
    %dma_wait3A_1537 = arith.constant 2 : i32
    %dma_wait3A_1538 = arith.constant 2 : i32
    %dma_wait3A_1539 = arith.constant 0 : i32
    %dma_wait3A_1540 = arith.constant 0 : i32
    %dma_wait3A_1541 = tpu.memref_slice %arg12[%dma_wait3A_1537, %dma_wait3A_1539, %dma_wait3A_1540] : memref<3x128x64xf32, #tpu.memory_space<vmem>> -> memref<1x128x64xf32, #tpu.memory_space<vmem>>
    %dma_wait3A_1542 = tpu.memref_squeeze %dma_wait3A_1541 : memref<1x128x64xf32, #tpu.memory_space<vmem>> -> memref<128x64xf32, #tpu.memory_space<vmem>>
    %dma_wait3A_1543 = arith.constant 0 : i32
    %dma_wait3A_1544 = tpu.memref_slice %arg9[%dma_wait3A_1538, %dma_wait3A_1543] : memref<4x128xi32, #tpu.memory_space<vmem>> -> memref<1x128xi32, #tpu.memory_space<vmem>>
    %dma_wait3A_1545 = tpu.memref_squeeze %dma_wait3A_1544 : memref<1x128xi32, #tpu.memory_space<vmem>> -> memref<128xi32, #tpu.memory_space<vmem>>
    %dma_wait3A_1546 = arith.constant 0 : i32
    %dma_wait3A_1547 = arith.constant 0 : i32
    %dma_wait3A_1548 = tpu.memref_slice %arg16[%dma_wait3A_1546, %dma_wait3A_1547] : memref<4096x64xf32, #tpu.memory_space<vmem_shared>> -> memref<4096x64xf32, #tpu.memory_space<vmem_shared>>
    tpu.wait_indirect_dma semaphore(%arg23 : memref<!tpu.dma_semaphore, #tpu.memory_space<semaphore_mem>>) src(%dma_wait3A_1542 : memref<128x64xf32, #tpu.memory_space<vmem>>) dst(%dma_wait3A_1548 : memref<4096x64xf32, #tpu.memory_space<vmem_shared>>)
    %dma_start3A_1549 = arith.constant 1 : i32
    %dma_start3A_1550 = arith.constant 14 : i32
    %dma_start3A_1551 = arith.constant 2 : i32
    %dma_start3A_1552 = arith.constant 0 : i32
    %dma_start3A_1553 = arith.constant 0 : i32
    %dma_start3A_1554 = tpu.memref_slice %arg12[%dma_start3A_1551, %dma_start3A_1552, %dma_start3A_1553] : memref<3x128x64xf32, #tpu.memory_space<vmem>> -> memref<1x128x64xf32, #tpu.memory_space<vmem>>
    %dma_start3A_1555 = tpu.memref_squeeze %dma_start3A_1554 : memref<1x128x64xf32, #tpu.memory_space<vmem>> -> memref<128x64xf32, #tpu.memory_space<vmem>>
    %dma_start3A_1556 = arith.constant 0 : i32
    %dma_start3A_1557 = tpu.memref_slice %arg10[%dma_start3A_1549, %dma_start3A_1550, %dma_start3A_1556] : memref<2x20x128xi32, #tpu.memory_space<vmem>> -> memref<1x1x128xi32, #tpu.memory_space<vmem>>
    %dma_start3A_1558 = tpu.memref_squeeze %dma_start3A_1557 : memref<1x1x128xi32, #tpu.memory_space<vmem>> -> memref<128xi32, #tpu.memory_space<vmem>>
    %dma_start3A_1559 = arith.constant 0 : i32
    %dma_start3A_1560 = arith.constant 0 : i32
    %dma_start3A_1561 = tpu.memref_slice %arg3[%dma_start3A_1559, %dma_start3A_1560] : memref<1000000x64xf32, #tpu.memory_space<hbm>> -> memref<1000000x64xf32, #tpu.memory_space<hbm>>
    tpu.enqueue_indirect_dma source(%dma_start3A_1561 : memref<1000000x64xf32, #tpu.memory_space<hbm>>) target(%dma_start3A_1555 : memref<128x64xf32, #tpu.memory_space<vmem>>) offsets(%dma_start3A_1558 : memref<128xi32, #tpu.memory_space<vmem>>) semaphore(%arg20 : memref<!tpu.dma_semaphore, #tpu.memory_space<semaphore_mem>>)
    %dma_wait3A_1562 = arith.constant 1 : i32
    %dma_wait3A_1563 = arith.constant 13 : i32
    %dma_wait3A_1564 = arith.constant 0 : i32
    %dma_wait3A_1565 = arith.constant 0 : i32
    %dma_wait3A_1566 = arith.constant 0 : i32
    %dma_wait3A_1567 = tpu.memref_slice %arg12[%dma_wait3A_1564, %dma_wait3A_1565, %dma_wait3A_1566] : memref<3x128x64xf32, #tpu.memory_space<vmem>> -> memref<1x128x64xf32, #tpu.memory_space<vmem>>
    %dma_wait3A_1568 = tpu.memref_squeeze %dma_wait3A_1567 : memref<1x128x64xf32, #tpu.memory_space<vmem>> -> memref<128x64xf32, #tpu.memory_space<vmem>>
    %dma_wait3A_1569 = arith.constant 0 : i32
    %dma_wait3A_1570 = tpu.memref_slice %arg10[%dma_wait3A_1562, %dma_wait3A_1563, %dma_wait3A_1569] : memref<2x20x128xi32, #tpu.memory_space<vmem>> -> memref<1x1x128xi32, #tpu.memory_space<vmem>>
    %dma_wait3A_1571 = tpu.memref_squeeze %dma_wait3A_1570 : memref<1x1x128xi32, #tpu.memory_space<vmem>> -> memref<128xi32, #tpu.memory_space<vmem>>
    %dma_wait3A_1572 = arith.constant 0 : i32
    %dma_wait3A_1573 = arith.constant 0 : i32
    %dma_wait3A_1574 = tpu.memref_slice %arg3[%dma_wait3A_1572, %dma_wait3A_1573] : memref<1000000x64xf32, #tpu.memory_space<hbm>> -> memref<1000000x64xf32, #tpu.memory_space<hbm>>
    tpu.wait_indirect_dma semaphore(%arg18 : memref<!tpu.dma_semaphore, #tpu.memory_space<semaphore_mem>>) src(%dma_wait3A_1574 : memref<1000000x64xf32, #tpu.memory_space<hbm>>) dst(%dma_wait3A_1568 : memref<128x64xf32, #tpu.memory_space<vmem>>)
    %dma_start3A_1575 = arith.constant 0 : i32
    %dma_start3A_1576 = arith.constant 3 : i32
    %dma_start3A_1577 = arith.constant 0 : i32
    %dma_start3A_1578 = arith.constant 0 : i32
    %dma_start3A_1579 = tpu.memref_slice %arg12[%dma_start3A_1575, %dma_start3A_1577, %dma_start3A_1578] : memref<3x128x64xf32, #tpu.memory_space<vmem>> -> memref<1x128x64xf32, #tpu.memory_space<vmem>>
    %dma_start3A_1580 = tpu.memref_squeeze %dma_start3A_1579 : memref<1x128x64xf32, #tpu.memory_space<vmem>> -> memref<128x64xf32, #tpu.memory_space<vmem>>
    %dma_start3A_1581 = arith.constant 0 : i32
    %dma_start3A_1582 = tpu.memref_slice %arg9[%dma_start3A_1576, %dma_start3A_1581] : memref<4x128xi32, #tpu.memory_space<vmem>> -> memref<1x128xi32, #tpu.memory_space<vmem>>
    %dma_start3A_1583 = tpu.memref_squeeze %dma_start3A_1582 : memref<1x128xi32, #tpu.memory_space<vmem>> -> memref<128xi32, #tpu.memory_space<vmem>>
    %dma_start3A_1584 = arith.constant 0 : i32
    %dma_start3A_1585 = arith.constant 0 : i32
    %dma_start3A_1586 = tpu.memref_slice %arg16[%dma_start3A_1584, %dma_start3A_1585] : memref<4096x64xf32, #tpu.memory_space<vmem_shared>> -> memref<4096x64xf32, #tpu.memory_space<vmem_shared>>
    tpu.enqueue_indirect_dma source(%dma_start3A_1580 : memref<128x64xf32, #tpu.memory_space<vmem>>) target(%dma_start3A_1586 : memref<4096x64xf32, #tpu.memory_space<vmem_shared>>) offsets(%dma_start3A_1583 : memref<128xi32, #tpu.memory_space<vmem>>) semaphore(%arg21 : memref<!tpu.dma_semaphore, #tpu.memory_space<semaphore_mem>>) {add = true}
    %dma_wait3A_1587 = arith.constant 0 : i32
    %dma_wait3A_1588 = arith.constant 3 : i32
    %dma_wait3A_1589 = arith.constant 0 : i32
    %dma_wait3A_1590 = arith.constant 0 : i32
    %dma_wait3A_1591 = tpu.memref_slice %arg12[%dma_wait3A_1587, %dma_wait3A_1589, %dma_wait3A_1590] : memref<3x128x64xf32, #tpu.memory_space<vmem>> -> memref<1x128x64xf32, #tpu.memory_space<vmem>>
    %dma_wait3A_1592 = tpu.memref_squeeze %dma_wait3A_1591 : memref<1x128x64xf32, #tpu.memory_space<vmem>> -> memref<128x64xf32, #tpu.memory_space<vmem>>
    %dma_wait3A_1593 = arith.constant 0 : i32
    %dma_wait3A_1594 = tpu.memref_slice %arg9[%dma_wait3A_1588, %dma_wait3A_1593] : memref<4x128xi32, #tpu.memory_space<vmem>> -> memref<1x128xi32, #tpu.memory_space<vmem>>
    %dma_wait3A_1595 = tpu.memref_squeeze %dma_wait3A_1594 : memref<1x128xi32, #tpu.memory_space<vmem>> -> memref<128xi32, #tpu.memory_space<vmem>>
    %dma_wait3A_1596 = arith.constant 0 : i32
    %dma_wait3A_1597 = arith.constant 0 : i32
    %dma_wait3A_1598 = tpu.memref_slice %arg16[%dma_wait3A_1596, %dma_wait3A_1597] : memref<4096x64xf32, #tpu.memory_space<vmem_shared>> -> memref<4096x64xf32, #tpu.memory_space<vmem_shared>>
    tpu.wait_indirect_dma semaphore(%arg21 : memref<!tpu.dma_semaphore, #tpu.memory_space<semaphore_mem>>) src(%dma_wait3A_1592 : memref<128x64xf32, #tpu.memory_space<vmem>>) dst(%dma_wait3A_1598 : memref<4096x64xf32, #tpu.memory_space<vmem_shared>>)
    %dma_start3A_1599 = arith.constant 0 : i32
    %dma_start3A_1600 = arith.constant 15 : i32
    %dma_start3A_1601 = arith.constant 0 : i32
    %dma_start3A_1602 = arith.constant 0 : i32
    %dma_start3A_1603 = arith.constant 0 : i32
    %dma_start3A_1604 = tpu.memref_slice %arg12[%dma_start3A_1601, %dma_start3A_1602, %dma_start3A_1603] : memref<3x128x64xf32, #tpu.memory_space<vmem>> -> memref<1x128x64xf32, #tpu.memory_space<vmem>>
    %dma_start3A_1605 = tpu.memref_squeeze %dma_start3A_1604 : memref<1x128x64xf32, #tpu.memory_space<vmem>> -> memref<128x64xf32, #tpu.memory_space<vmem>>
    %dma_start3A_1606 = arith.constant 0 : i32
    %dma_start3A_1607 = tpu.memref_slice %arg10[%dma_start3A_1599, %dma_start3A_1600, %dma_start3A_1606] : memref<2x20x128xi32, #tpu.memory_space<vmem>> -> memref<1x1x128xi32, #tpu.memory_space<vmem>>
    %dma_start3A_1608 = tpu.memref_squeeze %dma_start3A_1607 : memref<1x1x128xi32, #tpu.memory_space<vmem>> -> memref<128xi32, #tpu.memory_space<vmem>>
    %dma_start3A_1609 = arith.constant 0 : i32
    %dma_start3A_1610 = arith.constant 0 : i32
    %dma_start3A_1611 = tpu.memref_slice %arg3[%dma_start3A_1609, %dma_start3A_1610] : memref<1000000x64xf32, #tpu.memory_space<hbm>> -> memref<1000000x64xf32, #tpu.memory_space<hbm>>
    tpu.enqueue_indirect_dma source(%dma_start3A_1611 : memref<1000000x64xf32, #tpu.memory_space<hbm>>) target(%dma_start3A_1605 : memref<128x64xf32, #tpu.memory_space<vmem>>) offsets(%dma_start3A_1608 : memref<128xi32, #tpu.memory_space<vmem>>) semaphore(%arg18 : memref<!tpu.dma_semaphore, #tpu.memory_space<semaphore_mem>>)
    %dma_wait3A_1612 = arith.constant 0 : i32
    %dma_wait3A_1613 = arith.constant 14 : i32
    %dma_wait3A_1614 = arith.constant 1 : i32
    %dma_wait3A_1615 = arith.constant 0 : i32
    %dma_wait3A_1616 = arith.constant 0 : i32
    %dma_wait3A_1617 = tpu.memref_slice %arg12[%dma_wait3A_1614, %dma_wait3A_1615, %dma_wait3A_1616] : memref<3x128x64xf32, #tpu.memory_space<vmem>> -> memref<1x128x64xf32, #tpu.memory_space<vmem>>
    %dma_wait3A_1618 = tpu.memref_squeeze %dma_wait3A_1617 : memref<1x128x64xf32, #tpu.memory_space<vmem>> -> memref<128x64xf32, #tpu.memory_space<vmem>>
    %dma_wait3A_1619 = arith.constant 0 : i32
    %dma_wait3A_1620 = tpu.memref_slice %arg10[%dma_wait3A_1612, %dma_wait3A_1613, %dma_wait3A_1619] : memref<2x20x128xi32, #tpu.memory_space<vmem>> -> memref<1x1x128xi32, #tpu.memory_space<vmem>>
    %dma_wait3A_1621 = tpu.memref_squeeze %dma_wait3A_1620 : memref<1x1x128xi32, #tpu.memory_space<vmem>> -> memref<128xi32, #tpu.memory_space<vmem>>
    %dma_wait3A_1622 = arith.constant 0 : i32
    %dma_wait3A_1623 = arith.constant 0 : i32
    %dma_wait3A_1624 = tpu.memref_slice %arg3[%dma_wait3A_1622, %dma_wait3A_1623] : memref<1000000x64xf32, #tpu.memory_space<hbm>> -> memref<1000000x64xf32, #tpu.memory_space<hbm>>
    tpu.wait_indirect_dma semaphore(%arg19 : memref<!tpu.dma_semaphore, #tpu.memory_space<semaphore_mem>>) src(%dma_wait3A_1624 : memref<1000000x64xf32, #tpu.memory_space<hbm>>) dst(%dma_wait3A_1618 : memref<128x64xf32, #tpu.memory_space<vmem>>)
    %dma_start3A_1625 = arith.constant 1 : i32
    %dma_start3A_1626 = arith.constant 2 : i32
    %dma_start3A_1627 = arith.constant 0 : i32
    %dma_start3A_1628 = arith.constant 0 : i32
    %dma_start3A_1629 = tpu.memref_slice %arg12[%dma_start3A_1625, %dma_start3A_1627, %dma_start3A_1628] : memref<3x128x64xf32, #tpu.memory_space<vmem>> -> memref<1x128x64xf32, #tpu.memory_space<vmem>>
    %dma_start3A_1630 = tpu.memref_squeeze %dma_start3A_1629 : memref<1x128x64xf32, #tpu.memory_space<vmem>> -> memref<128x64xf32, #tpu.memory_space<vmem>>
    %dma_start3A_1631 = arith.constant 0 : i32
    %dma_start3A_1632 = tpu.memref_slice %arg9[%dma_start3A_1626, %dma_start3A_1631] : memref<4x128xi32, #tpu.memory_space<vmem>> -> memref<1x128xi32, #tpu.memory_space<vmem>>
    %dma_start3A_1633 = tpu.memref_squeeze %dma_start3A_1632 : memref<1x128xi32, #tpu.memory_space<vmem>> -> memref<128xi32, #tpu.memory_space<vmem>>
    %dma_start3A_1634 = arith.constant 0 : i32
    %dma_start3A_1635 = arith.constant 0 : i32
    %dma_start3A_1636 = tpu.memref_slice %arg16[%dma_start3A_1634, %dma_start3A_1635] : memref<4096x64xf32, #tpu.memory_space<vmem_shared>> -> memref<4096x64xf32, #tpu.memory_space<vmem_shared>>
    tpu.enqueue_indirect_dma source(%dma_start3A_1630 : memref<128x64xf32, #tpu.memory_space<vmem>>) target(%dma_start3A_1636 : memref<4096x64xf32, #tpu.memory_space<vmem_shared>>) offsets(%dma_start3A_1633 : memref<128xi32, #tpu.memory_space<vmem>>) semaphore(%arg22 : memref<!tpu.dma_semaphore, #tpu.memory_space<semaphore_mem>>) {add = true}
    %dma_wait3A_1637 = arith.constant 1 : i32
    %dma_wait3A_1638 = arith.constant 2 : i32
    %dma_wait3A_1639 = arith.constant 0 : i32
    %dma_wait3A_1640 = arith.constant 0 : i32
    %dma_wait3A_1641 = tpu.memref_slice %arg12[%dma_wait3A_1637, %dma_wait3A_1639, %dma_wait3A_1640] : memref<3x128x64xf32, #tpu.memory_space<vmem>> -> memref<1x128x64xf32, #tpu.memory_space<vmem>>
    %dma_wait3A_1642 = tpu.memref_squeeze %dma_wait3A_1641 : memref<1x128x64xf32, #tpu.memory_space<vmem>> -> memref<128x64xf32, #tpu.memory_space<vmem>>
    %dma_wait3A_1643 = arith.constant 0 : i32
    %dma_wait3A_1644 = tpu.memref_slice %arg9[%dma_wait3A_1638, %dma_wait3A_1643] : memref<4x128xi32, #tpu.memory_space<vmem>> -> memref<1x128xi32, #tpu.memory_space<vmem>>
    %dma_wait3A_1645 = tpu.memref_squeeze %dma_wait3A_1644 : memref<1x128xi32, #tpu.memory_space<vmem>> -> memref<128xi32, #tpu.memory_space<vmem>>
    %dma_wait3A_1646 = arith.constant 0 : i32
    %dma_wait3A_1647 = arith.constant 0 : i32
    %dma_wait3A_1648 = tpu.memref_slice %arg16[%dma_wait3A_1646, %dma_wait3A_1647] : memref<4096x64xf32, #tpu.memory_space<vmem_shared>> -> memref<4096x64xf32, #tpu.memory_space<vmem_shared>>
    tpu.wait_indirect_dma semaphore(%arg22 : memref<!tpu.dma_semaphore, #tpu.memory_space<semaphore_mem>>) src(%dma_wait3A_1642 : memref<128x64xf32, #tpu.memory_space<vmem>>) dst(%dma_wait3A_1648 : memref<4096x64xf32, #tpu.memory_space<vmem_shared>>)
    %dma_start3A_1649 = arith.constant 1 : i32
    %dma_start3A_1650 = arith.constant 15 : i32
    %dma_start3A_1651 = arith.constant 1 : i32
    %dma_start3A_1652 = arith.constant 0 : i32
    %dma_start3A_1653 = arith.constant 0 : i32
    %dma_start3A_1654 = tpu.memref_slice %arg12[%dma_start3A_1651, %dma_start3A_1652, %dma_start3A_1653] : memref<3x128x64xf32, #tpu.memory_space<vmem>> -> memref<1x128x64xf32, #tpu.memory_space<vmem>>
    %dma_start3A_1655 = tpu.memref_squeeze %dma_start3A_1654 : memref<1x128x64xf32, #tpu.memory_space<vmem>> -> memref<128x64xf32, #tpu.memory_space<vmem>>
    %dma_start3A_1656 = arith.constant 0 : i32
    %dma_start3A_1657 = tpu.memref_slice %arg10[%dma_start3A_1649, %dma_start3A_1650, %dma_start3A_1656] : memref<2x20x128xi32, #tpu.memory_space<vmem>> -> memref<1x1x128xi32, #tpu.memory_space<vmem>>
    %dma_start3A_1658 = tpu.memref_squeeze %dma_start3A_1657 : memref<1x1x128xi32, #tpu.memory_space<vmem>> -> memref<128xi32, #tpu.memory_space<vmem>>
    %dma_start3A_1659 = arith.constant 0 : i32
    %dma_start3A_1660 = arith.constant 0 : i32
    %dma_start3A_1661 = tpu.memref_slice %arg3[%dma_start3A_1659, %dma_start3A_1660] : memref<1000000x64xf32, #tpu.memory_space<hbm>> -> memref<1000000x64xf32, #tpu.memory_space<hbm>>
    tpu.enqueue_indirect_dma source(%dma_start3A_1661 : memref<1000000x64xf32, #tpu.memory_space<hbm>>) target(%dma_start3A_1655 : memref<128x64xf32, #tpu.memory_space<vmem>>) offsets(%dma_start3A_1658 : memref<128xi32, #tpu.memory_space<vmem>>) semaphore(%arg19 : memref<!tpu.dma_semaphore, #tpu.memory_space<semaphore_mem>>)
    %dma_wait3A_1662 = arith.constant 1 : i32
    %dma_wait3A_1663 = arith.constant 14 : i32
    %dma_wait3A_1664 = arith.constant 2 : i32
    %dma_wait3A_1665 = arith.constant 0 : i32
    %dma_wait3A_1666 = arith.constant 0 : i32
    %dma_wait3A_1667 = tpu.memref_slice %arg12[%dma_wait3A_1664, %dma_wait3A_1665, %dma_wait3A_1666] : memref<3x128x64xf32, #tpu.memory_space<vmem>> -> memref<1x128x64xf32, #tpu.memory_space<vmem>>
    %dma_wait3A_1668 = tpu.memref_squeeze %dma_wait3A_1667 : memref<1x128x64xf32, #tpu.memory_space<vmem>> -> memref<128x64xf32, #tpu.memory_space<vmem>>
    %dma_wait3A_1669 = arith.constant 0 : i32
    %dma_wait3A_1670 = tpu.memref_slice %arg10[%dma_wait3A_1662, %dma_wait3A_1663, %dma_wait3A_1669] : memref<2x20x128xi32, #tpu.memory_space<vmem>> -> memref<1x1x128xi32, #tpu.memory_space<vmem>>
    %dma_wait3A_1671 = tpu.memref_squeeze %dma_wait3A_1670 : memref<1x1x128xi32, #tpu.memory_space<vmem>> -> memref<128xi32, #tpu.memory_space<vmem>>
    %dma_wait3A_1672 = arith.constant 0 : i32
    %dma_wait3A_1673 = arith.constant 0 : i32
    %dma_wait3A_1674 = tpu.memref_slice %arg3[%dma_wait3A_1672, %dma_wait3A_1673] : memref<1000000x64xf32, #tpu.memory_space<hbm>> -> memref<1000000x64xf32, #tpu.memory_space<hbm>>
    tpu.wait_indirect_dma semaphore(%arg20 : memref<!tpu.dma_semaphore, #tpu.memory_space<semaphore_mem>>) src(%dma_wait3A_1674 : memref<1000000x64xf32, #tpu.memory_space<hbm>>) dst(%dma_wait3A_1668 : memref<128x64xf32, #tpu.memory_space<vmem>>)
    %dma_start3A_1675 = arith.constant 2 : i32
    %dma_start3A_1676 = arith.constant 3 : i32
    %dma_start3A_1677 = arith.constant 0 : i32
    %dma_start3A_1678 = arith.constant 0 : i32
    %dma_start3A_1679 = tpu.memref_slice %arg12[%dma_start3A_1675, %dma_start3A_1677, %dma_start3A_1678] : memref<3x128x64xf32, #tpu.memory_space<vmem>> -> memref<1x128x64xf32, #tpu.memory_space<vmem>>
    %dma_start3A_1680 = tpu.memref_squeeze %dma_start3A_1679 : memref<1x128x64xf32, #tpu.memory_space<vmem>> -> memref<128x64xf32, #tpu.memory_space<vmem>>
    %dma_start3A_1681 = arith.constant 0 : i32
    %dma_start3A_1682 = tpu.memref_slice %arg9[%dma_start3A_1676, %dma_start3A_1681] : memref<4x128xi32, #tpu.memory_space<vmem>> -> memref<1x128xi32, #tpu.memory_space<vmem>>
    %dma_start3A_1683 = tpu.memref_squeeze %dma_start3A_1682 : memref<1x128xi32, #tpu.memory_space<vmem>> -> memref<128xi32, #tpu.memory_space<vmem>>
    %dma_start3A_1684 = arith.constant 0 : i32
    %dma_start3A_1685 = arith.constant 0 : i32
    %dma_start3A_1686 = tpu.memref_slice %arg16[%dma_start3A_1684, %dma_start3A_1685] : memref<4096x64xf32, #tpu.memory_space<vmem_shared>> -> memref<4096x64xf32, #tpu.memory_space<vmem_shared>>
    tpu.enqueue_indirect_dma source(%dma_start3A_1680 : memref<128x64xf32, #tpu.memory_space<vmem>>) target(%dma_start3A_1686 : memref<4096x64xf32, #tpu.memory_space<vmem_shared>>) offsets(%dma_start3A_1683 : memref<128xi32, #tpu.memory_space<vmem>>) semaphore(%arg23 : memref<!tpu.dma_semaphore, #tpu.memory_space<semaphore_mem>>) {add = true}
    %dma_wait3A_1687 = arith.constant 2 : i32
    %dma_wait3A_1688 = arith.constant 3 : i32
    %dma_wait3A_1689 = arith.constant 0 : i32
    %dma_wait3A_1690 = arith.constant 0 : i32
    %dma_wait3A_1691 = tpu.memref_slice %arg12[%dma_wait3A_1687, %dma_wait3A_1689, %dma_wait3A_1690] : memref<3x128x64xf32, #tpu.memory_space<vmem>> -> memref<1x128x64xf32, #tpu.memory_space<vmem>>
    %dma_wait3A_1692 = tpu.memref_squeeze %dma_wait3A_1691 : memref<1x128x64xf32, #tpu.memory_space<vmem>> -> memref<128x64xf32, #tpu.memory_space<vmem>>
    %dma_wait3A_1693 = arith.constant 0 : i32
    %dma_wait3A_1694 = tpu.memref_slice %arg9[%dma_wait3A_1688, %dma_wait3A_1693] : memref<4x128xi32, #tpu.memory_space<vmem>> -> memref<1x128xi32, #tpu.memory_space<vmem>>
    %dma_wait3A_1695 = tpu.memref_squeeze %dma_wait3A_1694 : memref<1x128xi32, #tpu.memory_space<vmem>> -> memref<128xi32, #tpu.memory_space<vmem>>
    %dma_wait3A_1696 = arith.constant 0 : i32
    %dma_wait3A_1697 = arith.constant 0 : i32
    %dma_wait3A_1698 = tpu.memref_slice %arg16[%dma_wait3A_1696, %dma_wait3A_1697] : memref<4096x64xf32, #tpu.memory_space<vmem_shared>> -> memref<4096x64xf32, #tpu.memory_space<vmem_shared>>
    tpu.wait_indirect_dma semaphore(%arg23 : memref<!tpu.dma_semaphore, #tpu.memory_space<semaphore_mem>>) src(%dma_wait3A_1692 : memref<128x64xf32, #tpu.memory_space<vmem>>) dst(%dma_wait3A_1698 : memref<4096x64xf32, #tpu.memory_space<vmem_shared>>)
    %dma_start3A_1699 = arith.constant 0 : i32
    %dma_start3A_1700 = arith.constant 16 : i32
    %dma_start3A_1701 = arith.constant 2 : i32
    %dma_start3A_1702 = arith.constant 0 : i32
    %dma_start3A_1703 = arith.constant 0 : i32
    %dma_start3A_1704 = tpu.memref_slice %arg12[%dma_start3A_1701, %dma_start3A_1702, %dma_start3A_1703] : memref<3x128x64xf32, #tpu.memory_space<vmem>> -> memref<1x128x64xf32, #tpu.memory_space<vmem>>
    %dma_start3A_1705 = tpu.memref_squeeze %dma_start3A_1704 : memref<1x128x64xf32, #tpu.memory_space<vmem>> -> memref<128x64xf32, #tpu.memory_space<vmem>>
    %dma_start3A_1706 = arith.constant 0 : i32
    %dma_start3A_1707 = tpu.memref_slice %arg10[%dma_start3A_1699, %dma_start3A_1700, %dma_start3A_1706] : memref<2x20x128xi32, #tpu.memory_space<vmem>> -> memref<1x1x128xi32, #tpu.memory_space<vmem>>
    %dma_start3A_1708 = tpu.memref_squeeze %dma_start3A_1707 : memref<1x1x128xi32, #tpu.memory_space<vmem>> -> memref<128xi32, #tpu.memory_space<vmem>>
    %dma_start3A_1709 = arith.constant 0 : i32
    %dma_start3A_1710 = arith.constant 0 : i32
    %dma_start3A_1711 = tpu.memref_slice %arg3[%dma_start3A_1709, %dma_start3A_1710] : memref<1000000x64xf32, #tpu.memory_space<hbm>> -> memref<1000000x64xf32, #tpu.memory_space<hbm>>
    tpu.enqueue_indirect_dma source(%dma_start3A_1711 : memref<1000000x64xf32, #tpu.memory_space<hbm>>) target(%dma_start3A_1705 : memref<128x64xf32, #tpu.memory_space<vmem>>) offsets(%dma_start3A_1708 : memref<128xi32, #tpu.memory_space<vmem>>) semaphore(%arg20 : memref<!tpu.dma_semaphore, #tpu.memory_space<semaphore_mem>>)
    %dma_wait3A_1712 = arith.constant 0 : i32
    %dma_wait3A_1713 = arith.constant 15 : i32
    %dma_wait3A_1714 = arith.constant 0 : i32
    %dma_wait3A_1715 = arith.constant 0 : i32
    %dma_wait3A_1716 = arith.constant 0 : i32
    %dma_wait3A_1717 = tpu.memref_slice %arg12[%dma_wait3A_1714, %dma_wait3A_1715, %dma_wait3A_1716] : memref<3x128x64xf32, #tpu.memory_space<vmem>> -> memref<1x128x64xf32, #tpu.memory_space<vmem>>
    %dma_wait3A_1718 = tpu.memref_squeeze %dma_wait3A_1717 : memref<1x128x64xf32, #tpu.memory_space<vmem>> -> memref<128x64xf32, #tpu.memory_space<vmem>>
    %dma_wait3A_1719 = arith.constant 0 : i32
    %dma_wait3A_1720 = tpu.memref_slice %arg10[%dma_wait3A_1712, %dma_wait3A_1713, %dma_wait3A_1719] : memref<2x20x128xi32, #tpu.memory_space<vmem>> -> memref<1x1x128xi32, #tpu.memory_space<vmem>>
    %dma_wait3A_1721 = tpu.memref_squeeze %dma_wait3A_1720 : memref<1x1x128xi32, #tpu.memory_space<vmem>> -> memref<128xi32, #tpu.memory_space<vmem>>
    %dma_wait3A_1722 = arith.constant 0 : i32
    %dma_wait3A_1723 = arith.constant 0 : i32
    %dma_wait3A_1724 = tpu.memref_slice %arg3[%dma_wait3A_1722, %dma_wait3A_1723] : memref<1000000x64xf32, #tpu.memory_space<hbm>> -> memref<1000000x64xf32, #tpu.memory_space<hbm>>
    tpu.wait_indirect_dma semaphore(%arg18 : memref<!tpu.dma_semaphore, #tpu.memory_space<semaphore_mem>>) src(%dma_wait3A_1724 : memref<1000000x64xf32, #tpu.memory_space<hbm>>) dst(%dma_wait3A_1718 : memref<128x64xf32, #tpu.memory_space<vmem>>)
    %dma_start3A_1725 = arith.constant 0 : i32
    %dma_start3A_1726 = arith.constant 2 : i32
    %dma_start3A_1727 = arith.constant 0 : i32
    %dma_start3A_1728 = arith.constant 0 : i32
    %dma_start3A_1729 = tpu.memref_slice %arg12[%dma_start3A_1725, %dma_start3A_1727, %dma_start3A_1728] : memref<3x128x64xf32, #tpu.memory_space<vmem>> -> memref<1x128x64xf32, #tpu.memory_space<vmem>>
    %dma_start3A_1730 = tpu.memref_squeeze %dma_start3A_1729 : memref<1x128x64xf32, #tpu.memory_space<vmem>> -> memref<128x64xf32, #tpu.memory_space<vmem>>
    %dma_start3A_1731 = arith.constant 0 : i32
    %dma_start3A_1732 = tpu.memref_slice %arg9[%dma_start3A_1726, %dma_start3A_1731] : memref<4x128xi32, #tpu.memory_space<vmem>> -> memref<1x128xi32, #tpu.memory_space<vmem>>
    %dma_start3A_1733 = tpu.memref_squeeze %dma_start3A_1732 : memref<1x128xi32, #tpu.memory_space<vmem>> -> memref<128xi32, #tpu.memory_space<vmem>>
    %dma_start3A_1734 = arith.constant 0 : i32
    %dma_start3A_1735 = arith.constant 0 : i32
    %dma_start3A_1736 = tpu.memref_slice %arg16[%dma_start3A_1734, %dma_start3A_1735] : memref<4096x64xf32, #tpu.memory_space<vmem_shared>> -> memref<4096x64xf32, #tpu.memory_space<vmem_shared>>
    tpu.enqueue_indirect_dma source(%dma_start3A_1730 : memref<128x64xf32, #tpu.memory_space<vmem>>) target(%dma_start3A_1736 : memref<4096x64xf32, #tpu.memory_space<vmem_shared>>) offsets(%dma_start3A_1733 : memref<128xi32, #tpu.memory_space<vmem>>) semaphore(%arg21 : memref<!tpu.dma_semaphore, #tpu.memory_space<semaphore_mem>>) {add = true}
    %dma_wait3A_1737 = arith.constant 0 : i32
    %dma_wait3A_1738 = arith.constant 2 : i32
    %dma_wait3A_1739 = arith.constant 0 : i32
    %dma_wait3A_1740 = arith.constant 0 : i32
    %dma_wait3A_1741 = tpu.memref_slice %arg12[%dma_wait3A_1737, %dma_wait3A_1739, %dma_wait3A_1740] : memref<3x128x64xf32, #tpu.memory_space<vmem>> -> memref<1x128x64xf32, #tpu.memory_space<vmem>>
    %dma_wait3A_1742 = tpu.memref_squeeze %dma_wait3A_1741 : memref<1x128x64xf32, #tpu.memory_space<vmem>> -> memref<128x64xf32, #tpu.memory_space<vmem>>
    %dma_wait3A_1743 = arith.constant 0 : i32
    %dma_wait3A_1744 = tpu.memref_slice %arg9[%dma_wait3A_1738, %dma_wait3A_1743] : memref<4x128xi32, #tpu.memory_space<vmem>> -> memref<1x128xi32, #tpu.memory_space<vmem>>
    %dma_wait3A_1745 = tpu.memref_squeeze %dma_wait3A_1744 : memref<1x128xi32, #tpu.memory_space<vmem>> -> memref<128xi32, #tpu.memory_space<vmem>>
    %dma_wait3A_1746 = arith.constant 0 : i32
    %dma_wait3A_1747 = arith.constant 0 : i32
    %dma_wait3A_1748 = tpu.memref_slice %arg16[%dma_wait3A_1746, %dma_wait3A_1747] : memref<4096x64xf32, #tpu.memory_space<vmem_shared>> -> memref<4096x64xf32, #tpu.memory_space<vmem_shared>>
    tpu.wait_indirect_dma semaphore(%arg21 : memref<!tpu.dma_semaphore, #tpu.memory_space<semaphore_mem>>) src(%dma_wait3A_1742 : memref<128x64xf32, #tpu.memory_space<vmem>>) dst(%dma_wait3A_1748 : memref<4096x64xf32, #tpu.memory_space<vmem_shared>>)
    %dma_start3A_1749 = arith.constant 1 : i32
    %dma_start3A_1750 = arith.constant 16 : i32
    %dma_start3A_1751 = arith.constant 0 : i32
    %dma_start3A_1752 = arith.constant 0 : i32
    %dma_start3A_1753 = arith.constant 0 : i32
    %dma_start3A_1754 = tpu.memref_slice %arg12[%dma_start3A_1751, %dma_start3A_1752, %dma_start3A_1753] : memref<3x128x64xf32, #tpu.memory_space<vmem>> -> memref<1x128x64xf32, #tpu.memory_space<vmem>>
    %dma_start3A_1755 = tpu.memref_squeeze %dma_start3A_1754 : memref<1x128x64xf32, #tpu.memory_space<vmem>> -> memref<128x64xf32, #tpu.memory_space<vmem>>
    %dma_start3A_1756 = arith.constant 0 : i32
    %dma_start3A_1757 = tpu.memref_slice %arg10[%dma_start3A_1749, %dma_start3A_1750, %dma_start3A_1756] : memref<2x20x128xi32, #tpu.memory_space<vmem>> -> memref<1x1x128xi32, #tpu.memory_space<vmem>>
    %dma_start3A_1758 = tpu.memref_squeeze %dma_start3A_1757 : memref<1x1x128xi32, #tpu.memory_space<vmem>> -> memref<128xi32, #tpu.memory_space<vmem>>
    %dma_start3A_1759 = arith.constant 0 : i32
    %dma_start3A_1760 = arith.constant 0 : i32
    %dma_start3A_1761 = tpu.memref_slice %arg3[%dma_start3A_1759, %dma_start3A_1760] : memref<1000000x64xf32, #tpu.memory_space<hbm>> -> memref<1000000x64xf32, #tpu.memory_space<hbm>>
    tpu.enqueue_indirect_dma source(%dma_start3A_1761 : memref<1000000x64xf32, #tpu.memory_space<hbm>>) target(%dma_start3A_1755 : memref<128x64xf32, #tpu.memory_space<vmem>>) offsets(%dma_start3A_1758 : memref<128xi32, #tpu.memory_space<vmem>>) semaphore(%arg18 : memref<!tpu.dma_semaphore, #tpu.memory_space<semaphore_mem>>)
    %dma_wait3A_1762 = arith.constant 1 : i32
    %dma_wait3A_1763 = arith.constant 15 : i32
    %dma_wait3A_1764 = arith.constant 1 : i32
    %dma_wait3A_1765 = arith.constant 0 : i32
    %dma_wait3A_1766 = arith.constant 0 : i32
    %dma_wait3A_1767 = tpu.memref_slice %arg12[%dma_wait3A_1764, %dma_wait3A_1765, %dma_wait3A_1766] : memref<3x128x64xf32, #tpu.memory_space<vmem>> -> memref<1x128x64xf32, #tpu.memory_space<vmem>>
    %dma_wait3A_1768 = tpu.memref_squeeze %dma_wait3A_1767 : memref<1x128x64xf32, #tpu.memory_space<vmem>> -> memref<128x64xf32, #tpu.memory_space<vmem>>
    %dma_wait3A_1769 = arith.constant 0 : i32
    %dma_wait3A_1770 = tpu.memref_slice %arg10[%dma_wait3A_1762, %dma_wait3A_1763, %dma_wait3A_1769] : memref<2x20x128xi32, #tpu.memory_space<vmem>> -> memref<1x1x128xi32, #tpu.memory_space<vmem>>
    %dma_wait3A_1771 = tpu.memref_squeeze %dma_wait3A_1770 : memref<1x1x128xi32, #tpu.memory_space<vmem>> -> memref<128xi32, #tpu.memory_space<vmem>>
    %dma_wait3A_1772 = arith.constant 0 : i32
    %dma_wait3A_1773 = arith.constant 0 : i32
    %dma_wait3A_1774 = tpu.memref_slice %arg3[%dma_wait3A_1772, %dma_wait3A_1773] : memref<1000000x64xf32, #tpu.memory_space<hbm>> -> memref<1000000x64xf32, #tpu.memory_space<hbm>>
    tpu.wait_indirect_dma semaphore(%arg19 : memref<!tpu.dma_semaphore, #tpu.memory_space<semaphore_mem>>) src(%dma_wait3A_1774 : memref<1000000x64xf32, #tpu.memory_space<hbm>>) dst(%dma_wait3A_1768 : memref<128x64xf32, #tpu.memory_space<vmem>>)
    %dma_start3A_1775 = arith.constant 1 : i32
    %dma_start3A_1776 = arith.constant 3 : i32
    %dma_start3A_1777 = arith.constant 0 : i32
    %dma_start3A_1778 = arith.constant 0 : i32
    %dma_start3A_1779 = tpu.memref_slice %arg12[%dma_start3A_1775, %dma_start3A_1777, %dma_start3A_1778] : memref<3x128x64xf32, #tpu.memory_space<vmem>> -> memref<1x128x64xf32, #tpu.memory_space<vmem>>
    %dma_start3A_1780 = tpu.memref_squeeze %dma_start3A_1779 : memref<1x128x64xf32, #tpu.memory_space<vmem>> -> memref<128x64xf32, #tpu.memory_space<vmem>>
    %dma_start3A_1781 = arith.constant 0 : i32
    %dma_start3A_1782 = tpu.memref_slice %arg9[%dma_start3A_1776, %dma_start3A_1781] : memref<4x128xi32, #tpu.memory_space<vmem>> -> memref<1x128xi32, #tpu.memory_space<vmem>>
    %dma_start3A_1783 = tpu.memref_squeeze %dma_start3A_1782 : memref<1x128xi32, #tpu.memory_space<vmem>> -> memref<128xi32, #tpu.memory_space<vmem>>
    %dma_start3A_1784 = arith.constant 0 : i32
    %dma_start3A_1785 = arith.constant 0 : i32
    %dma_start3A_1786 = tpu.memref_slice %arg16[%dma_start3A_1784, %dma_start3A_1785] : memref<4096x64xf32, #tpu.memory_space<vmem_shared>> -> memref<4096x64xf32, #tpu.memory_space<vmem_shared>>
    tpu.enqueue_indirect_dma source(%dma_start3A_1780 : memref<128x64xf32, #tpu.memory_space<vmem>>) target(%dma_start3A_1786 : memref<4096x64xf32, #tpu.memory_space<vmem_shared>>) offsets(%dma_start3A_1783 : memref<128xi32, #tpu.memory_space<vmem>>) semaphore(%arg22 : memref<!tpu.dma_semaphore, #tpu.memory_space<semaphore_mem>>) {add = true}
    %dma_wait3A_1787 = arith.constant 1 : i32
    %dma_wait3A_1788 = arith.constant 3 : i32
    %dma_wait3A_1789 = arith.constant 0 : i32
    %dma_wait3A_1790 = arith.constant 0 : i32
    %dma_wait3A_1791 = tpu.memref_slice %arg12[%dma_wait3A_1787, %dma_wait3A_1789, %dma_wait3A_1790] : memref<3x128x64xf32, #tpu.memory_space<vmem>> -> memref<1x128x64xf32, #tpu.memory_space<vmem>>
    %dma_wait3A_1792 = tpu.memref_squeeze %dma_wait3A_1791 : memref<1x128x64xf32, #tpu.memory_space<vmem>> -> memref<128x64xf32, #tpu.memory_space<vmem>>
    %dma_wait3A_1793 = arith.constant 0 : i32
    %dma_wait3A_1794 = tpu.memref_slice %arg9[%dma_wait3A_1788, %dma_wait3A_1793] : memref<4x128xi32, #tpu.memory_space<vmem>> -> memref<1x128xi32, #tpu.memory_space<vmem>>
    %dma_wait3A_1795 = tpu.memref_squeeze %dma_wait3A_1794 : memref<1x128xi32, #tpu.memory_space<vmem>> -> memref<128xi32, #tpu.memory_space<vmem>>
    %dma_wait3A_1796 = arith.constant 0 : i32
    %dma_wait3A_1797 = arith.constant 0 : i32
    %dma_wait3A_1798 = tpu.memref_slice %arg16[%dma_wait3A_1796, %dma_wait3A_1797] : memref<4096x64xf32, #tpu.memory_space<vmem_shared>> -> memref<4096x64xf32, #tpu.memory_space<vmem_shared>>
    tpu.wait_indirect_dma semaphore(%arg22 : memref<!tpu.dma_semaphore, #tpu.memory_space<semaphore_mem>>) src(%dma_wait3A_1792 : memref<128x64xf32, #tpu.memory_space<vmem>>) dst(%dma_wait3A_1798 : memref<4096x64xf32, #tpu.memory_space<vmem_shared>>)
    %dma_start3A_1799 = arith.constant 0 : i32
    %dma_start3A_1800 = arith.constant 17 : i32
    %dma_start3A_1801 = arith.constant 1 : i32
    %dma_start3A_1802 = arith.constant 0 : i32
    %dma_start3A_1803 = arith.constant 0 : i32
    %dma_start3A_1804 = tpu.memref_slice %arg12[%dma_start3A_1801, %dma_start3A_1802, %dma_start3A_1803] : memref<3x128x64xf32, #tpu.memory_space<vmem>> -> memref<1x128x64xf32, #tpu.memory_space<vmem>>
    %dma_start3A_1805 = tpu.memref_squeeze %dma_start3A_1804 : memref<1x128x64xf32, #tpu.memory_space<vmem>> -> memref<128x64xf32, #tpu.memory_space<vmem>>
    %dma_start3A_1806 = arith.constant 0 : i32
    %dma_start3A_1807 = tpu.memref_slice %arg10[%dma_start3A_1799, %dma_start3A_1800, %dma_start3A_1806] : memref<2x20x128xi32, #tpu.memory_space<vmem>> -> memref<1x1x128xi32, #tpu.memory_space<vmem>>
    %dma_start3A_1808 = tpu.memref_squeeze %dma_start3A_1807 : memref<1x1x128xi32, #tpu.memory_space<vmem>> -> memref<128xi32, #tpu.memory_space<vmem>>
    %dma_start3A_1809 = arith.constant 0 : i32
    %dma_start3A_1810 = arith.constant 0 : i32
    %dma_start3A_1811 = tpu.memref_slice %arg3[%dma_start3A_1809, %dma_start3A_1810] : memref<1000000x64xf32, #tpu.memory_space<hbm>> -> memref<1000000x64xf32, #tpu.memory_space<hbm>>
    tpu.enqueue_indirect_dma source(%dma_start3A_1811 : memref<1000000x64xf32, #tpu.memory_space<hbm>>) target(%dma_start3A_1805 : memref<128x64xf32, #tpu.memory_space<vmem>>) offsets(%dma_start3A_1808 : memref<128xi32, #tpu.memory_space<vmem>>) semaphore(%arg19 : memref<!tpu.dma_semaphore, #tpu.memory_space<semaphore_mem>>)
    %dma_wait3A_1812 = arith.constant 0 : i32
    %dma_wait3A_1813 = arith.constant 16 : i32
    %dma_wait3A_1814 = arith.constant 2 : i32
    %dma_wait3A_1815 = arith.constant 0 : i32
    %dma_wait3A_1816 = arith.constant 0 : i32
    %dma_wait3A_1817 = tpu.memref_slice %arg12[%dma_wait3A_1814, %dma_wait3A_1815, %dma_wait3A_1816] : memref<3x128x64xf32, #tpu.memory_space<vmem>> -> memref<1x128x64xf32, #tpu.memory_space<vmem>>
    %dma_wait3A_1818 = tpu.memref_squeeze %dma_wait3A_1817 : memref<1x128x64xf32, #tpu.memory_space<vmem>> -> memref<128x64xf32, #tpu.memory_space<vmem>>
    %dma_wait3A_1819 = arith.constant 0 : i32
    %dma_wait3A_1820 = tpu.memref_slice %arg10[%dma_wait3A_1812, %dma_wait3A_1813, %dma_wait3A_1819] : memref<2x20x128xi32, #tpu.memory_space<vmem>> -> memref<1x1x128xi32, #tpu.memory_space<vmem>>
    %dma_wait3A_1821 = tpu.memref_squeeze %dma_wait3A_1820 : memref<1x1x128xi32, #tpu.memory_space<vmem>> -> memref<128xi32, #tpu.memory_space<vmem>>
    %dma_wait3A_1822 = arith.constant 0 : i32
    %dma_wait3A_1823 = arith.constant 0 : i32
    %dma_wait3A_1824 = tpu.memref_slice %arg3[%dma_wait3A_1822, %dma_wait3A_1823] : memref<1000000x64xf32, #tpu.memory_space<hbm>> -> memref<1000000x64xf32, #tpu.memory_space<hbm>>
    tpu.wait_indirect_dma semaphore(%arg20 : memref<!tpu.dma_semaphore, #tpu.memory_space<semaphore_mem>>) src(%dma_wait3A_1824 : memref<1000000x64xf32, #tpu.memory_space<hbm>>) dst(%dma_wait3A_1818 : memref<128x64xf32, #tpu.memory_space<vmem>>)
    %dma_start3A_1825 = arith.constant 2 : i32
    %dma_start3A_1826 = arith.constant 2 : i32
    %dma_start3A_1827 = arith.constant 0 : i32
    %dma_start3A_1828 = arith.constant 0 : i32
    %dma_start3A_1829 = tpu.memref_slice %arg12[%dma_start3A_1825, %dma_start3A_1827, %dma_start3A_1828] : memref<3x128x64xf32, #tpu.memory_space<vmem>> -> memref<1x128x64xf32, #tpu.memory_space<vmem>>
    %dma_start3A_1830 = tpu.memref_squeeze %dma_start3A_1829 : memref<1x128x64xf32, #tpu.memory_space<vmem>> -> memref<128x64xf32, #tpu.memory_space<vmem>>
    %dma_start3A_1831 = arith.constant 0 : i32
    %dma_start3A_1832 = tpu.memref_slice %arg9[%dma_start3A_1826, %dma_start3A_1831] : memref<4x128xi32, #tpu.memory_space<vmem>> -> memref<1x128xi32, #tpu.memory_space<vmem>>
    %dma_start3A_1833 = tpu.memref_squeeze %dma_start3A_1832 : memref<1x128xi32, #tpu.memory_space<vmem>> -> memref<128xi32, #tpu.memory_space<vmem>>
    %dma_start3A_1834 = arith.constant 0 : i32
    %dma_start3A_1835 = arith.constant 0 : i32
    %dma_start3A_1836 = tpu.memref_slice %arg16[%dma_start3A_1834, %dma_start3A_1835] : memref<4096x64xf32, #tpu.memory_space<vmem_shared>> -> memref<4096x64xf32, #tpu.memory_space<vmem_shared>>
    tpu.enqueue_indirect_dma source(%dma_start3A_1830 : memref<128x64xf32, #tpu.memory_space<vmem>>) target(%dma_start3A_1836 : memref<4096x64xf32, #tpu.memory_space<vmem_shared>>) offsets(%dma_start3A_1833 : memref<128xi32, #tpu.memory_space<vmem>>) semaphore(%arg23 : memref<!tpu.dma_semaphore, #tpu.memory_space<semaphore_mem>>) {add = true}
    %dma_wait3A_1837 = arith.constant 2 : i32
    %dma_wait3A_1838 = arith.constant 2 : i32
    %dma_wait3A_1839 = arith.constant 0 : i32
    %dma_wait3A_1840 = arith.constant 0 : i32
    %dma_wait3A_1841 = tpu.memref_slice %arg12[%dma_wait3A_1837, %dma_wait3A_1839, %dma_wait3A_1840] : memref<3x128x64xf32, #tpu.memory_space<vmem>> -> memref<1x128x64xf32, #tpu.memory_space<vmem>>
    %dma_wait3A_1842 = tpu.memref_squeeze %dma_wait3A_1841 : memref<1x128x64xf32, #tpu.memory_space<vmem>> -> memref<128x64xf32, #tpu.memory_space<vmem>>
    %dma_wait3A_1843 = arith.constant 0 : i32
    %dma_wait3A_1844 = tpu.memref_slice %arg9[%dma_wait3A_1838, %dma_wait3A_1843] : memref<4x128xi32, #tpu.memory_space<vmem>> -> memref<1x128xi32, #tpu.memory_space<vmem>>
    %dma_wait3A_1845 = tpu.memref_squeeze %dma_wait3A_1844 : memref<1x128xi32, #tpu.memory_space<vmem>> -> memref<128xi32, #tpu.memory_space<vmem>>
    %dma_wait3A_1846 = arith.constant 0 : i32
    %dma_wait3A_1847 = arith.constant 0 : i32
    %dma_wait3A_1848 = tpu.memref_slice %arg16[%dma_wait3A_1846, %dma_wait3A_1847] : memref<4096x64xf32, #tpu.memory_space<vmem_shared>> -> memref<4096x64xf32, #tpu.memory_space<vmem_shared>>
    tpu.wait_indirect_dma semaphore(%arg23 : memref<!tpu.dma_semaphore, #tpu.memory_space<semaphore_mem>>) src(%dma_wait3A_1842 : memref<128x64xf32, #tpu.memory_space<vmem>>) dst(%dma_wait3A_1848 : memref<4096x64xf32, #tpu.memory_space<vmem_shared>>)
    %dma_start3A_1849 = arith.constant 1 : i32
    %dma_start3A_1850 = arith.constant 17 : i32
    %dma_start3A_1851 = arith.constant 2 : i32
    %dma_start3A_1852 = arith.constant 0 : i32
    %dma_start3A_1853 = arith.constant 0 : i32
    %dma_start3A_1854 = tpu.memref_slice %arg12[%dma_start3A_1851, %dma_start3A_1852, %dma_start3A_1853] : memref<3x128x64xf32, #tpu.memory_space<vmem>> -> memref<1x128x64xf32, #tpu.memory_space<vmem>>
    %dma_start3A_1855 = tpu.memref_squeeze %dma_start3A_1854 : memref<1x128x64xf32, #tpu.memory_space<vmem>> -> memref<128x64xf32, #tpu.memory_space<vmem>>
    %dma_start3A_1856 = arith.constant 0 : i32
    %dma_start3A_1857 = tpu.memref_slice %arg10[%dma_start3A_1849, %dma_start3A_1850, %dma_start3A_1856] : memref<2x20x128xi32, #tpu.memory_space<vmem>> -> memref<1x1x128xi32, #tpu.memory_space<vmem>>
    %dma_start3A_1858 = tpu.memref_squeeze %dma_start3A_1857 : memref<1x1x128xi32, #tpu.memory_space<vmem>> -> memref<128xi32, #tpu.memory_space<vmem>>
    %dma_start3A_1859 = arith.constant 0 : i32
    %dma_start3A_1860 = arith.constant 0 : i32
    %dma_start3A_1861 = tpu.memref_slice %arg3[%dma_start3A_1859, %dma_start3A_1860] : memref<1000000x64xf32, #tpu.memory_space<hbm>> -> memref<1000000x64xf32, #tpu.memory_space<hbm>>
    tpu.enqueue_indirect_dma source(%dma_start3A_1861 : memref<1000000x64xf32, #tpu.memory_space<hbm>>) target(%dma_start3A_1855 : memref<128x64xf32, #tpu.memory_space<vmem>>) offsets(%dma_start3A_1858 : memref<128xi32, #tpu.memory_space<vmem>>) semaphore(%arg20 : memref<!tpu.dma_semaphore, #tpu.memory_space<semaphore_mem>>)
    %dma_wait3A_1862 = arith.constant 1 : i32
    %dma_wait3A_1863 = arith.constant 16 : i32
    %dma_wait3A_1864 = arith.constant 0 : i32
    %dma_wait3A_1865 = arith.constant 0 : i32
    %dma_wait3A_1866 = arith.constant 0 : i32
    %dma_wait3A_1867 = tpu.memref_slice %arg12[%dma_wait3A_1864, %dma_wait3A_1865, %dma_wait3A_1866] : memref<3x128x64xf32, #tpu.memory_space<vmem>> -> memref<1x128x64xf32, #tpu.memory_space<vmem>>
    %dma_wait3A_1868 = tpu.memref_squeeze %dma_wait3A_1867 : memref<1x128x64xf32, #tpu.memory_space<vmem>> -> memref<128x64xf32, #tpu.memory_space<vmem>>
    %dma_wait3A_1869 = arith.constant 0 : i32
    %dma_wait3A_1870 = tpu.memref_slice %arg10[%dma_wait3A_1862, %dma_wait3A_1863, %dma_wait3A_1869] : memref<2x20x128xi32, #tpu.memory_space<vmem>> -> memref<1x1x128xi32, #tpu.memory_space<vmem>>
    %dma_wait3A_1871 = tpu.memref_squeeze %dma_wait3A_1870 : memref<1x1x128xi32, #tpu.memory_space<vmem>> -> memref<128xi32, #tpu.memory_space<vmem>>
    %dma_wait3A_1872 = arith.constant 0 : i32
    %dma_wait3A_1873 = arith.constant 0 : i32
    %dma_wait3A_1874 = tpu.memref_slice %arg3[%dma_wait3A_1872, %dma_wait3A_1873] : memref<1000000x64xf32, #tpu.memory_space<hbm>> -> memref<1000000x64xf32, #tpu.memory_space<hbm>>
    tpu.wait_indirect_dma semaphore(%arg18 : memref<!tpu.dma_semaphore, #tpu.memory_space<semaphore_mem>>) src(%dma_wait3A_1874 : memref<1000000x64xf32, #tpu.memory_space<hbm>>) dst(%dma_wait3A_1868 : memref<128x64xf32, #tpu.memory_space<vmem>>)
    %dma_start3A_1875 = arith.constant 0 : i32
    %dma_start3A_1876 = arith.constant 3 : i32
    %dma_start3A_1877 = arith.constant 0 : i32
    %dma_start3A_1878 = arith.constant 0 : i32
    %dma_start3A_1879 = tpu.memref_slice %arg12[%dma_start3A_1875, %dma_start3A_1877, %dma_start3A_1878] : memref<3x128x64xf32, #tpu.memory_space<vmem>> -> memref<1x128x64xf32, #tpu.memory_space<vmem>>
    %dma_start3A_1880 = tpu.memref_squeeze %dma_start3A_1879 : memref<1x128x64xf32, #tpu.memory_space<vmem>> -> memref<128x64xf32, #tpu.memory_space<vmem>>
    %dma_start3A_1881 = arith.constant 0 : i32
    %dma_start3A_1882 = tpu.memref_slice %arg9[%dma_start3A_1876, %dma_start3A_1881] : memref<4x128xi32, #tpu.memory_space<vmem>> -> memref<1x128xi32, #tpu.memory_space<vmem>>
    %dma_start3A_1883 = tpu.memref_squeeze %dma_start3A_1882 : memref<1x128xi32, #tpu.memory_space<vmem>> -> memref<128xi32, #tpu.memory_space<vmem>>
    %dma_start3A_1884 = arith.constant 0 : i32
    %dma_start3A_1885 = arith.constant 0 : i32
    %dma_start3A_1886 = tpu.memref_slice %arg16[%dma_start3A_1884, %dma_start3A_1885] : memref<4096x64xf32, #tpu.memory_space<vmem_shared>> -> memref<4096x64xf32, #tpu.memory_space<vmem_shared>>
    tpu.enqueue_indirect_dma source(%dma_start3A_1880 : memref<128x64xf32, #tpu.memory_space<vmem>>) target(%dma_start3A_1886 : memref<4096x64xf32, #tpu.memory_space<vmem_shared>>) offsets(%dma_start3A_1883 : memref<128xi32, #tpu.memory_space<vmem>>) semaphore(%arg21 : memref<!tpu.dma_semaphore, #tpu.memory_space<semaphore_mem>>) {add = true}
    %dma_wait3A_1887 = arith.constant 0 : i32
    %dma_wait3A_1888 = arith.constant 3 : i32
    %dma_wait3A_1889 = arith.constant 0 : i32
    %dma_wait3A_1890 = arith.constant 0 : i32
    %dma_wait3A_1891 = tpu.memref_slice %arg12[%dma_wait3A_1887, %dma_wait3A_1889, %dma_wait3A_1890] : memref<3x128x64xf32, #tpu.memory_space<vmem>> -> memref<1x128x64xf32, #tpu.memory_space<vmem>>
    %dma_wait3A_1892 = tpu.memref_squeeze %dma_wait3A_1891 : memref<1x128x64xf32, #tpu.memory_space<vmem>> -> memref<128x64xf32, #tpu.memory_space<vmem>>
    %dma_wait3A_1893 = arith.constant 0 : i32
    %dma_wait3A_1894 = tpu.memref_slice %arg9[%dma_wait3A_1888, %dma_wait3A_1893] : memref<4x128xi32, #tpu.memory_space<vmem>> -> memref<1x128xi32, #tpu.memory_space<vmem>>
    %dma_wait3A_1895 = tpu.memref_squeeze %dma_wait3A_1894 : memref<1x128xi32, #tpu.memory_space<vmem>> -> memref<128xi32, #tpu.memory_space<vmem>>
    %dma_wait3A_1896 = arith.constant 0 : i32
    %dma_wait3A_1897 = arith.constant 0 : i32
    %dma_wait3A_1898 = tpu.memref_slice %arg16[%dma_wait3A_1896, %dma_wait3A_1897] : memref<4096x64xf32, #tpu.memory_space<vmem_shared>> -> memref<4096x64xf32, #tpu.memory_space<vmem_shared>>
    tpu.wait_indirect_dma semaphore(%arg21 : memref<!tpu.dma_semaphore, #tpu.memory_space<semaphore_mem>>) src(%dma_wait3A_1892 : memref<128x64xf32, #tpu.memory_space<vmem>>) dst(%dma_wait3A_1898 : memref<4096x64xf32, #tpu.memory_space<vmem_shared>>)
    %dma_start3A_1899 = arith.constant 0 : i32
    %dma_start3A_1900 = arith.constant 18 : i32
    %dma_start3A_1901 = arith.constant 0 : i32
    %dma_start3A_1902 = arith.constant 0 : i32
    %dma_start3A_1903 = arith.constant 0 : i32
    %dma_start3A_1904 = tpu.memref_slice %arg12[%dma_start3A_1901, %dma_start3A_1902, %dma_start3A_1903] : memref<3x128x64xf32, #tpu.memory_space<vmem>> -> memref<1x128x64xf32, #tpu.memory_space<vmem>>
    %dma_start3A_1905 = tpu.memref_squeeze %dma_start3A_1904 : memref<1x128x64xf32, #tpu.memory_space<vmem>> -> memref<128x64xf32, #tpu.memory_space<vmem>>
    %dma_start3A_1906 = arith.constant 0 : i32
    %dma_start3A_1907 = tpu.memref_slice %arg10[%dma_start3A_1899, %dma_start3A_1900, %dma_start3A_1906] : memref<2x20x128xi32, #tpu.memory_space<vmem>> -> memref<1x1x128xi32, #tpu.memory_space<vmem>>
    %dma_start3A_1908 = tpu.memref_squeeze %dma_start3A_1907 : memref<1x1x128xi32, #tpu.memory_space<vmem>> -> memref<128xi32, #tpu.memory_space<vmem>>
    %dma_start3A_1909 = arith.constant 0 : i32
    %dma_start3A_1910 = arith.constant 0 : i32
    %dma_start3A_1911 = tpu.memref_slice %arg3[%dma_start3A_1909, %dma_start3A_1910] : memref<1000000x64xf32, #tpu.memory_space<hbm>> -> memref<1000000x64xf32, #tpu.memory_space<hbm>>
    tpu.enqueue_indirect_dma source(%dma_start3A_1911 : memref<1000000x64xf32, #tpu.memory_space<hbm>>) target(%dma_start3A_1905 : memref<128x64xf32, #tpu.memory_space<vmem>>) offsets(%dma_start3A_1908 : memref<128xi32, #tpu.memory_space<vmem>>) semaphore(%arg18 : memref<!tpu.dma_semaphore, #tpu.memory_space<semaphore_mem>>)
    %dma_wait3A_1912 = arith.constant 0 : i32
    %dma_wait3A_1913 = arith.constant 17 : i32
    %dma_wait3A_1914 = arith.constant 1 : i32
    %dma_wait3A_1915 = arith.constant 0 : i32
    %dma_wait3A_1916 = arith.constant 0 : i32
    %dma_wait3A_1917 = tpu.memref_slice %arg12[%dma_wait3A_1914, %dma_wait3A_1915, %dma_wait3A_1916] : memref<3x128x64xf32, #tpu.memory_space<vmem>> -> memref<1x128x64xf32, #tpu.memory_space<vmem>>
    %dma_wait3A_1918 = tpu.memref_squeeze %dma_wait3A_1917 : memref<1x128x64xf32, #tpu.memory_space<vmem>> -> memref<128x64xf32, #tpu.memory_space<vmem>>
    %dma_wait3A_1919 = arith.constant 0 : i32
    %dma_wait3A_1920 = tpu.memref_slice %arg10[%dma_wait3A_1912, %dma_wait3A_1913, %dma_wait3A_1919] : memref<2x20x128xi32, #tpu.memory_space<vmem>> -> memref<1x1x128xi32, #tpu.memory_space<vmem>>
    %dma_wait3A_1921 = tpu.memref_squeeze %dma_wait3A_1920 : memref<1x1x128xi32, #tpu.memory_space<vmem>> -> memref<128xi32, #tpu.memory_space<vmem>>
    %dma_wait3A_1922 = arith.constant 0 : i32
    %dma_wait3A_1923 = arith.constant 0 : i32
    %dma_wait3A_1924 = tpu.memref_slice %arg3[%dma_wait3A_1922, %dma_wait3A_1923] : memref<1000000x64xf32, #tpu.memory_space<hbm>> -> memref<1000000x64xf32, #tpu.memory_space<hbm>>
    tpu.wait_indirect_dma semaphore(%arg19 : memref<!tpu.dma_semaphore, #tpu.memory_space<semaphore_mem>>) src(%dma_wait3A_1924 : memref<1000000x64xf32, #tpu.memory_space<hbm>>) dst(%dma_wait3A_1918 : memref<128x64xf32, #tpu.memory_space<vmem>>)
    %dma_start3A_1925 = arith.constant 1 : i32
    %dma_start3A_1926 = arith.constant 2 : i32
    %dma_start3A_1927 = arith.constant 0 : i32
    %dma_start3A_1928 = arith.constant 0 : i32
    %dma_start3A_1929 = tpu.memref_slice %arg12[%dma_start3A_1925, %dma_start3A_1927, %dma_start3A_1928] : memref<3x128x64xf32, #tpu.memory_space<vmem>> -> memref<1x128x64xf32, #tpu.memory_space<vmem>>
    %dma_start3A_1930 = tpu.memref_squeeze %dma_start3A_1929 : memref<1x128x64xf32, #tpu.memory_space<vmem>> -> memref<128x64xf32, #tpu.memory_space<vmem>>
    %dma_start3A_1931 = arith.constant 0 : i32
    %dma_start3A_1932 = tpu.memref_slice %arg9[%dma_start3A_1926, %dma_start3A_1931] : memref<4x128xi32, #tpu.memory_space<vmem>> -> memref<1x128xi32, #tpu.memory_space<vmem>>
    %dma_start3A_1933 = tpu.memref_squeeze %dma_start3A_1932 : memref<1x128xi32, #tpu.memory_space<vmem>> -> memref<128xi32, #tpu.memory_space<vmem>>
    %dma_start3A_1934 = arith.constant 0 : i32
    %dma_start3A_1935 = arith.constant 0 : i32
    %dma_start3A_1936 = tpu.memref_slice %arg16[%dma_start3A_1934, %dma_start3A_1935] : memref<4096x64xf32, #tpu.memory_space<vmem_shared>> -> memref<4096x64xf32, #tpu.memory_space<vmem_shared>>
    tpu.enqueue_indirect_dma source(%dma_start3A_1930 : memref<128x64xf32, #tpu.memory_space<vmem>>) target(%dma_start3A_1936 : memref<4096x64xf32, #tpu.memory_space<vmem_shared>>) offsets(%dma_start3A_1933 : memref<128xi32, #tpu.memory_space<vmem>>) semaphore(%arg22 : memref<!tpu.dma_semaphore, #tpu.memory_space<semaphore_mem>>) {add = true}
    %dma_wait3A_1937 = arith.constant 1 : i32
    %dma_wait3A_1938 = arith.constant 2 : i32
    %dma_wait3A_1939 = arith.constant 0 : i32
    %dma_wait3A_1940 = arith.constant 0 : i32
    %dma_wait3A_1941 = tpu.memref_slice %arg12[%dma_wait3A_1937, %dma_wait3A_1939, %dma_wait3A_1940] : memref<3x128x64xf32, #tpu.memory_space<vmem>> -> memref<1x128x64xf32, #tpu.memory_space<vmem>>
    %dma_wait3A_1942 = tpu.memref_squeeze %dma_wait3A_1941 : memref<1x128x64xf32, #tpu.memory_space<vmem>> -> memref<128x64xf32, #tpu.memory_space<vmem>>
    %dma_wait3A_1943 = arith.constant 0 : i32
    %dma_wait3A_1944 = tpu.memref_slice %arg9[%dma_wait3A_1938, %dma_wait3A_1943] : memref<4x128xi32, #tpu.memory_space<vmem>> -> memref<1x128xi32, #tpu.memory_space<vmem>>
    %dma_wait3A_1945 = tpu.memref_squeeze %dma_wait3A_1944 : memref<1x128xi32, #tpu.memory_space<vmem>> -> memref<128xi32, #tpu.memory_space<vmem>>
    %dma_wait3A_1946 = arith.constant 0 : i32
    %dma_wait3A_1947 = arith.constant 0 : i32
    %dma_wait3A_1948 = tpu.memref_slice %arg16[%dma_wait3A_1946, %dma_wait3A_1947] : memref<4096x64xf32, #tpu.memory_space<vmem_shared>> -> memref<4096x64xf32, #tpu.memory_space<vmem_shared>>
    tpu.wait_indirect_dma semaphore(%arg22 : memref<!tpu.dma_semaphore, #tpu.memory_space<semaphore_mem>>) src(%dma_wait3A_1942 : memref<128x64xf32, #tpu.memory_space<vmem>>) dst(%dma_wait3A_1948 : memref<4096x64xf32, #tpu.memory_space<vmem_shared>>)
    %dma_start3A_1949 = arith.constant 1 : i32
    %dma_start3A_1950 = arith.constant 18 : i32
    %dma_start3A_1951 = arith.constant 1 : i32
    %dma_start3A_1952 = arith.constant 0 : i32
    %dma_start3A_1953 = arith.constant 0 : i32
    %dma_start3A_1954 = tpu.memref_slice %arg12[%dma_start3A_1951, %dma_start3A_1952, %dma_start3A_1953] : memref<3x128x64xf32, #tpu.memory_space<vmem>> -> memref<1x128x64xf32, #tpu.memory_space<vmem>>
    %dma_start3A_1955 = tpu.memref_squeeze %dma_start3A_1954 : memref<1x128x64xf32, #tpu.memory_space<vmem>> -> memref<128x64xf32, #tpu.memory_space<vmem>>
    %dma_start3A_1956 = arith.constant 0 : i32
    %dma_start3A_1957 = tpu.memref_slice %arg10[%dma_start3A_1949, %dma_start3A_1950, %dma_start3A_1956] : memref<2x20x128xi32, #tpu.memory_space<vmem>> -> memref<1x1x128xi32, #tpu.memory_space<vmem>>
    %dma_start3A_1958 = tpu.memref_squeeze %dma_start3A_1957 : memref<1x1x128xi32, #tpu.memory_space<vmem>> -> memref<128xi32, #tpu.memory_space<vmem>>
    %dma_start3A_1959 = arith.constant 0 : i32
    %dma_start3A_1960 = arith.constant 0 : i32
    %dma_start3A_1961 = tpu.memref_slice %arg3[%dma_start3A_1959, %dma_start3A_1960] : memref<1000000x64xf32, #tpu.memory_space<hbm>> -> memref<1000000x64xf32, #tpu.memory_space<hbm>>
    tpu.enqueue_indirect_dma source(%dma_start3A_1961 : memref<1000000x64xf32, #tpu.memory_space<hbm>>) target(%dma_start3A_1955 : memref<128x64xf32, #tpu.memory_space<vmem>>) offsets(%dma_start3A_1958 : memref<128xi32, #tpu.memory_space<vmem>>) semaphore(%arg19 : memref<!tpu.dma_semaphore, #tpu.memory_space<semaphore_mem>>)
    %dma_wait3A_1962 = arith.constant 1 : i32
    %dma_wait3A_1963 = arith.constant 17 : i32
    %dma_wait3A_1964 = arith.constant 2 : i32
    %dma_wait3A_1965 = arith.constant 0 : i32
    %dma_wait3A_1966 = arith.constant 0 : i32
    %dma_wait3A_1967 = tpu.memref_slice %arg12[%dma_wait3A_1964, %dma_wait3A_1965, %dma_wait3A_1966] : memref<3x128x64xf32, #tpu.memory_space<vmem>> -> memref<1x128x64xf32, #tpu.memory_space<vmem>>
    %dma_wait3A_1968 = tpu.memref_squeeze %dma_wait3A_1967 : memref<1x128x64xf32, #tpu.memory_space<vmem>> -> memref<128x64xf32, #tpu.memory_space<vmem>>
    %dma_wait3A_1969 = arith.constant 0 : i32
    %dma_wait3A_1970 = tpu.memref_slice %arg10[%dma_wait3A_1962, %dma_wait3A_1963, %dma_wait3A_1969] : memref<2x20x128xi32, #tpu.memory_space<vmem>> -> memref<1x1x128xi32, #tpu.memory_space<vmem>>
    %dma_wait3A_1971 = tpu.memref_squeeze %dma_wait3A_1970 : memref<1x1x128xi32, #tpu.memory_space<vmem>> -> memref<128xi32, #tpu.memory_space<vmem>>
    %dma_wait3A_1972 = arith.constant 0 : i32
    %dma_wait3A_1973 = arith.constant 0 : i32
    %dma_wait3A_1974 = tpu.memref_slice %arg3[%dma_wait3A_1972, %dma_wait3A_1973] : memref<1000000x64xf32, #tpu.memory_space<hbm>> -> memref<1000000x64xf32, #tpu.memory_space<hbm>>
    tpu.wait_indirect_dma semaphore(%arg20 : memref<!tpu.dma_semaphore, #tpu.memory_space<semaphore_mem>>) src(%dma_wait3A_1974 : memref<1000000x64xf32, #tpu.memory_space<hbm>>) dst(%dma_wait3A_1968 : memref<128x64xf32, #tpu.memory_space<vmem>>)
    %dma_start3A_1975 = arith.constant 2 : i32
    %dma_start3A_1976 = arith.constant 3 : i32
    %dma_start3A_1977 = arith.constant 0 : i32
    %dma_start3A_1978 = arith.constant 0 : i32
    %dma_start3A_1979 = tpu.memref_slice %arg12[%dma_start3A_1975, %dma_start3A_1977, %dma_start3A_1978] : memref<3x128x64xf32, #tpu.memory_space<vmem>> -> memref<1x128x64xf32, #tpu.memory_space<vmem>>
    %dma_start3A_1980 = tpu.memref_squeeze %dma_start3A_1979 : memref<1x128x64xf32, #tpu.memory_space<vmem>> -> memref<128x64xf32, #tpu.memory_space<vmem>>
    %dma_start3A_1981 = arith.constant 0 : i32
    %dma_start3A_1982 = tpu.memref_slice %arg9[%dma_start3A_1976, %dma_start3A_1981] : memref<4x128xi32, #tpu.memory_space<vmem>> -> memref<1x128xi32, #tpu.memory_space<vmem>>
    %dma_start3A_1983 = tpu.memref_squeeze %dma_start3A_1982 : memref<1x128xi32, #tpu.memory_space<vmem>> -> memref<128xi32, #tpu.memory_space<vmem>>
    %dma_start3A_1984 = arith.constant 0 : i32
    %dma_start3A_1985 = arith.constant 0 : i32
    %dma_start3A_1986 = tpu.memref_slice %arg16[%dma_start3A_1984, %dma_start3A_1985] : memref<4096x64xf32, #tpu.memory_space<vmem_shared>> -> memref<4096x64xf32, #tpu.memory_space<vmem_shared>>
    tpu.enqueue_indirect_dma source(%dma_start3A_1980 : memref<128x64xf32, #tpu.memory_space<vmem>>) target(%dma_start3A_1986 : memref<4096x64xf32, #tpu.memory_space<vmem_shared>>) offsets(%dma_start3A_1983 : memref<128xi32, #tpu.memory_space<vmem>>) semaphore(%arg23 : memref<!tpu.dma_semaphore, #tpu.memory_space<semaphore_mem>>) {add = true}
    %dma_wait3A_1987 = arith.constant 2 : i32
    %dma_wait3A_1988 = arith.constant 3 : i32
    %dma_wait3A_1989 = arith.constant 0 : i32
    %dma_wait3A_1990 = arith.constant 0 : i32
    %dma_wait3A_1991 = tpu.memref_slice %arg12[%dma_wait3A_1987, %dma_wait3A_1989, %dma_wait3A_1990] : memref<3x128x64xf32, #tpu.memory_space<vmem>> -> memref<1x128x64xf32, #tpu.memory_space<vmem>>
    %dma_wait3A_1992 = tpu.memref_squeeze %dma_wait3A_1991 : memref<1x128x64xf32, #tpu.memory_space<vmem>> -> memref<128x64xf32, #tpu.memory_space<vmem>>
    %dma_wait3A_1993 = arith.constant 0 : i32
    %dma_wait3A_1994 = tpu.memref_slice %arg9[%dma_wait3A_1988, %dma_wait3A_1993] : memref<4x128xi32, #tpu.memory_space<vmem>> -> memref<1x128xi32, #tpu.memory_space<vmem>>
    %dma_wait3A_1995 = tpu.memref_squeeze %dma_wait3A_1994 : memref<1x128xi32, #tpu.memory_space<vmem>> -> memref<128xi32, #tpu.memory_space<vmem>>
    %dma_wait3A_1996 = arith.constant 0 : i32
    %dma_wait3A_1997 = arith.constant 0 : i32
    %dma_wait3A_1998 = tpu.memref_slice %arg16[%dma_wait3A_1996, %dma_wait3A_1997] : memref<4096x64xf32, #tpu.memory_space<vmem_shared>> -> memref<4096x64xf32, #tpu.memory_space<vmem_shared>>
    tpu.wait_indirect_dma semaphore(%arg23 : memref<!tpu.dma_semaphore, #tpu.memory_space<semaphore_mem>>) src(%dma_wait3A_1992 : memref<128x64xf32, #tpu.memory_space<vmem>>) dst(%dma_wait3A_1998 : memref<4096x64xf32, #tpu.memory_space<vmem_shared>>)
    %dma_start3A_1999 = arith.constant 0 : i32
    %dma_start3A_2000 = arith.constant 19 : i32
    %dma_start3A_2001 = arith.constant 2 : i32
    %dma_start3A_2002 = arith.constant 0 : i32
    %dma_start3A_2003 = arith.constant 0 : i32
    %dma_start3A_2004 = tpu.memref_slice %arg12[%dma_start3A_2001, %dma_start3A_2002, %dma_start3A_2003] : memref<3x128x64xf32, #tpu.memory_space<vmem>> -> memref<1x128x64xf32, #tpu.memory_space<vmem>>
    %dma_start3A_2005 = tpu.memref_squeeze %dma_start3A_2004 : memref<1x128x64xf32, #tpu.memory_space<vmem>> -> memref<128x64xf32, #tpu.memory_space<vmem>>
    %dma_start3A_2006 = arith.constant 0 : i32
    %dma_start3A_2007 = tpu.memref_slice %arg10[%dma_start3A_1999, %dma_start3A_2000, %dma_start3A_2006] : memref<2x20x128xi32, #tpu.memory_space<vmem>> -> memref<1x1x128xi32, #tpu.memory_space<vmem>>
    %dma_start3A_2008 = tpu.memref_squeeze %dma_start3A_2007 : memref<1x1x128xi32, #tpu.memory_space<vmem>> -> memref<128xi32, #tpu.memory_space<vmem>>
    %dma_start3A_2009 = arith.constant 0 : i32
    %dma_start3A_2010 = arith.constant 0 : i32
    %dma_start3A_2011 = tpu.memref_slice %arg3[%dma_start3A_2009, %dma_start3A_2010] : memref<1000000x64xf32, #tpu.memory_space<hbm>> -> memref<1000000x64xf32, #tpu.memory_space<hbm>>
    tpu.enqueue_indirect_dma source(%dma_start3A_2011 : memref<1000000x64xf32, #tpu.memory_space<hbm>>) target(%dma_start3A_2005 : memref<128x64xf32, #tpu.memory_space<vmem>>) offsets(%dma_start3A_2008 : memref<128xi32, #tpu.memory_space<vmem>>) semaphore(%arg20 : memref<!tpu.dma_semaphore, #tpu.memory_space<semaphore_mem>>)
    %dma_wait3A_2012 = arith.constant 0 : i32
    %dma_wait3A_2013 = arith.constant 18 : i32
    %dma_wait3A_2014 = arith.constant 0 : i32
    %dma_wait3A_2015 = arith.constant 0 : i32
    %dma_wait3A_2016 = arith.constant 0 : i32
    %dma_wait3A_2017 = tpu.memref_slice %arg12[%dma_wait3A_2014, %dma_wait3A_2015, %dma_wait3A_2016] : memref<3x128x64xf32, #tpu.memory_space<vmem>> -> memref<1x128x64xf32, #tpu.memory_space<vmem>>
    %dma_wait3A_2018 = tpu.memref_squeeze %dma_wait3A_2017 : memref<1x128x64xf32, #tpu.memory_space<vmem>> -> memref<128x64xf32, #tpu.memory_space<vmem>>
    %dma_wait3A_2019 = arith.constant 0 : i32
    %dma_wait3A_2020 = tpu.memref_slice %arg10[%dma_wait3A_2012, %dma_wait3A_2013, %dma_wait3A_2019] : memref<2x20x128xi32, #tpu.memory_space<vmem>> -> memref<1x1x128xi32, #tpu.memory_space<vmem>>
    %dma_wait3A_2021 = tpu.memref_squeeze %dma_wait3A_2020 : memref<1x1x128xi32, #tpu.memory_space<vmem>> -> memref<128xi32, #tpu.memory_space<vmem>>
    %dma_wait3A_2022 = arith.constant 0 : i32
    %dma_wait3A_2023 = arith.constant 0 : i32
    %dma_wait3A_2024 = tpu.memref_slice %arg3[%dma_wait3A_2022, %dma_wait3A_2023] : memref<1000000x64xf32, #tpu.memory_space<hbm>> -> memref<1000000x64xf32, #tpu.memory_space<hbm>>
    tpu.wait_indirect_dma semaphore(%arg18 : memref<!tpu.dma_semaphore, #tpu.memory_space<semaphore_mem>>) src(%dma_wait3A_2024 : memref<1000000x64xf32, #tpu.memory_space<hbm>>) dst(%dma_wait3A_2018 : memref<128x64xf32, #tpu.memory_space<vmem>>)
    %dma_start3A_2025 = arith.constant 0 : i32
    %dma_start3A_2026 = arith.constant 2 : i32
    %dma_start3A_2027 = arith.constant 0 : i32
    %dma_start3A_2028 = arith.constant 0 : i32
    %dma_start3A_2029 = tpu.memref_slice %arg12[%dma_start3A_2025, %dma_start3A_2027, %dma_start3A_2028] : memref<3x128x64xf32, #tpu.memory_space<vmem>> -> memref<1x128x64xf32, #tpu.memory_space<vmem>>
    %dma_start3A_2030 = tpu.memref_squeeze %dma_start3A_2029 : memref<1x128x64xf32, #tpu.memory_space<vmem>> -> memref<128x64xf32, #tpu.memory_space<vmem>>
    %dma_start3A_2031 = arith.constant 0 : i32
    %dma_start3A_2032 = tpu.memref_slice %arg9[%dma_start3A_2026, %dma_start3A_2031] : memref<4x128xi32, #tpu.memory_space<vmem>> -> memref<1x128xi32, #tpu.memory_space<vmem>>
    %dma_start3A_2033 = tpu.memref_squeeze %dma_start3A_2032 : memref<1x128xi32, #tpu.memory_space<vmem>> -> memref<128xi32, #tpu.memory_space<vmem>>
    %dma_start3A_2034 = arith.constant 0 : i32
    %dma_start3A_2035 = arith.constant 0 : i32
    %dma_start3A_2036 = tpu.memref_slice %arg16[%dma_start3A_2034, %dma_start3A_2035] : memref<4096x64xf32, #tpu.memory_space<vmem_shared>> -> memref<4096x64xf32, #tpu.memory_space<vmem_shared>>
    tpu.enqueue_indirect_dma source(%dma_start3A_2030 : memref<128x64xf32, #tpu.memory_space<vmem>>) target(%dma_start3A_2036 : memref<4096x64xf32, #tpu.memory_space<vmem_shared>>) offsets(%dma_start3A_2033 : memref<128xi32, #tpu.memory_space<vmem>>) semaphore(%arg21 : memref<!tpu.dma_semaphore, #tpu.memory_space<semaphore_mem>>) {add = true}
    %dma_wait3A_2037 = arith.constant 0 : i32
    %dma_wait3A_2038 = arith.constant 2 : i32
    %dma_wait3A_2039 = arith.constant 0 : i32
    %dma_wait3A_2040 = arith.constant 0 : i32
    %dma_wait3A_2041 = tpu.memref_slice %arg12[%dma_wait3A_2037, %dma_wait3A_2039, %dma_wait3A_2040] : memref<3x128x64xf32, #tpu.memory_space<vmem>> -> memref<1x128x64xf32, #tpu.memory_space<vmem>>
    %dma_wait3A_2042 = tpu.memref_squeeze %dma_wait3A_2041 : memref<1x128x64xf32, #tpu.memory_space<vmem>> -> memref<128x64xf32, #tpu.memory_space<vmem>>
    %dma_wait3A_2043 = arith.constant 0 : i32
    %dma_wait3A_2044 = tpu.memref_slice %arg9[%dma_wait3A_2038, %dma_wait3A_2043] : memref<4x128xi32, #tpu.memory_space<vmem>> -> memref<1x128xi32, #tpu.memory_space<vmem>>
    %dma_wait3A_2045 = tpu.memref_squeeze %dma_wait3A_2044 : memref<1x128xi32, #tpu.memory_space<vmem>> -> memref<128xi32, #tpu.memory_space<vmem>>
    %dma_wait3A_2046 = arith.constant 0 : i32
    %dma_wait3A_2047 = arith.constant 0 : i32
    %dma_wait3A_2048 = tpu.memref_slice %arg16[%dma_wait3A_2046, %dma_wait3A_2047] : memref<4096x64xf32, #tpu.memory_space<vmem_shared>> -> memref<4096x64xf32, #tpu.memory_space<vmem_shared>>
    tpu.wait_indirect_dma semaphore(%arg21 : memref<!tpu.dma_semaphore, #tpu.memory_space<semaphore_mem>>) src(%dma_wait3A_2042 : memref<128x64xf32, #tpu.memory_space<vmem>>) dst(%dma_wait3A_2048 : memref<4096x64xf32, #tpu.memory_space<vmem_shared>>)
    %dma_start3A_2049 = arith.constant 1 : i32
    %dma_start3A_2050 = arith.constant 19 : i32
    %dma_start3A_2051 = arith.constant 0 : i32
    %dma_start3A_2052 = arith.constant 0 : i32
    %dma_start3A_2053 = arith.constant 0 : i32
    %dma_start3A_2054 = tpu.memref_slice %arg12[%dma_start3A_2051, %dma_start3A_2052, %dma_start3A_2053] : memref<3x128x64xf32, #tpu.memory_space<vmem>> -> memref<1x128x64xf32, #tpu.memory_space<vmem>>
    %dma_start3A_2055 = tpu.memref_squeeze %dma_start3A_2054 : memref<1x128x64xf32, #tpu.memory_space<vmem>> -> memref<128x64xf32, #tpu.memory_space<vmem>>
    %dma_start3A_2056 = arith.constant 0 : i32
    %dma_start3A_2057 = tpu.memref_slice %arg10[%dma_start3A_2049, %dma_start3A_2050, %dma_start3A_2056] : memref<2x20x128xi32, #tpu.memory_space<vmem>> -> memref<1x1x128xi32, #tpu.memory_space<vmem>>
    %dma_start3A_2058 = tpu.memref_squeeze %dma_start3A_2057 : memref<1x1x128xi32, #tpu.memory_space<vmem>> -> memref<128xi32, #tpu.memory_space<vmem>>
    %dma_start3A_2059 = arith.constant 0 : i32
    %dma_start3A_2060 = arith.constant 0 : i32
    %dma_start3A_2061 = tpu.memref_slice %arg3[%dma_start3A_2059, %dma_start3A_2060] : memref<1000000x64xf32, #tpu.memory_space<hbm>> -> memref<1000000x64xf32, #tpu.memory_space<hbm>>
    tpu.enqueue_indirect_dma source(%dma_start3A_2061 : memref<1000000x64xf32, #tpu.memory_space<hbm>>) target(%dma_start3A_2055 : memref<128x64xf32, #tpu.memory_space<vmem>>) offsets(%dma_start3A_2058 : memref<128xi32, #tpu.memory_space<vmem>>) semaphore(%arg18 : memref<!tpu.dma_semaphore, #tpu.memory_space<semaphore_mem>>)
    %dma_wait3A_2062 = arith.constant 1 : i32
    %dma_wait3A_2063 = arith.constant 18 : i32
    %dma_wait3A_2064 = arith.constant 1 : i32
    %dma_wait3A_2065 = arith.constant 0 : i32
    %dma_wait3A_2066 = arith.constant 0 : i32
    %dma_wait3A_2067 = tpu.memref_slice %arg12[%dma_wait3A_2064, %dma_wait3A_2065, %dma_wait3A_2066] : memref<3x128x64xf32, #tpu.memory_space<vmem>> -> memref<1x128x64xf32, #tpu.memory_space<vmem>>
    %dma_wait3A_2068 = tpu.memref_squeeze %dma_wait3A_2067 : memref<1x128x64xf32, #tpu.memory_space<vmem>> -> memref<128x64xf32, #tpu.memory_space<vmem>>
    %dma_wait3A_2069 = arith.constant 0 : i32
    %dma_wait3A_2070 = tpu.memref_slice %arg10[%dma_wait3A_2062, %dma_wait3A_2063, %dma_wait3A_2069] : memref<2x20x128xi32, #tpu.memory_space<vmem>> -> memref<1x1x128xi32, #tpu.memory_space<vmem>>
    %dma_wait3A_2071 = tpu.memref_squeeze %dma_wait3A_2070 : memref<1x1x128xi32, #tpu.memory_space<vmem>> -> memref<128xi32, #tpu.memory_space<vmem>>
    %dma_wait3A_2072 = arith.constant 0 : i32
    %dma_wait3A_2073 = arith.constant 0 : i32
    %dma_wait3A_2074 = tpu.memref_slice %arg3[%dma_wait3A_2072, %dma_wait3A_2073] : memref<1000000x64xf32, #tpu.memory_space<hbm>> -> memref<1000000x64xf32, #tpu.memory_space<hbm>>
    tpu.wait_indirect_dma semaphore(%arg19 : memref<!tpu.dma_semaphore, #tpu.memory_space<semaphore_mem>>) src(%dma_wait3A_2074 : memref<1000000x64xf32, #tpu.memory_space<hbm>>) dst(%dma_wait3A_2068 : memref<128x64xf32, #tpu.memory_space<vmem>>)
    %dma_start3A_2075 = arith.constant 1 : i32
    %dma_start3A_2076 = arith.constant 3 : i32
    %dma_start3A_2077 = arith.constant 0 : i32
    %dma_start3A_2078 = arith.constant 0 : i32
    %dma_start3A_2079 = tpu.memref_slice %arg12[%dma_start3A_2075, %dma_start3A_2077, %dma_start3A_2078] : memref<3x128x64xf32, #tpu.memory_space<vmem>> -> memref<1x128x64xf32, #tpu.memory_space<vmem>>
    %dma_start3A_2080 = tpu.memref_squeeze %dma_start3A_2079 : memref<1x128x64xf32, #tpu.memory_space<vmem>> -> memref<128x64xf32, #tpu.memory_space<vmem>>
    %dma_start3A_2081 = arith.constant 0 : i32
    %dma_start3A_2082 = tpu.memref_slice %arg9[%dma_start3A_2076, %dma_start3A_2081] : memref<4x128xi32, #tpu.memory_space<vmem>> -> memref<1x128xi32, #tpu.memory_space<vmem>>
    %dma_start3A_2083 = tpu.memref_squeeze %dma_start3A_2082 : memref<1x128xi32, #tpu.memory_space<vmem>> -> memref<128xi32, #tpu.memory_space<vmem>>
    %dma_start3A_2084 = arith.constant 0 : i32
    %dma_start3A_2085 = arith.constant 0 : i32
    %dma_start3A_2086 = tpu.memref_slice %arg16[%dma_start3A_2084, %dma_start3A_2085] : memref<4096x64xf32, #tpu.memory_space<vmem_shared>> -> memref<4096x64xf32, #tpu.memory_space<vmem_shared>>
    tpu.enqueue_indirect_dma source(%dma_start3A_2080 : memref<128x64xf32, #tpu.memory_space<vmem>>) target(%dma_start3A_2086 : memref<4096x64xf32, #tpu.memory_space<vmem_shared>>) offsets(%dma_start3A_2083 : memref<128xi32, #tpu.memory_space<vmem>>) semaphore(%arg22 : memref<!tpu.dma_semaphore, #tpu.memory_space<semaphore_mem>>) {add = true}
    %dma_wait3A_2087 = arith.constant 0 : i32
    %dma_wait3A_2088 = arith.constant 19 : i32
    %dma_wait3A_2089 = arith.constant 2 : i32
    %dma_wait3A_2090 = arith.constant 0 : i32
    %dma_wait3A_2091 = arith.constant 0 : i32
    %dma_wait3A_2092 = tpu.memref_slice %arg12[%dma_wait3A_2089, %dma_wait3A_2090, %dma_wait3A_2091] : memref<3x128x64xf32, #tpu.memory_space<vmem>> -> memref<1x128x64xf32, #tpu.memory_space<vmem>>
    %dma_wait3A_2093 = tpu.memref_squeeze %dma_wait3A_2092 : memref<1x128x64xf32, #tpu.memory_space<vmem>> -> memref<128x64xf32, #tpu.memory_space<vmem>>
    %dma_wait3A_2094 = arith.constant 0 : i32
    %dma_wait3A_2095 = tpu.memref_slice %arg10[%dma_wait3A_2087, %dma_wait3A_2088, %dma_wait3A_2094] : memref<2x20x128xi32, #tpu.memory_space<vmem>> -> memref<1x1x128xi32, #tpu.memory_space<vmem>>
    %dma_wait3A_2096 = tpu.memref_squeeze %dma_wait3A_2095 : memref<1x1x128xi32, #tpu.memory_space<vmem>> -> memref<128xi32, #tpu.memory_space<vmem>>
    %dma_wait3A_2097 = arith.constant 0 : i32
    %dma_wait3A_2098 = arith.constant 0 : i32
    %dma_wait3A_2099 = tpu.memref_slice %arg3[%dma_wait3A_2097, %dma_wait3A_2098] : memref<1000000x64xf32, #tpu.memory_space<hbm>> -> memref<1000000x64xf32, #tpu.memory_space<hbm>>
    tpu.wait_indirect_dma semaphore(%arg20 : memref<!tpu.dma_semaphore, #tpu.memory_space<semaphore_mem>>) src(%dma_wait3A_2099 : memref<1000000x64xf32, #tpu.memory_space<hbm>>) dst(%dma_wait3A_2093 : memref<128x64xf32, #tpu.memory_space<vmem>>)
    %dma_start3A_2100 = arith.constant 2 : i32
    %dma_start3A_2101 = arith.constant 2 : i32
    %dma_start3A_2102 = arith.constant 0 : i32
    %dma_start3A_2103 = arith.constant 0 : i32
    %dma_start3A_2104 = tpu.memref_slice %arg12[%dma_start3A_2100, %dma_start3A_2102, %dma_start3A_2103] : memref<3x128x64xf32, #tpu.memory_space<vmem>> -> memref<1x128x64xf32, #tpu.memory_space<vmem>>
    %dma_start3A_2105 = tpu.memref_squeeze %dma_start3A_2104 : memref<1x128x64xf32, #tpu.memory_space<vmem>> -> memref<128x64xf32, #tpu.memory_space<vmem>>
    %dma_start3A_2106 = arith.constant 0 : i32
    %dma_start3A_2107 = tpu.memref_slice %arg9[%dma_start3A_2101, %dma_start3A_2106] : memref<4x128xi32, #tpu.memory_space<vmem>> -> memref<1x128xi32, #tpu.memory_space<vmem>>
    %dma_start3A_2108 = tpu.memref_squeeze %dma_start3A_2107 : memref<1x128xi32, #tpu.memory_space<vmem>> -> memref<128xi32, #tpu.memory_space<vmem>>
    %dma_start3A_2109 = arith.constant 0 : i32
    %dma_start3A_2110 = arith.constant 0 : i32
    %dma_start3A_2111 = tpu.memref_slice %arg16[%dma_start3A_2109, %dma_start3A_2110] : memref<4096x64xf32, #tpu.memory_space<vmem_shared>> -> memref<4096x64xf32, #tpu.memory_space<vmem_shared>>
    tpu.enqueue_indirect_dma source(%dma_start3A_2105 : memref<128x64xf32, #tpu.memory_space<vmem>>) target(%dma_start3A_2111 : memref<4096x64xf32, #tpu.memory_space<vmem_shared>>) offsets(%dma_start3A_2108 : memref<128xi32, #tpu.memory_space<vmem>>) semaphore(%arg23 : memref<!tpu.dma_semaphore, #tpu.memory_space<semaphore_mem>>) {add = true}
    %dma_wait3A_2112 = arith.constant 1 : i32
    %dma_wait3A_2113 = arith.constant 19 : i32
    %dma_wait3A_2114 = arith.constant 0 : i32
    %dma_wait3A_2115 = arith.constant 0 : i32
    %dma_wait3A_2116 = arith.constant 0 : i32
    %dma_wait3A_2117 = tpu.memref_slice %arg12[%dma_wait3A_2114, %dma_wait3A_2115, %dma_wait3A_2116] : memref<3x128x64xf32, #tpu.memory_space<vmem>> -> memref<1x128x64xf32, #tpu.memory_space<vmem>>
    %dma_wait3A_2118 = tpu.memref_squeeze %dma_wait3A_2117 : memref<1x128x64xf32, #tpu.memory_space<vmem>> -> memref<128x64xf32, #tpu.memory_space<vmem>>
    %dma_wait3A_2119 = arith.constant 0 : i32
    %dma_wait3A_2120 = tpu.memref_slice %arg10[%dma_wait3A_2112, %dma_wait3A_2113, %dma_wait3A_2119] : memref<2x20x128xi32, #tpu.memory_space<vmem>> -> memref<1x1x128xi32, #tpu.memory_space<vmem>>
    %dma_wait3A_2121 = tpu.memref_squeeze %dma_wait3A_2120 : memref<1x1x128xi32, #tpu.memory_space<vmem>> -> memref<128xi32, #tpu.memory_space<vmem>>
    %dma_wait3A_2122 = arith.constant 0 : i32
    %dma_wait3A_2123 = arith.constant 0 : i32
    %dma_wait3A_2124 = tpu.memref_slice %arg3[%dma_wait3A_2122, %dma_wait3A_2123] : memref<1000000x64xf32, #tpu.memory_space<hbm>> -> memref<1000000x64xf32, #tpu.memory_space<hbm>>
    tpu.wait_indirect_dma semaphore(%arg18 : memref<!tpu.dma_semaphore, #tpu.memory_space<semaphore_mem>>) src(%dma_wait3A_2124 : memref<1000000x64xf32, #tpu.memory_space<hbm>>) dst(%dma_wait3A_2118 : memref<128x64xf32, #tpu.memory_space<vmem>>)
    %dma_start3A_2125 = arith.constant 0 : i32
    %dma_start3A_2126 = arith.constant 3 : i32
    %dma_start3A_2127 = arith.constant 0 : i32
    %dma_start3A_2128 = arith.constant 0 : i32
    %dma_start3A_2129 = tpu.memref_slice %arg12[%dma_start3A_2125, %dma_start3A_2127, %dma_start3A_2128] : memref<3x128x64xf32, #tpu.memory_space<vmem>> -> memref<1x128x64xf32, #tpu.memory_space<vmem>>
    %dma_start3A_2130 = tpu.memref_squeeze %dma_start3A_2129 : memref<1x128x64xf32, #tpu.memory_space<vmem>> -> memref<128x64xf32, #tpu.memory_space<vmem>>
    %dma_start3A_2131 = arith.constant 0 : i32
    %dma_start3A_2132 = tpu.memref_slice %arg9[%dma_start3A_2126, %dma_start3A_2131] : memref<4x128xi32, #tpu.memory_space<vmem>> -> memref<1x128xi32, #tpu.memory_space<vmem>>
    %dma_start3A_2133 = tpu.memref_squeeze %dma_start3A_2132 : memref<1x128xi32, #tpu.memory_space<vmem>> -> memref<128xi32, #tpu.memory_space<vmem>>
    %dma_start3A_2134 = arith.constant 0 : i32
    %dma_start3A_2135 = arith.constant 0 : i32
    %dma_start3A_2136 = tpu.memref_slice %arg16[%dma_start3A_2134, %dma_start3A_2135] : memref<4096x64xf32, #tpu.memory_space<vmem_shared>> -> memref<4096x64xf32, #tpu.memory_space<vmem_shared>>
    tpu.enqueue_indirect_dma source(%dma_start3A_2130 : memref<128x64xf32, #tpu.memory_space<vmem>>) target(%dma_start3A_2136 : memref<4096x64xf32, #tpu.memory_space<vmem_shared>>) offsets(%dma_start3A_2133 : memref<128xi32, #tpu.memory_space<vmem>>) semaphore(%arg21 : memref<!tpu.dma_semaphore, #tpu.memory_space<semaphore_mem>>) {add = true}
    %dma_wait3A_2137 = arith.constant 0 : i32
    %dma_wait3A_2138 = arith.constant 3 : i32
    %dma_wait3A_2139 = arith.constant 0 : i32
    %dma_wait3A_2140 = arith.constant 0 : i32
    %dma_wait3A_2141 = tpu.memref_slice %arg12[%dma_wait3A_2137, %dma_wait3A_2139, %dma_wait3A_2140] : memref<3x128x64xf32, #tpu.memory_space<vmem>> -> memref<1x128x64xf32, #tpu.memory_space<vmem>>
    %dma_wait3A_2142 = tpu.memref_squeeze %dma_wait3A_2141 : memref<1x128x64xf32, #tpu.memory_space<vmem>> -> memref<128x64xf32, #tpu.memory_space<vmem>>
    %dma_wait3A_2143 = arith.constant 0 : i32
    %dma_wait3A_2144 = tpu.memref_slice %arg9[%dma_wait3A_2138, %dma_wait3A_2143] : memref<4x128xi32, #tpu.memory_space<vmem>> -> memref<1x128xi32, #tpu.memory_space<vmem>>
    %dma_wait3A_2145 = tpu.memref_squeeze %dma_wait3A_2144 : memref<1x128xi32, #tpu.memory_space<vmem>> -> memref<128xi32, #tpu.memory_space<vmem>>
    %dma_wait3A_2146 = arith.constant 0 : i32
    %dma_wait3A_2147 = arith.constant 0 : i32
    %dma_wait3A_2148 = tpu.memref_slice %arg16[%dma_wait3A_2146, %dma_wait3A_2147] : memref<4096x64xf32, #tpu.memory_space<vmem_shared>> -> memref<4096x64xf32, #tpu.memory_space<vmem_shared>>
    tpu.wait_indirect_dma semaphore(%arg21 : memref<!tpu.dma_semaphore, #tpu.memory_space<semaphore_mem>>) src(%dma_wait3A_2142 : memref<128x64xf32, #tpu.memory_space<vmem>>) dst(%dma_wait3A_2148 : memref<4096x64xf32, #tpu.memory_space<vmem_shared>>)
    %dma_wait3A_2149 = arith.constant 1 : i32
    %dma_wait3A_2150 = arith.constant 3 : i32
    %dma_wait3A_2151 = arith.constant 0 : i32
    %dma_wait3A_2152 = arith.constant 0 : i32
    %dma_wait3A_2153 = tpu.memref_slice %arg12[%dma_wait3A_2149, %dma_wait3A_2151, %dma_wait3A_2152] : memref<3x128x64xf32, #tpu.memory_space<vmem>> -> memref<1x128x64xf32, #tpu.memory_space<vmem>>
    %dma_wait3A_2154 = tpu.memref_squeeze %dma_wait3A_2153 : memref<1x128x64xf32, #tpu.memory_space<vmem>> -> memref<128x64xf32, #tpu.memory_space<vmem>>
    %dma_wait3A_2155 = arith.constant 0 : i32
    %dma_wait3A_2156 = tpu.memref_slice %arg9[%dma_wait3A_2150, %dma_wait3A_2155] : memref<4x128xi32, #tpu.memory_space<vmem>> -> memref<1x128xi32, #tpu.memory_space<vmem>>
    %dma_wait3A_2157 = tpu.memref_squeeze %dma_wait3A_2156 : memref<1x128xi32, #tpu.memory_space<vmem>> -> memref<128xi32, #tpu.memory_space<vmem>>
    %dma_wait3A_2158 = arith.constant 0 : i32
    %dma_wait3A_2159 = arith.constant 0 : i32
    %dma_wait3A_2160 = tpu.memref_slice %arg16[%dma_wait3A_2158, %dma_wait3A_2159] : memref<4096x64xf32, #tpu.memory_space<vmem_shared>> -> memref<4096x64xf32, #tpu.memory_space<vmem_shared>>
    tpu.wait_indirect_dma semaphore(%arg22 : memref<!tpu.dma_semaphore, #tpu.memory_space<semaphore_mem>>) src(%dma_wait3A_2154 : memref<128x64xf32, #tpu.memory_space<vmem>>) dst(%dma_wait3A_2160 : memref<4096x64xf32, #tpu.memory_space<vmem_shared>>)
    %dma_wait3A_2161 = arith.constant 2 : i32
    %dma_wait3A_2162 = arith.constant 2 : i32
    %dma_wait3A_2163 = arith.constant 0 : i32
    %dma_wait3A_2164 = arith.constant 0 : i32
    %dma_wait3A_2165 = tpu.memref_slice %arg12[%dma_wait3A_2161, %dma_wait3A_2163, %dma_wait3A_2164] : memref<3x128x64xf32, #tpu.memory_space<vmem>> -> memref<1x128x64xf32, #tpu.memory_space<vmem>>
    %dma_wait3A_2166 = tpu.memref_squeeze %dma_wait3A_2165 : memref<1x128x64xf32, #tpu.memory_space<vmem>> -> memref<128x64xf32, #tpu.memory_space<vmem>>
    %dma_wait3A_2167 = arith.constant 0 : i32
    %dma_wait3A_2168 = tpu.memref_slice %arg9[%dma_wait3A_2162, %dma_wait3A_2167] : memref<4x128xi32, #tpu.memory_space<vmem>> -> memref<1x128xi32, #tpu.memory_space<vmem>>
    %dma_wait3A_2169 = tpu.memref_squeeze %dma_wait3A_2168 : memref<1x128xi32, #tpu.memory_space<vmem>> -> memref<128xi32, #tpu.memory_space<vmem>>
    %dma_wait3A_2170 = arith.constant 0 : i32
    %dma_wait3A_2171 = arith.constant 0 : i32
    %dma_wait3A_2172 = tpu.memref_slice %arg16[%dma_wait3A_2170, %dma_wait3A_2171] : memref<4096x64xf32, #tpu.memory_space<vmem_shared>> -> memref<4096x64xf32, #tpu.memory_space<vmem_shared>>
    tpu.wait_indirect_dma semaphore(%arg23 : memref<!tpu.dma_semaphore, #tpu.memory_space<semaphore_mem>>) src(%dma_wait3A_2166 : memref<128x64xf32, #tpu.memory_space<vmem>>) dst(%dma_wait3A_2172 : memref<4096x64xf32, #tpu.memory_space<vmem_shared>>)
    %mul3A_2173 = arith.constant 2 : i32
    %mul3A_2174 = arith.muli %arg1, %mul3A_2173 : i32
    %mul3A_2175 = arith.constant 128 : i32
    %mul3A_2176 = arith.muli %mul3A_2174, %mul3A_2175 : i32
    "tpu.region"() ({
      %run_scoped3A_2285 = tpu.sem_alloc : memref<!tpu.dma_semaphore, #tpu.memory_space<semaphore_mem>>
      %dma_start3A_2286 = arith.constant 0 : i32
      %dma_start3A_2287 = tpu.memref_slice %arg16[%mul3A_2176, %dma_start3A_2286] : memref<4096x64xf32, #tpu.memory_space<vmem_shared>> -> memref<128x64xf32, #tpu.memory_space<vmem_shared>>
      %dma_start3A_2288 = arith.constant 0 : i32
      %dma_start3A_2289 = tpu.memref_slice %arg16[%mul3A_2176, %dma_start3A_2288] : memref<4096x64xf32, #tpu.memory_space<vmem_shared>> -> memref<128x64xf32, #tpu.memory_space<vmem_shared>>
      tpu.enqueue_dma source(%dma_start3A_2289 : memref<128x64xf32, #tpu.memory_space<vmem_shared>>) target(%arg13 : memref<128x64xf32, #tpu.memory_space<vmem>>) target_semaphore(%run_scoped3A_2285 : memref<!tpu.dma_semaphore, #tpu.memory_space<semaphore_mem>>)
      %dma_wait3A_2290 = arith.constant 0 : i32
      %dma_wait3A_2291 = tpu.memref_slice %arg16[%mul3A_2176, %dma_wait3A_2290] : memref<4096x64xf32, #tpu.memory_space<vmem_shared>> -> memref<128x64xf32, #tpu.memory_space<vmem_shared>>
      %dma_wait3A_2292 = arith.constant 0 : i32
      %dma_wait3A_2293 = tpu.memref_slice %arg16[%mul3A_2176, %dma_wait3A_2292] : memref<4096x64xf32, #tpu.memory_space<vmem_shared>> -> memref<128x64xf32, #tpu.memory_space<vmem_shared>>
      tpu.wait_dma2 semaphore(%run_scoped3A_2285 : memref<!tpu.dma_semaphore, #tpu.memory_space<semaphore_mem>>) src(%dma_wait3A_2293 : memref<128x64xf32, #tpu.memory_space<vmem_shared>>) dst(%arg13 : memref<128x64xf32, #tpu.memory_space<vmem>>)
      tpu.yield
    }) : () -> ()
    %mul3A_2177 = arith.constant 2 : i32
    %mul3A_2178 = arith.muli %arg1, %mul3A_2177 : i32
    %add3A_2179 = arith.constant 1 : i32
    %add3A_2180 = arith.addi %mul3A_2178, %add3A_2179 : i32
    %mul3A_2181 = arith.constant 128 : i32
    %mul3A_2182 = arith.muli %add3A_2180, %mul3A_2181 : i32
    "tpu.region"() ({
      %run_scoped3A_2285 = tpu.sem_alloc : memref<!tpu.dma_semaphore, #tpu.memory_space<semaphore_mem>>
      %dma_start3A_2286 = arith.constant 0 : i32
      %dma_start3A_2287 = tpu.memref_slice %arg16[%mul3A_2182, %dma_start3A_2286] : memref<4096x64xf32, #tpu.memory_space<vmem_shared>> -> memref<128x64xf32, #tpu.memory_space<vmem_shared>>
      %dma_start3A_2288 = arith.constant 0 : i32
      %dma_start3A_2289 = tpu.memref_slice %arg16[%mul3A_2182, %dma_start3A_2288] : memref<4096x64xf32, #tpu.memory_space<vmem_shared>> -> memref<128x64xf32, #tpu.memory_space<vmem_shared>>
      tpu.enqueue_dma source(%dma_start3A_2289 : memref<128x64xf32, #tpu.memory_space<vmem_shared>>) target(%arg14 : memref<128x64xf32, #tpu.memory_space<vmem>>) target_semaphore(%run_scoped3A_2285 : memref<!tpu.dma_semaphore, #tpu.memory_space<semaphore_mem>>)
      %dma_wait3A_2290 = arith.constant 0 : i32
      %dma_wait3A_2291 = tpu.memref_slice %arg16[%mul3A_2182, %dma_wait3A_2290] : memref<4096x64xf32, #tpu.memory_space<vmem_shared>> -> memref<128x64xf32, #tpu.memory_space<vmem_shared>>
      %dma_wait3A_2292 = arith.constant 0 : i32
      %dma_wait3A_2293 = tpu.memref_slice %arg16[%mul3A_2182, %dma_wait3A_2292] : memref<4096x64xf32, #tpu.memory_space<vmem_shared>> -> memref<128x64xf32, #tpu.memory_space<vmem_shared>>
      tpu.wait_dma2 semaphore(%run_scoped3A_2285 : memref<!tpu.dma_semaphore, #tpu.memory_space<semaphore_mem>>) src(%dma_wait3A_2293 : memref<128x64xf32, #tpu.memory_space<vmem_shared>>) dst(%arg14 : memref<128x64xf32, #tpu.memory_space<vmem>>)
      tpu.yield
    }) : () -> ()
    %add3A_2183 = arith.constant 0 : i32
    %add3A_2184 = vector.broadcast %add3A_2183 : i32 to vector<16xi32>
    %add3A_2185 = arith.addi %add3A_2184, %iota3A : vector<16xi32>
    %broadcast_in_dim3A = arith.constant 0.000000e+00 : f32
    %broadcast_in_dim3A_2186 = vector.broadcast %broadcast_in_dim3A : f32 to vector<16xf32>
    %scan3A = arith.constant 0 : i32
    %scan3A_2187 = arith.constant 64 : i32
    %scan3A_2188 = arith.addi %scan3A, %scan3A_2187 : i32
    %scan3A_2189 = arith.constant 1 : i32
    %scan3A_2190 = scf.for %scan3A_2285 = %scan3A to %scan3A_2188 step %scan3A_2189 iter_args(%scan3A_2286 = %broadcast_in_dim3A_2186) -> (vector<16xf32>)  : i32 {
      %mul3A_2287 = arith.constant 1 : i32
      %mul3A_2288 = arith.muli %scan3A_2285, %mul3A_2287 : i32
      %add3A_2289 = arith.constant 0 : i32
      %add3A_2290 = arith.addi %add3A_2289, %mul3A_2288 : i32
      %broadcast_in_dim3A_2291 = arith.constant 0 : i32
      %broadcast_in_dim3A_2292 = vector.broadcast %broadcast_in_dim3A_2291 : i32 to vector<16xi32>
      %add3A_2293 = vector.broadcast %add3A_2290 : i32 to vector<16xi32>
      %add3A_2294 = arith.addi %broadcast_in_dim3A_2292, %add3A_2293 : vector<16xi32>
      %gather3A = tpu.vector_load_idx %arg13[%add3A_2185, %add3A_2294] : memref<128x64xf32, #tpu.memory_space<vmem>>[vector<16xi32>, vector<16xi32>], vector<16xf32>,
      %gather3A_2295 = tpu.vector_load_idx %arg14[%add3A_2185, %add3A_2294] : memref<128x64xf32, #tpu.memory_space<vmem>>[vector<16xi32>, vector<16xi32>], vector<16xf32>,
      %mul3A_2296 = arith.mulf %gather3A, %gather3A_2295 : vector<16xf32>
      %add3A_2297 = arith.addf %scan3A_2286, %mul3A_2296 : vector<16xf32>
      scf.yield %add3A_2297 : vector<16xf32>
    }
    %scan3A_2191 = arith.constant 64 : i32
    %swap3A_2192 = arith.constant 0 : index
    %swap3A_2193 = tpu.vector_load %arg15[%swap3A_2192] {strides = array<i32>} : memref<128xf32, #tpu.memory_space<vmem>>, vector<16xf32>,
    tpu.vector_store %arg15[%swap3A_2192], %scan3A_2190 {strides = array<i32>} : memref<128xf32, #tpu.memory_space<vmem>>, vector<16xf32>,
    %add3A_2194 = arith.constant 16 : i32
    %add3A_2195 = vector.broadcast %add3A_2194 : i32 to vector<16xi32>
    %add3A_2196 = arith.addi %add3A_2195, %iota3A : vector<16xi32>
    %broadcast_in_dim3A_2197 = arith.constant 0.000000e+00 : f32
    %broadcast_in_dim3A_2198 = vector.broadcast %broadcast_in_dim3A_2197 : f32 to vector<16xf32>
    %scan3A_2199 = arith.constant 0 : i32
    %scan3A_2200 = arith.constant 64 : i32
    %scan3A_2201 = arith.addi %scan3A_2199, %scan3A_2200 : i32
    %scan3A_2202 = arith.constant 1 : i32
    %scan3A_2203 = scf.for %scan3A_2285 = %scan3A_2199 to %scan3A_2201 step %scan3A_2202 iter_args(%scan3A_2286 = %broadcast_in_dim3A_2198) -> (vector<16xf32>)  : i32 {
      %mul3A_2287 = arith.constant 1 : i32
      %mul3A_2288 = arith.muli %scan3A_2285, %mul3A_2287 : i32
      %add3A_2289 = arith.constant 0 : i32
      %add3A_2290 = arith.addi %add3A_2289, %mul3A_2288 : i32
      %broadcast_in_dim3A_2291 = arith.constant 0 : i32
      %broadcast_in_dim3A_2292 = vector.broadcast %broadcast_in_dim3A_2291 : i32 to vector<16xi32>
      %add3A_2293 = vector.broadcast %add3A_2290 : i32 to vector<16xi32>
      %add3A_2294 = arith.addi %broadcast_in_dim3A_2292, %add3A_2293 : vector<16xi32>
      %gather3A = tpu.vector_load_idx %arg13[%add3A_2196, %add3A_2294] : memref<128x64xf32, #tpu.memory_space<vmem>>[vector<16xi32>, vector<16xi32>], vector<16xf32>,
      %gather3A_2295 = tpu.vector_load_idx %arg14[%add3A_2196, %add3A_2294] : memref<128x64xf32, #tpu.memory_space<vmem>>[vector<16xi32>, vector<16xi32>], vector<16xf32>,
      %mul3A_2296 = arith.mulf %gather3A, %gather3A_2295 : vector<16xf32>
      %add3A_2297 = arith.addf %scan3A_2286, %mul3A_2296 : vector<16xf32>
      scf.yield %add3A_2297 : vector<16xf32>
    }
    %scan3A_2204 = arith.constant 64 : i32
    %swap3A_2205 = arith.constant 16 : index
    %swap3A_2206 = tpu.vector_load %arg15[%swap3A_2205] {strides = array<i32>} : memref<128xf32, #tpu.memory_space<vmem>>, vector<16xf32>,
    tpu.vector_store %arg15[%swap3A_2205], %scan3A_2203 {strides = array<i32>} : memref<128xf32, #tpu.memory_space<vmem>>, vector<16xf32>,
    %add3A_2207 = arith.constant 32 : i32
    %add3A_2208 = vector.broadcast %add3A_2207 : i32 to vector<16xi32>
    %add3A_2209 = arith.addi %add3A_2208, %iota3A : vector<16xi32>
    %broadcast_in_dim3A_2210 = arith.constant 0.000000e+00 : f32
    %broadcast_in_dim3A_2211 = vector.broadcast %broadcast_in_dim3A_2210 : f32 to vector<16xf32>
    %scan3A_2212 = arith.constant 0 : i32
    %scan3A_2213 = arith.constant 64 : i32
    %scan3A_2214 = arith.addi %scan3A_2212, %scan3A_2213 : i32
    %scan3A_2215 = arith.constant 1 : i32
    %scan3A_2216 = scf.for %scan3A_2285 = %scan3A_2212 to %scan3A_2214 step %scan3A_2215 iter_args(%scan3A_2286 = %broadcast_in_dim3A_2211) -> (vector<16xf32>)  : i32 {
      %mul3A_2287 = arith.constant 1 : i32
      %mul3A_2288 = arith.muli %scan3A_2285, %mul3A_2287 : i32
      %add3A_2289 = arith.constant 0 : i32
      %add3A_2290 = arith.addi %add3A_2289, %mul3A_2288 : i32
      %broadcast_in_dim3A_2291 = arith.constant 0 : i32
      %broadcast_in_dim3A_2292 = vector.broadcast %broadcast_in_dim3A_2291 : i32 to vector<16xi32>
      %add3A_2293 = vector.broadcast %add3A_2290 : i32 to vector<16xi32>
      %add3A_2294 = arith.addi %broadcast_in_dim3A_2292, %add3A_2293 : vector<16xi32>
      %gather3A = tpu.vector_load_idx %arg13[%add3A_2209, %add3A_2294] : memref<128x64xf32, #tpu.memory_space<vmem>>[vector<16xi32>, vector<16xi32>], vector<16xf32>,
      %gather3A_2295 = tpu.vector_load_idx %arg14[%add3A_2209, %add3A_2294] : memref<128x64xf32, #tpu.memory_space<vmem>>[vector<16xi32>, vector<16xi32>], vector<16xf32>,
      %mul3A_2296 = arith.mulf %gather3A, %gather3A_2295 : vector<16xf32>
      %add3A_2297 = arith.addf %scan3A_2286, %mul3A_2296 : vector<16xf32>
      scf.yield %add3A_2297 : vector<16xf32>
    }
    %scan3A_2217 = arith.constant 64 : i32
    %swap3A_2218 = arith.constant 32 : index
    %swap3A_2219 = tpu.vector_load %arg15[%swap3A_2218] {strides = array<i32>} : memref<128xf32, #tpu.memory_space<vmem>>, vector<16xf32>,
    tpu.vector_store %arg15[%swap3A_2218], %scan3A_2216 {strides = array<i32>} : memref<128xf32, #tpu.memory_space<vmem>>, vector<16xf32>,
    %add3A_2220 = arith.constant 48 : i32
    %add3A_2221 = vector.broadcast %add3A_2220 : i32 to vector<16xi32>
    %add3A_2222 = arith.addi %add3A_2221, %iota3A : vector<16xi32>
    %broadcast_in_dim3A_2223 = arith.constant 0.000000e+00 : f32
    %broadcast_in_dim3A_2224 = vector.broadcast %broadcast_in_dim3A_2223 : f32 to vector<16xf32>
    %scan3A_2225 = arith.constant 0 : i32
    %scan3A_2226 = arith.constant 64 : i32
    %scan3A_2227 = arith.addi %scan3A_2225, %scan3A_2226 : i32
    %scan3A_2228 = arith.constant 1 : i32
    %scan3A_2229 = scf.for %scan3A_2285 = %scan3A_2225 to %scan3A_2227 step %scan3A_2228 iter_args(%scan3A_2286 = %broadcast_in_dim3A_2224) -> (vector<16xf32>)  : i32 {
      %mul3A_2287 = arith.constant 1 : i32
      %mul3A_2288 = arith.muli %scan3A_2285, %mul3A_2287 : i32
      %add3A_2289 = arith.constant 0 : i32
      %add3A_2290 = arith.addi %add3A_2289, %mul3A_2288 : i32
      %broadcast_in_dim3A_2291 = arith.constant 0 : i32
      %broadcast_in_dim3A_2292 = vector.broadcast %broadcast_in_dim3A_2291 : i32 to vector<16xi32>
      %add3A_2293 = vector.broadcast %add3A_2290 : i32 to vector<16xi32>
      %add3A_2294 = arith.addi %broadcast_in_dim3A_2292, %add3A_2293 : vector<16xi32>
      %gather3A = tpu.vector_load_idx %arg13[%add3A_2222, %add3A_2294] : memref<128x64xf32, #tpu.memory_space<vmem>>[vector<16xi32>, vector<16xi32>], vector<16xf32>,
      %gather3A_2295 = tpu.vector_load_idx %arg14[%add3A_2222, %add3A_2294] : memref<128x64xf32, #tpu.memory_space<vmem>>[vector<16xi32>, vector<16xi32>], vector<16xf32>,
      %mul3A_2296 = arith.mulf %gather3A, %gather3A_2295 : vector<16xf32>
      %add3A_2297 = arith.addf %scan3A_2286, %mul3A_2296 : vector<16xf32>
      scf.yield %add3A_2297 : vector<16xf32>
    }
    %scan3A_2230 = arith.constant 64 : i32
    %swap3A_2231 = arith.constant 48 : index
    %swap3A_2232 = tpu.vector_load %arg15[%swap3A_2231] {strides = array<i32>} : memref<128xf32, #tpu.memory_space<vmem>>, vector<16xf32>,
    tpu.vector_store %arg15[%swap3A_2231], %scan3A_2229 {strides = array<i32>} : memref<128xf32, #tpu.memory_space<vmem>>, vector<16xf32>,
    %add3A_2233 = arith.constant 64 : i32
    %add3A_2234 = vector.broadcast %add3A_2233 : i32 to vector<16xi32>
    %add3A_2235 = arith.addi %add3A_2234, %iota3A : vector<16xi32>
    %broadcast_in_dim3A_2236 = arith.constant 0.000000e+00 : f32
    %broadcast_in_dim3A_2237 = vector.broadcast %broadcast_in_dim3A_2236 : f32 to vector<16xf32>
    %scan3A_2238 = arith.constant 0 : i32
    %scan3A_2239 = arith.constant 64 : i32
    %scan3A_2240 = arith.addi %scan3A_2238, %scan3A_2239 : i32
    %scan3A_2241 = arith.constant 1 : i32
    %scan3A_2242 = scf.for %scan3A_2285 = %scan3A_2238 to %scan3A_2240 step %scan3A_2241 iter_args(%scan3A_2286 = %broadcast_in_dim3A_2237) -> (vector<16xf32>)  : i32 {
      %mul3A_2287 = arith.constant 1 : i32
      %mul3A_2288 = arith.muli %scan3A_2285, %mul3A_2287 : i32
      %add3A_2289 = arith.constant 0 : i32
      %add3A_2290 = arith.addi %add3A_2289, %mul3A_2288 : i32
      %broadcast_in_dim3A_2291 = arith.constant 0 : i32
      %broadcast_in_dim3A_2292 = vector.broadcast %broadcast_in_dim3A_2291 : i32 to vector<16xi32>
      %add3A_2293 = vector.broadcast %add3A_2290 : i32 to vector<16xi32>
      %add3A_2294 = arith.addi %broadcast_in_dim3A_2292, %add3A_2293 : vector<16xi32>
      %gather3A = tpu.vector_load_idx %arg13[%add3A_2235, %add3A_2294] : memref<128x64xf32, #tpu.memory_space<vmem>>[vector<16xi32>, vector<16xi32>], vector<16xf32>,
      %gather3A_2295 = tpu.vector_load_idx %arg14[%add3A_2235, %add3A_2294] : memref<128x64xf32, #tpu.memory_space<vmem>>[vector<16xi32>, vector<16xi32>], vector<16xf32>,
      %mul3A_2296 = arith.mulf %gather3A, %gather3A_2295 : vector<16xf32>
      %add3A_2297 = arith.addf %scan3A_2286, %mul3A_2296 : vector<16xf32>
      scf.yield %add3A_2297 : vector<16xf32>
    }
    %scan3A_2243 = arith.constant 64 : i32
    %swap3A_2244 = arith.constant 64 : index
    %swap3A_2245 = tpu.vector_load %arg15[%swap3A_2244] {strides = array<i32>} : memref<128xf32, #tpu.memory_space<vmem>>, vector<16xf32>,
    tpu.vector_store %arg15[%swap3A_2244], %scan3A_2242 {strides = array<i32>} : memref<128xf32, #tpu.memory_space<vmem>>, vector<16xf32>,
    %add3A_2246 = arith.constant 80 : i32
    %add3A_2247 = vector.broadcast %add3A_2246 : i32 to vector<16xi32>
    %add3A_2248 = arith.addi %add3A_2247, %iota3A : vector<16xi32>
    %broadcast_in_dim3A_2249 = arith.constant 0.000000e+00 : f32
    %broadcast_in_dim3A_2250 = vector.broadcast %broadcast_in_dim3A_2249 : f32 to vector<16xf32>
    %scan3A_2251 = arith.constant 0 : i32
    %scan3A_2252 = arith.constant 64 : i32
    %scan3A_2253 = arith.addi %scan3A_2251, %scan3A_2252 : i32
    %scan3A_2254 = arith.constant 1 : i32
    %scan3A_2255 = scf.for %scan3A_2285 = %scan3A_2251 to %scan3A_2253 step %scan3A_2254 iter_args(%scan3A_2286 = %broadcast_in_dim3A_2250) -> (vector<16xf32>)  : i32 {
      %mul3A_2287 = arith.constant 1 : i32
      %mul3A_2288 = arith.muli %scan3A_2285, %mul3A_2287 : i32
      %add3A_2289 = arith.constant 0 : i32
      %add3A_2290 = arith.addi %add3A_2289, %mul3A_2288 : i32
      %broadcast_in_dim3A_2291 = arith.constant 0 : i32
      %broadcast_in_dim3A_2292 = vector.broadcast %broadcast_in_dim3A_2291 : i32 to vector<16xi32>
      %add3A_2293 = vector.broadcast %add3A_2290 : i32 to vector<16xi32>
      %add3A_2294 = arith.addi %broadcast_in_dim3A_2292, %add3A_2293 : vector<16xi32>
      %gather3A = tpu.vector_load_idx %arg13[%add3A_2248, %add3A_2294] : memref<128x64xf32, #tpu.memory_space<vmem>>[vector<16xi32>, vector<16xi32>], vector<16xf32>,
      %gather3A_2295 = tpu.vector_load_idx %arg14[%add3A_2248, %add3A_2294] : memref<128x64xf32, #tpu.memory_space<vmem>>[vector<16xi32>, vector<16xi32>], vector<16xf32>,
      %mul3A_2296 = arith.mulf %gather3A, %gather3A_2295 : vector<16xf32>
      %add3A_2297 = arith.addf %scan3A_2286, %mul3A_2296 : vector<16xf32>
      scf.yield %add3A_2297 : vector<16xf32>
    }
    %scan3A_2256 = arith.constant 64 : i32
    %swap3A_2257 = arith.constant 80 : index
    %swap3A_2258 = tpu.vector_load %arg15[%swap3A_2257] {strides = array<i32>} : memref<128xf32, #tpu.memory_space<vmem>>, vector<16xf32>,
    tpu.vector_store %arg15[%swap3A_2257], %scan3A_2255 {strides = array<i32>} : memref<128xf32, #tpu.memory_space<vmem>>, vector<16xf32>,
    %add3A_2259 = arith.constant 96 : i32
    %add3A_2260 = vector.broadcast %add3A_2259 : i32 to vector<16xi32>
    %add3A_2261 = arith.addi %add3A_2260, %iota3A : vector<16xi32>
    %broadcast_in_dim3A_2262 = arith.constant 0.000000e+00 : f32
    %broadcast_in_dim3A_2263 = vector.broadcast %broadcast_in_dim3A_2262 : f32 to vector<16xf32>
    %scan3A_2264 = arith.constant 0 : i32
    %scan3A_2265 = arith.constant 64 : i32
    %scan3A_2266 = arith.addi %scan3A_2264, %scan3A_2265 : i32
    %scan3A_2267 = arith.constant 1 : i32
    %scan3A_2268 = scf.for %scan3A_2285 = %scan3A_2264 to %scan3A_2266 step %scan3A_2267 iter_args(%scan3A_2286 = %broadcast_in_dim3A_2263) -> (vector<16xf32>)  : i32 {
      %mul3A_2287 = arith.constant 1 : i32
      %mul3A_2288 = arith.muli %scan3A_2285, %mul3A_2287 : i32
      %add3A_2289 = arith.constant 0 : i32
      %add3A_2290 = arith.addi %add3A_2289, %mul3A_2288 : i32
      %broadcast_in_dim3A_2291 = arith.constant 0 : i32
      %broadcast_in_dim3A_2292 = vector.broadcast %broadcast_in_dim3A_2291 : i32 to vector<16xi32>
      %add3A_2293 = vector.broadcast %add3A_2290 : i32 to vector<16xi32>
      %add3A_2294 = arith.addi %broadcast_in_dim3A_2292, %add3A_2293 : vector<16xi32>
      %gather3A = tpu.vector_load_idx %arg13[%add3A_2261, %add3A_2294] : memref<128x64xf32, #tpu.memory_space<vmem>>[vector<16xi32>, vector<16xi32>], vector<16xf32>,
      %gather3A_2295 = tpu.vector_load_idx %arg14[%add3A_2261, %add3A_2294] : memref<128x64xf32, #tpu.memory_space<vmem>>[vector<16xi32>, vector<16xi32>], vector<16xf32>,
      %mul3A_2296 = arith.mulf %gather3A, %gather3A_2295 : vector<16xf32>
      %add3A_2297 = arith.addf %scan3A_2286, %mul3A_2296 : vector<16xf32>
      scf.yield %add3A_2297 : vector<16xf32>
    }
    %scan3A_2269 = arith.constant 64 : i32
    %swap3A_2270 = arith.constant 96 : index
    %swap3A_2271 = tpu.vector_load %arg15[%swap3A_2270] {strides = array<i32>} : memref<128xf32, #tpu.memory_space<vmem>>, vector<16xf32>,
    tpu.vector_store %arg15[%swap3A_2270], %scan3A_2268 {strides = array<i32>} : memref<128xf32, #tpu.memory_space<vmem>>, vector<16xf32>,
    %add3A_2272 = arith.constant 112 : i32
    %add3A_2273 = vector.broadcast %add3A_2272 : i32 to vector<16xi32>
    %add3A_2274 = arith.addi %add3A_2273, %iota3A : vector<16xi32>
    %broadcast_in_dim3A_2275 = arith.constant 0.000000e+00 : f32
    %broadcast_in_dim3A_2276 = vector.broadcast %broadcast_in_dim3A_2275 : f32 to vector<16xf32>
    %scan3A_2277 = arith.constant 0 : i32
    %scan3A_2278 = arith.constant 64 : i32
    %scan3A_2279 = arith.addi %scan3A_2277, %scan3A_2278 : i32
    %scan3A_2280 = arith.constant 1 : i32
    %scan3A_2281 = scf.for %scan3A_2285 = %scan3A_2277 to %scan3A_2279 step %scan3A_2280 iter_args(%scan3A_2286 = %broadcast_in_dim3A_2276) -> (vector<16xf32>)  : i32 {
      %mul3A_2287 = arith.constant 1 : i32
      %mul3A_2288 = arith.muli %scan3A_2285, %mul3A_2287 : i32
      %add3A_2289 = arith.constant 0 : i32
      %add3A_2290 = arith.addi %add3A_2289, %mul3A_2288 : i32
      %broadcast_in_dim3A_2291 = arith.constant 0 : i32
      %broadcast_in_dim3A_2292 = vector.broadcast %broadcast_in_dim3A_2291 : i32 to vector<16xi32>
      %add3A_2293 = vector.broadcast %add3A_2290 : i32 to vector<16xi32>
      %add3A_2294 = arith.addi %broadcast_in_dim3A_2292, %add3A_2293 : vector<16xi32>
      %gather3A = tpu.vector_load_idx %arg13[%add3A_2274, %add3A_2294] : memref<128x64xf32, #tpu.memory_space<vmem>>[vector<16xi32>, vector<16xi32>], vector<16xf32>,
      %gather3A_2295 = tpu.vector_load_idx %arg14[%add3A_2274, %add3A_2294] : memref<128x64xf32, #tpu.memory_space<vmem>>[vector<16xi32>, vector<16xi32>], vector<16xf32>,
      %mul3A_2296 = arith.mulf %gather3A, %gather3A_2295 : vector<16xf32>
      %add3A_2297 = arith.addf %scan3A_2286, %mul3A_2296 : vector<16xf32>
      scf.yield %add3A_2297 : vector<16xf32>
    }
    %scan3A_2282 = arith.constant 64 : i32
    %swap3A_2283 = arith.constant 112 : index
    %swap3A_2284 = tpu.vector_load %arg15[%swap3A_2283] {strides = array<i32>} : memref<128xf32, #tpu.memory_space<vmem>>, vector<16xf32>,
    tpu.vector_store %arg15[%swap3A_2283], %scan3A_2281 {strides = array<i32>} : memref<128xf32, #tpu.memory_space<vmem>>, vector<16xf32>,
    "tpu.region"() ({
      %run_scoped3A_2285 = tpu.sem_alloc : memref<!tpu.dma_semaphore, #tpu.memory_space<semaphore_mem>>
      %dma_start3A_2286 = tpu.memref_slice %arg8[%mul3A_2] : memref<4096xf32, #tpu.memory_space<hbm>> -> memref<128xf32, #tpu.memory_space<hbm>>
      %dma_start3A_2287 = tpu.memref_slice %arg8[%mul3A_2] : memref<4096xf32, #tpu.memory_space<hbm>> -> memref<128xf32, #tpu.memory_space<hbm>>
      tpu.enqueue_dma source(%arg15 : memref<128xf32, #tpu.memory_space<vmem>>) target(%dma_start3A_2287 : memref<128xf32, #tpu.memory_space<hbm>>) target_semaphore(%run_scoped3A_2285 : memref<!tpu.dma_semaphore, #tpu.memory_space<semaphore_mem>>)
      %dma_wait3A_2288 = tpu.memref_slice %arg8[%mul3A_2] : memref<4096xf32, #tpu.memory_space<hbm>> -> memref<128xf32, #tpu.memory_space<hbm>>
      %dma_wait3A_2289 = tpu.memref_slice %arg8[%mul3A_2] : memref<4096xf32, #tpu.memory_space<hbm>> -> memref<128xf32, #tpu.memory_space<hbm>>
      tpu.wait_dma2 semaphore(%run_scoped3A_2285 : memref<!tpu.dma_semaphore, #tpu.memory_space<semaphore_mem>>) src(%arg15 : memref<128xf32, #tpu.memory_space<vmem>>) dst(%dma_wait3A_2289 : memref<128xf32, #tpu.memory_space<hbm>>)
      tpu.yield
    }) : () -> ()
    return
  }
}

</mosaic_0001>

<sc_bundles>
// kernel: _run.3.cloned.1.call-start
scs
__scs_entry_jumppad:
0x0: {  	(pc) =	sbr.rel $0x88, $3  }
0x1: {  	(tag) =	ssettag $0x0;
	lr =	simm.s32 $0x1  }
0x2: {  	[smem:$0x3F9B] =	sst lr;
	_ =	strace $0xD0000000  }
0x3: {  	_ = 	snop  }
0x4: {  	_ = 	snop  }
0x5: {  	_ = 	snop  }
0x6: {  	_ = 	snop  }
0x7: {  	_ = 	snop  }
__scs_overlays_trampoline_lowered:
0x8: {  	[smem:$0x3FAA] =	sst s0  }
0x9: {  	[smem:$0x3FAB] =	sst s1  }
0xa: {  	[smem:$0x3FAC] =	sst s2  }
0xb: {  	[smem:$0x3FAD] =	sst s3  }
0xc: {  	[smem:$0x3FAE] =	sst s4  }
0xd: {  	[smem:$0x3FAF] =	sst s5  }
0xe: {  	[smem:$0x3FB0] =	sst s6  }
0xf: {  	[smem:$0x3FB1] =	sst s7  }
0x10: {  	[smem:$0x3FB2] =	sst s8  }
0x11: {  	[smem:$0x3FB3] =	sst s9;
	s0 =	simm.s32 @!p0 $0x0  }
0x12: {  	s1 =	sld [smem:$0x3F99];
	s0 =	simm.s32 @p0 $0x1  }
0x13: {  	[smem:$0x3FB4] =	sst s0;
	s0 =	simm.s32 @!p1 $0x0  }
0x14: {  	s2 =	sld [smem:$0x3F98];
	s0 =	simm.s32 @p1 $0x1  }
0x15: {  	[smem:$0x3FB5] =	sst s0;
	s0 =	simm.s32 @!p2 $0x0  }
0x16: {  	s3 =	sld [smem:$0x3FDB];
	s0 =	simm.s32 @p2 $0x1  }
0x17: {  	s4 =	simm.s32 $0x1BF5;
	[smem:$0x3FB7] =	sst s0  }
0x18: {  	s0 =	sld [smem:$0x3F9A];
	_ =	swait.ge [sflag:s4], $0x0  }
0x19: {  	s7 =	sld [smem:$0x3F9B]  }
0x1a: {  	s8 =	sadd.s32 $0xFFFFE003, lr  }
0x1b: {  	s9 =	sadd.s32 $0xFFFFFEF7, lr;
	s5 =	simm.s32 $0xFFFFFFFF;
	p2 =	slt.u32 s8, $0xFFFFF086  }
0x1c: {  	p1 =	slt.u32 s9, $0xF7A;
	s5 =	simm.s32 @!p2 $0x0  }
0x1d: {  	s5 =	simm.s32 @p1 $0x1;
	p0 =	seq.s32 s7, s2  }
0x1e: {  	s7 =	smul.u32 @!p0 $0xF7A, s2;
	p2 =	seq.s32 @!p0 s5, $0x0  }
0x1f: {  	s9 =	smul.u32 $0xF7A, s1;
	s8 =	simm.s32 @!p0 $0x1BF5;
	p2 =	por !p2, p0  }
0x20: {  	[sflag:s8] =	ssyncset.s32 @!p0 $0xFFFFF086;
	s6 =	sadd.s32 @!p0 s3, s7;
	s7 =	simm.s32 @!p0 $0x108  }
0x21: {  	s3 =	sadd.s32 s3, s9;
	s6 =	sadd.s32 @!p0 $0x88, s6;
	s7 =	simm.s32 @p2 $0x1082  }
0x22: {  	[simem:s7], [sflag:s8] =	dma.local @!p0 [hbm:s6], $0xF7A  }
0x23: {  	s9 =	sor.u32 $0xD0000000, s2;
	s6 =	simm.s32 $0x108;
	_ =	swait.ge @!p0 [sflag:s8], $0x0  }
0x24: {  	s3 =	sadd.s32 $0x88, s3;
	s6 =	simm.s32 @!p1 $0x1082;
	[sflag:s4] =	ssyncset.s32 $0xFFFFF086  }
0x25: {  	[simem:s6], [sflag:s4] =	dma.local [hbm:s3], $0xF7A  }
0x26: {  	[smem:$0x3F9B] =	sst s1;
	(tag) =	ssettag s2;
	_ =	strace s9  }
0x27: {  	s1 =	sld [smem:$0x3FAB]  }
0x28: {  	s2 =	sld [smem:$0x3FAC]  }
0x29: {  	s4 =	sld [smem:$0x3FAE]  }
0x2a: {  	p0 =	seq.s32 s5, $0x0;
	s5 =	sld [smem:$0x3FAF]  }
0x2b: {  	s6 =	sld [smem:$0x3FB0]  }
0x2c: {  	s7 =	sld [smem:$0x3FB1]  }
0x2d: {  	s3 =	simm.s32 $0x108;
	s8 =	sld [smem:$0x3FB2]  }
0x2e: {  	s3 =	simm.s32 @!p0 $0x1082;
	s9 =	sld [smem:$0x3FB3]  }
0x2f: {  	lr =	sadd.s32 s0, s3;
	s0 =	sld [smem:$0x3FAA]  }
0x30: {  	s3 =	sld [smem:$0x3FAD]  }
0x31: {  	[smem:$0x3FB6] =	sst s10  }
0x32: {  	s10 =	sld [smem:$0x3FB4];
	_ =	sdelay $0x3  }
0x33: {  	p0 =	seq.s32 s10, $0x1;
	s10 =	sld [smem:$0x3FB6];
	_ =	sdelay $0x3  }
0x34: {  	[smem:$0x3FB6] =	sst s10  }
0x35: {  	s10 =	sld [smem:$0x3FB5];
	_ =	sdelay $0x3  }
0x36: {  	p1 =	seq.s32 s10, $0x1;
	s10 =	sld [smem:$0x3FB6];
	_ =	sdelay $0x3  }
0x37: {  	[smem:$0x3FB6] =	sst s10  }
0x38: {  	s10 =	sld [smem:$0x3FB7]  }
0x39: {  	_ = 	snop;
	(pc) =	sbr.ind lr, $3  }
0x3a: {  	_ = 	snop  }
0x3b: {  	_ = 	snop  }
0x3c: {  	p2 =	seq.s32 s10, $0x1;
	s10 =	sld [smem:$0x3FB6]  }
0x3d: {  	_ =	shalt  }
0x3e: {  	_ =	shalt  }
0x3f: {  	_ =	shalt  }
0x40: {  	_ =	shalt  }
0x41: {  	_ =	shalt  }
0x42: {  	_ =	shalt  }
0x43: {  	_ =	shalt  }
0x44: {  	_ =	shalt  }
0x45: {  	_ =	shalt  }
0x46: {  	_ =	shalt  }
0x47: {  	_ =	shalt  }
0x48: {  	_ =	shalt  }
0x49: {  	_ =	shalt  }
0x4a: {  	_ =	shalt  }
0x4b: {  	_ =	shalt  }
0x4c: {  	_ =	shalt  }
0x4d: {  	_ =	shalt  }
0x4e: {  	_ =	shalt  }
0x4f: {  	_ =	shalt  }
0x50: {  	_ =	shalt  }
0x51: {  	_ =	shalt  }
0x52: {  	_ =	shalt  }
0x53: {  	_ =	shalt  }
0x54: {  	_ =	shalt  }
0x55: {  	_ =	shalt  }
0x56: {  	_ =	shalt  }
0x57: {  	_ =	shalt  }
0x58: {  	_ =	shalt  }
0x59: {  	_ =	shalt  }
0x5a: {  	_ =	shalt  }
0x5b: {  	_ =	shalt  }
0x5c: {  	_ =	shalt  }
0x5d: {  	_ =	shalt  }
0x5e: {  	_ =	shalt  }
0x5f: {  	_ =	shalt  }
0x60: {  	_ =	shalt  }
0x61: {  	_ =	shalt  }
0x62: {  	_ =	shalt  }
0x63: {  	_ =	shalt  }
0x64: {  	_ =	shalt  }
0x65: {  	_ =	shalt  }
0x66: {  	_ =	shalt  }
0x67: {  	_ =	shalt  }
0x68: {  	_ =	shalt  }
0x69: {  	_ =	shalt  }
0x6a: {  	_ =	shalt  }
0x6b: {  	_ =	shalt  }
0x6c: {  	_ =	shalt  }
0x6d: {  	_ =	shalt  }
0x6e: {  	_ =	shalt  }
0x6f: {  	_ =	shalt  }
0x70: {  	_ =	shalt  }
0x71: {  	_ =	shalt  }
0x72: {  	_ =	shalt  }
0x73: {  	_ =	shalt  }
0x74: {  	_ =	shalt  }
0x75: {  	_ =	shalt  }
0x76: {  	_ =	shalt  }
0x77: {  	_ =	shalt  }
0x78: {  	_ =	shalt  }
0x79: {  	_ =	shalt  }
0x7a: {  	_ =	shalt  }
0x7b: {  	_ =	shalt  }
0x7c: {  	_ =	shalt  }
0x7d: {  	_ =	shalt  }
0x7e: {  	_ =	shalt  }
0x7f: {  	_ =	shalt  }
0x80: {  	_ =	shalt  }
0x81: {  	_ =	shalt  }
0x82: {  	_ =	shalt  }
0x83: {  	_ =	shalt  }
0x84: {  	_ =	shalt  }
0x85: {  	_ =	shalt  }
0x86: {  	_ =	shalt  }
0x87: {  	_ =	shalt  }
.Lfunc_end0:
.L_simem_size_0:
called_computation_lowered:
.L_overlay_start_0:
0x88: {  	s2 =	sld [smem:$0x3FD9]  }
0x89: {  	s3 =	sld [smem:$0x3FFE];
	_ =	sdelay $0x1  }
0x8a: {  	s1 =	srdreg.scid  }
0x8b: {  	s0 =	sand.u32 $0x1, s1  }
0x8c: {  	s17 =	sshll.u32 s0, $0xA;
	s2 =	sadd.s32 s3, s2  }
0x8d: {  	s2 =	sadd.s32 s2, s17  }
0x8e: {  	[smem:$0x3FC2] =	sst s2  }
0x8f: {  	_ = 	snop  }
0x90: {  	s2 =	sld [smem:$0x3FC7]  }
0x91: {  	s18 =	sld [smem:$0x3FC5]  }
0x92: {  	s4 =	sld [smem:$0x3FD0];
	(tm) =	ssettm $0x1  }
0x93: {  	s5 =	sld [smem:$0x3FFB];
	_ =	sdelay $0x3  }
0x94: {  	_ =	strace s5  }
0x95: {  	s5 =	sld [smem:$0x3FFC];
	_ =	sdelay $0x3  }
0x96: {  	_ =	strace s5  }
0x97: {  	s5 =	sld [smem:$0x3FFD];
	_ =	sdelay $0x3  }
0x98: {  	_ =	strace s5  }
0x99: {  	_ =	strace $0x8FFFFFFF  }
0x9a: {  	s19 =	sld [smem:$0x3FDB];
	_ =	sdelay $0x1  }
0x9b: {  	s6 =	simm.s32 $_scs_section_size  }
0x9c: {  	s7 =	simm.s32 $_size__tile_overlayer_lowered;
	s8 =	simm.s32 $_tile_overlayer_lowered  }
0x9d: {  	s22 =	simm.s32 $0x1BFF;
	s21 =	sshll.u32 s8, $0x1;
	s5 =	sadd.s32 s6, s19  }
0x9e: {  	s9 =	simm.s32 $0x0;
	s20 =	sshll.u32 s7, $0x1;
	s7 =	sadd.s32 s21, s5  }
0x9f: {  	[timem:s9], [sflag:s22] =	dma.local [hbm:s7], s20  }
0xa0: {  	_ =	swait.ge [sflag:s22], s20  }
0xa1: {  	s6 =	ssub.s32 $0x0, s20;
	[sflag:s22] =	ssyncset.done $0x0  }
0xa2: {  	[sflag:s22] =	ssyncadd.s32 s6;
	_ =	sdelay $0x1  }
0xa3: {  	s23 =	simm.s32 $0x1B8B  }
0xa4: {  	_ =	swait.ge [sflag:s23], $0x1  }
0xa5: {  	[sflag:s23] =	ssyncset.done $0x0  }
0xa6: {  	s25 =	simm.s32 $0x1B8E;
	s24 =	sld [smem:$0x3FFE];
	[sflag:s23] =	ssyncadd.s32 $0xFFFFFFFF  }
0xa7: {  	s26 =	simm.s32 $execute0_lowered;
	[smem:$0x3FD2] =	sst s25  }
0xa8: {  	s7 =	sshll.u32 s26, $0x1;
	_ =	strace $0x80000046;
	[dreg:$0x1] =	wrdreg $0xFFFFFFFF  }
0xa9: {  	s28 =	simm.s32 $_size_execute0_lowered;
	s5 =	sadd.s32 s5, s7;
	[dreg:$0x0] =	wrdreg $0x0  }
0xaa: {  	s7 =	sshll.u32 s28, $0x1;
	[dreg:$0x2] =	wrdreg s5  }
0xab: {  	[dreg:$0x3] =	wrdreg s7  }
0xac: {  	[dreg:$0x4] =	wrdreg $0xC0  }
0xad: {  	_ =	task [dreg:s9], $0x5FFFF  }
0xae: {  	[dreg:$0x1] =	wrdreg $0xFFFFFFFF  }
0xaf: {  	[dreg:$0x0] =	wrdreg $0x60  }
0xb0: {  	[dreg:$0x2] =	wrdreg s24  }
0xb1: {  	[dreg:$0x3] =	wrdreg s2  }
0xb2: {  	[dreg:$0x4] =	wrdreg s18  }
0xb3: {  	[dreg:$0x5] =	wrdreg s4  }
0xb4: {  	[dreg:$0x6] =	wrdreg $0xD6800  }
0xb5: {  	[dreg:$0x7] =	wrdreg $0x9  }
0xb6: {  	_ =	task.clear_ibuf [dreg:s9], $0x8FFFF;
	_ =	strace $0x90000046  }
0xb7: {  	s29 =	simm.s32 $0x9;
	_ =	strace $0x80000048  }
0xb8: {  	_ =	swait.ge [sflag:s29], $0x1  }
0xb9: {  	[sflag:s29] =	ssyncadd.s32 $0xFFFFFFFF  }
0xba: {  	_ =	strace $0x90000048  }
0xbb: {  	_ =	sfence  }
0xbc: {  	s30 =	sld [smem:$0x0];
	_ =	sdelay $0x2  }
0xbd: {  	s31 =	sshll.u32 s1, $0xD;
	s1 =	sshrl.u32 s1, $0x2  }
0xbe: {  	s3 =	sand.u32 $0x4000, s31;
	s1 =	sadd.s32 s1, s30  }
0xbf: {  	s0 =	sor.u32 s3, s0;
	s1 =	sshll.u32 s1, $0x11  }
0xc0: {  	s0 =	sor.u32 s1, s0  }
0xc1: {  	s0 =	sadd.s32 $0x8F2B, s0  }
0xc2: {  	[sflag:s0] =	ssyncadd.remote.s32 $0x1  }
0xc3: {  	_ =	sfence.sel $0xFFFF  }
0xc4: {  	[dreg:$0x0] =	wrdreg $0xFFFFFFFF;
	(pc) =	sbr.abs _section_cstart, $3  }
0xc5: {  	[dreg:$0x1] =	wrdreg $0xFFFFFFFF  }
0xc6: {  	_ =	task.clear_ibuf [dreg:s9], $0x2FFFF;
	_ =	strace $0x9FFFFFFF  }
0xc7: {  	(tm) =	ssettm $0x7FFFFFFF  }
tec
execute0_lowered:
.L_overlay_start_1:
0x0: {  	(tag) =	ssettag $0x1  }
0x1: {  	s0 =	rddreg [dreg:$0x0]  }
0x2: {  	s3 =	rddreg [dreg:$0x1]  }
0x3: {  	s6 =	rddreg [dreg:$0x2]  }
0x4: {  	s12 =	rddreg [dreg:$0x3];
	s14 =	stileid.u32  }
0x5: {  	s1 =	rddreg [dreg:$0x4];
	s2 =	simm.s32 $0x0;
	s8 =	sshll.u32 s14, $0x8  }
0x6: {  	s5 =	srdreg.scid;
	[smem:$0x7FF] =	sst s2;
	s15 =	sor.u32 $0x50, s8  }
0x7: {  	_ =	strace $0x80000047;
	s16 =	sor.u32 $0x60, s8;
	[dreg:$0x14] =	wrdreg s15  }
0x8: {  	s4 =	sadd.s32 $0x187400, s0;
	s17 =	sor.u32 $0x70, s8;
	[dreg:$0x10] =	wrdreg s16  }
0x9: {  	s5 =	sand.u32 $0x1, s5;
	s18 =	sor.u32 $0x90, s8;
	[dreg:$0x11] =	wrdreg s17  }
0xa: {  	s7 =	sshll.u32 s14, $0x5;
	s19 =	sor.u32 $0xA0, s8;
	[dreg:$0xc] =	wrdreg s18  }
0xb: {  	s9 =	sshll.u32 s5, $0x4;
	s20 =	sor.u32 $0xB0, s8;
	[dreg:$0xd] =	wrdreg s19  }
0xc: {  	s23 =	sor.u32 $0xC0, s8;
	s11 =	sor.u32 s9, s7;
	[dreg:$0x9] =	wrdreg s20  }
0xd: {  	s10 =	ssub.s32 $0x2, s5;
	[dreg:$0xe] =	wrdreg s23;
	s3 =	sadd.s32 s3, s11  }
0xe: {  	s24 =	sshrl.u32 s10, $0x1;
	s26 =	sadd.s32 s6, s11;
	[dreg:$0x6] =	wrdreg s3  }
0xf: {  	s13 =	ssub.s32 s10, s24;
	s10 =	sor.u32 $0x40, s8;
	[dreg:$0x8] =	wrdreg s26  }
0x10: {  	s5 =	sadd.s32 $0xF42E00, s0;
	s24 =	sor.u32 $0xD0, s8;
	[dreg:$0x13] =	wrdreg s10  }
0x11: {  	v16 =	vlaneseq.u32;
	s0 =	sadd.s32 s11, s0;
	s6 =	sor.u32 $0x10, s8;
	[dreg:$0xf] =	wrdreg s24  }
0x12: {  	s25 =	sadd.s32 $0x3200, s0;
	v1 =	vor.u32 s6, v16;
	s6 =	rddreg [dreg:$0xd]  }
0x13: {  	s28 =	simm.s32 $0x2;
	s3 =	sor.u32 $0x30, s8;
	[dreg:$0x7] =	wrdreg s25  }
0x14: {  	s29 =	simm.s32 $0x5;
	s26 =	sor.u32 $0xF0, s8;
	[dreg:$0x12] =	wrdreg s3  }
0x15: {  	s31 =	simm.s32 $0x3;
	s7 =	sor.u32 $0x20, s8;
	[dreg:$0xb] =	wrdreg s26  }
0x16: {  	v0 =	vor.u32 s8, v16;
	s3 =	sor.u32 $0x80, s8;
	s25 =	sor.u32 $0xE0, s8;
	s8 =	rddreg [dreg:$0x13]  }
0x17: {  	s30 =	simm.s32 $0x7;
	s21 =	sshll.u32 s14, $0xE;
	v10 =	vor.u32 s6, v16;
	s6 =	rddreg [dreg:$0xf]  }
0x18: {  	s14 =	simm.s32 $0x8;
	s15 =	simm.s32 $0x80;
	[dreg:$0xa] =	wrdreg s25  }
0x19: {  	s16 =	simm.s32 $0x1000;
	s17 =	simm.s32 $0x200;
	v2 =	vor.u32 s7, v16;
	s7 =	rddreg [dreg:$0x12]  }
0x1a: {  	s18 =	simm.s32 $0xC00;
	s19 =	simm.s32 $0x1600;
	v4 =	vor.u32 s8, v16;
	s8 =	rddreg [dreg:$0x10]  }
0x1b: {  	s20 =	simm.s32 $0x1;
	s23 =	simm.s32 $0x3600;
	v3 =	vor.u32 s7, v16;
	s7 =	rddreg [dreg:$0x14]  }
0x1c: {  	v11 =	vmul.u32 $0x40, v16;
	s9 =	sadd.s32 $0xA00, s0;
	s10 =	sadd.s32 s12, s11;
	v6 =	vor.u32 s8, v16;
	s8 =	rddreg [dreg:$0xc]  }
0x1d: {  	s11 =	sadd.s32 s21, s1;
	s13 =	smax.u32 s13, $0x1;
	v5 =	vor.u32 s7, v16;
	s7 =	rddreg [dreg:$0x11]  }
0x1e: {  	v17 =	vor.u32 $0x400, v11;
	v18 =	vor.u32 $0x800, v11;
	s21 =	simm.s32 $0x100;
	s24 =	simm.s32 $0x5600;
	v9 =	vor.u32 s8, v16;
	s8 =	rddreg [dreg:$0xe]  }
0x1f: {  	v19 =	vor.u32 $0xC00, v11;
	v20 =	vor.u32 $0x1000, v11;
	s0 =	simm.s32 $0x6;
	s26 =	simm.s32 $0x7600;
	v7 =	vor.u32 s7, v16;
	s7 =	rddreg [dreg:$0x9]  }
0x20: {  	v21 =	vor.u32 $0x1400, v11;
	v22 =	vor.u32 $0x1800, v11;
	s22 =	sshll.u32 s3, $0x6;
	s25 =	simm.s32 $0x4;
	v13 =	vor.u32 s8, v16;
	s8 =	rddreg [dreg:$0xb]  }
0x21: {  	v8 =	vor.u32 s3, v16;
	v14 =	vor.u32 s6, v16;
	s3 =	simm.s32 $0x9600;
	s6 =	simm.s32 $0xB600;
	v12 =	vor.u32 s7, v16;
	s7 =	rddreg [dreg:$0xa]  }
0x22: {  	v23 =	vor.u32 $0x1C00, v11;
	s12 =	sadd.s32 s22, s1;
	s22 =	simm.s32 $0x180;
	v15 =	vor.u32 s7, v16;
	v16 =	vor.u32 s8, v16;
	s7 =	simm.s32 $0x0  }
.LBB2_1:
0x23: {  	s8 =	rddreg [dreg:$0x6]  }
0x24: {  	[tilespmem:s2], [sflag:$0x8] =	stream.linear.gather [hbm4b:s8+s2], $0x80, $0x38;
	[tilespmem:$0x11680] =	vst v63  }
0x25: {  	_ =	swait.ge [sflag:s14], $0x80  }
0x26: {  	[sflag:s14] =	ssyncset.done $0x0  }
0x27: {  	s8 =	rddreg [dreg:$0x7];
	[sflag:s14] =	ssyncadd.s32 $0xFFFFFF80  }
0x28: {  	[tilespmem:s17], [sflag:$0x8] =	stream.strided.gather [hbm4b:s8+s15], $0xA00, s16, s15, $0x38;
	[tilespmem:$0x11680] =	vst v63  }
0x29: {  	_ =	swait.ge [sflag:s14], $0xA00  }
0x2a: {  	[sflag:s14] =	ssyncset.done $0x0  }
0x2b: {  	s8 =	rddreg [dreg:$0x8];
	[sflag:s14] =	ssyncadd.s32 $0xFFFFF600  }
0x2c: {  	[tilespmem:s15], [sflag:$0x8] =	stream.linear.gather [hbm4b:s8+s2], $0x80, $0x38;
	[tilespmem:$0x11680] =	vst v63  }
0x2d: {  	_ =	swait.ge [sflag:s14], $0x80  }
0x2e: {  	[sflag:s14] =	ssyncset.done $0x0  }
0x2f: {  	[sflag:s14] =	ssyncadd.s32 $0xFFFFFF80  }
0x30: {  	[tilespmem:s18], [sflag:$0x8] =	stream.strided.gather [hbm4b:s9+s15], $0xA00, s16, s15, $0x38;
	[tilespmem:$0x11680] =	vst v63  }
0x31: {  	_ =	swait.ge [sflag:s14], $0xA00  }
0x32: {  	[sflag:s14] =	ssyncset.done $0x0  }
0x33: {  	[sflag:s14] =	ssyncadd.s32 $0xFFFFF600  }
0x34: {  	[tilespmem:$0x100] =	vst v0  }
0x35: {  	[tilespmem:$0x110] =	vst v1  }
0x36: {  	[tilespmem:$0x120] =	vst v2  }
0x37: {  	[tilespmem:$0x130] =	vst v3  }
0x38: {  	[tilespmem:$0x140] =	vst v4  }
0x39: {  	[tilespmem:$0x150] =	vst v5  }
0x3a: {  	[tilespmem:$0x160] =	vst v6  }
0x3b: {  	[tilespmem:$0x170] =	vst v7  }
0x3c: {  	[tilespmem:$0x180] =	vst v8  }
0x3d: {  	[tilespmem:$0x190] =	vst v9  }
0x3e: {  	[tilespmem:$0x1A0] =	vst v10  }
0x3f: {  	[tilespmem:$0x1B0] =	vst v12  }
0x40: {  	[tilespmem:$0x1C0] =	vst v13  }
0x41: {  	[tilespmem:$0x1D0] =	vst v14  }
0x42: {  	[tilespmem:$0x1E0] =	vst v15  }
0x43: {  	[tilespmem:$0x1F0] =	vst v16  }
0x44: {  	[tilespmem:s19], [sflag:$0x1] =	stream.indirect.gather [hbm4b:s4+s15], $0x40, s2, s15, $0xb8;
	[tilespmem:$0x11680] =	vst v63  }
0x45: {  	_ =	swait.ge [sflag:s20], $0x2000  }
0x46: {  	[sflag:s20] =	ssyncset.done $0x0  }
0x47: {  	[sflag:s20] =	ssyncadd.s32 $0xFFFFE000  }
0x48: {  	[spmem:s1] =	stream.indirect.scatter [tilespmem:s19], [sflag:$0x8], $0x40, s21, s15, $0xb8;
	[tilespmem:$0x11680] =	vst v63  }
0x49: {  	_ =	swait.ge [sflag:s14], $0x2000  }
0x4a: {  	[sflag:s14] =	ssyncset.done $0x0  }
0x4b: {  	[sflag:s14] =	ssyncadd.s32 $0xFFFFE000  }
0x4c: {  	[tilespmem:s19], [sflag:$0x1] =	stream.indirect.gather [hbm4b:s4+s15], $0x40, s15, s15, $0xb8;
	[tilespmem:$0x11680] =	vst v63  }
0x4d: {  	_ =	swait.ge [sflag:s20], $0x2000  }
0x4e: {  	[sflag:s20] =	ssyncset.done $0x0  }
0x4f: {  	[sflag:s20] =	ssyncadd.s32 $0xFFFFE000  }
0x50: {  	[spmem:s1] =	stream.indirect.scatter [tilespmem:s19], [sflag:$0x8], $0x40, s22, s15, $0xb8;
	[tilespmem:$0x11680] =	vst v63  }
0x51: {  	_ =	swait.ge [sflag:s14], $0x2000  }
0x52: {  	[sflag:s14] =	ssyncset.done $0x0  }
0x53: {  	[sflag:s14] =	ssyncadd.s32 $0xFFFFE000  }
0x54: {  	[tilespmem:s23], [sflag:$0x2] =	stream.indirect.gather [hbm4b:s5+s15], $0x40, s17, s15, $0xb8;
	[tilespmem:$0x11680] =	vst v63  }
0x55: {  	_ = 	snop  }
0x56: {  	[tilespmem:s24], [sflag:$0x3] =	stream.indirect.gather [hbm4b:s5+s15], $0x40, s18, s15, $0xb8;
	[tilespmem:$0x11680] =	vst v63  }
0x57: {  	s8 =	simm.s32 $0x280  }
0x58: {  	[tilespmem:s26], [sflag:$0x4] =	stream.indirect.gather [hbm4b:s5+s15], $0x40, s8, s15, $0xb8;
	[tilespmem:$0x11680] =	vst v63  }
0x59: {  	_ =	swait.ge [sflag:s28], $0x2000  }
0x5a: {  	[sflag:s28] =	ssyncset.done $0x0  }
0x5b: {  	[sflag:s28] =	ssyncadd.s32 $0xFFFFE000  }
0x5c: {  	[spmem:s1] =	stream.indirect.scatter.add.f32 [tilespmem:s23], [sflag:$0x5], $0x40, s21, s15, $0xb8;
	[tilespmem:$0x11680] =	vst v63  }
0x5d: {  	_ =	swait.ge [sflag:s29], $0x2000  }
0x5e: {  	[sflag:s29] =	ssyncset.done $0x0  }
0x5f: {  	s8 =	simm.s32 $0xC80;
	[sflag:s29] =	ssyncadd.s32 $0xFFFFE000  }
0x60: {  	[tilespmem:s23], [sflag:$0x2] =	stream.indirect.gather [hbm4b:s5+s15], $0x40, s8, s15, $0xb8;
	[tilespmem:$0x11680] =	vst v63  }
0x61: {  	_ =	swait.ge [sflag:s31], $0x2000  }
0x62: {  	[sflag:s31] =	ssyncset.done $0x0  }
0x63: {  	[sflag:s31] =	ssyncadd.s32 $0xFFFFE000  }
0x64: {  	[spmem:s1] =	stream.indirect.scatter.add.f32 [tilespmem:s24], [sflag:$0x6], $0x40, s22, s15, $0xb8;
	[tilespmem:$0x11680] =	vst v63  }
0x65: {  	_ =	swait.ge [sflag:s0], $0x2000  }
0x66: {  	[sflag:s0] =	ssyncset.done $0x0  }
0x67: {  	s8 =	simm.s32 $0x300;
	[sflag:s0] =	ssyncadd.s32 $0xFFFFE000  }
0x68: {  	[tilespmem:s24], [sflag:$0x3] =	stream.indirect.gather [hbm4b:s5+s15], $0x40, s8, s15, $0xb8;
	[tilespmem:$0x11680] =	vst v63  }
0x69: {  	_ =	swait.ge [sflag:s25], $0x2000  }
0x6a: {  	[sflag:s25] =	ssyncset.done $0x0  }
0x6b: {  	[sflag:s25] =	ssyncadd.s32 $0xFFFFE000  }
0x6c: {  	[spmem:s1] =	stream.indirect.scatter.add.f32 [tilespmem:s26], [sflag:$0x7], $0x40, s21, s15, $0xb8;
	[tilespmem:$0x11680] =	vst v63  }
0x6d: {  	_ =	swait.ge [sflag:s30], $0x2000  }
0x6e: {  	[sflag:s30] =	ssyncset.done $0x0  }
0x6f: {  	s8 =	simm.s32 $0xD00;
	[sflag:s30] =	ssyncadd.s32 $0xFFFFE000  }
0x70: {  	[tilespmem:s26], [sflag:$0x4] =	stream.indirect.gather [hbm4b:s5+s15], $0x40, s8, s15, $0xb8;
	[tilespmem:$0x11680] =	vst v63  }
0x71: {  	_ =	swait.ge [sflag:s28], $0x2000  }
0x72: {  	[sflag:s28] =	ssyncset.done $0x0  }
0x73: {  	[sflag:s28] =	ssyncadd.s32 $0xFFFFE000  }
0x74: {  	[spmem:s1] =	stream.indirect.scatter.add.f32 [tilespmem:s23], [sflag:$0x5], $0x40, s22, s15, $0xb8;
	[tilespmem:$0x11680] =	vst v63  }
0x75: {  	_ =	swait.ge [sflag:s29], $0x2000  }
0x76: {  	[sflag:s29] =	ssyncset.done $0x0  }
0x77: {  	s8 =	simm.s32 $0x380;
	[sflag:s29] =	ssyncadd.s32 $0xFFFFE000  }
0x78: {  	[tilespmem:s23], [sflag:$0x2] =	stream.indirect.gather [hbm4b:s5+s15], $0x40, s8, s15, $0xb8;
	[tilespmem:$0x11680] =	vst v63  }
0x79: {  	_ =	swait.ge [sflag:s31], $0x2000  }
0x7a: {  	[sflag:s31] =	ssyncset.done $0x0  }
0x7b: {  	[sflag:s31] =	ssyncadd.s32 $0xFFFFE000  }
0x7c: {  	[spmem:s1] =	stream.indirect.scatter.add.f32 [tilespmem:s24], [sflag:$0x6], $0x40, s21, s15, $0xb8;
	[tilespmem:$0x11680] =	vst v63  }
0x7d: {  	_ =	swait.ge [sflag:s0], $0x2000  }
0x7e: {  	[sflag:s0] =	ssyncset.done $0x0  }
0x7f: {  	s8 =	simm.s32 $0xD80;
	[sflag:s0] =	ssyncadd.s32 $0xFFFFE000  }
0x80: {  	[tilespmem:s24], [sflag:$0x3] =	stream.indirect.gather [hbm4b:s5+s15], $0x40, s8, s15, $0xb8;
	[tilespmem:$0x11680] =	vst v63  }
0x81: {  	_ =	swait.ge [sflag:s25], $0x2000  }
0x82: {  	[sflag:s25] =	ssyncset.done $0x0  }
0x83: {  	[sflag:s25] =	ssyncadd.s32 $0xFFFFE000  }
0x84: {  	[spmem:s1] =	stream.indirect.scatter.add.f32 [tilespmem:s26], [sflag:$0x7], $0x40, s22, s15, $0xb8;
	[tilespmem:$0x11680] =	vst v63  }
0x85: {  	_ =	swait.ge [sflag:s30], $0x2000  }
0x86: {  	[sflag:s30] =	ssyncset.done $0x0  }
0x87: {  	s8 =	simm.s32 $0x400;
	[sflag:s30] =	ssyncadd.s32 $0xFFFFE000  }
0x88: {  	[tilespmem:s26], [sflag:$0x4] =	stream.indirect.gather [hbm4b:s5+s15], $0x40, s8, s15, $0xb8;
	[tilespmem:$0x11680] =	vst v63  }
0x89: {  	_ =	swait.ge [sflag:s28], $0x2000  }
0x8a: {  	[sflag:s28] =	ssyncset.done $0x0  }
0x8b: {  	[sflag:s28] =	ssyncadd.s32 $0xFFFFE000  }
0x8c: {  	[spmem:s1] =	stream.indirect.scatter.add.f32 [tilespmem:s23], [sflag:$0x5], $0x40, s21, s15, $0xb8;
	[tilespmem:$0x11680] =	vst v63  }
0x8d: {  	_ =	swait.ge [sflag:s29], $0x2000  }
0x8e: {  	[sflag:s29] =	ssyncset.done $0x0  }
0x8f: {  	s8 =	simm.s32 $0xE00;
	[sflag:s29] =	ssyncadd.s32 $0xFFFFE000  }
0x90: {  	[tilespmem:s23], [sflag:$0x2] =	stream.indirect.gather [hbm4b:s5+s15], $0x40, s8, s15, $0xb8;
	[tilespmem:$0x11680] =	vst v63  }
0x91: {  	_ =	swait.ge [sflag:s31], $0x2000  }
0x92: {  	[sflag:s31] =	ssyncset.done $0x0  }
0x93: {  	[sflag:s31] =	ssyncadd.s32 $0xFFFFE000  }
0x94: {  	[spmem:s1] =	stream.indirect.scatter.add.f32 [tilespmem:s24], [sflag:$0x6], $0x40, s22, s15, $0xb8;
	[tilespmem:$0x11680] =	vst v63  }
0x95: {  	_ =	swait.ge [sflag:s0], $0x2000  }
0x96: {  	[sflag:s0] =	ssyncset.done $0x0  }
0x97: {  	s8 =	simm.s32 $0x480;
	[sflag:s0] =	ssyncadd.s32 $0xFFFFE000  }
0x98: {  	[tilespmem:s24], [sflag:$0x3] =	stream.indirect.gather [hbm4b:s5+s15], $0x40, s8, s15, $0xb8;
	[tilespmem:$0x11680] =	vst v63  }
0x99: {  	_ =	swait.ge [sflag:s25], $0x2000  }
0x9a: {  	[sflag:s25] =	ssyncset.done $0x0  }
0x9b: {  	[sflag:s25] =	ssyncadd.s32 $0xFFFFE000  }
0x9c: {  	[spmem:s1] =	stream.indirect.scatter.add.f32 [tilespmem:s26], [sflag:$0x7], $0x40, s21, s15, $0xb8;
	[tilespmem:$0x11680] =	vst v63  }
0x9d: {  	_ =	swait.ge [sflag:s30], $0x2000  }
0x9e: {  	[sflag:s30] =	ssyncset.done $0x0  }
0x9f: {  	s8 =	simm.s32 $0xE80;
	[sflag:s30] =	ssyncadd.s32 $0xFFFFE000  }
0xa0: {  	[tilespmem:s26], [sflag:$0x4] =	stream.indirect.gather [hbm4b:s5+s15], $0x40, s8, s15, $0xb8;
	[tilespmem:$0x11680] =	vst v63  }
0xa1: {  	_ =	swait.ge [sflag:s28], $0x2000  }
0xa2: {  	[sflag:s28] =	ssyncset.done $0x0  }
0xa3: {  	[sflag:s28] =	ssyncadd.s32 $0xFFFFE000  }
0xa4: {  	[spmem:s1] =	stream.indirect.scatter.add.f32 [tilespmem:s23], [sflag:$0x5], $0x40, s22, s15, $0xb8;
	[tilespmem:$0x11680] =	vst v63  }
0xa5: {  	_ =	swait.ge [sflag:s29], $0x2000  }
0xa6: {  	[sflag:s29] =	ssyncset.done $0x0  }
0xa7: {  	s8 =	simm.s32 $0x500;
	[sflag:s29] =	ssyncadd.s32 $0xFFFFE000  }
0xa8: {  	[tilespmem:s23], [sflag:$0x2] =	stream.indirect.gather [hbm4b:s5+s15], $0x40, s8, s15, $0xb8;
	[tilespmem:$0x11680] =	vst v63  }
0xa9: {  	_ =	swait.ge [sflag:s31], $0x2000  }
0xaa: {  	[sflag:s31] =	ssyncset.done $0x0  }
0xab: {  	[sflag:s31] =	ssyncadd.s32 $0xFFFFE000  }
0xac: {  	[spmem:s1] =	stream.indirect.scatter.add.f32 [tilespmem:s24], [sflag:$0x6], $0x40, s21, s15, $0xb8;
	[tilespmem:$0x11680] =	vst v63  }
0xad: {  	_ =	swait.ge [sflag:s0], $0x2000  }
0xae: {  	[sflag:s0] =	ssyncset.done $0x0  }
0xaf: {  	s8 =	simm.s32 $0xF00;
	[sflag:s0] =	ssyncadd.s32 $0xFFFFE000  }
0xb0: {  	[tilespmem:s24], [sflag:$0x3] =	stream.indirect.gather [hbm4b:s5+s15], $0x40, s8, s15, $0xb8;
	[tilespmem:$0x11680] =	vst v63  }
0xb1: {  	_ =	swait.ge [sflag:s25], $0x2000  }
0xb2: {  	[sflag:s25] =	ssyncset.done $0x0  }
0xb3: {  	[sflag:s25] =	ssyncadd.s32 $0xFFFFE000  }
0xb4: {  	[spmem:s1] =	stream.indirect.scatter.add.f32 [tilespmem:s26], [sflag:$0x7], $0x40, s22, s15, $0xb8;
	[tilespmem:$0x11680] =	vst v63  }
0xb5: {  	_ =	swait.ge [sflag:s30], $0x2000  }
0xb6: {  	[sflag:s30] =	ssyncset.done $0x0  }
0xb7: {  	s8 =	simm.s32 $0x580;
	[sflag:s30] =	ssyncadd.s32 $0xFFFFE000  }
0xb8: {  	[tilespmem:s26], [sflag:$0x4] =	stream.indirect.gather [hbm4b:s5+s15], $0x40, s8, s15, $0xb8;
	[tilespmem:$0x11680] =	vst v63  }
0xb9: {  	_ =	swait.ge [sflag:s28], $0x2000  }
0xba: {  	[sflag:s28] =	ssyncset.done $0x0  }
0xbb: {  	[sflag:s28] =	ssyncadd.s32 $0xFFFFE000  }
0xbc: {  	[spmem:s1] =	stream.indirect.scatter.add.f32 [tilespmem:s23], [sflag:$0x5], $0x40, s21, s15, $0xb8;
	[tilespmem:$0x11680] =	vst v63  }
0xbd: {  	_ =	swait.ge [sflag:s29], $0x2000  }
0xbe: {  	[sflag:s29] =	ssyncset.done $0x0  }
0xbf: {  	s8 =	simm.s32 $0xF80;
	[sflag:s29] =	ssyncadd.s32 $0xFFFFE000  }
0xc0: {  	[tilespmem:s23], [sflag:$0x2] =	stream.indirect.gather [hbm4b:s5+s15], $0x40, s8, s15, $0xb8;
	[tilespmem:$0x11680] =	vst v63  }
0xc1: {  	_ =	swait.ge [sflag:s31], $0x2000  }
0xc2: {  	[sflag:s31] =	ssyncset.done $0x0  }
0xc3: {  	[sflag:s31] =	ssyncadd.s32 $0xFFFFE000  }
0xc4: {  	[spmem:s1] =	stream.indirect.scatter.add.f32 [tilespmem:s24], [sflag:$0x6], $0x40, s22, s15, $0xb8;
	[tilespmem:$0x11680] =	vst v63  }
0xc5: {  	_ =	swait.ge [sflag:s0], $0x2000  }
0xc6: {  	[sflag:s0] =	ssyncset.done $0x0  }
0xc7: {  	s8 =	simm.s32 $0x600;
	[sflag:s0] =	ssyncadd.s32 $0xFFFFE000  }
0xc8: {  	[tilespmem:s24], [sflag:$0x3] =	stream.indirect.gather [hbm4b:s5+s15], $0x40, s8, s15, $0xb8;
	[tilespmem:$0x11680] =	vst v63  }
0xc9: {  	_ =	swait.ge [sflag:s25], $0x2000  }
0xca: {  	[sflag:s25] =	ssyncset.done $0x0  }
0xcb: {  	[sflag:s25] =	ssyncadd.s32 $0xFFFFE000  }
0xcc: {  	[spmem:s1] =	stream.indirect.scatter.add.f32 [tilespmem:s26], [sflag:$0x7], $0x40, s21, s15, $0xb8;
	[tilespmem:$0x11680] =	vst v63  }
0xcd: {  	_ =	swait.ge [sflag:s30], $0x2000  }
0xce: {  	[sflag:s30] =	ssyncset.done $0x0  }
0xcf: {  	[sflag:s30] =	ssyncadd.s32 $0xFFFFE000  }
0xd0: {  	[tilespmem:s26], [sflag:$0x4] =	stream.indirect.gather [hbm4b:s5+s15], $0x40, s16, s15, $0xb8;
	[tilespmem:$0x11680] =	vst v63  }
0xd1: {  	_ =	swait.ge [sflag:s28], $0x2000  }
0xd2: {  	[sflag:s28] =	ssyncset.done $0x0  }
0xd3: {  	[sflag:s28] =	ssyncadd.s32 $0xFFFFE000  }
0xd4: {  	[spmem:s1] =	stream.indirect.scatter.add.f32 [tilespmem:s23], [sflag:$0x5], $0x40, s22, s15, $0xb8;
	[tilespmem:$0x11680] =	vst v63  }
0xd5: {  	_ =	swait.ge [sflag:s29], $0x2000  }
0xd6: {  	[sflag:s29] =	ssyncset.done $0x0  }
0xd7: {  	s8 =	simm.s32 $0x680;
	[sflag:s29] =	ssyncadd.s32 $0xFFFFE000  }
0xd8: {  	[tilespmem:s23], [sflag:$0x2] =	stream.indirect.gather [hbm4b:s5+s15], $0x40, s8, s15, $0xb8;
	[tilespmem:$0x11680] =	vst v63  }
0xd9: {  	_ =	swait.ge [sflag:s31], $0x2000  }
0xda: {  	[sflag:s31] =	ssyncset.done $0x0  }
0xdb: {  	[sflag:s31] =	ssyncadd.s32 $0xFFFFE000  }
0xdc: {  	[spmem:s1] =	stream.indirect.scatter.add.f32 [tilespmem:s24], [sflag:$0x6], $0x40, s21, s15, $0xb8;
	[tilespmem:$0x11680] =	vst v63  }
0xdd: {  	_ =	swait.ge [sflag:s0], $0x2000  }
0xde: {  	[sflag:s0] =	ssyncset.done $0x0  }
0xdf: {  	s8 =	simm.s32 $0x1080;
	[sflag:s0] =	ssyncadd.s32 $0xFFFFE000  }
0xe0: {  	[tilespmem:s24], [sflag:$0x3] =	stream.indirect.gather [hbm4b:s5+s15], $0x40, s8, s15, $0xb8;
	[tilespmem:$0x11680] =	vst v63  }
0xe1: {  	_ =	swait.ge [sflag:s25], $0x2000  }
0xe2: {  	[sflag:s25] =	ssyncset.done $0x0  }
0xe3: {  	[sflag:s25] =	ssyncadd.s32 $0xFFFFE000  }
0xe4: {  	[spmem:s1] =	stream.indirect.scatter.add.f32 [tilespmem:s26], [sflag:$0x7], $0x40, s22, s15, $0xb8;
	[tilespmem:$0x11680] =	vst v63  }
0xe5: {  	_ =	swait.ge [sflag:s30], $0x2000  }
0xe6: {  	[sflag:s30] =	ssyncset.done $0x0  }
0xe7: {  	s8 =	simm.s32 $0x700;
	[sflag:s30] =	ssyncadd.s32 $0xFFFFE000  }
0xe8: {  	[tilespmem:s26], [sflag:$0x4] =	stream.indirect.gather [hbm4b:s5+s15], $0x40, s8, s15, $0xb8;
	[tilespmem:$0x11680] =	vst v63  }
0xe9: {  	_ =	swait.ge [sflag:s28], $0x2000  }
0xea: {  	[sflag:s28] =	ssyncset.done $0x0  }
0xeb: {  	[sflag:s28] =	ssyncadd.s32 $0xFFFFE000  }
0xec: {  	[spmem:s1] =	stream.indirect.scatter.add.f32 [tilespmem:s23], [sflag:$0x5], $0x40, s21, s15, $0xb8;
	[tilespmem:$0x11680] =	vst v63  }
0xed: {  	_ =	swait.ge [sflag:s29], $0x2000  }
0xee: {  	[sflag:s29] =	ssyncset.done $0x0  }
0xef: {  	s8 =	simm.s32 $0x1100;
	[sflag:s29] =	ssyncadd.s32 $0xFFFFE000  }
0xf0: {  	[tilespmem:s23], [sflag:$0x2] =	stream.indirect.gather [hbm4b:s5+s15], $0x40, s8, s15, $0xb8;
	[tilespmem:$0x11680] =	vst v63  }
0xf1: {  	_ =	swait.ge [sflag:s31], $0x2000  }
0xf2: {  	[sflag:s31] =	ssyncset.done $0x0  }
0xf3: {  	[sflag:s31] =	ssyncadd.s32 $0xFFFFE000  }
0xf4: {  	[spmem:s1] =	stream.indirect.scatter.add.f32 [tilespmem:s24], [sflag:$0x6], $0x40, s22, s15, $0xb8;
	[tilespmem:$0x11680] =	vst v63  }
0xf5: {  	_ =	swait.ge [sflag:s0], $0x2000  }
0xf6: {  	[sflag:s0] =	ssyncset.done $0x0  }
0xf7: {  	s8 =	simm.s32 $0x780;
	[sflag:s0] =	ssyncadd.s32 $0xFFFFE000  }
0xf8: {  	[tilespmem:s24], [sflag:$0x3] =	stream.indirect.gather [hbm4b:s5+s15], $0x40, s8, s15, $0xb8;
	[tilespmem:$0x11680] =	vst v63  }
0xf9: {  	_ =	swait.ge [sflag:s25], $0x2000  }
0xfa: {  	[sflag:s25] =	ssyncset.done $0x0  }
0xfb: {  	[sflag:s25] =	ssyncadd.s32 $0xFFFFE000  }
0xfc: {  	[spmem:s1] =	stream.indirect.scatter.add.f32 [tilespmem:s26], [sflag:$0x7], $0x40, s21, s15, $0xb8;
	[tilespmem:$0x11680] =	vst v63  }
0xfd: {  	_ =	swait.ge [sflag:s30], $0x2000  }
0xfe: {  	[sflag:s30] =	ssyncset.done $0x0  }
0xff: {  	s8 =	simm.s32 $0x1180;
	[sflag:s30] =	ssyncadd.s32 $0xFFFFE000  }
0x100: {  	[tilespmem:s26], [sflag:$0x4] =	stream.indirect.gather [hbm4b:s5+s15], $0x40, s8, s15, $0xb8;
	[tilespmem:$0x11680] =	vst v63  }
0x101: {  	_ =	swait.ge [sflag:s28], $0x2000  }
0x102: {  	[sflag:s28] =	ssyncset.done $0x0  }
0x103: {  	[sflag:s28] =	ssyncadd.s32 $0xFFFFE000  }
0x104: {  	[spmem:s1] =	stream.indirect.scatter.add.f32 [tilespmem:s23], [sflag:$0x5], $0x40, s22, s15, $0xb8;
	[tilespmem:$0x11680] =	vst v63  }
0x105: {  	_ =	swait.ge [sflag:s29], $0x2000  }
0x106: {  	[sflag:s29] =	ssyncset.done $0x0  }
0x107: {  	s8 =	simm.s32 $0x800;
	[sflag:s29] =	ssyncadd.s32 $0xFFFFE000  }
0x108: {  	[tilespmem:s23], [sflag:$0x2] =	stream.indirect.gather [hbm4b:s5+s15], $0x40, s8, s15, $0xb8;
	[tilespmem:$0x11680] =	vst v63  }
0x109: {  	_ =	swait.ge [sflag:s31], $0x2000  }
0x10a: {  	[sflag:s31] =	ssyncset.done $0x0  }
0x10b: {  	[sflag:s31] =	ssyncadd.s32 $0xFFFFE000  }
0x10c: {  	[spmem:s1] =	stream.indirect.scatter.add.f32 [tilespmem:s24], [sflag:$0x6], $0x40, s21, s15, $0xb8;
	[tilespmem:$0x11680] =	vst v63  }
0x10d: {  	_ =	swait.ge [sflag:s0], $0x2000  }
0x10e: {  	[sflag:s0] =	ssyncset.done $0x0  }
0x10f: {  	s8 =	simm.s32 $0x1200;
	[sflag:s0] =	ssyncadd.s32 $0xFFFFE000  }
0x110: {  	[tilespmem:s24], [sflag:$0x3] =	stream.indirect.gather [hbm4b:s5+s15], $0x40, s8, s15, $0xb8;
	[tilespmem:$0x11680] =	vst v63  }
0x111: {  	_ =	swait.ge [sflag:s25], $0x2000  }
0x112: {  	[sflag:s25] =	ssyncset.done $0x0  }
0x113: {  	[sflag:s25] =	ssyncadd.s32 $0xFFFFE000  }
0x114: {  	[spmem:s1] =	stream.indirect.scatter.add.f32 [tilespmem:s26], [sflag:$0x7], $0x40, s22, s15, $0xb8;
	[tilespmem:$0x11680] =	vst v63  }
0x115: {  	_ =	swait.ge [sflag:s30], $0x2000  }
0x116: {  	[sflag:s30] =	ssyncset.done $0x0  }
0x117: {  	s8 =	simm.s32 $0x880;
	[sflag:s30] =	ssyncadd.s32 $0xFFFFE000  }
0x118: {  	[tilespmem:s26], [sflag:$0x4] =	stream.indirect.gather [hbm4b:s5+s15], $0x40, s8, s15, $0xb8;
	[tilespmem:$0x11680] =	vst v63  }
0x119: {  	_ =	swait.ge [sflag:s28], $0x2000  }
0x11a: {  	[sflag:s28] =	ssyncset.done $0x0  }
0x11b: {  	[sflag:s28] =	ssyncadd.s32 $0xFFFFE000  }
0x11c: {  	[spmem:s1] =	stream.indirect.scatter.add.f32 [tilespmem:s23], [sflag:$0x5], $0x40, s21, s15, $0xb8;
	[tilespmem:$0x11680] =	vst v63  }
0x11d: {  	_ =	swait.ge [sflag:s29], $0x2000  }
0x11e: {  	[sflag:s29] =	ssyncset.done $0x0  }
0x11f: {  	s8 =	simm.s32 $0x1280;
	[sflag:s29] =	ssyncadd.s32 $0xFFFFE000  }
0x120: {  	[tilespmem:s23], [sflag:$0x2] =	stream.indirect.gather [hbm4b:s5+s15], $0x40, s8, s15, $0xb8;
	[tilespmem:$0x11680] =	vst v63  }
0x121: {  	_ =	swait.ge [sflag:s31], $0x2000  }
0x122: {  	[sflag:s31] =	ssyncset.done $0x0  }
0x123: {  	[sflag:s31] =	ssyncadd.s32 $0xFFFFE000  }
0x124: {  	[spmem:s1] =	stream.indirect.scatter.add.f32 [tilespmem:s24], [sflag:$0x6], $0x40, s22, s15, $0xb8;
	[tilespmem:$0x11680] =	vst v63  }
0x125: {  	_ =	swait.ge [sflag:s0], $0x2000  }
0x126: {  	[sflag:s0] =	ssyncset.done $0x0  }
0x127: {  	s8 =	simm.s32 $0x900;
	[sflag:s0] =	ssyncadd.s32 $0xFFFFE000  }
0x128: {  	[tilespmem:s24], [sflag:$0x3] =	stream.indirect.gather [hbm4b:s5+s15], $0x40, s8, s15, $0xb8;
	[tilespmem:$0x11680] =	vst v63  }
0x129: {  	_ =	swait.ge [sflag:s25], $0x2000  }
0x12a: {  	[sflag:s25] =	ssyncset.done $0x0  }
0x12b: {  	[sflag:s25] =	ssyncadd.s32 $0xFFFFE000  }
0x12c: {  	[spmem:s1] =	stream.indirect.scatter.add.f32 [tilespmem:s26], [sflag:$0x7], $0x40, s21, s15, $0xb8;
	[tilespmem:$0x11680] =	vst v63  }
0x12d: {  	_ =	swait.ge [sflag:s30], $0x2000  }
0x12e: {  	[sflag:s30] =	ssyncset.done $0x0  }
0x12f: {  	s8 =	simm.s32 $0x1300;
	[sflag:s30] =	ssyncadd.s32 $0xFFFFE000  }
0x130: {  	[tilespmem:s26], [sflag:$0x4] =	stream.indirect.gather [hbm4b:s5+s15], $0x40, s8, s15, $0xb8;
	[tilespmem:$0x11680] =	vst v63  }
0x131: {  	_ =	swait.ge [sflag:s28], $0x2000  }
0x132: {  	[sflag:s28] =	ssyncset.done $0x0  }
0x133: {  	[sflag:s28] =	ssyncadd.s32 $0xFFFFE000  }
0x134: {  	[spmem:s1] =	stream.indirect.scatter.add.f32 [tilespmem:s23], [sflag:$0x5], $0x40, s22, s15, $0xb8;
	[tilespmem:$0x11680] =	vst v63  }
0x135: {  	_ =	swait.ge [sflag:s29], $0x2000  }
0x136: {  	[sflag:s29] =	ssyncset.done $0x0  }
0x137: {  	s8 =	simm.s32 $0x980;
	[sflag:s29] =	ssyncadd.s32 $0xFFFFE000  }
0x138: {  	[tilespmem:s23], [sflag:$0x2] =	stream.indirect.gather [hbm4b:s5+s15], $0x40, s8, s15, $0xb8;
	[tilespmem:$0x11680] =	vst v63  }
0x139: {  	_ =	swait.ge [sflag:s31], $0x2000  }
0x13a: {  	[sflag:s31] =	ssyncset.done $0x0  }
0x13b: {  	[sflag:s31] =	ssyncadd.s32 $0xFFFFE000  }
0x13c: {  	[spmem:s1] =	stream.indirect.scatter.add.f32 [tilespmem:s24], [sflag:$0x6], $0x40, s21, s15, $0xb8;
	[tilespmem:$0x11680] =	vst v63  }
0x13d: {  	_ =	swait.ge [sflag:s0], $0x2000  }
0x13e: {  	[sflag:s0] =	ssyncset.done $0x0  }
0x13f: {  	s8 =	simm.s32 $0x1380;
	[sflag:s0] =	ssyncadd.s32 $0xFFFFE000  }
0x140: {  	[tilespmem:s24], [sflag:$0x3] =	stream.indirect.gather [hbm4b:s5+s15], $0x40, s8, s15, $0xb8;
	[tilespmem:$0x11680] =	vst v63  }
0x141: {  	_ =	swait.ge [sflag:s25], $0x2000  }
0x142: {  	[sflag:s25] =	ssyncset.done $0x0  }
0x143: {  	[sflag:s25] =	ssyncadd.s32 $0xFFFFE000  }
0x144: {  	[spmem:s1] =	stream.indirect.scatter.add.f32 [tilespmem:s26], [sflag:$0x7], $0x40, s22, s15, $0xb8;
	[tilespmem:$0x11680] =	vst v63  }
0x145: {  	_ =	swait.ge [sflag:s30], $0x2000  }
0x146: {  	[sflag:s30] =	ssyncset.done $0x0  }
0x147: {  	s8 =	simm.s32 $0xA00;
	[sflag:s30] =	ssyncadd.s32 $0xFFFFE000  }
0x148: {  	[tilespmem:s26], [sflag:$0x4] =	stream.indirect.gather [hbm4b:s5+s15], $0x40, s8, s15, $0xb8;
	[tilespmem:$0x11680] =	vst v63  }
0x149: {  	_ =	swait.ge [sflag:s28], $0x2000  }
0x14a: {  	[sflag:s28] =	ssyncset.done $0x0  }
0x14b: {  	[sflag:s28] =	ssyncadd.s32 $0xFFFFE000  }
0x14c: {  	[spmem:s1] =	stream.indirect.scatter.add.f32 [tilespmem:s23], [sflag:$0x5], $0x40, s21, s15, $0xb8;
	[tilespmem:$0x11680] =	vst v63  }
0x14d: {  	_ =	swait.ge [sflag:s29], $0x2000  }
0x14e: {  	[sflag:s29] =	ssyncset.done $0x0  }
0x14f: {  	s8 =	simm.s32 $0x1400;
	[sflag:s29] =	ssyncadd.s32 $0xFFFFE000  }
0x150: {  	[tilespmem:s23], [sflag:$0x2] =	stream.indirect.gather [hbm4b:s5+s15], $0x40, s8, s15, $0xb8;
	[tilespmem:$0x11680] =	vst v63  }
0x151: {  	_ =	swait.ge [sflag:s31], $0x2000  }
0x152: {  	[sflag:s31] =	ssyncset.done $0x0  }
0x153: {  	[sflag:s31] =	ssyncadd.s32 $0xFFFFE000  }
0x154: {  	[spmem:s1] =	stream.indirect.scatter.add.f32 [tilespmem:s24], [sflag:$0x6], $0x40, s22, s15, $0xb8;
	[tilespmem:$0x11680] =	vst v63  }
0x155: {  	_ =	swait.ge [sflag:s0], $0x2000  }
0x156: {  	[sflag:s0] =	ssyncset.done $0x0  }
0x157: {  	s8 =	simm.s32 $0xA80;
	[sflag:s0] =	ssyncadd.s32 $0xFFFFE000  }
0x158: {  	[tilespmem:s24], [sflag:$0x3] =	stream.indirect.gather [hbm4b:s5+s15], $0x40, s8, s15, $0xb8;
	[tilespmem:$0x11680] =	vst v63  }
0x159: {  	_ =	swait.ge [sflag:s25], $0x2000  }
0x15a: {  	[sflag:s25] =	ssyncset.done $0x0  }
0x15b: {  	[sflag:s25] =	ssyncadd.s32 $0xFFFFE000  }
0x15c: {  	[spmem:s1] =	stream.indirect.scatter.add.f32 [tilespmem:s26], [sflag:$0x7], $0x40, s21, s15, $0xb8;
	[tilespmem:$0x11680] =	vst v63  }
0x15d: {  	_ =	swait.ge [sflag:s30], $0x2000  }
0x15e: {  	[sflag:s30] =	ssyncset.done $0x0  }
0x15f: {  	s8 =	simm.s32 $0x1480;
	[sflag:s30] =	ssyncadd.s32 $0xFFFFE000  }
0x160: {  	[tilespmem:s26], [sflag:$0x4] =	stream.indirect.gather [hbm4b:s5+s15], $0x40, s8, s15, $0xb8;
	[tilespmem:$0x11680] =	vst v63  }
0x161: {  	_ =	swait.ge [sflag:s28], $0x2000  }
0x162: {  	[sflag:s28] =	ssyncset.done $0x0  }
0x163: {  	[sflag:s28] =	ssyncadd.s32 $0xFFFFE000  }
0x164: {  	[spmem:s1] =	stream.indirect.scatter.add.f32 [tilespmem:s23], [sflag:$0x5], $0x40, s22, s15, $0xb8;
	[tilespmem:$0x11680] =	vst v63  }
0x165: {  	_ =	swait.ge [sflag:s29], $0x2000  }
0x166: {  	[sflag:s29] =	ssyncset.done $0x0  }
0x167: {  	s8 =	simm.s32 $0xB00;
	[sflag:s29] =	ssyncadd.s32 $0xFFFFE000  }
0x168: {  	[tilespmem:s23], [sflag:$0x2] =	stream.indirect.gather [hbm4b:s5+s15], $0x40, s8, s15, $0xb8;
	[tilespmem:$0x11680] =	vst v63  }
0x169: {  	_ =	swait.ge [sflag:s31], $0x2000  }
0x16a: {  	[sflag:s31] =	ssyncset.done $0x0  }
0x16b: {  	[sflag:s31] =	ssyncadd.s32 $0xFFFFE000  }
0x16c: {  	[spmem:s1] =	stream.indirect.scatter.add.f32 [tilespmem:s24], [sflag:$0x6], $0x40, s21, s15, $0xb8;
	[tilespmem:$0x11680] =	vst v63  }
0x16d: {  	_ =	swait.ge [sflag:s0], $0x2000  }
0x16e: {  	[sflag:s0] =	ssyncset.done $0x0  }
0x16f: {  	s8 =	simm.s32 $0x1500;
	[sflag:s0] =	ssyncadd.s32 $0xFFFFE000  }
0x170: {  	[tilespmem:s24], [sflag:$0x3] =	stream.indirect.gather [hbm4b:s5+s15], $0x40, s8, s15, $0xb8;
	[tilespmem:$0x11680] =	vst v63  }
0x171: {  	_ =	swait.ge [sflag:s25], $0x2000  }
0x172: {  	[sflag:s25] =	ssyncset.done $0x0  }
0x173: {  	[sflag:s25] =	ssyncadd.s32 $0xFFFFE000  }
0x174: {  	[spmem:s1] =	stream.indirect.scatter.add.f32 [tilespmem:s26], [sflag:$0x7], $0x40, s22, s15, $0xb8;
	[tilespmem:$0x11680] =	vst v63  }
0x175: {  	_ =	swait.ge [sflag:s30], $0x2000  }
0x176: {  	[sflag:s30] =	ssyncset.done $0x0  }
0x177: {  	s8 =	simm.s32 $0xB80;
	[sflag:s30] =	ssyncadd.s32 $0xFFFFE000  }
0x178: {  	[tilespmem:s26], [sflag:$0x4] =	stream.indirect.gather [hbm4b:s5+s15], $0x40, s8, s15, $0xb8;
	[tilespmem:$0x11680] =	vst v63  }
0x179: {  	_ =	swait.ge [sflag:s28], $0x2000  }
0x17a: {  	[sflag:s28] =	ssyncset.done $0x0  }
0x17b: {  	[sflag:s28] =	ssyncadd.s32 $0xFFFFE000  }
0x17c: {  	[spmem:s1] =	stream.indirect.scatter.add.f32 [tilespmem:s23], [sflag:$0x5], $0x40, s21, s15, $0xb8;
	[tilespmem:$0x11680] =	vst v63  }
0x17d: {  	_ =	swait.ge [sflag:s29], $0x2000  }
0x17e: {  	[sflag:s29] =	ssyncset.done $0x0  }
0x17f: {  	s8 =	simm.s32 $0x1580;
	[sflag:s29] =	ssyncadd.s32 $0xFFFFE000  }
0x180: {  	[tilespmem:s23], [sflag:$0x2] =	stream.indirect.gather [hbm4b:s5+s15], $0x40, s8, s15, $0xb8;
	[tilespmem:$0x11680] =	vst v63  }
0x181: {  	_ =	swait.ge [sflag:s31], $0x2000  }
0x182: {  	[sflag:s31] =	ssyncset.done $0x0  }
0x183: {  	[sflag:s31] =	ssyncadd.s32 $0xFFFFE000  }
0x184: {  	[spmem:s1] =	stream.indirect.scatter.add.f32 [tilespmem:s24], [sflag:$0x6], $0x40, s22, s15, $0xb8;
	[tilespmem:$0x11680] =	vst v63  }
0x185: {  	_ =	swait.ge [sflag:s25], $0x2000  }
0x186: {  	[sflag:s25] =	ssyncset.done $0x0  }
0x187: {  	[sflag:s25] =	ssyncadd.s32 $0xFFFFE000  }
0x188: {  	[spmem:s1] =	stream.indirect.scatter.add.f32 [tilespmem:s26], [sflag:$0x7], $0x40, s21, s15, $0xb8;
	[tilespmem:$0x11680] =	vst v63  }
0x189: {  	_ =	swait.ge [sflag:s28], $0x2000  }
0x18a: {  	[sflag:s28] =	ssyncset.done $0x0  }
0x18b: {  	[sflag:s28] =	ssyncadd.s32 $0xFFFFE000  }
0x18c: {  	[spmem:s1] =	stream.indirect.scatter.add.f32 [tilespmem:s23], [sflag:$0x5], $0x40, s22, s15, $0xb8;
	[tilespmem:$0x11680] =	vst v63  }
0x18d: {  	_ =	swait.ge [sflag:s29], $0x2000  }
0x18e: {  	[sflag:s29] =	ssyncset.done $0x0  }
0x18f: {  	[sflag:s29] =	ssyncadd.s32 $0xFFFFE000  }
0x190: {  	_ =	swait.ge [sflag:s0], $0x2000  }
0x191: {  	[sflag:s0] =	ssyncset.done $0x0  }
0x192: {  	[sflag:s0] =	ssyncadd.s32 $0xFFFFE000  }
0x193: {  	_ =	swait.ge [sflag:s30], $0x2000  }
0x194: {  	[sflag:s30] =	ssyncset.done $0x0  }
0x195: {  	v24 =	vmov s2;
	[sflag:s30] =	ssyncadd.s32 $0xFFFFE000  }
0x196: {  	v24 =	vand.u32 $0x3F, v24;
	[tilespmem:s3], [sflag:$0x8] =	stream.linear.gather [spmem:s11], $0x2000, $0x38;
	[tilespmem:$0x11680] =	vst v63  }
0x197: {  	v24 =	vbroadcast v24, $0x0;
	_ =	swait.ge [sflag:s14], $0x2000  }
0x198: {  	[sflag:s14] =	ssyncset.done $0x0  }
0x199: {  	v24 =	vor.u32 v11, v24;
	s8 =	simm.s32 $0x1;
	[sflag:s14] =	ssyncadd.s32 $0xFFFFE000  }
0x19a: {  	v25 =	vmov s8;
	[tilespmem:s6], [sflag:$0x8] =	stream.linear.gather [spmem:s12], $0x2000, $0x38;
	[tilespmem:$0x11680] =	vst v63  }
0x19b: {  	v25 =	vand.u32 $0x3F, v25;
	_ =	swait.ge [sflag:s14], $0x2000  }
0x19c: {  	v25 =	vbroadcast v25, $0x0;
	[sflag:s14] =	ssyncset.done $0x0  }
0x19d: {  	[sflag:s14] =	ssyncadd.s32 $0xFFFFE000  }
0x19e: {  	v26 =	vor.u32 v11, v25;
	v28 =	vld.idx.msk [tilespmem:v24+s3+$0x0], $0xffff  }
0x19f: {  	s8 =	simm.s32 $0x2;
	v29 =	vld.idx.msk [tilespmem:v24+s6+$0x0], $0xffff  }
0x1a0: {  	v24 =	vmov s8  }
0x1a1: {  	v24 =	vand.u32 $0x3F, v24  }
0x1a2: {  	v27 =	vbroadcast v24, $0x0  }
0x1a3: {  	v24 =	vld.idx.msk [tilespmem:v26+s3+$0x0], $0xffff  }
0x1a4: {  	v25 =	vimm.f32 $0.0e+00;
	s8 =	simm.s32 $0x3;
	v26 =	vld.idx.msk [tilespmem:v26+s6+$0x0], $0xffff;
	v27 =	vor.u32 v11, v27;
	v28 =	vmul.f32 v29, v28  }
.LBB2_2:
0x1a5: {  	p0 =	sne.s32 s8, $0x3F  }
.Ltmp0:
0x1a6: {  	v29 =	vmov s8;
	v25 =	vadd.f32 v28, v25;
	(pc) =	sbr.rel @p0 .LBB2_2-.Ltmp0, $4  }
0x1a7: {  	s8 =	sadd.s32 $0x1, s8;
	v30 =	vand.u32 $0x3F, v29  }
0x1a8: {  	v29 =	vbroadcast v30, $0x0  }
0x1a9: {  	v28 =	vmov v24;
	v24 =	vld.idx.msk [tilespmem:v27+s3+$0x0], $0xffff  }
0x1aa: {  	v28 =	vmul.f32 v26, v28;
	v26 =	vld.idx.msk [tilespmem:v27+s6+$0x0], $0xffff;
	v27 =	vor.u32 v11, v29  }
0x1ab: {  	_ =	sdelay $0x3  }
0x1ac: {  	v29 =	vld.idx.msk [tilespmem:v27+s3+$0x0], $0xffff  }
0x1ad: {  	v27 =	vld.idx.msk [tilespmem:v27+s6+$0x0], $0xffff;
	s8 =	simm.s32 $0x0  }
0x1ae: {  	v30 =	vmov s8  }
0x1af: {  	v30 =	vand.u32 $0x3F, v30  }
0x1b0: {  	v25 =	vadd.f32 v28, v25;
	v24 =	vmul.f32 v26, v24;
	v26 =	vbroadcast v30, $0x0;
	_ =	sdelay $0x1  }
0x1b1: {  	s8 =	simm.s32 $0x1;
	v24 =	vadd.f32 v24, v25;
	v25 =	vmul.f32 v27, v29;
	v26 =	vor.u32 v17, v26  }
0x1b2: {  	v27 =	vmov s8  }
0x1b3: {  	v24 =	vadd.f32 v25, v24;
	v25 =	vand.u32 $0x3F, v27  }
0x1b4: {  	v25 =	vbroadcast v25, $0x0  }
0x1b5: {  	[tilespmem:$0xD600] =	vst v24  }
0x1b6: {  	v28 =	vld.idx.msk [tilespmem:v26+s3+$0x0], $0xffff;
	v29 =	vor.u32 v17, v25  }
0x1b7: {  	s8 =	simm.s32 $0x2;
	v30 =	vld.idx.msk [tilespmem:v26+s6+$0x0], $0xffff  }
0x1b8: {  	v24 =	vmov s8  }
0x1b9: {  	v24 =	vand.u32 $0x3F, v24  }
0x1ba: {  	v26 =	vbroadcast v24, $0x0  }
0x1bb: {  	v24 =	vld.idx.msk [tilespmem:v29+s3+$0x0], $0xffff  }
0x1bc: {  	s8 =	simm.s32 $0x3;
	v25 =	vimm.f32 $0.0e+00;
	v27 =	vor.u32 v17, v26;
	v26 =	vld.idx.msk [tilespmem:v29+s6+$0x0], $0xffff;
	v28 =	vmul.f32 v30, v28  }
.LBB2_4:
0x1bd: {  	p0 =	sne.s32 s8, $0x3F  }
.Ltmp1:
0x1be: {  	v29 =	vmov s8;
	v25 =	vadd.f32 v28, v25;
	(pc) =	sbr.rel @p0 .LBB2_4-.Ltmp1, $4  }
0x1bf: {  	s8 =	sadd.s32 $0x1, s8;
	v30 =	vand.u32 $0x3F, v29  }
0x1c0: {  	v29 =	vbroadcast v30, $0x0  }
0x1c1: {  	v28 =	vmov v24;
	v24 =	vld.idx.msk [tilespmem:v27+s3+$0x0], $0xffff  }
0x1c2: {  	v28 =	vmul.f32 v26, v28;
	v26 =	vld.idx.msk [tilespmem:v27+s6+$0x0], $0xffff;
	v27 =	vor.u32 v17, v29  }
0x1c3: {  	_ =	sdelay $0x3  }
0x1c4: {  	v29 =	vld.idx.msk [tilespmem:v27+s3+$0x0], $0xffff  }
0x1c5: {  	v27 =	vld.idx.msk [tilespmem:v27+s6+$0x0], $0xffff;
	s8 =	simm.s32 $0x0  }
0x1c6: {  	v30 =	vmov s8  }
0x1c7: {  	v30 =	vand.u32 $0x3F, v30  }
0x1c8: {  	v25 =	vadd.f32 v28, v25;
	v24 =	vmul.f32 v26, v24;
	v26 =	vbroadcast v30, $0x0;
	_ =	sdelay $0x1  }
0x1c9: {  	s8 =	simm.s32 $0x1;
	v24 =	vadd.f32 v24, v25;
	v25 =	vmul.f32 v27, v29;
	v26 =	vor.u32 v18, v26  }
0x1ca: {  	v27 =	vmov s8  }
0x1cb: {  	v24 =	vadd.f32 v25, v24;
	v25 =	vand.u32 $0x3F, v27  }
0x1cc: {  	v25 =	vbroadcast v25, $0x0  }
0x1cd: {  	[tilespmem:$0xD610] =	vst v24  }
0x1ce: {  	v28 =	vld.idx.msk [tilespmem:v26+s3+$0x0], $0xffff;
	v29 =	vor.u32 v18, v25  }
0x1cf: {  	s8 =	simm.s32 $0x2;
	v30 =	vld.idx.msk [tilespmem:v26+s6+$0x0], $0xffff  }
0x1d0: {  	v24 =	vmov s8  }
0x1d1: {  	v24 =	vand.u32 $0x3F, v24  }
0x1d2: {  	v26 =	vbroadcast v24, $0x0  }
0x1d3: {  	v24 =	vld.idx.msk [tilespmem:v29+s3+$0x0], $0xffff  }
0x1d4: {  	s8 =	simm.s32 $0x3;
	v25 =	vimm.f32 $0.0e+00;
	v27 =	vor.u32 v18, v26;
	v26 =	vld.idx.msk [tilespmem:v29+s6+$0x0], $0xffff;
	v28 =	vmul.f32 v30, v28  }
.LBB2_6:
0x1d5: {  	p0 =	sne.s32 s8, $0x3F  }
.Ltmp2:
0x1d6: {  	v29 =	vmov s8;
	v25 =	vadd.f32 v28, v25;
	(pc) =	sbr.rel @p0 .LBB2_6-.Ltmp2, $4  }
0x1d7: {  	s8 =	sadd.s32 $0x1, s8;
	v30 =	vand.u32 $0x3F, v29  }
0x1d8: {  	v29 =	vbroadcast v30, $0x0  }
0x1d9: {  	v28 =	vmov v24;
	v24 =	vld.idx.msk [tilespmem:v27+s3+$0x0], $0xffff  }
0x1da: {  	v28 =	vmul.f32 v26, v28;
	v26 =	vld.idx.msk [tilespmem:v27+s6+$0x0], $0xffff;
	v27 =	vor.u32 v18, v29  }
0x1db: {  	_ =	sdelay $0x3  }
0x1dc: {  	v29 =	vld.idx.msk [tilespmem:v27+s3+$0x0], $0xffff  }
0x1dd: {  	v27 =	vld.idx.msk [tilespmem:v27+s6+$0x0], $0xffff;
	s8 =	simm.s32 $0x0  }
0x1de: {  	v30 =	vmov s8  }
0x1df: {  	v30 =	vand.u32 $0x3F, v30  }
0x1e0: {  	v25 =	vadd.f32 v28, v25;
	v24 =	vmul.f32 v26, v24;
	v26 =	vbroadcast v30, $0x0;
	_ =	sdelay $0x1  }
0x1e1: {  	s8 =	simm.s32 $0x1;
	v24 =	vadd.f32 v24, v25;
	v25 =	vmul.f32 v27, v29;
	v26 =	vor.u32 v19, v26  }
0x1e2: {  	v27 =	vmov s8  }
0x1e3: {  	v24 =	vadd.f32 v25, v24;
	v25 =	vand.u32 $0x3F, v27  }
0x1e4: {  	v25 =	vbroadcast v25, $0x0  }
0x1e5: {  	[tilespmem:$0xD620] =	vst v24  }
0x1e6: {  	v28 =	vld.idx.msk [tilespmem:v26+s3+$0x0], $0xffff;
	v29 =	vor.u32 v19, v25  }
0x1e7: {  	s8 =	simm.s32 $0x2;
	v30 =	vld.idx.msk [tilespmem:v26+s6+$0x0], $0xffff  }
0x1e8: {  	v24 =	vmov s8  }
0x1e9: {  	v24 =	vand.u32 $0x3F, v24  }
0x1ea: {  	v26 =	vbroadcast v24, $0x0  }
0x1eb: {  	v24 =	vld.idx.msk [tilespmem:v29+s3+$0x0], $0xffff  }
0x1ec: {  	s8 =	simm.s32 $0x3;
	v25 =	vimm.f32 $0.0e+00;
	v27 =	vor.u32 v19, v26;
	v26 =	vld.idx.msk [tilespmem:v29+s6+$0x0], $0xffff;
	v28 =	vmul.f32 v30, v28  }
.LBB2_8:
0x1ed: {  	p0 =	sne.s32 s8, $0x3F  }
.Ltmp3:
0x1ee: {  	v29 =	vmov s8;
	v25 =	vadd.f32 v28, v25;
	(pc) =	sbr.rel @p0 .LBB2_8-.Ltmp3, $4  }
0x1ef: {  	s8 =	sadd.s32 $0x1, s8;
	v30 =	vand.u32 $0x3F, v29  }
0x1f0: {  	v29 =	vbroadcast v30, $0x0  }
0x1f1: {  	v28 =	vmov v24;
	v24 =	vld.idx.msk [tilespmem:v27+s3+$0x0], $0xffff  }
0x1f2: {  	v28 =	vmul.f32 v26, v28;
	v26 =	vld.idx.msk [tilespmem:v27+s6+$0x0], $0xffff;
	v27 =	vor.u32 v19, v29  }
0x1f3: {  	_ =	sdelay $0x3  }
0x1f4: {  	v29 =	vld.idx.msk [tilespmem:v27+s3+$0x0], $0xffff  }
0x1f5: {  	v27 =	vld.idx.msk [tilespmem:v27+s6+$0x0], $0xffff;
	s8 =	simm.s32 $0x0  }
0x1f6: {  	v30 =	vmov s8  }
0x1f7: {  	v30 =	vand.u32 $0x3F, v30  }
0x1f8: {  	v25 =	vadd.f32 v28, v25;
	v24 =	vmul.f32 v26, v24;
	v26 =	vbroadcast v30, $0x0;
	_ =	sdelay $0x1  }
0x1f9: {  	s8 =	simm.s32 $0x1;
	v24 =	vadd.f32 v24, v25;
	v25 =	vmul.f32 v27, v29;
	v26 =	vor.u32 v20, v26  }
0x1fa: {  	v27 =	vmov s8  }
0x1fb: {  	v24 =	vadd.f32 v25, v24;
	v25 =	vand.u32 $0x3F, v27  }
0x1fc: {  	v25 =	vbroadcast v25, $0x0  }
0x1fd: {  	[tilespmem:$0xD630] =	vst v24  }
0x1fe: {  	v28 =	vld.idx.msk [tilespmem:v26+s3+$0x0], $0xffff;
	v29 =	vor.u32 v20, v25  }
0x1ff: {  	s8 =	simm.s32 $0x2;
	v30 =	vld.idx.msk [tilespmem:v26+s6+$0x0], $0xffff  }
0x200: {  	v24 =	vmov s8  }
0x201: {  	v24 =	vand.u32 $0x3F, v24  }
0x202: {  	v26 =	vbroadcast v24, $0x0  }
0x203: {  	v24 =	vld.idx.msk [tilespmem:v29+s3+$0x0], $0xffff  }
0x204: {  	s8 =	simm.s32 $0x3;
	v25 =	vimm.f32 $0.0e+00;
	v27 =	vor.u32 v20, v26;
	v26 =	vld.idx.msk [tilespmem:v29+s6+$0x0], $0xffff;
	v28 =	vmul.f32 v30, v28  }
.LBB2_10:
0x205: {  	p0 =	sne.s32 s8, $0x3F  }
.Ltmp4:
0x206: {  	v29 =	vmov s8;
	v25 =	vadd.f32 v28, v25;
	(pc) =	sbr.rel @p0 .LBB2_10-.Ltmp4, $4  }
0x207: {  	s8 =	sadd.s32 $0x1, s8;
	v30 =	vand.u32 $0x3F, v29  }
0x208: {  	v29 =	vbroadcast v30, $0x0  }
0x209: {  	v28 =	vmov v24;
	v24 =	vld.idx.msk [tilespmem:v27+s3+$0x0], $0xffff  }
0x20a: {  	v28 =	vmul.f32 v26, v28;
	v26 =	vld.idx.msk [tilespmem:v27+s6+$0x0], $0xffff;
	v27 =	vor.u32 v20, v29  }
0x20b: {  	_ =	sdelay $0x3  }
0x20c: {  	v29 =	vld.idx.msk [tilespmem:v27+s3+$0x0], $0xffff  }
0x20d: {  	v27 =	vld.idx.msk [tilespmem:v27+s6+$0x0], $0xffff;
	s8 =	simm.s32 $0x0  }
0x20e: {  	v30 =	vmov s8  }
0x20f: {  	v30 =	vand.u32 $0x3F, v30  }
0x210: {  	v25 =	vadd.f32 v28, v25;
	v24 =	vmul.f32 v26, v24;
	v26 =	vbroadcast v30, $0x0;
	_ =	sdelay $0x1  }
0x211: {  	s8 =	simm.s32 $0x1;
	v24 =	vadd.f32 v24, v25;
	v25 =	vmul.f32 v27, v29;
	v26 =	vor.u32 v21, v26  }
0x212: {  	v27 =	vmov s8  }
0x213: {  	v24 =	vadd.f32 v25, v24;
	v25 =	vand.u32 $0x3F, v27  }
0x214: {  	v25 =	vbroadcast v25, $0x0  }
0x215: {  	[tilespmem:$0xD640] =	vst v24  }
0x216: {  	v28 =	vld.idx.msk [tilespmem:v26+s3+$0x0], $0xffff;
	v29 =	vor.u32 v21, v25  }
0x217: {  	s8 =	simm.s32 $0x2;
	v30 =	vld.idx.msk [tilespmem:v26+s6+$0x0], $0xffff  }
0x218: {  	v24 =	vmov s8  }
0x219: {  	v24 =	vand.u32 $0x3F, v24  }
0x21a: {  	v26 =	vbroadcast v24, $0x0  }
0x21b: {  	v24 =	vld.idx.msk [tilespmem:v29+s3+$0x0], $0xffff  }
0x21c: {  	s8 =	simm.s32 $0x3;
	v25 =	vimm.f32 $0.0e+00;
	v27 =	vor.u32 v21, v26;
	v26 =	vld.idx.msk [tilespmem:v29+s6+$0x0], $0xffff;
	v28 =	vmul.f32 v30, v28  }
.LBB2_12:
0x21d: {  	p0 =	sne.s32 s8, $0x3F  }
.Ltmp5:
0x21e: {  	v29 =	vmov s8;
	v25 =	vadd.f32 v28, v25;
	(pc) =	sbr.rel @p0 .LBB2_12-.Ltmp5, $4  }
0x21f: {  	s8 =	sadd.s32 $0x1, s8;
	v30 =	vand.u32 $0x3F, v29  }
0x220: {  	v29 =	vbroadcast v30, $0x0  }
0x221: {  	v28 =	vmov v24;
	v24 =	vld.idx.msk [tilespmem:v27+s3+$0x0], $0xffff  }
0x222: {  	v28 =	vmul.f32 v26, v28;
	v26 =	vld.idx.msk [tilespmem:v27+s6+$0x0], $0xffff;
	v27 =	vor.u32 v21, v29  }
0x223: {  	_ =	sdelay $0x3  }
0x224: {  	v29 =	vld.idx.msk [tilespmem:v27+s3+$0x0], $0xffff  }
0x225: {  	v27 =	vld.idx.msk [tilespmem:v27+s6+$0x0], $0xffff;
	s8 =	simm.s32 $0x0  }
0x226: {  	v30 =	vmov s8  }
0x227: {  	v30 =	vand.u32 $0x3F, v30  }
0x228: {  	v25 =	vadd.f32 v28, v25;
	v24 =	vmul.f32 v26, v24;
	v26 =	vbroadcast v30, $0x0;
	_ =	sdelay $0x1  }
0x229: {  	s8 =	simm.s32 $0x1;
	v24 =	vadd.f32 v24, v25;
	v25 =	vmul.f32 v27, v29;
	v26 =	vor.u32 v22, v26  }
0x22a: {  	v27 =	vmov s8  }
0x22b: {  	v24 =	vadd.f32 v25, v24;
	v25 =	vand.u32 $0x3F, v27  }
0x22c: {  	v25 =	vbroadcast v25, $0x0  }
0x22d: {  	[tilespmem:$0xD650] =	vst v24  }
0x22e: {  	v28 =	vld.idx.msk [tilespmem:v26+s3+$0x0], $0xffff;
	v29 =	vor.u32 v22, v25  }
0x22f: {  	s8 =	simm.s32 $0x2;
	v30 =	vld.idx.msk [tilespmem:v26+s6+$0x0], $0xffff  }
0x230: {  	v24 =	vmov s8  }
0x231: {  	v24 =	vand.u32 $0x3F, v24  }
0x232: {  	v26 =	vbroadcast v24, $0x0  }
0x233: {  	v24 =	vld.idx.msk [tilespmem:v29+s3+$0x0], $0xffff  }
0x234: {  	s8 =	simm.s32 $0x3;
	v25 =	vimm.f32 $0.0e+00;
	v27 =	vor.u32 v22, v26;
	v26 =	vld.idx.msk [tilespmem:v29+s6+$0x0], $0xffff;
	v28 =	vmul.f32 v30, v28  }
.LBB2_14:
0x235: {  	p0 =	sne.s32 s8, $0x3F  }
.Ltmp6:
0x236: {  	v29 =	vmov s8;
	v25 =	vadd.f32 v28, v25;
	(pc) =	sbr.rel @p0 .LBB2_14-.Ltmp6, $4  }
0x237: {  	s8 =	sadd.s32 $0x1, s8;
	v30 =	vand.u32 $0x3F, v29  }
0x238: {  	v29 =	vbroadcast v30, $0x0  }
0x239: {  	v28 =	vmov v24;
	v24 =	vld.idx.msk [tilespmem:v27+s3+$0x0], $0xffff  }
0x23a: {  	v28 =	vmul.f32 v26, v28;
	v26 =	vld.idx.msk [tilespmem:v27+s6+$0x0], $0xffff;
	v27 =	vor.u32 v22, v29  }
0x23b: {  	_ =	sdelay $0x3  }
0x23c: {  	v29 =	vld.idx.msk [tilespmem:v27+s3+$0x0], $0xffff  }
0x23d: {  	v27 =	vld.idx.msk [tilespmem:v27+s6+$0x0], $0xffff;
	s8 =	simm.s32 $0x0  }
0x23e: {  	v30 =	vmov s8  }
0x23f: {  	v30 =	vand.u32 $0x3F, v30  }
0x240: {  	v25 =	vadd.f32 v28, v25;
	v24 =	vmul.f32 v26, v24;
	v26 =	vbroadcast v30, $0x0;
	_ =	sdelay $0x1  }
0x241: {  	s8 =	simm.s32 $0x1;
	v24 =	vadd.f32 v24, v25;
	v25 =	vmul.f32 v27, v29;
	v26 =	vor.u32 v23, v26  }
0x242: {  	v27 =	vmov s8  }
0x243: {  	v24 =	vadd.f32 v25, v24;
	v25 =	vand.u32 $0x3F, v27  }
0x244: {  	v25 =	vbroadcast v25, $0x0  }
0x245: {  	[tilespmem:$0xD660] =	vst v24  }
0x246: {  	v28 =	vld.idx.msk [tilespmem:v26+s3+$0x0], $0xffff;
	v29 =	vor.u32 v23, v25  }
0x247: {  	s8 =	simm.s32 $0x2;
	v30 =	vld.idx.msk [tilespmem:v26+s6+$0x0], $0xffff  }
0x248: {  	v24 =	vmov s8  }
0x249: {  	v24 =	vand.u32 $0x3F, v24  }
0x24a: {  	v26 =	vbroadcast v24, $0x0  }
0x24b: {  	v24 =	vld.idx.msk [tilespmem:v29+s3+$0x0], $0xffff  }
0x24c: {  	s8 =	simm.s32 $0x3;
	v25 =	vimm.f32 $0.0e+00;
	v27 =	vor.u32 v23, v26;
	v26 =	vld.idx.msk [tilespmem:v29+s6+$0x0], $0xffff;
	v28 =	vmul.f32 v30, v28  }
.LBB2_16:
0x24d: {  	p0 =	sne.s32 s8, $0x3F  }
.Ltmp7:
0x24e: {  	v29 =	vmov s8;
	v25 =	vadd.f32 v28, v25;
	(pc) =	sbr.rel @p0 .LBB2_16-.Ltmp7, $4  }
0x24f: {  	s8 =	sadd.s32 $0x1, s8;
	v30 =	vand.u32 $0x3F, v29  }
0x250: {  	v29 =	vbroadcast v30, $0x0  }
0x251: {  	v28 =	vmov v24;
	v24 =	vld.idx.msk [tilespmem:v27+s3+$0x0], $0xffff  }
0x252: {  	v28 =	vmul.f32 v26, v28;
	v26 =	vld.idx.msk [tilespmem:v27+s6+$0x0], $0xffff;
	v27 =	vor.u32 v23, v29  }
0x253: {  	_ =	sdelay $0x3  }
0x254: {  	v29 =	vld.idx.msk [tilespmem:v27+s3+$0x0], $0xffff  }
0x255: {  	v62 =	vld.idx.msk [tilespmem:v27+s6+$0x0], $0xffff;
	_ =	sdelay $0x2  }
0x256: {  	v25 =	vadd.f32 v28, v25;
	v24 =	vmul.f32 v26, v24;
	_ =	sdelay $0x1  }
0x257: {  	v63 =	vmul.f32 v62, v29;
	v24 =	vadd.f32 v24, v25;
	_ =	sdelay $0x1  }
0x258: {  	s7 =	sadd.s32 $0x1, s7;
	v24 =	vadd.f32 v63, v24  }
0x259: {  	p0 =	sne.s32 s7, s13  }
.Ltmp8:
0x25a: {  	s8 =	simm.s32 $0xD600;
	[tilespmem:$0xD670] =	vst v24;
	(pc) =	sbr.rel @p0 .LBB2_1-.Ltmp8, $4  }
0x25b: {  	[hbm4b:s10+s2] =	stream.linear.scatter [tilespmem:s8], [sflag:$0x8], $0x80, $0x38;
	[tilespmem:$0x11680] =	vst v63  }
0x25c: {  	_ =	swait.ge [sflag:s14], $0x80  }
0x25d: {  	[sflag:s14] =	ssyncset.done $0x0  }
0x25e: {  	[sflag:s14] =	ssyncadd.s32 $0xFFFFFF80  }
0x25f: {  	_ =	sfence.sel $0x180000  }
0x260: {  	[bflag:$0x0] =	sbarrier.arrive $0xFFFF  }
0x261: {  	_ =	strace $0x90000047  }
0x262: {  	s0 =	stileid.u32;
	[bflag:$0x2] =	sbarrier.arrive $0xFFFF  }
0x263: {  	p0 =	sne.s32 s0, $0x0;
	s0 =	rddreg [dreg:$0x5]  }
0x264: {  	s0 =	sadd.s32 @!p0 $0x100000, s0  }
0x265: {  	[sflag:s0] =	ssyncadd.tile.s32 @!p0 $0x1;
	_ =	shalt  }
.Lfunc_end2:
_tile_overlayer_lowered:
.L_overlay_start_2:
0x266: {  	(tag) =	ssettag $0x2  }
0x267: {  	s0 =	rddreg [dreg:$0x0];
	s2 =	stileid.u32  }
0x268: {  	s1 =	rddreg [dreg:$0x1];
	p0 =	sne.s32 s2, $0x0  }
0x269: {  	s3 =	rddreg [dreg:$0x2];
	[bflag:$0x3] =	sbarrier.arrive $0xFFFF;
	s2 =	simm.s32 @!p0 $0x1C08  }
0x26a: {  	[timem:s3], [sflag:s2] =	dma.local @!p0 [hbm:s0], s1  }
0x26b: {  	s0 =	simm.s32 @!p0 $0x8  }
0x26c: {  	_ =	swait.ge @!p0 [sflag:s0], s1  }
0x26d: {  	s1 =	ssub.s32 @!p0 $0x0, s1;
	[sflag:s0] =	ssyncset.done @!p0 $0x0  }
0x26e: {  	[sflag:s0] =	ssyncadd.s32 @!p0 s1  }
0x26f: {  	[bflag:$0x3] =	sbarrier.arrive $0xFFFF  }
0x270: {  	_ =	shalt  }

</sc_bundles>
